<compile_context>
chip_gen: v7x
topology: tpu7x:2x2x1
jax: 0.10.2.dev20260603
libtpu: 0.0.44.dev20260713+nightly
codegen_flags: <defaults>
</compile_context>

<pallas_src>
import jax
import jax.numpy as jnp
from jax import lax
from jax.experimental import pallas as pl
from jax.experimental.pallas import tpu as pltpu
from jax.experimental.pallas import tpu_sc as plsc

N = 10000
E = 320000
D = 128
H = 128
C = 64
R = 8

NC = 2
NS = 16
NW = NC * NS
CE = 120
NCH0 = 138
NCH1 = 30
TOTCH = NS * (NCH0 + NCH1)
AGG_ROWS = 10112
ZROWS = AGG_ROWS // NS



def _sc_edge_agg_body(gidx_hbm, dst_hbm, hr_hbm, out_hbm,
                      gi_v, di_v, rows_v, agg_sh,
                      sem_g0, sem_g1, sem_g2, sem_i0, sem_i1, sem_i2,
                      sem_d0, sem_d1, sem_d2):
    c = lax.axis_index("c")
    s = lax.axis_index("s")
    gsems = (sem_g0, sem_g1, sem_g2)
    isems = (sem_i0, sem_i1, sem_i2)
    dsems = (sem_d0, sem_d1, sem_d2)

    @pl.loop(0, CE)
    def _zrow(r):
        for j in range(H // 16):
            rows_v[0, r, pl.ds(j * 16, 16)] = jnp.zeros((16,), jnp.float32)

    @pl.loop(0, ZROWS // CE)
    def _zcopy(j):
        pltpu.sync_copy(rows_v.at[0], agg_sh.at[pl.ds(s * ZROWS + j * CE, CE)])

    pltpu.sync_copy(rows_v.at[0].at[pl.ds(0, ZROWS % CE)],
                    agg_sh.at[pl.ds(s * ZROWS + (ZROWS // CE) * CE,
                                    ZROWS % CE)])

    plsc.subcore_barrier()

    def run(base, nch):
        def issue(ch, b):
            pltpu.async_copy(hr_hbm.at[gi_v.at[b]], rows_v.at[b], gsems[b])

        def wait_rows(ch, b):
            pltpu.make_async_copy(hr_hbm.at[gi_v.at[b]], rows_v.at[b],
                                  gsems[b]).wait()

        for b in (0, 1, 2):
            pltpu.sync_copy(gidx_hbm.at[base + b], gi_v.at[b])
            pltpu.async_copy(dst_hbm.at[base + b], di_v.at[b], dsems[b])
            issue(b, b)

        @pl.loop(0, nch - 3, step=3)
        def _main(ch0):
            for b in (0, 1, 2):
                ch = ch0 + b
                wait_rows(ch, b)
                pltpu.async_copy(gidx_hbm.at[base + ch + 3], gi_v.at[b],
                                 isems[b])
                pltpu.make_async_copy(dst_hbm.at[base + ch], di_v.at[b],
                                      dsems[b]).wait()
                pltpu.sync_copy(rows_v.at[b], agg_sh.at[di_v.at[b]], add=True)
                pltpu.async_copy(dst_hbm.at[base + ch + 3], di_v.at[b],
                                 dsems[b])
                pltpu.make_async_copy(gidx_hbm.at[base + ch + 3], gi_v.at[b],
                                      isems[b]).wait()
                issue(ch + 3, b)

        for b in (0, 1, 2):
            ch = nch - 3 + b
            wait_rows(ch, b)
            pltpu.make_async_copy(dst_hbm.at[base + ch], di_v.at[b],
                                  dsems[b]).wait()
            pltpu.sync_copy(rows_v.at[b], agg_sh.at[di_v.at[b]], add=True)

    @pl.when(c == 0)
    def _():
        run(s * NCH0, NCH0)

    @pl.when(c == 1)
    def _():
        run(NS * NCH0 + s * NCH1, NCH1)

    plsc.subcore_barrier()

    pltpu.sync_copy(agg_sh.at[pl.ds(s * ZROWS, ZROWS)],
                    out_hbm.at[c, pl.ds(s * ZROWS, ZROWS)])


_sc_edge_agg = pl.kernel(
    _sc_edge_agg_body,
    out_type=jax.ShapeDtypeStruct((NC, AGG_ROWS, H), jnp.float32),
    mesh=plsc.VectorSubcoreMesh(core_axis_name="c", subcore_axis_name="s",
                                num_cores=NC, num_subcores=NS),
    scratch_types=[
        pltpu.VMEM((3, CE), jnp.int32),
        pltpu.VMEM((3, CE), jnp.int32),
        pltpu.VMEM((3, CE, H), jnp.float32),
        pltpu.VMEM_SHARED((AGG_ROWS, H), jnp.float32),
        pltpu.SemaphoreType.DMA,
        pltpu.SemaphoreType.DMA,
        pltpu.SemaphoreType.DMA,
        pltpu.SemaphoreType.DMA,
        pltpu.SemaphoreType.DMA,
        pltpu.SemaphoreType.DMA,
        pltpu.SemaphoreType.DMA,
        pltpu.SemaphoreType.DMA,
        pltpu.SemaphoreType.DMA,
    ],
)



BN = 1000
GRID = N // BN


def _mm1_body(x_ref, w_ref, ws_ref, b_ref, hr_ref, sp_ref):
    x = x_ref[...]
    for r in range(R):
        hr_ref[r] = jnp.dot(x, w_ref[r], preferred_element_type=jnp.float32)
    sp_ref[...] = jnp.dot(x, ws_ref[...],
                          preferred_element_type=jnp.float32) + b_ref[...]


_mm1 = pl.pallas_call(
    _mm1_body,
    grid=(GRID,),
    in_specs=[
        pl.BlockSpec((BN, D), lambda i: (i, 0)),
        pl.BlockSpec((R, D, H), lambda i: (0, 0, 0)),
        pl.BlockSpec((D, H), lambda i: (0, 0)),
        pl.BlockSpec((1, H), lambda i: (0, 0)),
    ],
    out_specs=[
        pl.BlockSpec((R, BN, H), lambda i: (0, i, 0)),
        pl.BlockSpec((BN, H), lambda i: (i, 0)),
    ],
    out_shape=[
        jax.ShapeDtypeStruct((R, N, H), jnp.float32),
        jax.ShapeDtypeStruct((N, H), jnp.float32),
    ],
)


def _mm2_body(p_ref, spin_ref, w_ref, ws_ref, b_ref, hr_ref, sp_ref):
    x = jnp.maximum(p_ref[0] + p_ref[1] + spin_ref[...], 0.0)
    for r in range(R):
        hr_ref[r] = jnp.dot(x, w_ref[r], preferred_element_type=jnp.float32)
    sp_ref[...] = jnp.dot(x, ws_ref[...],
                          preferred_element_type=jnp.float32) + b_ref[...]


_mm2 = pl.pallas_call(
    _mm2_body,
    grid=(GRID,),
    in_specs=[
        pl.BlockSpec((NC, BN, H), lambda i: (0, i, 0)),
        pl.BlockSpec((BN, H), lambda i: (i, 0)),
        pl.BlockSpec((R, H, H), lambda i: (0, 0, 0)),
        pl.BlockSpec((H, H), lambda i: (0, 0)),
        pl.BlockSpec((1, H), lambda i: (0, 0)),
    ],
    out_specs=[
        pl.BlockSpec((R, BN, H), lambda i: (0, i, 0)),
        pl.BlockSpec((BN, H), lambda i: (i, 0)),
    ],
    out_shape=[
        jax.ShapeDtypeStruct((R, N, H), jnp.float32),
        jax.ShapeDtypeStruct((N, H), jnp.float32),
    ],
)


def _fin_body(p_ref, spin_ref, wc_ref, bc_ref, o_ref, gm_ref):
    i = pl.program_id(0)
    y = jnp.maximum(p_ref[0] + p_ref[1] + spin_ref[...], 0.0)
    m = jnp.max(y, axis=0, keepdims=True)

    @pl.when(i == 0)
    def _():
        gm_ref[...] = m

    @pl.when(i > 0)
    def _():
        gm_ref[...] = jnp.maximum(gm_ref[...], m)

    @pl.when(i == pl.num_programs(0) - 1)
    def _():
        o_ref[...] = jnp.dot(gm_ref[...], wc_ref[...],
                             preferred_element_type=jnp.float32) + bc_ref[...]


_fin = pl.pallas_call(
    _fin_body,
    grid=(GRID,),
    in_specs=[
        pl.BlockSpec((NC, BN, H), lambda i: (0, i, 0)),
        pl.BlockSpec((BN, H), lambda i: (i, 0)),
        pl.BlockSpec((H, C), lambda i: (0, 0)),
        pl.BlockSpec((1, C), lambda i: (0, 0)),
    ],
    out_specs=pl.BlockSpec((1, C), lambda i: (0, 0)),
    out_shape=jax.ShapeDtypeStruct((1, C), jnp.float32),
    scratch_shapes=[pltpu.VMEM((1, H), jnp.float32)],
)


def kernel(h, edge_index, etype, W1, W1_self, b1, W2, W2_self, b2, Wc, bc):
    src = edge_index[0]
    dst = edge_index[1]
    pad = TOTCH * CE - E
    gidx = etype.astype(jnp.int32) * N + src
    gidx_p = jnp.concatenate(
        [gidx, jnp.zeros((pad,), jnp.int32)]).reshape(TOTCH, CE)
    dst_p = jnp.concatenate(
        [dst, jnp.full((pad,), N, jnp.int32)]).reshape(TOTCH, CE)

    hr1, sp1 = _mm1(h, W1, W1_self, b1.reshape(1, H))
    parts1 = _sc_edge_agg(gidx_p, dst_p, hr1.reshape(R * N, H))
    hr2, sp2 = _mm2(parts1, sp1, W2, W2_self, b2.reshape(1, H))
    parts2 = _sc_edge_agg(gidx_p, dst_p, hr2.reshape(R * N, H))
    return _fin(parts2, sp2, Wc, bc.reshape(1, C))

# --- scband reference (transcript-rebuilt; emitter-appended) ---
"""Pipeline reference for scband-rgcnv2-classifier-69999376990325 (READ-ONLY COPY).

The authoritative reference and input builder live on the scoring server;
editing this copy changes nothing except your own understanding.
"""

import jax, jax.numpy as jnp
import numpy as np

N = 10000
E = 320000
D = 128
H = 128
C = 64
R = 8


def setup_inputs(seed: int = 0) -> dict:
    key = jax.random.key(seed)
    ks = jax.random.split(key, 12)
    h = jax.random.normal(ks[0], (N, D), dtype=jnp.float32)
    edge_index = jax.random.randint(ks[1], (2, E), 0, N, dtype=jnp.int32)
    etype = jnp.tile(jnp.arange(R, dtype=jnp.int32), E // R)
    s1 = 1.0 / np.sqrt(D)
    s2 = 1.0 / np.sqrt(H)
    W1 = jax.random.normal(ks[2], (R, D, H), dtype=jnp.float32) * s1
    W1_self = jax.random.normal(ks[3], (D, H), dtype=jnp.float32) * s1
    b1 = jnp.zeros((H,), dtype=jnp.float32)
    W2 = jax.random.normal(ks[4], (R, H, H), dtype=jnp.float32) * s2
    W2_self = jax.random.normal(ks[5], (H, H), dtype=jnp.float32) * s2
    b2 = jnp.zeros((H,), dtype=jnp.float32)
    Wc = jax.random.normal(ks[6], (H, C), dtype=jnp.float32) * s2
    bc = jnp.zeros((C,), dtype=jnp.float32)
    return {"h": h, "edge_index": edge_index, "etype": etype,
            "W1": W1, "W1_self": W1_self, "b1": b1,
            "W2": W2, "W2_self": W2_self, "b2": b2,
            "Wc": Wc, "bc": bc}


def _relgraph_conv(x, edge_index, etype, W, W_self, b):
    # DGL RelGraphConv (regularizer=None, self_loop=True, bias=True, norm=None):
    #   m_e = W_{etype[e]} x_{src[e]};  agg_v = sum_{e: dst=v} m_e
    #   out_v = agg_v + x_v W_self + b
    src = edge_index[0]
    dst = edge_index[1]
    # Precompute per-relation transforms for all nodes, then gather per edge.
    Hr = jnp.einsum('nd,rdh->rnh', x, W)            # [R, N, H]
    msg = Hr[etype, src]                             # gather -> [E, H]
    agg = jax.ops.segment_sum(msg, dst, num_segments=N)  # scatter-add -> [N, H]
    return agg + x @ W_self + b


def reference(h, edge_index, etype, W1, W1_self, b1, W2, W2_self, b2, Wc, bc):
    x = jax.nn.relu(_relgraph_conv(h, edge_index, etype, W1, W1_self, b1))
    x = jax.nn.relu(_relgraph_conv(x, edge_index, etype, W2, W2_self, b2))
    g = jnp.max(x, axis=0, keepdims=True)  # MaxPooling over the (single) graph -> [1, H]
    return g @ Wc + bc                      # [1, C]

if __name__ == "__main__":
    import jax
    _d = setup_inputs()
    print(jax.jit(kernel)(*tuple(_d.values())))

</pallas_src>

<mosaic_0001>
#map = affine_map<(d0, d1) -> (0, 0)>
#map1 = affine_map<(d0, d1) -> (0, 0, 0)>
module attributes {stable_mosaic.version = 14 : i64} {
  func.func @_sc_edge_agg_body(%arg0: i32, %arg1: i32, %arg2: memref<2688x120xi32, #tpu.memory_space<hbm>>, %arg3: memref<2688x120xi32, #tpu.memory_space<hbm>>, %arg4: memref<80000x128xf32, #tpu.memory_space<hbm>>, %arg5: memref<2x10112x128xf32, #tpu.memory_space<hbm>>, %arg6: memref<3x120xi32, #tpu.memory_space<vmem>>, %arg7: memref<3x120xi32, #tpu.memory_space<vmem>>, %arg8: memref<3x120x128xf32, #tpu.memory_space<vmem>>, %arg9: memref<10112x128xf32, #tpu.memory_space<vmem_shared>>, %arg10: memref<!tpu.dma_semaphore, #tpu.memory_space<semaphore_mem>>, %arg11: memref<!tpu.dma_semaphore, #tpu.memory_space<semaphore_mem>>, %arg12: memref<!tpu.dma_semaphore, #tpu.memory_space<semaphore_mem>>, %arg13: memref<!tpu.dma_semaphore, #tpu.memory_space<semaphore_mem>>, %arg14: memref<!tpu.dma_semaphore, #tpu.memory_space<semaphore_mem>>, %arg15: memref<!tpu.dma_semaphore, #tpu.memory_space<semaphore_mem>>, %arg16: memref<!tpu.dma_semaphore, #tpu.memory_space<semaphore_mem>>, %arg17: memref<!tpu.dma_semaphore, #tpu.memory_space<semaphore_mem>>, %arg18: memref<!tpu.dma_semaphore, #tpu.memory_space<semaphore_mem>>) attributes {dimension_semantics = [#tpu.dimension_semantics<core_parallel>, #tpu.dimension_semantics<subcore_parallel>], iteration_bounds = array<i64: 2, 16>, scalar_prefetch = 0 : i64, scratch_operands = 13 : i64, tpu.core_type = #tpu.core_type<sc_vector_subcore>, window_params = [{transform_indices = #map}, {transform_indices = #map}, {transform_indices = #map}, {transform_indices = #map1}]} {
    %scan3A = arith.constant 0 : i32
    %scan3A_0 = arith.constant 120 : i32
    %scan3A_1 = arith.addi %scan3A, %scan3A_0 : i32
    %scan3A_2 = arith.constant 1 : i32
    scf.for %scan3A_23 = %scan3A to %scan3A_1 step %scan3A_2  : i32 {
      %mul3A_24 = arith.constant 1 : i32
      %mul3A_25 = arith.muli %scan3A_23, %mul3A_24 : i32
      %add3A_26 = arith.constant 0 : i32
      %add3A_27 = arith.addi %add3A_26, %mul3A_25 : i32
      %broadcast_in_dim3A = arith.constant 0.000000e+00 : f32
      %broadcast_in_dim3A_28 = vector.broadcast %broadcast_in_dim3A : f32 to vector<16xf32>
      %swap3A = arith.constant 0 : i32
      %swap3A_29 = arith.index_cast %swap3A : i32 to index
      %swap3A_30 = arith.index_cast %add3A_27 : i32 to index
      %swap3A_31 = arith.constant 0 : index
      %swap3A_32 = tpu.vector_load %arg8[%swap3A_29, %swap3A_30, %swap3A_31] {strides = array<i32>} : memref<3x120x128xf32, #tpu.memory_space<vmem>>, vector<1x1x16xf32>,
      %swap3A_33 = vector.shape_cast %swap3A_32 : vector<1x1x16xf32> to vector<16xf32>
      %swap3A_34 = vector.shape_cast %broadcast_in_dim3A_28 : vector<16xf32> to vector<1x1x16xf32>
      tpu.vector_store %arg8[%swap3A_29, %swap3A_30, %swap3A_31], %swap3A_34 {strides = array<i32>} : memref<3x120x128xf32, #tpu.memory_space<vmem>>, vector<1x1x16xf32>,
      %broadcast_in_dim3A_35 = arith.constant 0.000000e+00 : f32
      %broadcast_in_dim3A_36 = vector.broadcast %broadcast_in_dim3A_35 : f32 to vector<16xf32>
      %swap3A_37 = arith.constant 0 : i32
      %swap3A_38 = arith.index_cast %swap3A_37 : i32 to index
      %swap3A_39 = arith.index_cast %add3A_27 : i32 to index
      %swap3A_40 = arith.constant 16 : index
      %swap3A_41 = tpu.vector_load %arg8[%swap3A_38, %swap3A_39, %swap3A_40] {strides = array<i32>} : memref<3x120x128xf32, #tpu.memory_space<vmem>>, vector<1x1x16xf32>,
      %swap3A_42 = vector.shape_cast %swap3A_41 : vector<1x1x16xf32> to vector<16xf32>
      %swap3A_43 = vector.shape_cast %broadcast_in_dim3A_36 : vector<16xf32> to vector<1x1x16xf32>
      tpu.vector_store %arg8[%swap3A_38, %swap3A_39, %swap3A_40], %swap3A_43 {strides = array<i32>} : memref<3x120x128xf32, #tpu.memory_space<vmem>>, vector<1x1x16xf32>,
      %broadcast_in_dim3A_44 = arith.constant 0.000000e+00 : f32
      %broadcast_in_dim3A_45 = vector.broadcast %broadcast_in_dim3A_44 : f32 to vector<16xf32>
      %swap3A_46 = arith.constant 0 : i32
      %swap3A_47 = arith.index_cast %swap3A_46 : i32 to index
      %swap3A_48 = arith.index_cast %add3A_27 : i32 to index
      %swap3A_49 = arith.constant 32 : index
      %swap3A_50 = tpu.vector_load %arg8[%swap3A_47, %swap3A_48, %swap3A_49] {strides = array<i32>} : memref<3x120x128xf32, #tpu.memory_space<vmem>>, vector<1x1x16xf32>,
      %swap3A_51 = vector.shape_cast %swap3A_50 : vector<1x1x16xf32> to vector<16xf32>
      %swap3A_52 = vector.shape_cast %broadcast_in_dim3A_45 : vector<16xf32> to vector<1x1x16xf32>
      tpu.vector_store %arg8[%swap3A_47, %swap3A_48, %swap3A_49], %swap3A_52 {strides = array<i32>} : memref<3x120x128xf32, #tpu.memory_space<vmem>>, vector<1x1x16xf32>,
      %broadcast_in_dim3A_53 = arith.constant 0.000000e+00 : f32
      %broadcast_in_dim3A_54 = vector.broadcast %broadcast_in_dim3A_53 : f32 to vector<16xf32>
      %swap3A_55 = arith.constant 0 : i32
      %swap3A_56 = arith.index_cast %swap3A_55 : i32 to index
      %swap3A_57 = arith.index_cast %add3A_27 : i32 to index
      %swap3A_58 = arith.constant 48 : index
      %swap3A_59 = tpu.vector_load %arg8[%swap3A_56, %swap3A_57, %swap3A_58] {strides = array<i32>} : memref<3x120x128xf32, #tpu.memory_space<vmem>>, vector<1x1x16xf32>,
      %swap3A_60 = vector.shape_cast %swap3A_59 : vector<1x1x16xf32> to vector<16xf32>
      %swap3A_61 = vector.shape_cast %broadcast_in_dim3A_54 : vector<16xf32> to vector<1x1x16xf32>
      tpu.vector_store %arg8[%swap3A_56, %swap3A_57, %swap3A_58], %swap3A_61 {strides = array<i32>} : memref<3x120x128xf32, #tpu.memory_space<vmem>>, vector<1x1x16xf32>,
      %broadcast_in_dim3A_62 = arith.constant 0.000000e+00 : f32
      %broadcast_in_dim3A_63 = vector.broadcast %broadcast_in_dim3A_62 : f32 to vector<16xf32>
      %swap3A_64 = arith.constant 0 : i32
      %swap3A_65 = arith.index_cast %swap3A_64 : i32 to index
      %swap3A_66 = arith.index_cast %add3A_27 : i32 to index
      %swap3A_67 = arith.constant 64 : index
      %swap3A_68 = tpu.vector_load %arg8[%swap3A_65, %swap3A_66, %swap3A_67] {strides = array<i32>} : memref<3x120x128xf32, #tpu.memory_space<vmem>>, vector<1x1x16xf32>,
      %swap3A_69 = vector.shape_cast %swap3A_68 : vector<1x1x16xf32> to vector<16xf32>
      %swap3A_70 = vector.shape_cast %broadcast_in_dim3A_63 : vector<16xf32> to vector<1x1x16xf32>
      tpu.vector_store %arg8[%swap3A_65, %swap3A_66, %swap3A_67], %swap3A_70 {strides = array<i32>} : memref<3x120x128xf32, #tpu.memory_space<vmem>>, vector<1x1x16xf32>,
      %broadcast_in_dim3A_71 = arith.constant 0.000000e+00 : f32
      %broadcast_in_dim3A_72 = vector.broadcast %broadcast_in_dim3A_71 : f32 to vector<16xf32>
      %swap3A_73 = arith.constant 0 : i32
      %swap3A_74 = arith.index_cast %swap3A_73 : i32 to index
      %swap3A_75 = arith.index_cast %add3A_27 : i32 to index
      %swap3A_76 = arith.constant 80 : index
      %swap3A_77 = tpu.vector_load %arg8[%swap3A_74, %swap3A_75, %swap3A_76] {strides = array<i32>} : memref<3x120x128xf32, #tpu.memory_space<vmem>>, vector<1x1x16xf32>,
      %swap3A_78 = vector.shape_cast %swap3A_77 : vector<1x1x16xf32> to vector<16xf32>
      %swap3A_79 = vector.shape_cast %broadcast_in_dim3A_72 : vector<16xf32> to vector<1x1x16xf32>
      tpu.vector_store %arg8[%swap3A_74, %swap3A_75, %swap3A_76], %swap3A_79 {strides = array<i32>} : memref<3x120x128xf32, #tpu.memory_space<vmem>>, vector<1x1x16xf32>,
      %broadcast_in_dim3A_80 = arith.constant 0.000000e+00 : f32
      %broadcast_in_dim3A_81 = vector.broadcast %broadcast_in_dim3A_80 : f32 to vector<16xf32>
      %swap3A_82 = arith.constant 0 : i32
      %swap3A_83 = arith.index_cast %swap3A_82 : i32 to index
      %swap3A_84 = arith.index_cast %add3A_27 : i32 to index
      %swap3A_85 = arith.constant 96 : index
      %swap3A_86 = tpu.vector_load %arg8[%swap3A_83, %swap3A_84, %swap3A_85] {strides = array<i32>} : memref<3x120x128xf32, #tpu.memory_space<vmem>>, vector<1x1x16xf32>,
      %swap3A_87 = vector.shape_cast %swap3A_86 : vector<1x1x16xf32> to vector<16xf32>
      %swap3A_88 = vector.shape_cast %broadcast_in_dim3A_81 : vector<16xf32> to vector<1x1x16xf32>
      tpu.vector_store %arg8[%swap3A_83, %swap3A_84, %swap3A_85], %swap3A_88 {strides = array<i32>} : memref<3x120x128xf32, #tpu.memory_space<vmem>>, vector<1x1x16xf32>,
      %broadcast_in_dim3A_89 = arith.constant 0.000000e+00 : f32
      %broadcast_in_dim3A_90 = vector.broadcast %broadcast_in_dim3A_89 : f32 to vector<16xf32>
      %swap3A_91 = arith.constant 0 : i32
      %swap3A_92 = arith.index_cast %swap3A_91 : i32 to index
      %swap3A_93 = arith.index_cast %add3A_27 : i32 to index
      %swap3A_94 = arith.constant 112 : index
      %swap3A_95 = tpu.vector_load %arg8[%swap3A_92, %swap3A_93, %swap3A_94] {strides = array<i32>} : memref<3x120x128xf32, #tpu.memory_space<vmem>>, vector<1x1x16xf32>,
      %swap3A_96 = vector.shape_cast %swap3A_95 : vector<1x1x16xf32> to vector<16xf32>
      %swap3A_97 = vector.shape_cast %broadcast_in_dim3A_90 : vector<16xf32> to vector<1x1x16xf32>
      tpu.vector_store %arg8[%swap3A_92, %swap3A_93, %swap3A_94], %swap3A_97 {strides = array<i32>} : memref<3x120x128xf32, #tpu.memory_space<vmem>>, vector<1x1x16xf32>,
    }
    %scan3A_3 = arith.constant 120 : i32
    %scan3A_4 = arith.constant 0 : i32
    %scan3A_5 = arith.constant 5 : i32
    %scan3A_6 = arith.addi %scan3A_4, %scan3A_5 : i32
    %scan3A_7 = arith.constant 1 : i32
    scf.for %scan3A_23 = %scan3A_4 to %scan3A_6 step %scan3A_7  : i32 {
      %mul3A_24 = arith.constant 1 : i32
      %mul3A_25 = arith.muli %scan3A_23, %mul3A_24 : i32
      %add3A_26 = arith.constant 0 : i32
      %add3A_27 = arith.addi %add3A_26, %mul3A_25 : i32
      %mul3A_28 = arith.constant 632 : i32
      %mul3A_29 = arith.muli %arg1, %mul3A_28 : i32
      %mul3A_30 = arith.constant 120 : i32
      %mul3A_31 = arith.muli %add3A_27, %mul3A_30 : i32
      %add3A_32 = arith.addi %mul3A_29, %mul3A_31 : i32
      %run_scoped3A_33 = arith.constant 0 : i32
      "tpu.region"() ({
        %run_scoped3A_34 = tpu.sem_alloc : memref<!tpu.dma_semaphore, #tpu.memory_space<semaphore_mem>>
        %dma_start3A = arith.constant 0 : i32
        %dma_start3A_35 = arith.constant 0 : i32
        %dma_start3A_36 = tpu.memref_slice %arg8[%run_scoped3A_33, %dma_start3A, %dma_start3A_35] : memref<3x120x128xf32, #tpu.memory_space<vmem>> -> memref<1x120x128xf32, #tpu.memory_space<vmem>>
        %dma_start3A_37 = tpu.memref_squeeze %dma_start3A_36 : memref<1x120x128xf32, #tpu.memory_space<vmem>> -> memref<120x128xf32, #tpu.memory_space<vmem>>
        %dma_start3A_38 = arith.constant 0 : i32
        %dma_start3A_39 = tpu.memref_slice %arg9[%add3A_32, %dma_start3A_38] : memref<10112x128xf32, #tpu.memory_space<vmem_shared>> -> memref<120x128xf32, #tpu.memory_space<vmem_shared>>
        %dma_start3A_40 = arith.constant 0 : i32
        %dma_start3A_41 = tpu.memref_slice %arg9[%add3A_32, %dma_start3A_40] : memref<10112x128xf32, #tpu.memory_space<vmem_shared>> -> memref<120x128xf32, #tpu.memory_space<vmem_shared>>
        %dma_start3A_42 = arith.constant 0 : i32
        %dma_start3A_43 = arith.constant 0 : i32
        %dma_start3A_44 = tpu.memref_slice %arg8[%run_scoped3A_33, %dma_start3A_42, %dma_start3A_43] : memref<3x120x128xf32, #tpu.memory_space<vmem>> -> memref<1x120x128xf32, #tpu.memory_space<vmem>>
        %dma_start3A_45 = tpu.memref_squeeze %dma_start3A_44 : memref<1x120x128xf32, #tpu.memory_space<vmem>> -> memref<120x128xf32, #tpu.memory_space<vmem>>
        tpu.enqueue_dma source(%dma_start3A_45 : memref<120x128xf32, #tpu.memory_space<vmem>>) target(%dma_start3A_41 : memref<120x128xf32, #tpu.memory_space<vmem_shared>>) target_semaphore(%run_scoped3A_34 : memref<!tpu.dma_semaphore, #tpu.memory_space<semaphore_mem>>)
        %dma_wait3A = arith.constant 0 : i32
        %dma_wait3A_46 = arith.constant 0 : i32
        %dma_wait3A_47 = tpu.memref_slice %arg8[%run_scoped3A_33, %dma_wait3A, %dma_wait3A_46] : memref<3x120x128xf32, #tpu.memory_space<vmem>> -> memref<1x120x128xf32, #tpu.memory_space<vmem>>
        %dma_wait3A_48 = tpu.memref_squeeze %dma_wait3A_47 : memref<1x120x128xf32, #tpu.memory_space<vmem>> -> memref<120x128xf32, #tpu.memory_space<vmem>>
        %dma_wait3A_49 = arith.constant 0 : i32
        %dma_wait3A_50 = tpu.memref_slice %arg9[%add3A_32, %dma_wait3A_49] : memref<10112x128xf32, #tpu.memory_space<vmem_shared>> -> memref<120x128xf32, #tpu.memory_space<vmem_shared>>
        %dma_wait3A_51 = arith.constant 0 : i32
        %dma_wait3A_52 = tpu.memref_slice %arg9[%add3A_32, %dma_wait3A_51] : memref<10112x128xf32, #tpu.memory_space<vmem_shared>> -> memref<120x128xf32, #tpu.memory_space<vmem_shared>>
        %dma_wait3A_53 = arith.constant 0 : i32
        %dma_wait3A_54 = arith.constant 0 : i32
        %dma_wait3A_55 = tpu.memref_slice %arg8[%run_scoped3A_33, %dma_wait3A_53, %dma_wait3A_54] : memref<3x120x128xf32, #tpu.memory_space<vmem>> -> memref<1x120x128xf32, #tpu.memory_space<vmem>>
        %dma_wait3A_56 = tpu.memref_squeeze %dma_wait3A_55 : memref<1x120x128xf32, #tpu.memory_space<vmem>> -> memref<120x128xf32, #tpu.memory_space<vmem>>
        tpu.wait_dma2 semaphore(%run_scoped3A_34 : memref<!tpu.dma_semaphore, #tpu.memory_space<semaphore_mem>>) src(%dma_wait3A_56 : memref<120x128xf32, #tpu.memory_space<vmem>>) dst(%dma_wait3A_52 : memref<120x128xf32, #tpu.memory_space<vmem_shared>>)
        tpu.yield
      }) : () -> ()
    }
    %scan3A_8 = arith.constant 5 : i32
    %mul3A = arith.constant 632 : i32
    %mul3A_9 = arith.muli %arg1, %mul3A : i32
    %add3A = arith.constant 600 : i32
    %add3A_10 = arith.addi %mul3A_9, %add3A : i32
    %run_scoped3A = arith.constant 0 : i32
    "tpu.region"() ({
      %run_scoped3A_23 = tpu.sem_alloc : memref<!tpu.dma_semaphore, #tpu.memory_space<semaphore_mem>>
      %dma_start3A = arith.constant 0 : i32
      %dma_start3A_24 = arith.constant 0 : i32
      %dma_start3A_25 = tpu.memref_slice %arg8[%run_scoped3A, %dma_start3A, %dma_start3A_24] : memref<3x120x128xf32, #tpu.memory_space<vmem>> -> memref<1x120x128xf32, #tpu.memory_space<vmem>>
      %dma_start3A_26 = tpu.memref_squeeze %dma_start3A_25 : memref<1x120x128xf32, #tpu.memory_space<vmem>> -> memref<120x128xf32, #tpu.memory_space<vmem>>
      %dma_start3A_27 = arith.constant 0 : i32
      %dma_start3A_28 = arith.constant 0 : i32
      %dma_start3A_29 = tpu.memref_slice %dma_start3A_26[%dma_start3A_27, %dma_start3A_28] : memref<120x128xf32, #tpu.memory_space<vmem>> -> memref<32x128xf32, #tpu.memory_space<vmem>>
      %dma_start3A_30 = arith.constant 0 : i32
      %dma_start3A_31 = tpu.memref_slice %arg9[%add3A_10, %dma_start3A_30] : memref<10112x128xf32, #tpu.memory_space<vmem_shared>> -> memref<32x128xf32, #tpu.memory_space<vmem_shared>>
      %dma_start3A_32 = arith.constant 0 : i32
      %dma_start3A_33 = tpu.memref_slice %arg9[%add3A_10, %dma_start3A_32] : memref<10112x128xf32, #tpu.memory_space<vmem_shared>> -> memref<32x128xf32, #tpu.memory_space<vmem_shared>>
      %dma_start3A_34 = arith.constant 0 : i32
      %dma_start3A_35 = arith.constant 0 : i32
      %dma_start3A_36 = tpu.memref_slice %arg8[%run_scoped3A, %dma_start3A_34, %dma_start3A_35] : memref<3x120x128xf32, #tpu.memory_space<vmem>> -> memref<1x120x128xf32, #tpu.memory_space<vmem>>
      %dma_start3A_37 = tpu.memref_squeeze %dma_start3A_36 : memref<1x120x128xf32, #tpu.memory_space<vmem>> -> memref<120x128xf32, #tpu.memory_space<vmem>>
      %dma_start3A_38 = arith.constant 0 : i32
      %dma_start3A_39 = arith.constant 0 : i32
      %dma_start3A_40 = tpu.memref_slice %dma_start3A_37[%dma_start3A_38, %dma_start3A_39] : memref<120x128xf32, #tpu.memory_space<vmem>> -> memref<32x128xf32, #tpu.memory_space<vmem>>
      tpu.enqueue_dma source(%dma_start3A_40 : memref<32x128xf32, #tpu.memory_space<vmem>>) target(%dma_start3A_33 : memref<32x128xf32, #tpu.memory_space<vmem_shared>>) target_semaphore(%run_scoped3A_23 : memref<!tpu.dma_semaphore, #tpu.memory_space<semaphore_mem>>)
      %dma_wait3A = arith.constant 0 : i32
      %dma_wait3A_41 = arith.constant 0 : i32
      %dma_wait3A_42 = tpu.memref_slice %arg8[%run_scoped3A, %dma_wait3A, %dma_wait3A_41] : memref<3x120x128xf32, #tpu.memory_space<vmem>> -> memref<1x120x128xf32, #tpu.memory_space<vmem>>
      %dma_wait3A_43 = tpu.memref_squeeze %dma_wait3A_42 : memref<1x120x128xf32, #tpu.memory_space<vmem>> -> memref<120x128xf32, #tpu.memory_space<vmem>>
      %dma_wait3A_44 = arith.constant 0 : i32
      %dma_wait3A_45 = arith.constant 0 : i32
      %dma_wait3A_46 = tpu.memref_slice %dma_wait3A_43[%dma_wait3A_44, %dma_wait3A_45] : memref<120x128xf32, #tpu.memory_space<vmem>> -> memref<32x128xf32, #tpu.memory_space<vmem>>
      %dma_wait3A_47 = arith.constant 0 : i32
      %dma_wait3A_48 = tpu.memref_slice %arg9[%add3A_10, %dma_wait3A_47] : memref<10112x128xf32, #tpu.memory_space<vmem_shared>> -> memref<32x128xf32, #tpu.memory_space<vmem_shared>>
      %dma_wait3A_49 = arith.constant 0 : i32
      %dma_wait3A_50 = tpu.memref_slice %arg9[%add3A_10, %dma_wait3A_49] : memref<10112x128xf32, #tpu.memory_space<vmem_shared>> -> memref<32x128xf32, #tpu.memory_space<vmem_shared>>
      %dma_wait3A_51 = arith.constant 0 : i32
      %dma_wait3A_52 = arith.constant 0 : i32
      %dma_wait3A_53 = tpu.memref_slice %arg8[%run_scoped3A, %dma_wait3A_51, %dma_wait3A_52] : memref<3x120x128xf32, #tpu.memory_space<vmem>> -> memref<1x120x128xf32, #tpu.memory_space<vmem>>
      %dma_wait3A_54 = tpu.memref_squeeze %dma_wait3A_53 : memref<1x120x128xf32, #tpu.memory_space<vmem>> -> memref<120x128xf32, #tpu.memory_space<vmem>>
      %dma_wait3A_55 = arith.constant 0 : i32
      %dma_wait3A_56 = arith.constant 0 : i32
      %dma_wait3A_57 = tpu.memref_slice %dma_wait3A_54[%dma_wait3A_55, %dma_wait3A_56] : memref<120x128xf32, #tpu.memory_space<vmem>> -> memref<32x128xf32, #tpu.memory_space<vmem>>
      tpu.wait_dma2 semaphore(%run_scoped3A_23 : memref<!tpu.dma_semaphore, #tpu.memory_space<semaphore_mem>>) src(%dma_wait3A_57 : memref<32x128xf32, #tpu.memory_space<vmem>>) dst(%dma_wait3A_50 : memref<32x128xf32, #tpu.memory_space<vmem_shared>>)
      tpu.yield
    }) : () -> ()
    %barrier3A = arith.constant 0 : index
    tpu.barrier barrier_id(%barrier3A)
    %eq3A = arith.constant 0 : i32
    %eq3A_11 = arith.cmpi eq, %arg0, %eq3A : i32
    %convert_element_type3A = arith.extui %eq3A_11 : i1 to i32
    %cond3A = arith.constant 0 : i32
    %cond3A_12 = arith.cmpi ne, %convert_element_type3A, %cond3A : i32
    scf.if %cond3A_12 {
      %mul3A_23 = arith.constant 138 : i32
      %mul3A_24 = arith.muli %arg1, %mul3A_23 : i32
      %add3A_25 = arith.constant 0 : i32
      %add3A_26 = arith.addi %mul3A_24, %add3A_25 : i32
      %run_scoped3A_27 = arith.constant 0 : i32
      "tpu.region"() ({
        %run_scoped3A_205 = tpu.sem_alloc : memref<!tpu.dma_semaphore, #tpu.memory_space<semaphore_mem>>
        %dma_start3A_206 = arith.constant 0 : i32
        %dma_start3A_207 = tpu.memref_slice %arg6[%run_scoped3A_27, %dma_start3A_206] : memref<3x120xi32, #tpu.memory_space<vmem>> -> memref<1x120xi32, #tpu.memory_space<vmem>>
        %dma_start3A_208 = tpu.memref_squeeze %dma_start3A_207 : memref<1x120xi32, #tpu.memory_space<vmem>> -> memref<120xi32, #tpu.memory_space<vmem>>
        %dma_start3A_209 = arith.constant 0 : i32
        %dma_start3A_210 = tpu.memref_slice %arg2[%add3A_26, %dma_start3A_209] : memref<2688x120xi32, #tpu.memory_space<hbm>> -> memref<1x120xi32, #tpu.memory_space<hbm>>
        %dma_start3A_211 = tpu.memref_squeeze %dma_start3A_210 : memref<1x120xi32, #tpu.memory_space<hbm>> -> memref<120xi32, #tpu.memory_space<hbm>>
        %dma_start3A_212 = arith.constant 0 : i32
        %dma_start3A_213 = tpu.memref_slice %arg6[%run_scoped3A_27, %dma_start3A_212] : memref<3x120xi32, #tpu.memory_space<vmem>> -> memref<1x120xi32, #tpu.memory_space<vmem>>
        %dma_start3A_214 = tpu.memref_squeeze %dma_start3A_213 : memref<1x120xi32, #tpu.memory_space<vmem>> -> memref<120xi32, #tpu.memory_space<vmem>>
        %dma_start3A_215 = arith.constant 0 : i32
        %dma_start3A_216 = tpu.memref_slice %arg2[%add3A_26, %dma_start3A_215] : memref<2688x120xi32, #tpu.memory_space<hbm>> -> memref<1x120xi32, #tpu.memory_space<hbm>>
        %dma_start3A_217 = tpu.memref_squeeze %dma_start3A_216 : memref<1x120xi32, #tpu.memory_space<hbm>> -> memref<120xi32, #tpu.memory_space<hbm>>
        tpu.enqueue_dma source(%dma_start3A_217 : memref<120xi32, #tpu.memory_space<hbm>>) target(%dma_start3A_214 : memref<120xi32, #tpu.memory_space<vmem>>) target_semaphore(%run_scoped3A_205 : memref<!tpu.dma_semaphore, #tpu.memory_space<semaphore_mem>>)
        %dma_wait3A_218 = arith.constant 0 : i32
        %dma_wait3A_219 = tpu.memref_slice %arg6[%run_scoped3A_27, %dma_wait3A_218] : memref<3x120xi32, #tpu.memory_space<vmem>> -> memref<1x120xi32, #tpu.memory_space<vmem>>
        %dma_wait3A_220 = tpu.memref_squeeze %dma_wait3A_219 : memref<1x120xi32, #tpu.memory_space<vmem>> -> memref<120xi32, #tpu.memory_space<vmem>>
        %dma_wait3A_221 = arith.constant 0 : i32
        %dma_wait3A_222 = tpu.memref_slice %arg2[%add3A_26, %dma_wait3A_221] : memref<2688x120xi32, #tpu.memory_space<hbm>> -> memref<1x120xi32, #tpu.memory_space<hbm>>
        %dma_wait3A_223 = tpu.memref_squeeze %dma_wait3A_222 : memref<1x120xi32, #tpu.memory_space<hbm>> -> memref<120xi32, #tpu.memory_space<hbm>>
        %dma_wait3A_224 = arith.constant 0 : i32
        %dma_wait3A_225 = tpu.memref_slice %arg6[%run_scoped3A_27, %dma_wait3A_224] : memref<3x120xi32, #tpu.memory_space<vmem>> -> memref<1x120xi32, #tpu.memory_space<vmem>>
        %dma_wait3A_226 = tpu.memref_squeeze %dma_wait3A_225 : memref<1x120xi32, #tpu.memory_space<vmem>> -> memref<120xi32, #tpu.memory_space<vmem>>
        %dma_wait3A_227 = arith.constant 0 : i32
        %dma_wait3A_228 = tpu.memref_slice %arg2[%add3A_26, %dma_wait3A_227] : memref<2688x120xi32, #tpu.memory_space<hbm>> -> memref<1x120xi32, #tpu.memory_space<hbm>>
        %dma_wait3A_229 = tpu.memref_squeeze %dma_wait3A_228 : memref<1x120xi32, #tpu.memory_space<hbm>> -> memref<120xi32, #tpu.memory_space<hbm>>
        tpu.wait_dma2 semaphore(%run_scoped3A_205 : memref<!tpu.dma_semaphore, #tpu.memory_space<semaphore_mem>>) src(%dma_wait3A_229 : memref<120xi32, #tpu.memory_space<hbm>>) dst(%dma_wait3A_226 : memref<120xi32, #tpu.memory_space<vmem>>)
        tpu.yield
      }) : () -> ()
      %add3A_28 = arith.constant 0 : i32
      %add3A_29 = arith.addi %mul3A_24, %add3A_28 : i32
      %dma_start3A = arith.constant 0 : i32
      %dma_start3A_30 = arith.constant 0 : i32
      %dma_start3A_31 = tpu.memref_slice %arg7[%dma_start3A, %dma_start3A_30] : memref<3x120xi32, #tpu.memory_space<vmem>> -> memref<1x120xi32, #tpu.memory_space<vmem>>
      %dma_start3A_32 = tpu.memref_squeeze %dma_start3A_31 : memref<1x120xi32, #tpu.memory_space<vmem>> -> memref<120xi32, #tpu.memory_space<vmem>>
      %dma_start3A_33 = arith.constant 0 : i32
      %dma_start3A_34 = tpu.memref_slice %arg3[%add3A_29, %dma_start3A_33] : memref<2688x120xi32, #tpu.memory_space<hbm>> -> memref<1x120xi32, #tpu.memory_space<hbm>>
      %dma_start3A_35 = tpu.memref_squeeze %dma_start3A_34 : memref<1x120xi32, #tpu.memory_space<hbm>> -> memref<120xi32, #tpu.memory_space<hbm>>
      %dma_start3A_36 = arith.constant 0 : i32
      %dma_start3A_37 = tpu.memref_slice %arg7[%dma_start3A, %dma_start3A_36] : memref<3x120xi32, #tpu.memory_space<vmem>> -> memref<1x120xi32, #tpu.memory_space<vmem>>
      %dma_start3A_38 = tpu.memref_squeeze %dma_start3A_37 : memref<1x120xi32, #tpu.memory_space<vmem>> -> memref<120xi32, #tpu.memory_space<vmem>>
      %dma_start3A_39 = arith.constant 0 : i32
      %dma_start3A_40 = tpu.memref_slice %arg3[%add3A_29, %dma_start3A_39] : memref<2688x120xi32, #tpu.memory_space<hbm>> -> memref<1x120xi32, #tpu.memory_space<hbm>>
      %dma_start3A_41 = tpu.memref_squeeze %dma_start3A_40 : memref<1x120xi32, #tpu.memory_space<hbm>> -> memref<120xi32, #tpu.memory_space<hbm>>
      tpu.enqueue_dma source(%dma_start3A_41 : memref<120xi32, #tpu.memory_space<hbm>>) target(%dma_start3A_38 : memref<120xi32, #tpu.memory_space<vmem>>) target_semaphore(%arg16 : memref<!tpu.dma_semaphore, #tpu.memory_space<semaphore_mem>>)
      %dma_start3A_42 = arith.constant 0 : i32
      %dma_start3A_43 = arith.constant 0 : i32
      %dma_start3A_44 = arith.constant 0 : i32
      %dma_start3A_45 = arith.constant 0 : i32
      %dma_start3A_46 = tpu.memref_slice %arg8[%dma_start3A_43, %dma_start3A_44, %dma_start3A_45] : memref<3x120x128xf32, #tpu.memory_space<vmem>> -> memref<1x120x128xf32, #tpu.memory_space<vmem>>
      %dma_start3A_47 = tpu.memref_squeeze %dma_start3A_46 : memref<1x120x128xf32, #tpu.memory_space<vmem>> -> memref<120x128xf32, #tpu.memory_space<vmem>>
      %dma_start3A_48 = arith.constant 0 : i32
      %dma_start3A_49 = tpu.memref_slice %arg6[%dma_start3A_42, %dma_start3A_48] : memref<3x120xi32, #tpu.memory_space<vmem>> -> memref<1x120xi32, #tpu.memory_space<vmem>>
      %dma_start3A_50 = tpu.memref_squeeze %dma_start3A_49 : memref<1x120xi32, #tpu.memory_space<vmem>> -> memref<120xi32, #tpu.memory_space<vmem>>
      %dma_start3A_51 = arith.constant 0 : i32
      %dma_start3A_52 = arith.constant 0 : i32
      %dma_start3A_53 = tpu.memref_slice %arg4[%dma_start3A_51, %dma_start3A_52] : memref<80000x128xf32, #tpu.memory_space<hbm>> -> memref<80000x128xf32, #tpu.memory_space<hbm>>
      tpu.enqueue_indirect_dma source(%dma_start3A_53 : memref<80000x128xf32, #tpu.memory_space<hbm>>) target(%dma_start3A_47 : memref<120x128xf32, #tpu.memory_space<vmem>>) offsets(%dma_start3A_50 : memref<120xi32, #tpu.memory_space<vmem>>) semaphore(%arg10 : memref<!tpu.dma_semaphore, #tpu.memory_space<semaphore_mem>>)
      %add3A_54 = arith.constant 1 : i32
      %add3A_55 = arith.addi %mul3A_24, %add3A_54 : i32
      %run_scoped3A_56 = arith.constant 1 : i32
      "tpu.region"() ({
        %run_scoped3A_205 = tpu.sem_alloc : memref<!tpu.dma_semaphore, #tpu.memory_space<semaphore_mem>>
        %dma_start3A_206 = arith.constant 0 : i32
        %dma_start3A_207 = tpu.memref_slice %arg6[%run_scoped3A_56, %dma_start3A_206] : memref<3x120xi32, #tpu.memory_space<vmem>> -> memref<1x120xi32, #tpu.memory_space<vmem>>
        %dma_start3A_208 = tpu.memref_squeeze %dma_start3A_207 : memref<1x120xi32, #tpu.memory_space<vmem>> -> memref<120xi32, #tpu.memory_space<vmem>>
        %dma_start3A_209 = arith.constant 0 : i32
        %dma_start3A_210 = tpu.memref_slice %arg2[%add3A_55, %dma_start3A_209] : memref<2688x120xi32, #tpu.memory_space<hbm>> -> memref<1x120xi32, #tpu.memory_space<hbm>>
        %dma_start3A_211 = tpu.memref_squeeze %dma_start3A_210 : memref<1x120xi32, #tpu.memory_space<hbm>> -> memref<120xi32, #tpu.memory_space<hbm>>
        %dma_start3A_212 = arith.constant 0 : i32
        %dma_start3A_213 = tpu.memref_slice %arg6[%run_scoped3A_56, %dma_start3A_212] : memref<3x120xi32, #tpu.memory_space<vmem>> -> memref<1x120xi32, #tpu.memory_space<vmem>>
        %dma_start3A_214 = tpu.memref_squeeze %dma_start3A_213 : memref<1x120xi32, #tpu.memory_space<vmem>> -> memref<120xi32, #tpu.memory_space<vmem>>
        %dma_start3A_215 = arith.constant 0 : i32
        %dma_start3A_216 = tpu.memref_slice %arg2[%add3A_55, %dma_start3A_215] : memref<2688x120xi32, #tpu.memory_space<hbm>> -> memref<1x120xi32, #tpu.memory_space<hbm>>
        %dma_start3A_217 = tpu.memref_squeeze %dma_start3A_216 : memref<1x120xi32, #tpu.memory_space<hbm>> -> memref<120xi32, #tpu.memory_space<hbm>>
        tpu.enqueue_dma source(%dma_start3A_217 : memref<120xi32, #tpu.memory_space<hbm>>) target(%dma_start3A_214 : memref<120xi32, #tpu.memory_space<vmem>>) target_semaphore(%run_scoped3A_205 : memref<!tpu.dma_semaphore, #tpu.memory_space<semaphore_mem>>)
        %dma_wait3A_218 = arith.constant 0 : i32
        %dma_wait3A_219 = tpu.memref_slice %arg6[%run_scoped3A_56, %dma_wait3A_218] : memref<3x120xi32, #tpu.memory_space<vmem>> -> memref<1x120xi32, #tpu.memory_space<vmem>>
        %dma_wait3A_220 = tpu.memref_squeeze %dma_wait3A_219 : memref<1x120xi32, #tpu.memory_space<vmem>> -> memref<120xi32, #tpu.memory_space<vmem>>
        %dma_wait3A_221 = arith.constant 0 : i32
        %dma_wait3A_222 = tpu.memref_slice %arg2[%add3A_55, %dma_wait3A_221] : memref<2688x120xi32, #tpu.memory_space<hbm>> -> memref<1x120xi32, #tpu.memory_space<hbm>>
        %dma_wait3A_223 = tpu.memref_squeeze %dma_wait3A_222 : memref<1x120xi32, #tpu.memory_space<hbm>> -> memref<120xi32, #tpu.memory_space<hbm>>
        %dma_wait3A_224 = arith.constant 0 : i32
        %dma_wait3A_225 = tpu.memref_slice %arg6[%run_scoped3A_56, %dma_wait3A_224] : memref<3x120xi32, #tpu.memory_space<vmem>> -> memref<1x120xi32, #tpu.memory_space<vmem>>
        %dma_wait3A_226 = tpu.memref_squeeze %dma_wait3A_225 : memref<1x120xi32, #tpu.memory_space<vmem>> -> memref<120xi32, #tpu.memory_space<vmem>>
        %dma_wait3A_227 = arith.constant 0 : i32
        %dma_wait3A_228 = tpu.memref_slice %arg2[%add3A_55, %dma_wait3A_227] : memref<2688x120xi32, #tpu.memory_space<hbm>> -> memref<1x120xi32, #tpu.memory_space<hbm>>
        %dma_wait3A_229 = tpu.memref_squeeze %dma_wait3A_228 : memref<1x120xi32, #tpu.memory_space<hbm>> -> memref<120xi32, #tpu.memory_space<hbm>>
        tpu.wait_dma2 semaphore(%run_scoped3A_205 : memref<!tpu.dma_semaphore, #tpu.memory_space<semaphore_mem>>) src(%dma_wait3A_229 : memref<120xi32, #tpu.memory_space<hbm>>) dst(%dma_wait3A_226 : memref<120xi32, #tpu.memory_space<vmem>>)
        tpu.yield
      }) : () -> ()
      %add3A_57 = arith.constant 1 : i32
      %add3A_58 = arith.addi %mul3A_24, %add3A_57 : i32
      %dma_start3A_59 = arith.constant 1 : i32
      %dma_start3A_60 = arith.constant 0 : i32
      %dma_start3A_61 = tpu.memref_slice %arg7[%dma_start3A_59, %dma_start3A_60] : memref<3x120xi32, #tpu.memory_space<vmem>> -> memref<1x120xi32, #tpu.memory_space<vmem>>
      %dma_start3A_62 = tpu.memref_squeeze %dma_start3A_61 : memref<1x120xi32, #tpu.memory_space<vmem>> -> memref<120xi32, #tpu.memory_space<vmem>>
      %dma_start3A_63 = arith.constant 0 : i32
      %dma_start3A_64 = tpu.memref_slice %arg3[%add3A_58, %dma_start3A_63] : memref<2688x120xi32, #tpu.memory_space<hbm>> -> memref<1x120xi32, #tpu.memory_space<hbm>>
      %dma_start3A_65 = tpu.memref_squeeze %dma_start3A_64 : memref<1x120xi32, #tpu.memory_space<hbm>> -> memref<120xi32, #tpu.memory_space<hbm>>
      %dma_start3A_66 = arith.constant 0 : i32
      %dma_start3A_67 = tpu.memref_slice %arg7[%dma_start3A_59, %dma_start3A_66] : memref<3x120xi32, #tpu.memory_space<vmem>> -> memref<1x120xi32, #tpu.memory_space<vmem>>
      %dma_start3A_68 = tpu.memref_squeeze %dma_start3A_67 : memref<1x120xi32, #tpu.memory_space<vmem>> -> memref<120xi32, #tpu.memory_space<vmem>>
      %dma_start3A_69 = arith.constant 0 : i32
      %dma_start3A_70 = tpu.memref_slice %arg3[%add3A_58, %dma_start3A_69] : memref<2688x120xi32, #tpu.memory_space<hbm>> -> memref<1x120xi32, #tpu.memory_space<hbm>>
      %dma_start3A_71 = tpu.memref_squeeze %dma_start3A_70 : memref<1x120xi32, #tpu.memory_space<hbm>> -> memref<120xi32, #tpu.memory_space<hbm>>
      tpu.enqueue_dma source(%dma_start3A_71 : memref<120xi32, #tpu.memory_space<hbm>>) target(%dma_start3A_68 : memref<120xi32, #tpu.memory_space<vmem>>) target_semaphore(%arg17 : memref<!tpu.dma_semaphore, #tpu.memory_space<semaphore_mem>>)
      %dma_start3A_72 = arith.constant 1 : i32
      %dma_start3A_73 = arith.constant 1 : i32
      %dma_start3A_74 = arith.constant 0 : i32
      %dma_start3A_75 = arith.constant 0 : i32
      %dma_start3A_76 = tpu.memref_slice %arg8[%dma_start3A_73, %dma_start3A_74, %dma_start3A_75] : memref<3x120x128xf32, #tpu.memory_space<vmem>> -> memref<1x120x128xf32, #tpu.memory_space<vmem>>
      %dma_start3A_77 = tpu.memref_squeeze %dma_start3A_76 : memref<1x120x128xf32, #tpu.memory_space<vmem>> -> memref<120x128xf32, #tpu.memory_space<vmem>>
      %dma_start3A_78 = arith.constant 0 : i32
      %dma_start3A_79 = tpu.memref_slice %arg6[%dma_start3A_72, %dma_start3A_78] : memref<3x120xi32, #tpu.memory_space<vmem>> -> memref<1x120xi32, #tpu.memory_space<vmem>>
      %dma_start3A_80 = tpu.memref_squeeze %dma_start3A_79 : memref<1x120xi32, #tpu.memory_space<vmem>> -> memref<120xi32, #tpu.memory_space<vmem>>
      %dma_start3A_81 = arith.constant 0 : i32
      %dma_start3A_82 = arith.constant 0 : i32
      %dma_start3A_83 = tpu.memref_slice %arg4[%dma_start3A_81, %dma_start3A_82] : memref<80000x128xf32, #tpu.memory_space<hbm>> -> memref<80000x128xf32, #tpu.memory_space<hbm>>
      tpu.enqueue_indirect_dma source(%dma_start3A_83 : memref<80000x128xf32, #tpu.memory_space<hbm>>) target(%dma_start3A_77 : memref<120x128xf32, #tpu.memory_space<vmem>>) offsets(%dma_start3A_80 : memref<120xi32, #tpu.memory_space<vmem>>) semaphore(%arg11 : memref<!tpu.dma_semaphore, #tpu.memory_space<semaphore_mem>>)
      %add3A_84 = arith.constant 2 : i32
      %add3A_85 = arith.addi %mul3A_24, %add3A_84 : i32
      %run_scoped3A_86 = arith.constant 2 : i32
      "tpu.region"() ({
        %run_scoped3A_205 = tpu.sem_alloc : memref<!tpu.dma_semaphore, #tpu.memory_space<semaphore_mem>>
        %dma_start3A_206 = arith.constant 0 : i32
        %dma_start3A_207 = tpu.memref_slice %arg6[%run_scoped3A_86, %dma_start3A_206] : memref<3x120xi32, #tpu.memory_space<vmem>> -> memref<1x120xi32, #tpu.memory_space<vmem>>
        %dma_start3A_208 = tpu.memref_squeeze %dma_start3A_207 : memref<1x120xi32, #tpu.memory_space<vmem>> -> memref<120xi32, #tpu.memory_space<vmem>>
        %dma_start3A_209 = arith.constant 0 : i32
        %dma_start3A_210 = tpu.memref_slice %arg2[%add3A_85, %dma_start3A_209] : memref<2688x120xi32, #tpu.memory_space<hbm>> -> memref<1x120xi32, #tpu.memory_space<hbm>>
        %dma_start3A_211 = tpu.memref_squeeze %dma_start3A_210 : memref<1x120xi32, #tpu.memory_space<hbm>> -> memref<120xi32, #tpu.memory_space<hbm>>
        %dma_start3A_212 = arith.constant 0 : i32
        %dma_start3A_213 = tpu.memref_slice %arg6[%run_scoped3A_86, %dma_start3A_212] : memref<3x120xi32, #tpu.memory_space<vmem>> -> memref<1x120xi32, #tpu.memory_space<vmem>>
        %dma_start3A_214 = tpu.memref_squeeze %dma_start3A_213 : memref<1x120xi32, #tpu.memory_space<vmem>> -> memref<120xi32, #tpu.memory_space<vmem>>
        %dma_start3A_215 = arith.constant 0 : i32
        %dma_start3A_216 = tpu.memref_slice %arg2[%add3A_85, %dma_start3A_215] : memref<2688x120xi32, #tpu.memory_space<hbm>> -> memref<1x120xi32, #tpu.memory_space<hbm>>
        %dma_start3A_217 = tpu.memref_squeeze %dma_start3A_216 : memref<1x120xi32, #tpu.memory_space<hbm>> -> memref<120xi32, #tpu.memory_space<hbm>>
        tpu.enqueue_dma source(%dma_start3A_217 : memref<120xi32, #tpu.memory_space<hbm>>) target(%dma_start3A_214 : memref<120xi32, #tpu.memory_space<vmem>>) target_semaphore(%run_scoped3A_205 : memref<!tpu.dma_semaphore, #tpu.memory_space<semaphore_mem>>)
        %dma_wait3A_218 = arith.constant 0 : i32
        %dma_wait3A_219 = tpu.memref_slice %arg6[%run_scoped3A_86, %dma_wait3A_218] : memref<3x120xi32, #tpu.memory_space<vmem>> -> memref<1x120xi32, #tpu.memory_space<vmem>>
        %dma_wait3A_220 = tpu.memref_squeeze %dma_wait3A_219 : memref<1x120xi32, #tpu.memory_space<vmem>> -> memref<120xi32, #tpu.memory_space<vmem>>
        %dma_wait3A_221 = arith.constant 0 : i32
        %dma_wait3A_222 = tpu.memref_slice %arg2[%add3A_85, %dma_wait3A_221] : memref<2688x120xi32, #tpu.memory_space<hbm>> -> memref<1x120xi32, #tpu.memory_space<hbm>>
        %dma_wait3A_223 = tpu.memref_squeeze %dma_wait3A_222 : memref<1x120xi32, #tpu.memory_space<hbm>> -> memref<120xi32, #tpu.memory_space<hbm>>
        %dma_wait3A_224 = arith.constant 0 : i32
        %dma_wait3A_225 = tpu.memref_slice %arg6[%run_scoped3A_86, %dma_wait3A_224] : memref<3x120xi32, #tpu.memory_space<vmem>> -> memref<1x120xi32, #tpu.memory_space<vmem>>
        %dma_wait3A_226 = tpu.memref_squeeze %dma_wait3A_225 : memref<1x120xi32, #tpu.memory_space<vmem>> -> memref<120xi32, #tpu.memory_space<vmem>>
        %dma_wait3A_227 = arith.constant 0 : i32
        %dma_wait3A_228 = tpu.memref_slice %arg2[%add3A_85, %dma_wait3A_227] : memref<2688x120xi32, #tpu.memory_space<hbm>> -> memref<1x120xi32, #tpu.memory_space<hbm>>
        %dma_wait3A_229 = tpu.memref_squeeze %dma_wait3A_228 : memref<1x120xi32, #tpu.memory_space<hbm>> -> memref<120xi32, #tpu.memory_space<hbm>>
        tpu.wait_dma2 semaphore(%run_scoped3A_205 : memref<!tpu.dma_semaphore, #tpu.memory_space<semaphore_mem>>) src(%dma_wait3A_229 : memref<120xi32, #tpu.memory_space<hbm>>) dst(%dma_wait3A_226 : memref<120xi32, #tpu.memory_space<vmem>>)
        tpu.yield
      }) : () -> ()
      %add3A_87 = arith.constant 2 : i32
      %add3A_88 = arith.addi %mul3A_24, %add3A_87 : i32
      %dma_start3A_89 = arith.constant 2 : i32
      %dma_start3A_90 = arith.constant 0 : i32
      %dma_start3A_91 = tpu.memref_slice %arg7[%dma_start3A_89, %dma_start3A_90] : memref<3x120xi32, #tpu.memory_space<vmem>> -> memref<1x120xi32, #tpu.memory_space<vmem>>
      %dma_start3A_92 = tpu.memref_squeeze %dma_start3A_91 : memref<1x120xi32, #tpu.memory_space<vmem>> -> memref<120xi32, #tpu.memory_space<vmem>>
      %dma_start3A_93 = arith.constant 0 : i32
      %dma_start3A_94 = tpu.memref_slice %arg3[%add3A_88, %dma_start3A_93] : memref<2688x120xi32, #tpu.memory_space<hbm>> -> memref<1x120xi32, #tpu.memory_space<hbm>>
      %dma_start3A_95 = tpu.memref_squeeze %dma_start3A_94 : memref<1x120xi32, #tpu.memory_space<hbm>> -> memref<120xi32, #tpu.memory_space<hbm>>
      %dma_start3A_96 = arith.constant 0 : i32
      %dma_start3A_97 = tpu.memref_slice %arg7[%dma_start3A_89, %dma_start3A_96] : memref<3x120xi32, #tpu.memory_space<vmem>> -> memref<1x120xi32, #tpu.memory_space<vmem>>
      %dma_start3A_98 = tpu.memref_squeeze %dma_start3A_97 : memref<1x120xi32, #tpu.memory_space<vmem>> -> memref<120xi32, #tpu.memory_space<vmem>>
      %dma_start3A_99 = arith.constant 0 : i32
      %dma_start3A_100 = tpu.memref_slice %arg3[%add3A_88, %dma_start3A_99] : memref<2688x120xi32, #tpu.memory_space<hbm>> -> memref<1x120xi32, #tpu.memory_space<hbm>>
      %dma_start3A_101 = tpu.memref_squeeze %dma_start3A_100 : memref<1x120xi32, #tpu.memory_space<hbm>> -> memref<120xi32, #tpu.memory_space<hbm>>
      tpu.enqueue_dma source(%dma_start3A_101 : memref<120xi32, #tpu.memory_space<hbm>>) target(%dma_start3A_98 : memref<120xi32, #tpu.memory_space<vmem>>) target_semaphore(%arg18 : memref<!tpu.dma_semaphore, #tpu.memory_space<semaphore_mem>>)
      %dma_start3A_102 = arith.constant 2 : i32
      %dma_start3A_103 = arith.constant 2 : i32
      %dma_start3A_104 = arith.constant 0 : i32
      %dma_start3A_105 = arith.constant 0 : i32
      %dma_start3A_106 = tpu.memref_slice %arg8[%dma_start3A_103, %dma_start3A_104, %dma_start3A_105] : memref<3x120x128xf32, #tpu.memory_space<vmem>> -> memref<1x120x128xf32, #tpu.memory_space<vmem>>
      %dma_start3A_107 = tpu.memref_squeeze %dma_start3A_106 : memref<1x120x128xf32, #tpu.memory_space<vmem>> -> memref<120x128xf32, #tpu.memory_space<vmem>>
      %dma_start3A_108 = arith.constant 0 : i32
      %dma_start3A_109 = tpu.memref_slice %arg6[%dma_start3A_102, %dma_start3A_108] : memref<3x120xi32, #tpu.memory_space<vmem>> -> memref<1x120xi32, #tpu.memory_space<vmem>>
      %dma_start3A_110 = tpu.memref_squeeze %dma_start3A_109 : memref<1x120xi32, #tpu.memory_space<vmem>> -> memref<120xi32, #tpu.memory_space<vmem>>
      %dma_start3A_111 = arith.constant 0 : i32
      %dma_start3A_112 = arith.constant 0 : i32
      %dma_start3A_113 = tpu.memref_slice %arg4[%dma_start3A_111, %dma_start3A_112] : memref<80000x128xf32, #tpu.memory_space<hbm>> -> memref<80000x128xf32, #tpu.memory_space<hbm>>
      tpu.enqueue_indirect_dma source(%dma_start3A_113 : memref<80000x128xf32, #tpu.memory_space<hbm>>) target(%dma_start3A_107 : memref<120x128xf32, #tpu.memory_space<vmem>>) offsets(%dma_start3A_110 : memref<120xi32, #tpu.memory_space<vmem>>) semaphore(%arg12 : memref<!tpu.dma_semaphore, #tpu.memory_space<semaphore_mem>>)
      %scan3A_114 = arith.constant 0 : i32
      %scan3A_115 = arith.constant 45 : i32
      %scan3A_116 = arith.addi %scan3A_114, %scan3A_115 : i32
      %scan3A_117 = arith.constant 1 : i32
      scf.for %scan3A_205 = %scan3A_114 to %scan3A_116 step %scan3A_117  : i32 {
        %mul3A_206 = arith.constant 3 : i32
        %mul3A_207 = arith.muli %scan3A_205, %mul3A_206 : i32
        %add3A_208 = arith.constant 0 : i32
        %add3A_209 = arith.addi %add3A_208, %mul3A_207 : i32
        %add3A_210 = arith.constant 0 : i32
        %add3A_211 = arith.addi %add3A_209, %add3A_210 : i32
        %dma_wait3A_212 = arith.constant 0 : i32
        %dma_wait3A_213 = arith.constant 0 : i32
        %dma_wait3A_214 = arith.constant 0 : i32
        %dma_wait3A_215 = arith.constant 0 : i32
        %dma_wait3A_216 = tpu.memref_slice %arg8[%dma_wait3A_213, %dma_wait3A_214, %dma_wait3A_215] : memref<3x120x128xf32, #tpu.memory_space<vmem>> -> memref<1x120x128xf32, #tpu.memory_space<vmem>>
        %dma_wait3A_217 = tpu.memref_squeeze %dma_wait3A_216 : memref<1x120x128xf32, #tpu.memory_space<vmem>> -> memref<120x128xf32, #tpu.memory_space<vmem>>
        %dma_wait3A_218 = arith.constant 0 : i32
        %dma_wait3A_219 = tpu.memref_slice %arg6[%dma_wait3A_212, %dma_wait3A_218] : memref<3x120xi32, #tpu.memory_space<vmem>> -> memref<1x120xi32, #tpu.memory_space<vmem>>
        %dma_wait3A_220 = tpu.memref_squeeze %dma_wait3A_219 : memref<1x120xi32, #tpu.memory_space<vmem>> -> memref<120xi32, #tpu.memory_space<vmem>>
        %dma_wait3A_221 = arith.constant 0 : i32
        %dma_wait3A_222 = arith.constant 0 : i32
        %dma_wait3A_223 = tpu.memref_slice %arg4[%dma_wait3A_221, %dma_wait3A_222] : memref<80000x128xf32, #tpu.memory_space<hbm>> -> memref<80000x128xf32, #tpu.memory_space<hbm>>
        tpu.wait_indirect_dma semaphore(%arg10 : memref<!tpu.dma_semaphore, #tpu.memory_space<semaphore_mem>>) src(%dma_wait3A_223 : memref<80000x128xf32, #tpu.memory_space<hbm>>) dst(%dma_wait3A_217 : memref<120x128xf32, #tpu.memory_space<vmem>>)
        %add3A_224 = arith.addi %mul3A_24, %add3A_211 : i32
        %add3A_225 = arith.constant 3 : i32
        %add3A_226 = arith.addi %add3A_224, %add3A_225 : i32
        %dma_start3A_227 = arith.constant 0 : i32
        %dma_start3A_228 = arith.constant 0 : i32
        %dma_start3A_229 = tpu.memref_slice %arg6[%dma_start3A_227, %dma_start3A_228] : memref<3x120xi32, #tpu.memory_space<vmem>> -> memref<1x120xi32, #tpu.memory_space<vmem>>
        %dma_start3A_230 = tpu.memref_squeeze %dma_start3A_229 : memref<1x120xi32, #tpu.memory_space<vmem>> -> memref<120xi32, #tpu.memory_space<vmem>>
        %dma_start3A_231 = arith.constant 0 : i32
        %dma_start3A_232 = tpu.memref_slice %arg2[%add3A_226, %dma_start3A_231] : memref<2688x120xi32, #tpu.memory_space<hbm>> -> memref<1x120xi32, #tpu.memory_space<hbm>>
        %dma_start3A_233 = tpu.memref_squeeze %dma_start3A_232 : memref<1x120xi32, #tpu.memory_space<hbm>> -> memref<120xi32, #tpu.memory_space<hbm>>
        %dma_start3A_234 = arith.constant 0 : i32
        %dma_start3A_235 = tpu.memref_slice %arg6[%dma_start3A_227, %dma_start3A_234] : memref<3x120xi32, #tpu.memory_space<vmem>> -> memref<1x120xi32, #tpu.memory_space<vmem>>
        %dma_start3A_236 = tpu.memref_squeeze %dma_start3A_235 : memref<1x120xi32, #tpu.memory_space<vmem>> -> memref<120xi32, #tpu.memory_space<vmem>>
        %dma_start3A_237 = arith.constant 0 : i32
        %dma_start3A_238 = tpu.memref_slice %arg2[%add3A_226, %dma_start3A_237] : memref<2688x120xi32, #tpu.memory_space<hbm>> -> memref<1x120xi32, #tpu.memory_space<hbm>>
        %dma_start3A_239 = tpu.memref_squeeze %dma_start3A_238 : memref<1x120xi32, #tpu.memory_space<hbm>> -> memref<120xi32, #tpu.memory_space<hbm>>
        tpu.enqueue_dma source(%dma_start3A_239 : memref<120xi32, #tpu.memory_space<hbm>>) target(%dma_start3A_236 : memref<120xi32, #tpu.memory_space<vmem>>) target_semaphore(%arg13 : memref<!tpu.dma_semaphore, #tpu.memory_space<semaphore_mem>>)
        %add3A_240 = arith.addi %mul3A_24, %add3A_211 : i32
        %dma_wait3A_241 = arith.constant 0 : i32
        %dma_wait3A_242 = arith.constant 0 : i32
        %dma_wait3A_243 = tpu.memref_slice %arg7[%dma_wait3A_241, %dma_wait3A_242] : memref<3x120xi32, #tpu.memory_space<vmem>> -> memref<1x120xi32, #tpu.memory_space<vmem>>
        %dma_wait3A_244 = tpu.memref_squeeze %dma_wait3A_243 : memref<1x120xi32, #tpu.memory_space<vmem>> -> memref<120xi32, #tpu.memory_space<vmem>>
        %dma_wait3A_245 = arith.constant 0 : i32
        %dma_wait3A_246 = tpu.memref_slice %arg3[%add3A_240, %dma_wait3A_245] : memref<2688x120xi32, #tpu.memory_space<hbm>> -> memref<1x120xi32, #tpu.memory_space<hbm>>
        %dma_wait3A_247 = tpu.memref_squeeze %dma_wait3A_246 : memref<1x120xi32, #tpu.memory_space<hbm>> -> memref<120xi32, #tpu.memory_space<hbm>>
        %dma_wait3A_248 = arith.constant 0 : i32
        %dma_wait3A_249 = tpu.memref_slice %arg7[%dma_wait3A_241, %dma_wait3A_248] : memref<3x120xi32, #tpu.memory_space<vmem>> -> memref<1x120xi32, #tpu.memory_space<vmem>>
        %dma_wait3A_250 = tpu.memref_squeeze %dma_wait3A_249 : memref<1x120xi32, #tpu.memory_space<vmem>> -> memref<120xi32, #tpu.memory_space<vmem>>
        %dma_wait3A_251 = arith.constant 0 : i32
        %dma_wait3A_252 = tpu.memref_slice %arg3[%add3A_240, %dma_wait3A_251] : memref<2688x120xi32, #tpu.memory_space<hbm>> -> memref<1x120xi32, #tpu.memory_space<hbm>>
        %dma_wait3A_253 = tpu.memref_squeeze %dma_wait3A_252 : memref<1x120xi32, #tpu.memory_space<hbm>> -> memref<120xi32, #tpu.memory_space<hbm>>
        tpu.wait_dma2 semaphore(%arg16 : memref<!tpu.dma_semaphore, #tpu.memory_space<semaphore_mem>>) src(%dma_wait3A_253 : memref<120xi32, #tpu.memory_space<hbm>>) dst(%dma_wait3A_250 : memref<120xi32, #tpu.memory_space<vmem>>)
        %run_scoped3A_254 = arith.constant 0 : i32
        %run_scoped3A_255 = arith.constant 0 : i32
        "tpu.region"() ({
          %run_scoped3A_486 = tpu.sem_alloc : memref<!tpu.dma_semaphore, #tpu.memory_space<semaphore_mem>>
          %dma_start3A_487 = arith.constant 0 : i32
          %dma_start3A_488 = arith.constant 0 : i32
          %dma_start3A_489 = tpu.memref_slice %arg8[%run_scoped3A_254, %dma_start3A_487, %dma_start3A_488] : memref<3x120x128xf32, #tpu.memory_space<vmem>> -> memref<1x120x128xf32, #tpu.memory_space<vmem>>
          %dma_start3A_490 = tpu.memref_squeeze %dma_start3A_489 : memref<1x120x128xf32, #tpu.memory_space<vmem>> -> memref<120x128xf32, #tpu.memory_space<vmem>>
          %dma_start3A_491 = arith.constant 0 : i32
          %dma_start3A_492 = tpu.memref_slice %arg7[%run_scoped3A_255, %dma_start3A_491] : memref<3x120xi32, #tpu.memory_space<vmem>> -> memref<1x120xi32, #tpu.memory_space<vmem>>
          %dma_start3A_493 = tpu.memref_squeeze %dma_start3A_492 : memref<1x120xi32, #tpu.memory_space<vmem>> -> memref<120xi32, #tpu.memory_space<vmem>>
          %dma_start3A_494 = arith.constant 0 : i32
          %dma_start3A_495 = arith.constant 0 : i32
          %dma_start3A_496 = tpu.memref_slice %arg9[%dma_start3A_494, %dma_start3A_495] : memref<10112x128xf32, #tpu.memory_space<vmem_shared>> -> memref<10112x128xf32, #tpu.memory_space<vmem_shared>>
          tpu.enqueue_indirect_dma source(%dma_start3A_490 : memref<120x128xf32, #tpu.memory_space<vmem>>) target(%dma_start3A_496 : memref<10112x128xf32, #tpu.memory_space<vmem_shared>>) offsets(%dma_start3A_493 : memref<120xi32, #tpu.memory_space<vmem>>) semaphore(%run_scoped3A_486 : memref<!tpu.dma_semaphore, #tpu.memory_space<semaphore_mem>>) {add = true}
          %dma_wait3A_497 = arith.constant 0 : i32
          %dma_wait3A_498 = arith.constant 0 : i32
          %dma_wait3A_499 = tpu.memref_slice %arg8[%run_scoped3A_254, %dma_wait3A_497, %dma_wait3A_498] : memref<3x120x128xf32, #tpu.memory_space<vmem>> -> memref<1x120x128xf32, #tpu.memory_space<vmem>>
          %dma_wait3A_500 = tpu.memref_squeeze %dma_wait3A_499 : memref<1x120x128xf32, #tpu.memory_space<vmem>> -> memref<120x128xf32, #tpu.memory_space<vmem>>
          %dma_wait3A_501 = arith.constant 0 : i32
          %dma_wait3A_502 = tpu.memref_slice %arg7[%run_scoped3A_255, %dma_wait3A_501] : memref<3x120xi32, #tpu.memory_space<vmem>> -> memref<1x120xi32, #tpu.memory_space<vmem>>
          %dma_wait3A_503 = tpu.memref_squeeze %dma_wait3A_502 : memref<1x120xi32, #tpu.memory_space<vmem>> -> memref<120xi32, #tpu.memory_space<vmem>>
          %dma_wait3A_504 = arith.constant 0 : i32
          %dma_wait3A_505 = arith.constant 0 : i32
          %dma_wait3A_506 = tpu.memref_slice %arg9[%dma_wait3A_504, %dma_wait3A_505] : memref<10112x128xf32, #tpu.memory_space<vmem_shared>> -> memref<10112x128xf32, #tpu.memory_space<vmem_shared>>
          tpu.wait_indirect_dma semaphore(%run_scoped3A_486 : memref<!tpu.dma_semaphore, #tpu.memory_space<semaphore_mem>>) src(%dma_wait3A_500 : memref<120x128xf32, #tpu.memory_space<vmem>>) dst(%dma_wait3A_506 : memref<10112x128xf32, #tpu.memory_space<vmem_shared>>)
          tpu.yield
        }) : () -> ()
        %add3A_256 = arith.addi %mul3A_24, %add3A_211 : i32
        %add3A_257 = arith.constant 3 : i32
        %add3A_258 = arith.addi %add3A_256, %add3A_257 : i32
        %dma_start3A_259 = arith.constant 0 : i32
        %dma_start3A_260 = arith.constant 0 : i32
        %dma_start3A_261 = tpu.memref_slice %arg7[%dma_start3A_259, %dma_start3A_260] : memref<3x120xi32, #tpu.memory_space<vmem>> -> memref<1x120xi32, #tpu.memory_space<vmem>>
        %dma_start3A_262 = tpu.memref_squeeze %dma_start3A_261 : memref<1x120xi32, #tpu.memory_space<vmem>> -> memref<120xi32, #tpu.memory_space<vmem>>
        %dma_start3A_263 = arith.constant 0 : i32
        %dma_start3A_264 = tpu.memref_slice %arg3[%add3A_258, %dma_start3A_263] : memref<2688x120xi32, #tpu.memory_space<hbm>> -> memref<1x120xi32, #tpu.memory_space<hbm>>
        %dma_start3A_265 = tpu.memref_squeeze %dma_start3A_264 : memref<1x120xi32, #tpu.memory_space<hbm>> -> memref<120xi32, #tpu.memory_space<hbm>>
        %dma_start3A_266 = arith.constant 0 : i32
        %dma_start3A_267 = tpu.memref_slice %arg7[%dma_start3A_259, %dma_start3A_266] : memref<3x120xi32, #tpu.memory_space<vmem>> -> memref<1x120xi32, #tpu.memory_space<vmem>>
        %dma_start3A_268 = tpu.memref_squeeze %dma_start3A_267 : memref<1x120xi32, #tpu.memory_space<vmem>> -> memref<120xi32, #tpu.memory_space<vmem>>
        %dma_start3A_269 = arith.constant 0 : i32
        %dma_start3A_270 = tpu.memref_slice %arg3[%add3A_258, %dma_start3A_269] : memref<2688x120xi32, #tpu.memory_space<hbm>> -> memref<1x120xi32, #tpu.memory_space<hbm>>
        %dma_start3A_271 = tpu.memref_squeeze %dma_start3A_270 : memref<1x120xi32, #tpu.memory_space<hbm>> -> memref<120xi32, #tpu.memory_space<hbm>>
        tpu.enqueue_dma source(%dma_start3A_271 : memref<120xi32, #tpu.memory_space<hbm>>) target(%dma_start3A_268 : memref<120xi32, #tpu.memory_space<vmem>>) target_semaphore(%arg16 : memref<!tpu.dma_semaphore, #tpu.memory_space<semaphore_mem>>)
        %add3A_272 = arith.addi %mul3A_24, %add3A_211 : i32
        %add3A_273 = arith.constant 3 : i32
        %add3A_274 = arith.addi %add3A_272, %add3A_273 : i32
        %dma_wait3A_275 = arith.constant 0 : i32
        %dma_wait3A_276 = arith.constant 0 : i32
        %dma_wait3A_277 = tpu.memref_slice %arg6[%dma_wait3A_275, %dma_wait3A_276] : memref<3x120xi32, #tpu.memory_space<vmem>> -> memref<1x120xi32, #tpu.memory_space<vmem>>
        %dma_wait3A_278 = tpu.memref_squeeze %dma_wait3A_277 : memref<1x120xi32, #tpu.memory_space<vmem>> -> memref<120xi32, #tpu.memory_space<vmem>>
        %dma_wait3A_279 = arith.constant 0 : i32
        %dma_wait3A_280 = tpu.memref_slice %arg2[%add3A_274, %dma_wait3A_279] : memref<2688x120xi32, #tpu.memory_space<hbm>> -> memref<1x120xi32, #tpu.memory_space<hbm>>
        %dma_wait3A_281 = tpu.memref_squeeze %dma_wait3A_280 : memref<1x120xi32, #tpu.memory_space<hbm>> -> memref<120xi32, #tpu.memory_space<hbm>>
        %dma_wait3A_282 = arith.constant 0 : i32
        %dma_wait3A_283 = tpu.memref_slice %arg6[%dma_wait3A_275, %dma_wait3A_282] : memref<3x120xi32, #tpu.memory_space<vmem>> -> memref<1x120xi32, #tpu.memory_space<vmem>>
        %dma_wait3A_284 = tpu.memref_squeeze %dma_wait3A_283 : memref<1x120xi32, #tpu.memory_space<vmem>> -> memref<120xi32, #tpu.memory_space<vmem>>
        %dma_wait3A_285 = arith.constant 0 : i32
        %dma_wait3A_286 = tpu.memref_slice %arg2[%add3A_274, %dma_wait3A_285] : memref<2688x120xi32, #tpu.memory_space<hbm>> -> memref<1x120xi32, #tpu.memory_space<hbm>>
        %dma_wait3A_287 = tpu.memref_squeeze %dma_wait3A_286 : memref<1x120xi32, #tpu.memory_space<hbm>> -> memref<120xi32, #tpu.memory_space<hbm>>
        tpu.wait_dma2 semaphore(%arg13 : memref<!tpu.dma_semaphore, #tpu.memory_space<semaphore_mem>>) src(%dma_wait3A_287 : memref<120xi32, #tpu.memory_space<hbm>>) dst(%dma_wait3A_284 : memref<120xi32, #tpu.memory_space<vmem>>)
        %add3A_288 = arith.constant 3 : i32
        %add3A_289 = arith.addi %add3A_211, %add3A_288 : i32
        %dma_start3A_290 = arith.constant 0 : i32
        %dma_start3A_291 = arith.constant 0 : i32
        %dma_start3A_292 = arith.constant 0 : i32
        %dma_start3A_293 = arith.constant 0 : i32
        %dma_start3A_294 = tpu.memref_slice %arg8[%dma_start3A_291, %dma_start3A_292, %dma_start3A_293] : memref<3x120x128xf32, #tpu.memory_space<vmem>> -> memref<1x120x128xf32, #tpu.memory_space<vmem>>
        %dma_start3A_295 = tpu.memref_squeeze %dma_start3A_294 : memref<1x120x128xf32, #tpu.memory_space<vmem>> -> memref<120x128xf32, #tpu.memory_space<vmem>>
        %dma_start3A_296 = arith.constant 0 : i32
        %dma_start3A_297 = tpu.memref_slice %arg6[%dma_start3A_290, %dma_start3A_296] : memref<3x120xi32, #tpu.memory_space<vmem>> -> memref<1x120xi32, #tpu.memory_space<vmem>>
        %dma_start3A_298 = tpu.memref_squeeze %dma_start3A_297 : memref<1x120xi32, #tpu.memory_space<vmem>> -> memref<120xi32, #tpu.memory_space<vmem>>
        %dma_start3A_299 = arith.constant 0 : i32
        %dma_start3A_300 = arith.constant 0 : i32
        %dma_start3A_301 = tpu.memref_slice %arg4[%dma_start3A_299, %dma_start3A_300] : memref<80000x128xf32, #tpu.memory_space<hbm>> -> memref<80000x128xf32, #tpu.memory_space<hbm>>
        tpu.enqueue_indirect_dma source(%dma_start3A_301 : memref<80000x128xf32, #tpu.memory_space<hbm>>) target(%dma_start3A_295 : memref<120x128xf32, #tpu.memory_space<vmem>>) offsets(%dma_start3A_298 : memref<120xi32, #tpu.memory_space<vmem>>) semaphore(%arg10 : memref<!tpu.dma_semaphore, #tpu.memory_space<semaphore_mem>>)
        %add3A_302 = arith.constant 1 : i32
        %add3A_303 = arith.addi %add3A_209, %add3A_302 : i32
        %dma_wait3A_304 = arith.constant 1 : i32
        %dma_wait3A_305 = arith.constant 1 : i32
        %dma_wait3A_306 = arith.constant 0 : i32
        %dma_wait3A_307 = arith.constant 0 : i32
        %dma_wait3A_308 = tpu.memref_slice %arg8[%dma_wait3A_305, %dma_wait3A_306, %dma_wait3A_307] : memref<3x120x128xf32, #tpu.memory_space<vmem>> -> memref<1x120x128xf32, #tpu.memory_space<vmem>>
        %dma_wait3A_309 = tpu.memref_squeeze %dma_wait3A_308 : memref<1x120x128xf32, #tpu.memory_space<vmem>> -> memref<120x128xf32, #tpu.memory_space<vmem>>
        %dma_wait3A_310 = arith.constant 0 : i32
        %dma_wait3A_311 = tpu.memref_slice %arg6[%dma_wait3A_304, %dma_wait3A_310] : memref<3x120xi32, #tpu.memory_space<vmem>> -> memref<1x120xi32, #tpu.memory_space<vmem>>
        %dma_wait3A_312 = tpu.memref_squeeze %dma_wait3A_311 : memref<1x120xi32, #tpu.memory_space<vmem>> -> memref<120xi32, #tpu.memory_space<vmem>>
        %dma_wait3A_313 = arith.constant 0 : i32
        %dma_wait3A_314 = arith.constant 0 : i32
        %dma_wait3A_315 = tpu.memref_slice %arg4[%dma_wait3A_313, %dma_wait3A_314] : memref<80000x128xf32, #tpu.memory_space<hbm>> -> memref<80000x128xf32, #tpu.memory_space<hbm>>
        tpu.wait_indirect_dma semaphore(%arg11 : memref<!tpu.dma_semaphore, #tpu.memory_space<semaphore_mem>>) src(%dma_wait3A_315 : memref<80000x128xf32, #tpu.memory_space<hbm>>) dst(%dma_wait3A_309 : memref<120x128xf32, #tpu.memory_space<vmem>>)
        %add3A_316 = arith.addi %mul3A_24, %add3A_303 : i32
        %add3A_317 = arith.constant 3 : i32
        %add3A_318 = arith.addi %add3A_316, %add3A_317 : i32
        %dma_start3A_319 = arith.constant 1 : i32
        %dma_start3A_320 = arith.constant 0 : i32
        %dma_start3A_321 = tpu.memref_slice %arg6[%dma_start3A_319, %dma_start3A_320] : memref<3x120xi32, #tpu.memory_space<vmem>> -> memref<1x120xi32, #tpu.memory_space<vmem>>
        %dma_start3A_322 = tpu.memref_squeeze %dma_start3A_321 : memref<1x120xi32, #tpu.memory_space<vmem>> -> memref<120xi32, #tpu.memory_space<vmem>>
        %dma_start3A_323 = arith.constant 0 : i32
        %dma_start3A_324 = tpu.memref_slice %arg2[%add3A_318, %dma_start3A_323] : memref<2688x120xi32, #tpu.memory_space<hbm>> -> memref<1x120xi32, #tpu.memory_space<hbm>>
        %dma_start3A_325 = tpu.memref_squeeze %dma_start3A_324 : memref<1x120xi32, #tpu.memory_space<hbm>> -> memref<120xi32, #tpu.memory_space<hbm>>
        %dma_start3A_326 = arith.constant 0 : i32
        %dma_start3A_327 = tpu.memref_slice %arg6[%dma_start3A_319, %dma_start3A_326] : memref<3x120xi32, #tpu.memory_space<vmem>> -> memref<1x120xi32, #tpu.memory_space<vmem>>
        %dma_start3A_328 = tpu.memref_squeeze %dma_start3A_327 : memref<1x120xi32, #tpu.memory_space<vmem>> -> memref<120xi32, #tpu.memory_space<vmem>>
        %dma_start3A_329 = arith.constant 0 : i32
        %dma_start3A_330 = tpu.memref_slice %arg2[%add3A_318, %dma_start3A_329] : memref<2688x120xi32, #tpu.memory_space<hbm>> -> memref<1x120xi32, #tpu.memory_space<hbm>>
        %dma_start3A_331 = tpu.memref_squeeze %dma_start3A_330 : memref<1x120xi32, #tpu.memory_space<hbm>> -> memref<120xi32, #tpu.memory_space<hbm>>
        tpu.enqueue_dma source(%dma_start3A_331 : memref<120xi32, #tpu.memory_space<hbm>>) target(%dma_start3A_328 : memref<120xi32, #tpu.memory_space<vmem>>) target_semaphore(%arg14 : memref<!tpu.dma_semaphore, #tpu.memory_space<semaphore_mem>>)
        %add3A_332 = arith.addi %mul3A_24, %add3A_303 : i32
        %dma_wait3A_333 = arith.constant 1 : i32
        %dma_wait3A_334 = arith.constant 0 : i32
        %dma_wait3A_335 = tpu.memref_slice %arg7[%dma_wait3A_333, %dma_wait3A_334] : memref<3x120xi32, #tpu.memory_space<vmem>> -> memref<1x120xi32, #tpu.memory_space<vmem>>
        %dma_wait3A_336 = tpu.memref_squeeze %dma_wait3A_335 : memref<1x120xi32, #tpu.memory_space<vmem>> -> memref<120xi32, #tpu.memory_space<vmem>>
        %dma_wait3A_337 = arith.constant 0 : i32
        %dma_wait3A_338 = tpu.memref_slice %arg3[%add3A_332, %dma_wait3A_337] : memref<2688x120xi32, #tpu.memory_space<hbm>> -> memref<1x120xi32, #tpu.memory_space<hbm>>
        %dma_wait3A_339 = tpu.memref_squeeze %dma_wait3A_338 : memref<1x120xi32, #tpu.memory_space<hbm>> -> memref<120xi32, #tpu.memory_space<hbm>>
        %dma_wait3A_340 = arith.constant 0 : i32
        %dma_wait3A_341 = tpu.memref_slice %arg7[%dma_wait3A_333, %dma_wait3A_340] : memref<3x120xi32, #tpu.memory_space<vmem>> -> memref<1x120xi32, #tpu.memory_space<vmem>>
        %dma_wait3A_342 = tpu.memref_squeeze %dma_wait3A_341 : memref<1x120xi32, #tpu.memory_space<vmem>> -> memref<120xi32, #tpu.memory_space<vmem>>
        %dma_wait3A_343 = arith.constant 0 : i32
        %dma_wait3A_344 = tpu.memref_slice %arg3[%add3A_332, %dma_wait3A_343] : memref<2688x120xi32, #tpu.memory_space<hbm>> -> memref<1x120xi32, #tpu.memory_space<hbm>>
        %dma_wait3A_345 = tpu.memref_squeeze %dma_wait3A_344 : memref<1x120xi32, #tpu.memory_space<hbm>> -> memref<120xi32, #tpu.memory_space<hbm>>
        tpu.wait_dma2 semaphore(%arg17 : memref<!tpu.dma_semaphore, #tpu.memory_space<semaphore_mem>>) src(%dma_wait3A_345 : memref<120xi32, #tpu.memory_space<hbm>>) dst(%dma_wait3A_342 : memref<120xi32, #tpu.memory_space<vmem>>)
        %run_scoped3A_346 = arith.constant 1 : i32
        %run_scoped3A_347 = arith.constant 1 : i32
        "tpu.region"() ({
          %run_scoped3A_486 = tpu.sem_alloc : memref<!tpu.dma_semaphore, #tpu.memory_space<semaphore_mem>>
          %dma_start3A_487 = arith.constant 0 : i32
          %dma_start3A_488 = arith.constant 0 : i32
          %dma_start3A_489 = tpu.memref_slice %arg8[%run_scoped3A_346, %dma_start3A_487, %dma_start3A_488] : memref<3x120x128xf32, #tpu.memory_space<vmem>> -> memref<1x120x128xf32, #tpu.memory_space<vmem>>
          %dma_start3A_490 = tpu.memref_squeeze %dma_start3A_489 : memref<1x120x128xf32, #tpu.memory_space<vmem>> -> memref<120x128xf32, #tpu.memory_space<vmem>>
          %dma_start3A_491 = arith.constant 0 : i32
          %dma_start3A_492 = tpu.memref_slice %arg7[%run_scoped3A_347, %dma_start3A_491] : memref<3x120xi32, #tpu.memory_space<vmem>> -> memref<1x120xi32, #tpu.memory_space<vmem>>
          %dma_start3A_493 = tpu.memref_squeeze %dma_start3A_492 : memref<1x120xi32, #tpu.memory_space<vmem>> -> memref<120xi32, #tpu.memory_space<vmem>>
          %dma_start3A_494 = arith.constant 0 : i32
          %dma_start3A_495 = arith.constant 0 : i32
          %dma_start3A_496 = tpu.memref_slice %arg9[%dma_start3A_494, %dma_start3A_495] : memref<10112x128xf32, #tpu.memory_space<vmem_shared>> -> memref<10112x128xf32, #tpu.memory_space<vmem_shared>>
          tpu.enqueue_indirect_dma source(%dma_start3A_490 : memref<120x128xf32, #tpu.memory_space<vmem>>) target(%dma_start3A_496 : memref<10112x128xf32, #tpu.memory_space<vmem_shared>>) offsets(%dma_start3A_493 : memref<120xi32, #tpu.memory_space<vmem>>) semaphore(%run_scoped3A_486 : memref<!tpu.dma_semaphore, #tpu.memory_space<semaphore_mem>>) {add = true}
          %dma_wait3A_497 = arith.constant 0 : i32
          %dma_wait3A_498 = arith.constant 0 : i32
          %dma_wait3A_499 = tpu.memref_slice %arg8[%run_scoped3A_346, %dma_wait3A_497, %dma_wait3A_498] : memref<3x120x128xf32, #tpu.memory_space<vmem>> -> memref<1x120x128xf32, #tpu.memory_space<vmem>>
          %dma_wait3A_500 = tpu.memref_squeeze %dma_wait3A_499 : memref<1x120x128xf32, #tpu.memory_space<vmem>> -> memref<120x128xf32, #tpu.memory_space<vmem>>
          %dma_wait3A_501 = arith.constant 0 : i32
          %dma_wait3A_502 = tpu.memref_slice %arg7[%run_scoped3A_347, %dma_wait3A_501] : memref<3x120xi32, #tpu.memory_space<vmem>> -> memref<1x120xi32, #tpu.memory_space<vmem>>
          %dma_wait3A_503 = tpu.memref_squeeze %dma_wait3A_502 : memref<1x120xi32, #tpu.memory_space<vmem>> -> memref<120xi32, #tpu.memory_space<vmem>>
          %dma_wait3A_504 = arith.constant 0 : i32
          %dma_wait3A_505 = arith.constant 0 : i32
          %dma_wait3A_506 = tpu.memref_slice %arg9[%dma_wait3A_504, %dma_wait3A_505] : memref<10112x128xf32, #tpu.memory_space<vmem_shared>> -> memref<10112x128xf32, #tpu.memory_space<vmem_shared>>
          tpu.wait_indirect_dma semaphore(%run_scoped3A_486 : memref<!tpu.dma_semaphore, #tpu.memory_space<semaphore_mem>>) src(%dma_wait3A_500 : memref<120x128xf32, #tpu.memory_space<vmem>>) dst(%dma_wait3A_506 : memref<10112x128xf32, #tpu.memory_space<vmem_shared>>)
          tpu.yield
        }) : () -> ()
        %add3A_348 = arith.addi %mul3A_24, %add3A_303 : i32
        %add3A_349 = arith.constant 3 : i32
        %add3A_350 = arith.addi %add3A_348, %add3A_349 : i32
        %dma_start3A_351 = arith.constant 1 : i32
        %dma_start3A_352 = arith.constant 0 : i32
        %dma_start3A_353 = tpu.memref_slice %arg7[%dma_start3A_351, %dma_start3A_352] : memref<3x120xi32, #tpu.memory_space<vmem>> -> memref<1x120xi32, #tpu.memory_space<vmem>>
        %dma_start3A_354 = tpu.memref_squeeze %dma_start3A_353 : memref<1x120xi32, #tpu.memory_space<vmem>> -> memref<120xi32, #tpu.memory_space<vmem>>
        %dma_start3A_355 = arith.constant 0 : i32
        %dma_start3A_356 = tpu.memref_slice %arg3[%add3A_350, %dma_start3A_355] : memref<2688x120xi32, #tpu.memory_space<hbm>> -> memref<1x120xi32, #tpu.memory_space<hbm>>
        %dma_start3A_357 = tpu.memref_squeeze %dma_start3A_356 : memref<1x120xi32, #tpu.memory_space<hbm>> -> memref<120xi32, #tpu.memory_space<hbm>>
        %dma_start3A_358 = arith.constant 0 : i32
        %dma_start3A_359 = tpu.memref_slice %arg7[%dma_start3A_351, %dma_start3A_358] : memref<3x120xi32, #tpu.memory_space<vmem>> -> memref<1x120xi32, #tpu.memory_space<vmem>>
        %dma_start3A_360 = tpu.memref_squeeze %dma_start3A_359 : memref<1x120xi32, #tpu.memory_space<vmem>> -> memref<120xi32, #tpu.memory_space<vmem>>
        %dma_start3A_361 = arith.constant 0 : i32
        %dma_start3A_362 = tpu.memref_slice %arg3[%add3A_350, %dma_start3A_361] : memref<2688x120xi32, #tpu.memory_space<hbm>> -> memref<1x120xi32, #tpu.memory_space<hbm>>
        %dma_start3A_363 = tpu.memref_squeeze %dma_start3A_362 : memref<1x120xi32, #tpu.memory_space<hbm>> -> memref<120xi32, #tpu.memory_space<hbm>>
        tpu.enqueue_dma source(%dma_start3A_363 : memref<120xi32, #tpu.memory_space<hbm>>) target(%dma_start3A_360 : memref<120xi32, #tpu.memory_space<vmem>>) target_semaphore(%arg17 : memref<!tpu.dma_semaphore, #tpu.memory_space<semaphore_mem>>)
        %add3A_364 = arith.addi %mul3A_24, %add3A_303 : i32
        %add3A_365 = arith.constant 3 : i32
        %add3A_366 = arith.addi %add3A_364, %add3A_365 : i32
        %dma_wait3A_367 = arith.constant 1 : i32
        %dma_wait3A_368 = arith.constant 0 : i32
        %dma_wait3A_369 = tpu.memref_slice %arg6[%dma_wait3A_367, %dma_wait3A_368] : memref<3x120xi32, #tpu.memory_space<vmem>> -> memref<1x120xi32, #tpu.memory_space<vmem>>
        %dma_wait3A_370 = tpu.memref_squeeze %dma_wait3A_369 : memref<1x120xi32, #tpu.memory_space<vmem>> -> memref<120xi32, #tpu.memory_space<vmem>>
        %dma_wait3A_371 = arith.constant 0 : i32
        %dma_wait3A_372 = tpu.memref_slice %arg2[%add3A_366, %dma_wait3A_371] : memref<2688x120xi32, #tpu.memory_space<hbm>> -> memref<1x120xi32, #tpu.memory_space<hbm>>
        %dma_wait3A_373 = tpu.memref_squeeze %dma_wait3A_372 : memref<1x120xi32, #tpu.memory_space<hbm>> -> memref<120xi32, #tpu.memory_space<hbm>>
        %dma_wait3A_374 = arith.constant 0 : i32
        %dma_wait3A_375 = tpu.memref_slice %arg6[%dma_wait3A_367, %dma_wait3A_374] : memref<3x120xi32, #tpu.memory_space<vmem>> -> memref<1x120xi32, #tpu.memory_space<vmem>>
        %dma_wait3A_376 = tpu.memref_squeeze %dma_wait3A_375 : memref<1x120xi32, #tpu.memory_space<vmem>> -> memref<120xi32, #tpu.memory_space<vmem>>
        %dma_wait3A_377 = arith.constant 0 : i32
        %dma_wait3A_378 = tpu.memref_slice %arg2[%add3A_366, %dma_wait3A_377] : memref<2688x120xi32, #tpu.memory_space<hbm>> -> memref<1x120xi32, #tpu.memory_space<hbm>>
        %dma_wait3A_379 = tpu.memref_squeeze %dma_wait3A_378 : memref<1x120xi32, #tpu.memory_space<hbm>> -> memref<120xi32, #tpu.memory_space<hbm>>
        tpu.wait_dma2 semaphore(%arg14 : memref<!tpu.dma_semaphore, #tpu.memory_space<semaphore_mem>>) src(%dma_wait3A_379 : memref<120xi32, #tpu.memory_space<hbm>>) dst(%dma_wait3A_376 : memref<120xi32, #tpu.memory_space<vmem>>)
        %add3A_380 = arith.constant 3 : i32
        %add3A_381 = arith.addi %add3A_303, %add3A_380 : i32
        %dma_start3A_382 = arith.constant 1 : i32
        %dma_start3A_383 = arith.constant 1 : i32
        %dma_start3A_384 = arith.constant 0 : i32
        %dma_start3A_385 = arith.constant 0 : i32
        %dma_start3A_386 = tpu.memref_slice %arg8[%dma_start3A_383, %dma_start3A_384, %dma_start3A_385] : memref<3x120x128xf32, #tpu.memory_space<vmem>> -> memref<1x120x128xf32, #tpu.memory_space<vmem>>
        %dma_start3A_387 = tpu.memref_squeeze %dma_start3A_386 : memref<1x120x128xf32, #tpu.memory_space<vmem>> -> memref<120x128xf32, #tpu.memory_space<vmem>>
        %dma_start3A_388 = arith.constant 0 : i32
        %dma_start3A_389 = tpu.memref_slice %arg6[%dma_start3A_382, %dma_start3A_388] : memref<3x120xi32, #tpu.memory_space<vmem>> -> memref<1x120xi32, #tpu.memory_space<vmem>>
        %dma_start3A_390 = tpu.memref_squeeze %dma_start3A_389 : memref<1x120xi32, #tpu.memory_space<vmem>> -> memref<120xi32, #tpu.memory_space<vmem>>
        %dma_start3A_391 = arith.constant 0 : i32
        %dma_start3A_392 = arith.constant 0 : i32
        %dma_start3A_393 = tpu.memref_slice %arg4[%dma_start3A_391, %dma_start3A_392] : memref<80000x128xf32, #tpu.memory_space<hbm>> -> memref<80000x128xf32, #tpu.memory_space<hbm>>
        tpu.enqueue_indirect_dma source(%dma_start3A_393 : memref<80000x128xf32, #tpu.memory_space<hbm>>) target(%dma_start3A_387 : memref<120x128xf32, #tpu.memory_space<vmem>>) offsets(%dma_start3A_390 : memref<120xi32, #tpu.memory_space<vmem>>) semaphore(%arg11 : memref<!tpu.dma_semaphore, #tpu.memory_space<semaphore_mem>>)
        %add3A_394 = arith.constant 2 : i32
        %add3A_395 = arith.addi %add3A_209, %add3A_394 : i32
        %dma_wait3A_396 = arith.constant 2 : i32
        %dma_wait3A_397 = arith.constant 2 : i32
        %dma_wait3A_398 = arith.constant 0 : i32
        %dma_wait3A_399 = arith.constant 0 : i32
        %dma_wait3A_400 = tpu.memref_slice %arg8[%dma_wait3A_397, %dma_wait3A_398, %dma_wait3A_399] : memref<3x120x128xf32, #tpu.memory_space<vmem>> -> memref<1x120x128xf32, #tpu.memory_space<vmem>>
        %dma_wait3A_401 = tpu.memref_squeeze %dma_wait3A_400 : memref<1x120x128xf32, #tpu.memory_space<vmem>> -> memref<120x128xf32, #tpu.memory_space<vmem>>
        %dma_wait3A_402 = arith.constant 0 : i32
        %dma_wait3A_403 = tpu.memref_slice %arg6[%dma_wait3A_396, %dma_wait3A_402] : memref<3x120xi32, #tpu.memory_space<vmem>> -> memref<1x120xi32, #tpu.memory_space<vmem>>
        %dma_wait3A_404 = tpu.memref_squeeze %dma_wait3A_403 : memref<1x120xi32, #tpu.memory_space<vmem>> -> memref<120xi32, #tpu.memory_space<vmem>>
        %dma_wait3A_405 = arith.constant 0 : i32
        %dma_wait3A_406 = arith.constant 0 : i32
        %dma_wait3A_407 = tpu.memref_slice %arg4[%dma_wait3A_405, %dma_wait3A_406] : memref<80000x128xf32, #tpu.memory_space<hbm>> -> memref<80000x128xf32, #tpu.memory_space<hbm>>
        tpu.wait_indirect_dma semaphore(%arg12 : memref<!tpu.dma_semaphore, #tpu.memory_space<semaphore_mem>>) src(%dma_wait3A_407 : memref<80000x128xf32, #tpu.memory_space<hbm>>) dst(%dma_wait3A_401 : memref<120x128xf32, #tpu.memory_space<vmem>>)
        %add3A_408 = arith.addi %mul3A_24, %add3A_395 : i32
        %add3A_409 = arith.constant 3 : i32
        %add3A_410 = arith.addi %add3A_408, %add3A_409 : i32
        %dma_start3A_411 = arith.constant 2 : i32
        %dma_start3A_412 = arith.constant 0 : i32
        %dma_start3A_413 = tpu.memref_slice %arg6[%dma_start3A_411, %dma_start3A_412] : memref<3x120xi32, #tpu.memory_space<vmem>> -> memref<1x120xi32, #tpu.memory_space<vmem>>
        %dma_start3A_414 = tpu.memref_squeeze %dma_start3A_413 : memref<1x120xi32, #tpu.memory_space<vmem>> -> memref<120xi32, #tpu.memory_space<vmem>>
        %dma_start3A_415 = arith.constant 0 : i32
        %dma_start3A_416 = tpu.memref_slice %arg2[%add3A_410, %dma_start3A_415] : memref<2688x120xi32, #tpu.memory_space<hbm>> -> memref<1x120xi32, #tpu.memory_space<hbm>>
        %dma_start3A_417 = tpu.memref_squeeze %dma_start3A_416 : memref<1x120xi32, #tpu.memory_space<hbm>> -> memref<120xi32, #tpu.memory_space<hbm>>
        %dma_start3A_418 = arith.constant 0 : i32
        %dma_start3A_419 = tpu.memref_slice %arg6[%dma_start3A_411, %dma_start3A_418] : memref<3x120xi32, #tpu.memory_space<vmem>> -> memref<1x120xi32, #tpu.memory_space<vmem>>
        %dma_start3A_420 = tpu.memref_squeeze %dma_start3A_419 : memref<1x120xi32, #tpu.memory_space<vmem>> -> memref<120xi32, #tpu.memory_space<vmem>>
        %dma_start3A_421 = arith.constant 0 : i32
        %dma_start3A_422 = tpu.memref_slice %arg2[%add3A_410, %dma_start3A_421] : memref<2688x120xi32, #tpu.memory_space<hbm>> -> memref<1x120xi32, #tpu.memory_space<hbm>>
        %dma_start3A_423 = tpu.memref_squeeze %dma_start3A_422 : memref<1x120xi32, #tpu.memory_space<hbm>> -> memref<120xi32, #tpu.memory_space<hbm>>
        tpu.enqueue_dma source(%dma_start3A_423 : memref<120xi32, #tpu.memory_space<hbm>>) target(%dma_start3A_420 : memref<120xi32, #tpu.memory_space<vmem>>) target_semaphore(%arg15 : memref<!tpu.dma_semaphore, #tpu.memory_space<semaphore_mem>>)
        %add3A_424 = arith.addi %mul3A_24, %add3A_395 : i32
        %dma_wait3A_425 = arith.constant 2 : i32
        %dma_wait3A_426 = arith.constant 0 : i32
        %dma_wait3A_427 = tpu.memref_slice %arg7[%dma_wait3A_425, %dma_wait3A_426] : memref<3x120xi32, #tpu.memory_space<vmem>> -> memref<1x120xi32, #tpu.memory_space<vmem>>
        %dma_wait3A_428 = tpu.memref_squeeze %dma_wait3A_427 : memref<1x120xi32, #tpu.memory_space<vmem>> -> memref<120xi32, #tpu.memory_space<vmem>>
        %dma_wait3A_429 = arith.constant 0 : i32
        %dma_wait3A_430 = tpu.memref_slice %arg3[%add3A_424, %dma_wait3A_429] : memref<2688x120xi32, #tpu.memory_space<hbm>> -> memref<1x120xi32, #tpu.memory_space<hbm>>
        %dma_wait3A_431 = tpu.memref_squeeze %dma_wait3A_430 : memref<1x120xi32, #tpu.memory_space<hbm>> -> memref<120xi32, #tpu.memory_space<hbm>>
        %dma_wait3A_432 = arith.constant 0 : i32
        %dma_wait3A_433 = tpu.memref_slice %arg7[%dma_wait3A_425, %dma_wait3A_432] : memref<3x120xi32, #tpu.memory_space<vmem>> -> memref<1x120xi32, #tpu.memory_space<vmem>>
        %dma_wait3A_434 = tpu.memref_squeeze %dma_wait3A_433 : memref<1x120xi32, #tpu.memory_space<vmem>> -> memref<120xi32, #tpu.memory_space<vmem>>
        %dma_wait3A_435 = arith.constant 0 : i32
        %dma_wait3A_436 = tpu.memref_slice %arg3[%add3A_424, %dma_wait3A_435] : memref<2688x120xi32, #tpu.memory_space<hbm>> -> memref<1x120xi32, #tpu.memory_space<hbm>>
        %dma_wait3A_437 = tpu.memref_squeeze %dma_wait3A_436 : memref<1x120xi32, #tpu.memory_space<hbm>> -> memref<120xi32, #tpu.memory_space<hbm>>
        tpu.wait_dma2 semaphore(%arg18 : memref<!tpu.dma_semaphore, #tpu.memory_space<semaphore_mem>>) src(%dma_wait3A_437 : memref<120xi32, #tpu.memory_space<hbm>>) dst(%dma_wait3A_434 : memref<120xi32, #tpu.memory_space<vmem>>)
        %run_scoped3A_438 = arith.constant 2 : i32
        %run_scoped3A_439 = arith.constant 2 : i32
        "tpu.region"() ({
          %run_scoped3A_486 = tpu.sem_alloc : memref<!tpu.dma_semaphore, #tpu.memory_space<semaphore_mem>>
          %dma_start3A_487 = arith.constant 0 : i32
          %dma_start3A_488 = arith.constant 0 : i32
          %dma_start3A_489 = tpu.memref_slice %arg8[%run_scoped3A_438, %dma_start3A_487, %dma_start3A_488] : memref<3x120x128xf32, #tpu.memory_space<vmem>> -> memref<1x120x128xf32, #tpu.memory_space<vmem>>
          %dma_start3A_490 = tpu.memref_squeeze %dma_start3A_489 : memref<1x120x128xf32, #tpu.memory_space<vmem>> -> memref<120x128xf32, #tpu.memory_space<vmem>>
          %dma_start3A_491 = arith.constant 0 : i32
          %dma_start3A_492 = tpu.memref_slice %arg7[%run_scoped3A_439, %dma_start3A_491] : memref<3x120xi32, #tpu.memory_space<vmem>> -> memref<1x120xi32, #tpu.memory_space<vmem>>
          %dma_start3A_493 = tpu.memref_squeeze %dma_start3A_492 : memref<1x120xi32, #tpu.memory_space<vmem>> -> memref<120xi32, #tpu.memory_space<vmem>>
          %dma_start3A_494 = arith.constant 0 : i32
          %dma_start3A_495 = arith.constant 0 : i32
          %dma_start3A_496 = tpu.memref_slice %arg9[%dma_start3A_494, %dma_start3A_495] : memref<10112x128xf32, #tpu.memory_space<vmem_shared>> -> memref<10112x128xf32, #tpu.memory_space<vmem_shared>>
          tpu.enqueue_indirect_dma source(%dma_start3A_490 : memref<120x128xf32, #tpu.memory_space<vmem>>) target(%dma_start3A_496 : memref<10112x128xf32, #tpu.memory_space<vmem_shared>>) offsets(%dma_start3A_493 : memref<120xi32, #tpu.memory_space<vmem>>) semaphore(%run_scoped3A_486 : memref<!tpu.dma_semaphore, #tpu.memory_space<semaphore_mem>>) {add = true}
          %dma_wait3A_497 = arith.constant 0 : i32
          %dma_wait3A_498 = arith.constant 0 : i32
          %dma_wait3A_499 = tpu.memref_slice %arg8[%run_scoped3A_438, %dma_wait3A_497, %dma_wait3A_498] : memref<3x120x128xf32, #tpu.memory_space<vmem>> -> memref<1x120x128xf32, #tpu.memory_space<vmem>>
          %dma_wait3A_500 = tpu.memref_squeeze %dma_wait3A_499 : memref<1x120x128xf32, #tpu.memory_space<vmem>> -> memref<120x128xf32, #tpu.memory_space<vmem>>
          %dma_wait3A_501 = arith.constant 0 : i32
          %dma_wait3A_502 = tpu.memref_slice %arg7[%run_scoped3A_439, %dma_wait3A_501] : memref<3x120xi32, #tpu.memory_space<vmem>> -> memref<1x120xi32, #tpu.memory_space<vmem>>
          %dma_wait3A_503 = tpu.memref_squeeze %dma_wait3A_502 : memref<1x120xi32, #tpu.memory_space<vmem>> -> memref<120xi32, #tpu.memory_space<vmem>>
          %dma_wait3A_504 = arith.constant 0 : i32
          %dma_wait3A_505 = arith.constant 0 : i32
          %dma_wait3A_506 = tpu.memref_slice %arg9[%dma_wait3A_504, %dma_wait3A_505] : memref<10112x128xf32, #tpu.memory_space<vmem_shared>> -> memref<10112x128xf32, #tpu.memory_space<vmem_shared>>
          tpu.wait_indirect_dma semaphore(%run_scoped3A_486 : memref<!tpu.dma_semaphore, #tpu.memory_space<semaphore_mem>>) src(%dma_wait3A_500 : memref<120x128xf32, #tpu.memory_space<vmem>>) dst(%dma_wait3A_506 : memref<10112x128xf32, #tpu.memory_space<vmem_shared>>)
          tpu.yield
        }) : () -> ()
        %add3A_440 = arith.addi %mul3A_24, %add3A_395 : i32
        %add3A_441 = arith.constant 3 : i32
        %add3A_442 = arith.addi %add3A_440, %add3A_441 : i32
        %dma_start3A_443 = arith.constant 2 : i32
        %dma_start3A_444 = arith.constant 0 : i32
        %dma_start3A_445 = tpu.memref_slice %arg7[%dma_start3A_443, %dma_start3A_444] : memref<3x120xi32, #tpu.memory_space<vmem>> -> memref<1x120xi32, #tpu.memory_space<vmem>>
        %dma_start3A_446 = tpu.memref_squeeze %dma_start3A_445 : memref<1x120xi32, #tpu.memory_space<vmem>> -> memref<120xi32, #tpu.memory_space<vmem>>
        %dma_start3A_447 = arith.constant 0 : i32
        %dma_start3A_448 = tpu.memref_slice %arg3[%add3A_442, %dma_start3A_447] : memref<2688x120xi32, #tpu.memory_space<hbm>> -> memref<1x120xi32, #tpu.memory_space<hbm>>
        %dma_start3A_449 = tpu.memref_squeeze %dma_start3A_448 : memref<1x120xi32, #tpu.memory_space<hbm>> -> memref<120xi32, #tpu.memory_space<hbm>>
        %dma_start3A_450 = arith.constant 0 : i32
        %dma_start3A_451 = tpu.memref_slice %arg7[%dma_start3A_443, %dma_start3A_450] : memref<3x120xi32, #tpu.memory_space<vmem>> -> memref<1x120xi32, #tpu.memory_space<vmem>>
        %dma_start3A_452 = tpu.memref_squeeze %dma_start3A_451 : memref<1x120xi32, #tpu.memory_space<vmem>> -> memref<120xi32, #tpu.memory_space<vmem>>
        %dma_start3A_453 = arith.constant 0 : i32
        %dma_start3A_454 = tpu.memref_slice %arg3[%add3A_442, %dma_start3A_453] : memref<2688x120xi32, #tpu.memory_space<hbm>> -> memref<1x120xi32, #tpu.memory_space<hbm>>
        %dma_start3A_455 = tpu.memref_squeeze %dma_start3A_454 : memref<1x120xi32, #tpu.memory_space<hbm>> -> memref<120xi32, #tpu.memory_space<hbm>>
        tpu.enqueue_dma source(%dma_start3A_455 : memref<120xi32, #tpu.memory_space<hbm>>) target(%dma_start3A_452 : memref<120xi32, #tpu.memory_space<vmem>>) target_semaphore(%arg18 : memref<!tpu.dma_semaphore, #tpu.memory_space<semaphore_mem>>)
        %add3A_456 = arith.addi %mul3A_24, %add3A_395 : i32
        %add3A_457 = arith.constant 3 : i32
        %add3A_458 = arith.addi %add3A_456, %add3A_457 : i32
        %dma_wait3A_459 = arith.constant 2 : i32
        %dma_wait3A_460 = arith.constant 0 : i32
        %dma_wait3A_461 = tpu.memref_slice %arg6[%dma_wait3A_459, %dma_wait3A_460] : memref<3x120xi32, #tpu.memory_space<vmem>> -> memref<1x120xi32, #tpu.memory_space<vmem>>
        %dma_wait3A_462 = tpu.memref_squeeze %dma_wait3A_461 : memref<1x120xi32, #tpu.memory_space<vmem>> -> memref<120xi32, #tpu.memory_space<vmem>>
        %dma_wait3A_463 = arith.constant 0 : i32
        %dma_wait3A_464 = tpu.memref_slice %arg2[%add3A_458, %dma_wait3A_463] : memref<2688x120xi32, #tpu.memory_space<hbm>> -> memref<1x120xi32, #tpu.memory_space<hbm>>
        %dma_wait3A_465 = tpu.memref_squeeze %dma_wait3A_464 : memref<1x120xi32, #tpu.memory_space<hbm>> -> memref<120xi32, #tpu.memory_space<hbm>>
        %dma_wait3A_466 = arith.constant 0 : i32
        %dma_wait3A_467 = tpu.memref_slice %arg6[%dma_wait3A_459, %dma_wait3A_466] : memref<3x120xi32, #tpu.memory_space<vmem>> -> memref<1x120xi32, #tpu.memory_space<vmem>>
        %dma_wait3A_468 = tpu.memref_squeeze %dma_wait3A_467 : memref<1x120xi32, #tpu.memory_space<vmem>> -> memref<120xi32, #tpu.memory_space<vmem>>
        %dma_wait3A_469 = arith.constant 0 : i32
        %dma_wait3A_470 = tpu.memref_slice %arg2[%add3A_458, %dma_wait3A_469] : memref<2688x120xi32, #tpu.memory_space<hbm>> -> memref<1x120xi32, #tpu.memory_space<hbm>>
        %dma_wait3A_471 = tpu.memref_squeeze %dma_wait3A_470 : memref<1x120xi32, #tpu.memory_space<hbm>> -> memref<120xi32, #tpu.memory_space<hbm>>
        tpu.wait_dma2 semaphore(%arg15 : memref<!tpu.dma_semaphore, #tpu.memory_space<semaphore_mem>>) src(%dma_wait3A_471 : memref<120xi32, #tpu.memory_space<hbm>>) dst(%dma_wait3A_468 : memref<120xi32, #tpu.memory_space<vmem>>)
        %add3A_472 = arith.constant 3 : i32
        %add3A_473 = arith.addi %add3A_395, %add3A_472 : i32
        %dma_start3A_474 = arith.constant 2 : i32
        %dma_start3A_475 = arith.constant 2 : i32
        %dma_start3A_476 = arith.constant 0 : i32
        %dma_start3A_477 = arith.constant 0 : i32
        %dma_start3A_478 = tpu.memref_slice %arg8[%dma_start3A_475, %dma_start3A_476, %dma_start3A_477] : memref<3x120x128xf32, #tpu.memory_space<vmem>> -> memref<1x120x128xf32, #tpu.memory_space<vmem>>
        %dma_start3A_479 = tpu.memref_squeeze %dma_start3A_478 : memref<1x120x128xf32, #tpu.memory_space<vmem>> -> memref<120x128xf32, #tpu.memory_space<vmem>>
        %dma_start3A_480 = arith.constant 0 : i32
        %dma_start3A_481 = tpu.memref_slice %arg6[%dma_start3A_474, %dma_start3A_480] : memref<3x120xi32, #tpu.memory_space<vmem>> -> memref<1x120xi32, #tpu.memory_space<vmem>>
        %dma_start3A_482 = tpu.memref_squeeze %dma_start3A_481 : memref<1x120xi32, #tpu.memory_space<vmem>> -> memref<120xi32, #tpu.memory_space<vmem>>
        %dma_start3A_483 = arith.constant 0 : i32
        %dma_start3A_484 = arith.constant 0 : i32
        %dma_start3A_485 = tpu.memref_slice %arg4[%dma_start3A_483, %dma_start3A_484] : memref<80000x128xf32, #tpu.memory_space<hbm>> -> memref<80000x128xf32, #tpu.memory_space<hbm>>
        tpu.enqueue_indirect_dma source(%dma_start3A_485 : memref<80000x128xf32, #tpu.memory_space<hbm>>) target(%dma_start3A_479 : memref<120x128xf32, #tpu.memory_space<vmem>>) offsets(%dma_start3A_482 : memref<120xi32, #tpu.memory_space<vmem>>) semaphore(%arg12 : memref<!tpu.dma_semaphore, #tpu.memory_space<semaphore_mem>>)
      }
      %scan3A_118 = arith.constant 45 : i32
      %dma_wait3A = arith.constant 0 : i32
      %dma_wait3A_119 = arith.constant 0 : i32
      %dma_wait3A_120 = arith.constant 0 : i32
      %dma_wait3A_121 = arith.constant 0 : i32
      %dma_wait3A_122 = tpu.memref_slice %arg8[%dma_wait3A_119, %dma_wait3A_120, %dma_wait3A_121] : memref<3x120x128xf32, #tpu.memory_space<vmem>> -> memref<1x120x128xf32, #tpu.memory_space<vmem>>
      %dma_wait3A_123 = tpu.memref_squeeze %dma_wait3A_122 : memref<1x120x128xf32, #tpu.memory_space<vmem>> -> memref<120x128xf32, #tpu.memory_space<vmem>>
      %dma_wait3A_124 = arith.constant 0 : i32
      %dma_wait3A_125 = tpu.memref_slice %arg6[%dma_wait3A, %dma_wait3A_124] : memref<3x120xi32, #tpu.memory_space<vmem>> -> memref<1x120xi32, #tpu.memory_space<vmem>>
      %dma_wait3A_126 = tpu.memref_squeeze %dma_wait3A_125 : memref<1x120xi32, #tpu.memory_space<vmem>> -> memref<120xi32, #tpu.memory_space<vmem>>
      %dma_wait3A_127 = arith.constant 0 : i32
      %dma_wait3A_128 = arith.constant 0 : i32
      %dma_wait3A_129 = tpu.memref_slice %arg4[%dma_wait3A_127, %dma_wait3A_128] : memref<80000x128xf32, #tpu.memory_space<hbm>> -> memref<80000x128xf32, #tpu.memory_space<hbm>>
      tpu.wait_indirect_dma semaphore(%arg10 : memref<!tpu.dma_semaphore, #tpu.memory_space<semaphore_mem>>) src(%dma_wait3A_129 : memref<80000x128xf32, #tpu.memory_space<hbm>>) dst(%dma_wait3A_123 : memref<120x128xf32, #tpu.memory_space<vmem>>)
      %add3A_130 = arith.constant 135 : i32
      %add3A_131 = arith.addi %mul3A_24, %add3A_130 : i32
      %dma_wait3A_132 = arith.constant 0 : i32
      %dma_wait3A_133 = arith.constant 0 : i32
      %dma_wait3A_134 = tpu.memref_slice %arg7[%dma_wait3A_132, %dma_wait3A_133] : memref<3x120xi32, #tpu.memory_space<vmem>> -> memref<1x120xi32, #tpu.memory_space<vmem>>
      %dma_wait3A_135 = tpu.memref_squeeze %dma_wait3A_134 : memref<1x120xi32, #tpu.memory_space<vmem>> -> memref<120xi32, #tpu.memory_space<vmem>>
      %dma_wait3A_136 = arith.constant 0 : i32
      %dma_wait3A_137 = tpu.memref_slice %arg3[%add3A_131, %dma_wait3A_136] : memref<2688x120xi32, #tpu.memory_space<hbm>> -> memref<1x120xi32, #tpu.memory_space<hbm>>
      %dma_wait3A_138 = tpu.memref_squeeze %dma_wait3A_137 : memref<1x120xi32, #tpu.memory_space<hbm>> -> memref<120xi32, #tpu.memory_space<hbm>>
      %dma_wait3A_139 = arith.constant 0 : i32
      %dma_wait3A_140 = tpu.memref_slice %arg7[%dma_wait3A_132, %dma_wait3A_139] : memref<3x120xi32, #tpu.memory_space<vmem>> -> memref<1x120xi32, #tpu.memory_space<vmem>>
      %dma_wait3A_141 = tpu.memref_squeeze %dma_wait3A_140 : memref<1x120xi32, #tpu.memory_space<vmem>> -> memref<120xi32, #tpu.memory_space<vmem>>
      %dma_wait3A_142 = arith.constant 0 : i32
      %dma_wait3A_143 = tpu.memref_slice %arg3[%add3A_131, %dma_wait3A_142] : memref<2688x120xi32, #tpu.memory_space<hbm>> -> memref<1x120xi32, #tpu.memory_space<hbm>>
      %dma_wait3A_144 = tpu.memref_squeeze %dma_wait3A_143 : memref<1x120xi32, #tpu.memory_space<hbm>> -> memref<120xi32, #tpu.memory_space<hbm>>
      tpu.wait_dma2 semaphore(%arg16 : memref<!tpu.dma_semaphore, #tpu.memory_space<semaphore_mem>>) src(%dma_wait3A_144 : memref<120xi32, #tpu.memory_space<hbm>>) dst(%dma_wait3A_141 : memref<120xi32, #tpu.memory_space<vmem>>)
      %run_scoped3A_145 = arith.constant 0 : i32
      %run_scoped3A_146 = arith.constant 0 : i32
      "tpu.region"() ({
        %run_scoped3A_205 = tpu.sem_alloc : memref<!tpu.dma_semaphore, #tpu.memory_space<semaphore_mem>>
        %dma_start3A_206 = arith.constant 0 : i32
        %dma_start3A_207 = arith.constant 0 : i32
        %dma_start3A_208 = tpu.memref_slice %arg8[%run_scoped3A_145, %dma_start3A_206, %dma_start3A_207] : memref<3x120x128xf32, #tpu.memory_space<vmem>> -> memref<1x120x128xf32, #tpu.memory_space<vmem>>
        %dma_start3A_209 = tpu.memref_squeeze %dma_start3A_208 : memref<1x120x128xf32, #tpu.memory_space<vmem>> -> memref<120x128xf32, #tpu.memory_space<vmem>>
        %dma_start3A_210 = arith.constant 0 : i32
        %dma_start3A_211 = tpu.memref_slice %arg7[%run_scoped3A_146, %dma_start3A_210] : memref<3x120xi32, #tpu.memory_space<vmem>> -> memref<1x120xi32, #tpu.memory_space<vmem>>
        %dma_start3A_212 = tpu.memref_squeeze %dma_start3A_211 : memref<1x120xi32, #tpu.memory_space<vmem>> -> memref<120xi32, #tpu.memory_space<vmem>>
        %dma_start3A_213 = arith.constant 0 : i32
        %dma_start3A_214 = arith.constant 0 : i32
        %dma_start3A_215 = tpu.memref_slice %arg9[%dma_start3A_213, %dma_start3A_214] : memref<10112x128xf32, #tpu.memory_space<vmem_shared>> -> memref<10112x128xf32, #tpu.memory_space<vmem_shared>>
        tpu.enqueue_indirect_dma source(%dma_start3A_209 : memref<120x128xf32, #tpu.memory_space<vmem>>) target(%dma_start3A_215 : memref<10112x128xf32, #tpu.memory_space<vmem_shared>>) offsets(%dma_start3A_212 : memref<120xi32, #tpu.memory_space<vmem>>) semaphore(%run_scoped3A_205 : memref<!tpu.dma_semaphore, #tpu.memory_space<semaphore_mem>>) {add = true}
        %dma_wait3A_216 = arith.constant 0 : i32
        %dma_wait3A_217 = arith.constant 0 : i32
        %dma_wait3A_218 = tpu.memref_slice %arg8[%run_scoped3A_145, %dma_wait3A_216, %dma_wait3A_217] : memref<3x120x128xf32, #tpu.memory_space<vmem>> -> memref<1x120x128xf32, #tpu.memory_space<vmem>>
        %dma_wait3A_219 = tpu.memref_squeeze %dma_wait3A_218 : memref<1x120x128xf32, #tpu.memory_space<vmem>> -> memref<120x128xf32, #tpu.memory_space<vmem>>
        %dma_wait3A_220 = arith.constant 0 : i32
        %dma_wait3A_221 = tpu.memref_slice %arg7[%run_scoped3A_146, %dma_wait3A_220] : memref<3x120xi32, #tpu.memory_space<vmem>> -> memref<1x120xi32, #tpu.memory_space<vmem>>
        %dma_wait3A_222 = tpu.memref_squeeze %dma_wait3A_221 : memref<1x120xi32, #tpu.memory_space<vmem>> -> memref<120xi32, #tpu.memory_space<vmem>>
        %dma_wait3A_223 = arith.constant 0 : i32
        %dma_wait3A_224 = arith.constant 0 : i32
        %dma_wait3A_225 = tpu.memref_slice %arg9[%dma_wait3A_223, %dma_wait3A_224] : memref<10112x128xf32, #tpu.memory_space<vmem_shared>> -> memref<10112x128xf32, #tpu.memory_space<vmem_shared>>
        tpu.wait_indirect_dma semaphore(%run_scoped3A_205 : memref<!tpu.dma_semaphore, #tpu.memory_space<semaphore_mem>>) src(%dma_wait3A_219 : memref<120x128xf32, #tpu.memory_space<vmem>>) dst(%dma_wait3A_225 : memref<10112x128xf32, #tpu.memory_space<vmem_shared>>)
        tpu.yield
      }) : () -> ()
      %dma_wait3A_147 = arith.constant 1 : i32
      %dma_wait3A_148 = arith.constant 1 : i32
      %dma_wait3A_149 = arith.constant 0 : i32
      %dma_wait3A_150 = arith.constant 0 : i32
      %dma_wait3A_151 = tpu.memref_slice %arg8[%dma_wait3A_148, %dma_wait3A_149, %dma_wait3A_150] : memref<3x120x128xf32, #tpu.memory_space<vmem>> -> memref<1x120x128xf32, #tpu.memory_space<vmem>>
      %dma_wait3A_152 = tpu.memref_squeeze %dma_wait3A_151 : memref<1x120x128xf32, #tpu.memory_space<vmem>> -> memref<120x128xf32, #tpu.memory_space<vmem>>
      %dma_wait3A_153 = arith.constant 0 : i32
      %dma_wait3A_154 = tpu.memref_slice %arg6[%dma_wait3A_147, %dma_wait3A_153] : memref<3x120xi32, #tpu.memory_space<vmem>> -> memref<1x120xi32, #tpu.memory_space<vmem>>
      %dma_wait3A_155 = tpu.memref_squeeze %dma_wait3A_154 : memref<1x120xi32, #tpu.memory_space<vmem>> -> memref<120xi32, #tpu.memory_space<vmem>>
      %dma_wait3A_156 = arith.constant 0 : i32
      %dma_wait3A_157 = arith.constant 0 : i32
      %dma_wait3A_158 = tpu.memref_slice %arg4[%dma_wait3A_156, %dma_wait3A_157] : memref<80000x128xf32, #tpu.memory_space<hbm>> -> memref<80000x128xf32, #tpu.memory_space<hbm>>
      tpu.wait_indirect_dma semaphore(%arg11 : memref<!tpu.dma_semaphore, #tpu.memory_space<semaphore_mem>>) src(%dma_wait3A_158 : memref<80000x128xf32, #tpu.memory_space<hbm>>) dst(%dma_wait3A_152 : memref<120x128xf32, #tpu.memory_space<vmem>>)
      %add3A_159 = arith.constant 136 : i32
      %add3A_160 = arith.addi %mul3A_24, %add3A_159 : i32
      %dma_wait3A_161 = arith.constant 1 : i32
      %dma_wait3A_162 = arith.constant 0 : i32
      %dma_wait3A_163 = tpu.memref_slice %arg7[%dma_wait3A_161, %dma_wait3A_162] : memref<3x120xi32, #tpu.memory_space<vmem>> -> memref<1x120xi32, #tpu.memory_space<vmem>>
      %dma_wait3A_164 = tpu.memref_squeeze %dma_wait3A_163 : memref<1x120xi32, #tpu.memory_space<vmem>> -> memref<120xi32, #tpu.memory_space<vmem>>
      %dma_wait3A_165 = arith.constant 0 : i32
      %dma_wait3A_166 = tpu.memref_slice %arg3[%add3A_160, %dma_wait3A_165] : memref<2688x120xi32, #tpu.memory_space<hbm>> -> memref<1x120xi32, #tpu.memory_space<hbm>>
      %dma_wait3A_167 = tpu.memref_squeeze %dma_wait3A_166 : memref<1x120xi32, #tpu.memory_space<hbm>> -> memref<120xi32, #tpu.memory_space<hbm>>
      %dma_wait3A_168 = arith.constant 0 : i32
      %dma_wait3A_169 = tpu.memref_slice %arg7[%dma_wait3A_161, %dma_wait3A_168] : memref<3x120xi32, #tpu.memory_space<vmem>> -> memref<1x120xi32, #tpu.memory_space<vmem>>
      %dma_wait3A_170 = tpu.memref_squeeze %dma_wait3A_169 : memref<1x120xi32, #tpu.memory_space<vmem>> -> memref<120xi32, #tpu.memory_space<vmem>>
      %dma_wait3A_171 = arith.constant 0 : i32
      %dma_wait3A_172 = tpu.memref_slice %arg3[%add3A_160, %dma_wait3A_171] : memref<2688x120xi32, #tpu.memory_space<hbm>> -> memref<1x120xi32, #tpu.memory_space<hbm>>
      %dma_wait3A_173 = tpu.memref_squeeze %dma_wait3A_172 : memref<1x120xi32, #tpu.memory_space<hbm>> -> memref<120xi32, #tpu.memory_space<hbm>>
      tpu.wait_dma2 semaphore(%arg17 : memref<!tpu.dma_semaphore, #tpu.memory_space<semaphore_mem>>) src(%dma_wait3A_173 : memref<120xi32, #tpu.memory_space<hbm>>) dst(%dma_wait3A_170 : memref<120xi32, #tpu.memory_space<vmem>>)
      %run_scoped3A_174 = arith.constant 1 : i32
      %run_scoped3A_175 = arith.constant 1 : i32
      "tpu.region"() ({
        %run_scoped3A_205 = tpu.sem_alloc : memref<!tpu.dma_semaphore, #tpu.memory_space<semaphore_mem>>
        %dma_start3A_206 = arith.constant 0 : i32
        %dma_start3A_207 = arith.constant 0 : i32
        %dma_start3A_208 = tpu.memref_slice %arg8[%run_scoped3A_174, %dma_start3A_206, %dma_start3A_207] : memref<3x120x128xf32, #tpu.memory_space<vmem>> -> memref<1x120x128xf32, #tpu.memory_space<vmem>>
        %dma_start3A_209 = tpu.memref_squeeze %dma_start3A_208 : memref<1x120x128xf32, #tpu.memory_space<vmem>> -> memref<120x128xf32, #tpu.memory_space<vmem>>
        %dma_start3A_210 = arith.constant 0 : i32
        %dma_start3A_211 = tpu.memref_slice %arg7[%run_scoped3A_175, %dma_start3A_210] : memref<3x120xi32, #tpu.memory_space<vmem>> -> memref<1x120xi32, #tpu.memory_space<vmem>>
        %dma_start3A_212 = tpu.memref_squeeze %dma_start3A_211 : memref<1x120xi32, #tpu.memory_space<vmem>> -> memref<120xi32, #tpu.memory_space<vmem>>
        %dma_start3A_213 = arith.constant 0 : i32
        %dma_start3A_214 = arith.constant 0 : i32
        %dma_start3A_215 = tpu.memref_slice %arg9[%dma_start3A_213, %dma_start3A_214] : memref<10112x128xf32, #tpu.memory_space<vmem_shared>> -> memref<10112x128xf32, #tpu.memory_space<vmem_shared>>
        tpu.enqueue_indirect_dma source(%dma_start3A_209 : memref<120x128xf32, #tpu.memory_space<vmem>>) target(%dma_start3A_215 : memref<10112x128xf32, #tpu.memory_space<vmem_shared>>) offsets(%dma_start3A_212 : memref<120xi32, #tpu.memory_space<vmem>>) semaphore(%run_scoped3A_205 : memref<!tpu.dma_semaphore, #tpu.memory_space<semaphore_mem>>) {add = true}
        %dma_wait3A_216 = arith.constant 0 : i32
        %dma_wait3A_217 = arith.constant 0 : i32
        %dma_wait3A_218 = tpu.memref_slice %arg8[%run_scoped3A_174, %dma_wait3A_216, %dma_wait3A_217] : memref<3x120x128xf32, #tpu.memory_space<vmem>> -> memref<1x120x128xf32, #tpu.memory_space<vmem>>
        %dma_wait3A_219 = tpu.memref_squeeze %dma_wait3A_218 : memref<1x120x128xf32, #tpu.memory_space<vmem>> -> memref<120x128xf32, #tpu.memory_space<vmem>>
        %dma_wait3A_220 = arith.constant 0 : i32
        %dma_wait3A_221 = tpu.memref_slice %arg7[%run_scoped3A_175, %dma_wait3A_220] : memref<3x120xi32, #tpu.memory_space<vmem>> -> memref<1x120xi32, #tpu.memory_space<vmem>>
        %dma_wait3A_222 = tpu.memref_squeeze %dma_wait3A_221 : memref<1x120xi32, #tpu.memory_space<vmem>> -> memref<120xi32, #tpu.memory_space<vmem>>
        %dma_wait3A_223 = arith.constant 0 : i32
        %dma_wait3A_224 = arith.constant 0 : i32
        %dma_wait3A_225 = tpu.memref_slice %arg9[%dma_wait3A_223, %dma_wait3A_224] : memref<10112x128xf32, #tpu.memory_space<vmem_shared>> -> memref<10112x128xf32, #tpu.memory_space<vmem_shared>>
        tpu.wait_indirect_dma semaphore(%run_scoped3A_205 : memref<!tpu.dma_semaphore, #tpu.memory_space<semaphore_mem>>) src(%dma_wait3A_219 : memref<120x128xf32, #tpu.memory_space<vmem>>) dst(%dma_wait3A_225 : memref<10112x128xf32, #tpu.memory_space<vmem_shared>>)
        tpu.yield
      }) : () -> ()
      %dma_wait3A_176 = arith.constant 2 : i32
      %dma_wait3A_177 = arith.constant 2 : i32
      %dma_wait3A_178 = arith.constant 0 : i32
      %dma_wait3A_179 = arith.constant 0 : i32
      %dma_wait3A_180 = tpu.memref_slice %arg8[%dma_wait3A_177, %dma_wait3A_178, %dma_wait3A_179] : memref<3x120x128xf32, #tpu.memory_space<vmem>> -> memref<1x120x128xf32, #tpu.memory_space<vmem>>
      %dma_wait3A_181 = tpu.memref_squeeze %dma_wait3A_180 : memref<1x120x128xf32, #tpu.memory_space<vmem>> -> memref<120x128xf32, #tpu.memory_space<vmem>>
      %dma_wait3A_182 = arith.constant 0 : i32
      %dma_wait3A_183 = tpu.memref_slice %arg6[%dma_wait3A_176, %dma_wait3A_182] : memref<3x120xi32, #tpu.memory_space<vmem>> -> memref<1x120xi32, #tpu.memory_space<vmem>>
      %dma_wait3A_184 = tpu.memref_squeeze %dma_wait3A_183 : memref<1x120xi32, #tpu.memory_space<vmem>> -> memref<120xi32, #tpu.memory_space<vmem>>
      %dma_wait3A_185 = arith.constant 0 : i32
      %dma_wait3A_186 = arith.constant 0 : i32
      %dma_wait3A_187 = tpu.memref_slice %arg4[%dma_wait3A_185, %dma_wait3A_186] : memref<80000x128xf32, #tpu.memory_space<hbm>> -> memref<80000x128xf32, #tpu.memory_space<hbm>>
      tpu.wait_indirect_dma semaphore(%arg12 : memref<!tpu.dma_semaphore, #tpu.memory_space<semaphore_mem>>) src(%dma_wait3A_187 : memref<80000x128xf32, #tpu.memory_space<hbm>>) dst(%dma_wait3A_181 : memref<120x128xf32, #tpu.memory_space<vmem>>)
      %add3A_188 = arith.constant 137 : i32
      %add3A_189 = arith.addi %mul3A_24, %add3A_188 : i32
      %dma_wait3A_190 = arith.constant 2 : i32
      %dma_wait3A_191 = arith.constant 0 : i32
      %dma_wait3A_192 = tpu.memref_slice %arg7[%dma_wait3A_190, %dma_wait3A_191] : memref<3x120xi32, #tpu.memory_space<vmem>> -> memref<1x120xi32, #tpu.memory_space<vmem>>
      %dma_wait3A_193 = tpu.memref_squeeze %dma_wait3A_192 : memref<1x120xi32, #tpu.memory_space<vmem>> -> memref<120xi32, #tpu.memory_space<vmem>>
      %dma_wait3A_194 = arith.constant 0 : i32
      %dma_wait3A_195 = tpu.memref_slice %arg3[%add3A_189, %dma_wait3A_194] : memref<2688x120xi32, #tpu.memory_space<hbm>> -> memref<1x120xi32, #tpu.memory_space<hbm>>
      %dma_wait3A_196 = tpu.memref_squeeze %dma_wait3A_195 : memref<1x120xi32, #tpu.memory_space<hbm>> -> memref<120xi32, #tpu.memory_space<hbm>>
      %dma_wait3A_197 = arith.constant 0 : i32
      %dma_wait3A_198 = tpu.memref_slice %arg7[%dma_wait3A_190, %dma_wait3A_197] : memref<3x120xi32, #tpu.memory_space<vmem>> -> memref<1x120xi32, #tpu.memory_space<vmem>>
      %dma_wait3A_199 = tpu.memref_squeeze %dma_wait3A_198 : memref<1x120xi32, #tpu.memory_space<vmem>> -> memref<120xi32, #tpu.memory_space<vmem>>
      %dma_wait3A_200 = arith.constant 0 : i32
      %dma_wait3A_201 = tpu.memref_slice %arg3[%add3A_189, %dma_wait3A_200] : memref<2688x120xi32, #tpu.memory_space<hbm>> -> memref<1x120xi32, #tpu.memory_space<hbm>>
      %dma_wait3A_202 = tpu.memref_squeeze %dma_wait3A_201 : memref<1x120xi32, #tpu.memory_space<hbm>> -> memref<120xi32, #tpu.memory_space<hbm>>
      tpu.wait_dma2 semaphore(%arg18 : memref<!tpu.dma_semaphore, #tpu.memory_space<semaphore_mem>>) src(%dma_wait3A_202 : memref<120xi32, #tpu.memory_space<hbm>>) dst(%dma_wait3A_199 : memref<120xi32, #tpu.memory_space<vmem>>)
      %run_scoped3A_203 = arith.constant 2 : i32
      %run_scoped3A_204 = arith.constant 2 : i32
      "tpu.region"() ({
        %run_scoped3A_205 = tpu.sem_alloc : memref<!tpu.dma_semaphore, #tpu.memory_space<semaphore_mem>>
        %dma_start3A_206 = arith.constant 0 : i32
        %dma_start3A_207 = arith.constant 0 : i32
        %dma_start3A_208 = tpu.memref_slice %arg8[%run_scoped3A_203, %dma_start3A_206, %dma_start3A_207] : memref<3x120x128xf32, #tpu.memory_space<vmem>> -> memref<1x120x128xf32, #tpu.memory_space<vmem>>
        %dma_start3A_209 = tpu.memref_squeeze %dma_start3A_208 : memref<1x120x128xf32, #tpu.memory_space<vmem>> -> memref<120x128xf32, #tpu.memory_space<vmem>>
        %dma_start3A_210 = arith.constant 0 : i32
        %dma_start3A_211 = tpu.memref_slice %arg7[%run_scoped3A_204, %dma_start3A_210] : memref<3x120xi32, #tpu.memory_space<vmem>> -> memref<1x120xi32, #tpu.memory_space<vmem>>
        %dma_start3A_212 = tpu.memref_squeeze %dma_start3A_211 : memref<1x120xi32, #tpu.memory_space<vmem>> -> memref<120xi32, #tpu.memory_space<vmem>>
        %dma_start3A_213 = arith.constant 0 : i32
        %dma_start3A_214 = arith.constant 0 : i32
        %dma_start3A_215 = tpu.memref_slice %arg9[%dma_start3A_213, %dma_start3A_214] : memref<10112x128xf32, #tpu.memory_space<vmem_shared>> -> memref<10112x128xf32, #tpu.memory_space<vmem_shared>>
        tpu.enqueue_indirect_dma source(%dma_start3A_209 : memref<120x128xf32, #tpu.memory_space<vmem>>) target(%dma_start3A_215 : memref<10112x128xf32, #tpu.memory_space<vmem_shared>>) offsets(%dma_start3A_212 : memref<120xi32, #tpu.memory_space<vmem>>) semaphore(%run_scoped3A_205 : memref<!tpu.dma_semaphore, #tpu.memory_space<semaphore_mem>>) {add = true}
        %dma_wait3A_216 = arith.constant 0 : i32
        %dma_wait3A_217 = arith.constant 0 : i32
        %dma_wait3A_218 = tpu.memref_slice %arg8[%run_scoped3A_203, %dma_wait3A_216, %dma_wait3A_217] : memref<3x120x128xf32, #tpu.memory_space<vmem>> -> memref<1x120x128xf32, #tpu.memory_space<vmem>>
        %dma_wait3A_219 = tpu.memref_squeeze %dma_wait3A_218 : memref<1x120x128xf32, #tpu.memory_space<vmem>> -> memref<120x128xf32, #tpu.memory_space<vmem>>
        %dma_wait3A_220 = arith.constant 0 : i32
        %dma_wait3A_221 = tpu.memref_slice %arg7[%run_scoped3A_204, %dma_wait3A_220] : memref<3x120xi32, #tpu.memory_space<vmem>> -> memref<1x120xi32, #tpu.memory_space<vmem>>
        %dma_wait3A_222 = tpu.memref_squeeze %dma_wait3A_221 : memref<1x120xi32, #tpu.memory_space<vmem>> -> memref<120xi32, #tpu.memory_space<vmem>>
        %dma_wait3A_223 = arith.constant 0 : i32
        %dma_wait3A_224 = arith.constant 0 : i32
        %dma_wait3A_225 = tpu.memref_slice %arg9[%dma_wait3A_223, %dma_wait3A_224] : memref<10112x128xf32, #tpu.memory_space<vmem_shared>> -> memref<10112x128xf32, #tpu.memory_space<vmem_shared>>
        tpu.wait_indirect_dma semaphore(%run_scoped3A_205 : memref<!tpu.dma_semaphore, #tpu.memory_space<semaphore_mem>>) src(%dma_wait3A_219 : memref<120x128xf32, #tpu.memory_space<vmem>>) dst(%dma_wait3A_225 : memref<10112x128xf32, #tpu.memory_space<vmem_shared>>)
        tpu.yield
      }) : () -> ()
    } else {
    }
    %eq3A_13 = arith.constant 1 : i32
    %eq3A_14 = arith.cmpi eq, %arg0, %eq3A_13 : i32
    %convert_element_type3A_15 = arith.extui %eq3A_14 : i1 to i32
    %cond3A_16 = arith.constant 0 : i32
    %cond3A_17 = arith.cmpi ne, %convert_element_type3A_15, %cond3A_16 : i32
    scf.if %cond3A_17 {
      %mul3A_23 = arith.constant 30 : i32
      %mul3A_24 = arith.muli %arg1, %mul3A_23 : i32
      %add3A_25 = arith.constant 2208 : i32
      %add3A_26 = arith.addi %add3A_25, %mul3A_24 : i32
      %add3A_27 = arith.constant 0 : i32
      %add3A_28 = arith.addi %add3A_26, %add3A_27 : i32
      %run_scoped3A_29 = arith.constant 0 : i32
      "tpu.region"() ({
        %run_scoped3A_207 = tpu.sem_alloc : memref<!tpu.dma_semaphore, #tpu.memory_space<semaphore_mem>>
        %dma_start3A_208 = arith.constant 0 : i32
        %dma_start3A_209 = tpu.memref_slice %arg6[%run_scoped3A_29, %dma_start3A_208] : memref<3x120xi32, #tpu.memory_space<vmem>> -> memref<1x120xi32, #tpu.memory_space<vmem>>
        %dma_start3A_210 = tpu.memref_squeeze %dma_start3A_209 : memref<1x120xi32, #tpu.memory_space<vmem>> -> memref<120xi32, #tpu.memory_space<vmem>>
        %dma_start3A_211 = arith.constant 0 : i32
        %dma_start3A_212 = tpu.memref_slice %arg2[%add3A_28, %dma_start3A_211] : memref<2688x120xi32, #tpu.memory_space<hbm>> -> memref<1x120xi32, #tpu.memory_space<hbm>>
        %dma_start3A_213 = tpu.memref_squeeze %dma_start3A_212 : memref<1x120xi32, #tpu.memory_space<hbm>> -> memref<120xi32, #tpu.memory_space<hbm>>
        %dma_start3A_214 = arith.constant 0 : i32
        %dma_start3A_215 = tpu.memref_slice %arg6[%run_scoped3A_29, %dma_start3A_214] : memref<3x120xi32, #tpu.memory_space<vmem>> -> memref<1x120xi32, #tpu.memory_space<vmem>>
        %dma_start3A_216 = tpu.memref_squeeze %dma_start3A_215 : memref<1x120xi32, #tpu.memory_space<vmem>> -> memref<120xi32, #tpu.memory_space<vmem>>
        %dma_start3A_217 = arith.constant 0 : i32
        %dma_start3A_218 = tpu.memref_slice %arg2[%add3A_28, %dma_start3A_217] : memref<2688x120xi32, #tpu.memory_space<hbm>> -> memref<1x120xi32, #tpu.memory_space<hbm>>
        %dma_start3A_219 = tpu.memref_squeeze %dma_start3A_218 : memref<1x120xi32, #tpu.memory_space<hbm>> -> memref<120xi32, #tpu.memory_space<hbm>>
        tpu.enqueue_dma source(%dma_start3A_219 : memref<120xi32, #tpu.memory_space<hbm>>) target(%dma_start3A_216 : memref<120xi32, #tpu.memory_space<vmem>>) target_semaphore(%run_scoped3A_207 : memref<!tpu.dma_semaphore, #tpu.memory_space<semaphore_mem>>)
        %dma_wait3A_220 = arith.constant 0 : i32
        %dma_wait3A_221 = tpu.memref_slice %arg6[%run_scoped3A_29, %dma_wait3A_220] : memref<3x120xi32, #tpu.memory_space<vmem>> -> memref<1x120xi32, #tpu.memory_space<vmem>>
        %dma_wait3A_222 = tpu.memref_squeeze %dma_wait3A_221 : memref<1x120xi32, #tpu.memory_space<vmem>> -> memref<120xi32, #tpu.memory_space<vmem>>
        %dma_wait3A_223 = arith.constant 0 : i32
        %dma_wait3A_224 = tpu.memref_slice %arg2[%add3A_28, %dma_wait3A_223] : memref<2688x120xi32, #tpu.memory_space<hbm>> -> memref<1x120xi32, #tpu.memory_space<hbm>>
        %dma_wait3A_225 = tpu.memref_squeeze %dma_wait3A_224 : memref<1x120xi32, #tpu.memory_space<hbm>> -> memref<120xi32, #tpu.memory_space<hbm>>
        %dma_wait3A_226 = arith.constant 0 : i32
        %dma_wait3A_227 = tpu.memref_slice %arg6[%run_scoped3A_29, %dma_wait3A_226] : memref<3x120xi32, #tpu.memory_space<vmem>> -> memref<1x120xi32, #tpu.memory_space<vmem>>
        %dma_wait3A_228 = tpu.memref_squeeze %dma_wait3A_227 : memref<1x120xi32, #tpu.memory_space<vmem>> -> memref<120xi32, #tpu.memory_space<vmem>>
        %dma_wait3A_229 = arith.constant 0 : i32
        %dma_wait3A_230 = tpu.memref_slice %arg2[%add3A_28, %dma_wait3A_229] : memref<2688x120xi32, #tpu.memory_space<hbm>> -> memref<1x120xi32, #tpu.memory_space<hbm>>
        %dma_wait3A_231 = tpu.memref_squeeze %dma_wait3A_230 : memref<1x120xi32, #tpu.memory_space<hbm>> -> memref<120xi32, #tpu.memory_space<hbm>>
        tpu.wait_dma2 semaphore(%run_scoped3A_207 : memref<!tpu.dma_semaphore, #tpu.memory_space<semaphore_mem>>) src(%dma_wait3A_231 : memref<120xi32, #tpu.memory_space<hbm>>) dst(%dma_wait3A_228 : memref<120xi32, #tpu.memory_space<vmem>>)
        tpu.yield
      }) : () -> ()
      %add3A_30 = arith.constant 0 : i32
      %add3A_31 = arith.addi %add3A_26, %add3A_30 : i32
      %dma_start3A = arith.constant 0 : i32
      %dma_start3A_32 = arith.constant 0 : i32
      %dma_start3A_33 = tpu.memref_slice %arg7[%dma_start3A, %dma_start3A_32] : memref<3x120xi32, #tpu.memory_space<vmem>> -> memref<1x120xi32, #tpu.memory_space<vmem>>
      %dma_start3A_34 = tpu.memref_squeeze %dma_start3A_33 : memref<1x120xi32, #tpu.memory_space<vmem>> -> memref<120xi32, #tpu.memory_space<vmem>>
      %dma_start3A_35 = arith.constant 0 : i32
      %dma_start3A_36 = tpu.memref_slice %arg3[%add3A_31, %dma_start3A_35] : memref<2688x120xi32, #tpu.memory_space<hbm>> -> memref<1x120xi32, #tpu.memory_space<hbm>>
      %dma_start3A_37 = tpu.memref_squeeze %dma_start3A_36 : memref<1x120xi32, #tpu.memory_space<hbm>> -> memref<120xi32, #tpu.memory_space<hbm>>
      %dma_start3A_38 = arith.constant 0 : i32
      %dma_start3A_39 = tpu.memref_slice %arg7[%dma_start3A, %dma_start3A_38] : memref<3x120xi32, #tpu.memory_space<vmem>> -> memref<1x120xi32, #tpu.memory_space<vmem>>
      %dma_start3A_40 = tpu.memref_squeeze %dma_start3A_39 : memref<1x120xi32, #tpu.memory_space<vmem>> -> memref<120xi32, #tpu.memory_space<vmem>>
      %dma_start3A_41 = arith.constant 0 : i32
      %dma_start3A_42 = tpu.memref_slice %arg3[%add3A_31, %dma_start3A_41] : memref<2688x120xi32, #tpu.memory_space<hbm>> -> memref<1x120xi32, #tpu.memory_space<hbm>>
      %dma_start3A_43 = tpu.memref_squeeze %dma_start3A_42 : memref<1x120xi32, #tpu.memory_space<hbm>> -> memref<120xi32, #tpu.memory_space<hbm>>
      tpu.enqueue_dma source(%dma_start3A_43 : memref<120xi32, #tpu.memory_space<hbm>>) target(%dma_start3A_40 : memref<120xi32, #tpu.memory_space<vmem>>) target_semaphore(%arg16 : memref<!tpu.dma_semaphore, #tpu.memory_space<semaphore_mem>>)
      %dma_start3A_44 = arith.constant 0 : i32
      %dma_start3A_45 = arith.constant 0 : i32
      %dma_start3A_46 = arith.constant 0 : i32
      %dma_start3A_47 = arith.constant 0 : i32
      %dma_start3A_48 = tpu.memref_slice %arg8[%dma_start3A_45, %dma_start3A_46, %dma_start3A_47] : memref<3x120x128xf32, #tpu.memory_space<vmem>> -> memref<1x120x128xf32, #tpu.memory_space<vmem>>
      %dma_start3A_49 = tpu.memref_squeeze %dma_start3A_48 : memref<1x120x128xf32, #tpu.memory_space<vmem>> -> memref<120x128xf32, #tpu.memory_space<vmem>>
      %dma_start3A_50 = arith.constant 0 : i32
      %dma_start3A_51 = tpu.memref_slice %arg6[%dma_start3A_44, %dma_start3A_50] : memref<3x120xi32, #tpu.memory_space<vmem>> -> memref<1x120xi32, #tpu.memory_space<vmem>>
      %dma_start3A_52 = tpu.memref_squeeze %dma_start3A_51 : memref<1x120xi32, #tpu.memory_space<vmem>> -> memref<120xi32, #tpu.memory_space<vmem>>
      %dma_start3A_53 = arith.constant 0 : i32
      %dma_start3A_54 = arith.constant 0 : i32
      %dma_start3A_55 = tpu.memref_slice %arg4[%dma_start3A_53, %dma_start3A_54] : memref<80000x128xf32, #tpu.memory_space<hbm>> -> memref<80000x128xf32, #tpu.memory_space<hbm>>
      tpu.enqueue_indirect_dma source(%dma_start3A_55 : memref<80000x128xf32, #tpu.memory_space<hbm>>) target(%dma_start3A_49 : memref<120x128xf32, #tpu.memory_space<vmem>>) offsets(%dma_start3A_52 : memref<120xi32, #tpu.memory_space<vmem>>) semaphore(%arg10 : memref<!tpu.dma_semaphore, #tpu.memory_space<semaphore_mem>>)
      %add3A_56 = arith.constant 1 : i32
      %add3A_57 = arith.addi %add3A_26, %add3A_56 : i32
      %run_scoped3A_58 = arith.constant 1 : i32
      "tpu.region"() ({
        %run_scoped3A_207 = tpu.sem_alloc : memref<!tpu.dma_semaphore, #tpu.memory_space<semaphore_mem>>
        %dma_start3A_208 = arith.constant 0 : i32
        %dma_start3A_209 = tpu.memref_slice %arg6[%run_scoped3A_58, %dma_start3A_208] : memref<3x120xi32, #tpu.memory_space<vmem>> -> memref<1x120xi32, #tpu.memory_space<vmem>>
        %dma_start3A_210 = tpu.memref_squeeze %dma_start3A_209 : memref<1x120xi32, #tpu.memory_space<vmem>> -> memref<120xi32, #tpu.memory_space<vmem>>
        %dma_start3A_211 = arith.constant 0 : i32
        %dma_start3A_212 = tpu.memref_slice %arg2[%add3A_57, %dma_start3A_211] : memref<2688x120xi32, #tpu.memory_space<hbm>> -> memref<1x120xi32, #tpu.memory_space<hbm>>
        %dma_start3A_213 = tpu.memref_squeeze %dma_start3A_212 : memref<1x120xi32, #tpu.memory_space<hbm>> -> memref<120xi32, #tpu.memory_space<hbm>>
        %dma_start3A_214 = arith.constant 0 : i32
        %dma_start3A_215 = tpu.memref_slice %arg6[%run_scoped3A_58, %dma_start3A_214] : memref<3x120xi32, #tpu.memory_space<vmem>> -> memref<1x120xi32, #tpu.memory_space<vmem>>
        %dma_start3A_216 = tpu.memref_squeeze %dma_start3A_215 : memref<1x120xi32, #tpu.memory_space<vmem>> -> memref<120xi32, #tpu.memory_space<vmem>>
        %dma_start3A_217 = arith.constant 0 : i32
        %dma_start3A_218 = tpu.memref_slice %arg2[%add3A_57, %dma_start3A_217] : memref<2688x120xi32, #tpu.memory_space<hbm>> -> memref<1x120xi32, #tpu.memory_space<hbm>>
        %dma_start3A_219 = tpu.memref_squeeze %dma_start3A_218 : memref<1x120xi32, #tpu.memory_space<hbm>> -> memref<120xi32, #tpu.memory_space<hbm>>
        tpu.enqueue_dma source(%dma_start3A_219 : memref<120xi32, #tpu.memory_space<hbm>>) target(%dma_start3A_216 : memref<120xi32, #tpu.memory_space<vmem>>) target_semaphore(%run_scoped3A_207 : memref<!tpu.dma_semaphore, #tpu.memory_space<semaphore_mem>>)
        %dma_wait3A_220 = arith.constant 0 : i32
        %dma_wait3A_221 = tpu.memref_slice %arg6[%run_scoped3A_58, %dma_wait3A_220] : memref<3x120xi32, #tpu.memory_space<vmem>> -> memref<1x120xi32, #tpu.memory_space<vmem>>
        %dma_wait3A_222 = tpu.memref_squeeze %dma_wait3A_221 : memref<1x120xi32, #tpu.memory_space<vmem>> -> memref<120xi32, #tpu.memory_space<vmem>>
        %dma_wait3A_223 = arith.constant 0 : i32
        %dma_wait3A_224 = tpu.memref_slice %arg2[%add3A_57, %dma_wait3A_223] : memref<2688x120xi32, #tpu.memory_space<hbm>> -> memref<1x120xi32, #tpu.memory_space<hbm>>
        %dma_wait3A_225 = tpu.memref_squeeze %dma_wait3A_224 : memref<1x120xi32, #tpu.memory_space<hbm>> -> memref<120xi32, #tpu.memory_space<hbm>>
        %dma_wait3A_226 = arith.constant 0 : i32
        %dma_wait3A_227 = tpu.memref_slice %arg6[%run_scoped3A_58, %dma_wait3A_226] : memref<3x120xi32, #tpu.memory_space<vmem>> -> memref<1x120xi32, #tpu.memory_space<vmem>>
        %dma_wait3A_228 = tpu.memref_squeeze %dma_wait3A_227 : memref<1x120xi32, #tpu.memory_space<vmem>> -> memref<120xi32, #tpu.memory_space<vmem>>
        %dma_wait3A_229 = arith.constant 0 : i32
        %dma_wait3A_230 = tpu.memref_slice %arg2[%add3A_57, %dma_wait3A_229] : memref<2688x120xi32, #tpu.memory_space<hbm>> -> memref<1x120xi32, #tpu.memory_space<hbm>>
        %dma_wait3A_231 = tpu.memref_squeeze %dma_wait3A_230 : memref<1x120xi32, #tpu.memory_space<hbm>> -> memref<120xi32, #tpu.memory_space<hbm>>
        tpu.wait_dma2 semaphore(%run_scoped3A_207 : memref<!tpu.dma_semaphore, #tpu.memory_space<semaphore_mem>>) src(%dma_wait3A_231 : memref<120xi32, #tpu.memory_space<hbm>>) dst(%dma_wait3A_228 : memref<120xi32, #tpu.memory_space<vmem>>)
        tpu.yield
      }) : () -> ()
      %add3A_59 = arith.constant 1 : i32
      %add3A_60 = arith.addi %add3A_26, %add3A_59 : i32
      %dma_start3A_61 = arith.constant 1 : i32
      %dma_start3A_62 = arith.constant 0 : i32
      %dma_start3A_63 = tpu.memref_slice %arg7[%dma_start3A_61, %dma_start3A_62] : memref<3x120xi32, #tpu.memory_space<vmem>> -> memref<1x120xi32, #tpu.memory_space<vmem>>
      %dma_start3A_64 = tpu.memref_squeeze %dma_start3A_63 : memref<1x120xi32, #tpu.memory_space<vmem>> -> memref<120xi32, #tpu.memory_space<vmem>>
      %dma_start3A_65 = arith.constant 0 : i32
      %dma_start3A_66 = tpu.memref_slice %arg3[%add3A_60, %dma_start3A_65] : memref<2688x120xi32, #tpu.memory_space<hbm>> -> memref<1x120xi32, #tpu.memory_space<hbm>>
      %dma_start3A_67 = tpu.memref_squeeze %dma_start3A_66 : memref<1x120xi32, #tpu.memory_space<hbm>> -> memref<120xi32, #tpu.memory_space<hbm>>
      %dma_start3A_68 = arith.constant 0 : i32
      %dma_start3A_69 = tpu.memref_slice %arg7[%dma_start3A_61, %dma_start3A_68] : memref<3x120xi32, #tpu.memory_space<vmem>> -> memref<1x120xi32, #tpu.memory_space<vmem>>
      %dma_start3A_70 = tpu.memref_squeeze %dma_start3A_69 : memref<1x120xi32, #tpu.memory_space<vmem>> -> memref<120xi32, #tpu.memory_space<vmem>>
      %dma_start3A_71 = arith.constant 0 : i32
      %dma_start3A_72 = tpu.memref_slice %arg3[%add3A_60, %dma_start3A_71] : memref<2688x120xi32, #tpu.memory_space<hbm>> -> memref<1x120xi32, #tpu.memory_space<hbm>>
      %dma_start3A_73 = tpu.memref_squeeze %dma_start3A_72 : memref<1x120xi32, #tpu.memory_space<hbm>> -> memref<120xi32, #tpu.memory_space<hbm>>
      tpu.enqueue_dma source(%dma_start3A_73 : memref<120xi32, #tpu.memory_space<hbm>>) target(%dma_start3A_70 : memref<120xi32, #tpu.memory_space<vmem>>) target_semaphore(%arg17 : memref<!tpu.dma_semaphore, #tpu.memory_space<semaphore_mem>>)
      %dma_start3A_74 = arith.constant 1 : i32
      %dma_start3A_75 = arith.constant 1 : i32
      %dma_start3A_76 = arith.constant 0 : i32
      %dma_start3A_77 = arith.constant 0 : i32
      %dma_start3A_78 = tpu.memref_slice %arg8[%dma_start3A_75, %dma_start3A_76, %dma_start3A_77] : memref<3x120x128xf32, #tpu.memory_space<vmem>> -> memref<1x120x128xf32, #tpu.memory_space<vmem>>
      %dma_start3A_79 = tpu.memref_squeeze %dma_start3A_78 : memref<1x120x128xf32, #tpu.memory_space<vmem>> -> memref<120x128xf32, #tpu.memory_space<vmem>>
      %dma_start3A_80 = arith.constant 0 : i32
      %dma_start3A_81 = tpu.memref_slice %arg6[%dma_start3A_74, %dma_start3A_80] : memref<3x120xi32, #tpu.memory_space<vmem>> -> memref<1x120xi32, #tpu.memory_space<vmem>>
      %dma_start3A_82 = tpu.memref_squeeze %dma_start3A_81 : memref<1x120xi32, #tpu.memory_space<vmem>> -> memref<120xi32, #tpu.memory_space<vmem>>
      %dma_start3A_83 = arith.constant 0 : i32
      %dma_start3A_84 = arith.constant 0 : i32
      %dma_start3A_85 = tpu.memref_slice %arg4[%dma_start3A_83, %dma_start3A_84] : memref<80000x128xf32, #tpu.memory_space<hbm>> -> memref<80000x128xf32, #tpu.memory_space<hbm>>
      tpu.enqueue_indirect_dma source(%dma_start3A_85 : memref<80000x128xf32, #tpu.memory_space<hbm>>) target(%dma_start3A_79 : memref<120x128xf32, #tpu.memory_space<vmem>>) offsets(%dma_start3A_82 : memref<120xi32, #tpu.memory_space<vmem>>) semaphore(%arg11 : memref<!tpu.dma_semaphore, #tpu.memory_space<semaphore_mem>>)
      %add3A_86 = arith.constant 2 : i32
      %add3A_87 = arith.addi %add3A_26, %add3A_86 : i32
      %run_scoped3A_88 = arith.constant 2 : i32
      "tpu.region"() ({
        %run_scoped3A_207 = tpu.sem_alloc : memref<!tpu.dma_semaphore, #tpu.memory_space<semaphore_mem>>
        %dma_start3A_208 = arith.constant 0 : i32
        %dma_start3A_209 = tpu.memref_slice %arg6[%run_scoped3A_88, %dma_start3A_208] : memref<3x120xi32, #tpu.memory_space<vmem>> -> memref<1x120xi32, #tpu.memory_space<vmem>>
        %dma_start3A_210 = tpu.memref_squeeze %dma_start3A_209 : memref<1x120xi32, #tpu.memory_space<vmem>> -> memref<120xi32, #tpu.memory_space<vmem>>
        %dma_start3A_211 = arith.constant 0 : i32
        %dma_start3A_212 = tpu.memref_slice %arg2[%add3A_87, %dma_start3A_211] : memref<2688x120xi32, #tpu.memory_space<hbm>> -> memref<1x120xi32, #tpu.memory_space<hbm>>
        %dma_start3A_213 = tpu.memref_squeeze %dma_start3A_212 : memref<1x120xi32, #tpu.memory_space<hbm>> -> memref<120xi32, #tpu.memory_space<hbm>>
        %dma_start3A_214 = arith.constant 0 : i32
        %dma_start3A_215 = tpu.memref_slice %arg6[%run_scoped3A_88, %dma_start3A_214] : memref<3x120xi32, #tpu.memory_space<vmem>> -> memref<1x120xi32, #tpu.memory_space<vmem>>
        %dma_start3A_216 = tpu.memref_squeeze %dma_start3A_215 : memref<1x120xi32, #tpu.memory_space<vmem>> -> memref<120xi32, #tpu.memory_space<vmem>>
        %dma_start3A_217 = arith.constant 0 : i32
        %dma_start3A_218 = tpu.memref_slice %arg2[%add3A_87, %dma_start3A_217] : memref<2688x120xi32, #tpu.memory_space<hbm>> -> memref<1x120xi32, #tpu.memory_space<hbm>>
        %dma_start3A_219 = tpu.memref_squeeze %dma_start3A_218 : memref<1x120xi32, #tpu.memory_space<hbm>> -> memref<120xi32, #tpu.memory_space<hbm>>
        tpu.enqueue_dma source(%dma_start3A_219 : memref<120xi32, #tpu.memory_space<hbm>>) target(%dma_start3A_216 : memref<120xi32, #tpu.memory_space<vmem>>) target_semaphore(%run_scoped3A_207 : memref<!tpu.dma_semaphore, #tpu.memory_space<semaphore_mem>>)
        %dma_wait3A_220 = arith.constant 0 : i32
        %dma_wait3A_221 = tpu.memref_slice %arg6[%run_scoped3A_88, %dma_wait3A_220] : memref<3x120xi32, #tpu.memory_space<vmem>> -> memref<1x120xi32, #tpu.memory_space<vmem>>
        %dma_wait3A_222 = tpu.memref_squeeze %dma_wait3A_221 : memref<1x120xi32, #tpu.memory_space<vmem>> -> memref<120xi32, #tpu.memory_space<vmem>>
        %dma_wait3A_223 = arith.constant 0 : i32
        %dma_wait3A_224 = tpu.memref_slice %arg2[%add3A_87, %dma_wait3A_223] : memref<2688x120xi32, #tpu.memory_space<hbm>> -> memref<1x120xi32, #tpu.memory_space<hbm>>
        %dma_wait3A_225 = tpu.memref_squeeze %dma_wait3A_224 : memref<1x120xi32, #tpu.memory_space<hbm>> -> memref<120xi32, #tpu.memory_space<hbm>>
        %dma_wait3A_226 = arith.constant 0 : i32
        %dma_wait3A_227 = tpu.memref_slice %arg6[%run_scoped3A_88, %dma_wait3A_226] : memref<3x120xi32, #tpu.memory_space<vmem>> -> memref<1x120xi32, #tpu.memory_space<vmem>>
        %dma_wait3A_228 = tpu.memref_squeeze %dma_wait3A_227 : memref<1x120xi32, #tpu.memory_space<vmem>> -> memref<120xi32, #tpu.memory_space<vmem>>
        %dma_wait3A_229 = arith.constant 0 : i32
        %dma_wait3A_230 = tpu.memref_slice %arg2[%add3A_87, %dma_wait3A_229] : memref<2688x120xi32, #tpu.memory_space<hbm>> -> memref<1x120xi32, #tpu.memory_space<hbm>>
        %dma_wait3A_231 = tpu.memref_squeeze %dma_wait3A_230 : memref<1x120xi32, #tpu.memory_space<hbm>> -> memref<120xi32, #tpu.memory_space<hbm>>
        tpu.wait_dma2 semaphore(%run_scoped3A_207 : memref<!tpu.dma_semaphore, #tpu.memory_space<semaphore_mem>>) src(%dma_wait3A_231 : memref<120xi32, #tpu.memory_space<hbm>>) dst(%dma_wait3A_228 : memref<120xi32, #tpu.memory_space<vmem>>)
        tpu.yield
      }) : () -> ()
      %add3A_89 = arith.constant 2 : i32
      %add3A_90 = arith.addi %add3A_26, %add3A_89 : i32
      %dma_start3A_91 = arith.constant 2 : i32
      %dma_start3A_92 = arith.constant 0 : i32
      %dma_start3A_93 = tpu.memref_slice %arg7[%dma_start3A_91, %dma_start3A_92] : memref<3x120xi32, #tpu.memory_space<vmem>> -> memref<1x120xi32, #tpu.memory_space<vmem>>
      %dma_start3A_94 = tpu.memref_squeeze %dma_start3A_93 : memref<1x120xi32, #tpu.memory_space<vmem>> -> memref<120xi32, #tpu.memory_space<vmem>>
      %dma_start3A_95 = arith.constant 0 : i32
      %dma_start3A_96 = tpu.memref_slice %arg3[%add3A_90, %dma_start3A_95] : memref<2688x120xi32, #tpu.memory_space<hbm>> -> memref<1x120xi32, #tpu.memory_space<hbm>>
      %dma_start3A_97 = tpu.memref_squeeze %dma_start3A_96 : memref<1x120xi32, #tpu.memory_space<hbm>> -> memref<120xi32, #tpu.memory_space<hbm>>
      %dma_start3A_98 = arith.constant 0 : i32
      %dma_start3A_99 = tpu.memref_slice %arg7[%dma_start3A_91, %dma_start3A_98] : memref<3x120xi32, #tpu.memory_space<vmem>> -> memref<1x120xi32, #tpu.memory_space<vmem>>
      %dma_start3A_100 = tpu.memref_squeeze %dma_start3A_99 : memref<1x120xi32, #tpu.memory_space<vmem>> -> memref<120xi32, #tpu.memory_space<vmem>>
      %dma_start3A_101 = arith.constant 0 : i32
      %dma_start3A_102 = tpu.memref_slice %arg3[%add3A_90, %dma_start3A_101] : memref<2688x120xi32, #tpu.memory_space<hbm>> -> memref<1x120xi32, #tpu.memory_space<hbm>>
      %dma_start3A_103 = tpu.memref_squeeze %dma_start3A_102 : memref<1x120xi32, #tpu.memory_space<hbm>> -> memref<120xi32, #tpu.memory_space<hbm>>
      tpu.enqueue_dma source(%dma_start3A_103 : memref<120xi32, #tpu.memory_space<hbm>>) target(%dma_start3A_100 : memref<120xi32, #tpu.memory_space<vmem>>) target_semaphore(%arg18 : memref<!tpu.dma_semaphore, #tpu.memory_space<semaphore_mem>>)
      %dma_start3A_104 = arith.constant 2 : i32
      %dma_start3A_105 = arith.constant 2 : i32
      %dma_start3A_106 = arith.constant 0 : i32
      %dma_start3A_107 = arith.constant 0 : i32
      %dma_start3A_108 = tpu.memref_slice %arg8[%dma_start3A_105, %dma_start3A_106, %dma_start3A_107] : memref<3x120x128xf32, #tpu.memory_space<vmem>> -> memref<1x120x128xf32, #tpu.memory_space<vmem>>
      %dma_start3A_109 = tpu.memref_squeeze %dma_start3A_108 : memref<1x120x128xf32, #tpu.memory_space<vmem>> -> memref<120x128xf32, #tpu.memory_space<vmem>>
      %dma_start3A_110 = arith.constant 0 : i32
      %dma_start3A_111 = tpu.memref_slice %arg6[%dma_start3A_104, %dma_start3A_110] : memref<3x120xi32, #tpu.memory_space<vmem>> -> memref<1x120xi32, #tpu.memory_space<vmem>>
      %dma_start3A_112 = tpu.memref_squeeze %dma_start3A_111 : memref<1x120xi32, #tpu.memory_space<vmem>> -> memref<120xi32, #tpu.memory_space<vmem>>
      %dma_start3A_113 = arith.constant 0 : i32
      %dma_start3A_114 = arith.constant 0 : i32
      %dma_start3A_115 = tpu.memref_slice %arg4[%dma_start3A_113, %dma_start3A_114] : memref<80000x128xf32, #tpu.memory_space<hbm>> -> memref<80000x128xf32, #tpu.memory_space<hbm>>
      tpu.enqueue_indirect_dma source(%dma_start3A_115 : memref<80000x128xf32, #tpu.memory_space<hbm>>) target(%dma_start3A_109 : memref<120x128xf32, #tpu.memory_space<vmem>>) offsets(%dma_start3A_112 : memref<120xi32, #tpu.memory_space<vmem>>) semaphore(%arg12 : memref<!tpu.dma_semaphore, #tpu.memory_space<semaphore_mem>>)
      %scan3A_116 = arith.constant 0 : i32
      %scan3A_117 = arith.constant 9 : i32
      %scan3A_118 = arith.addi %scan3A_116, %scan3A_117 : i32
      %scan3A_119 = arith.constant 1 : i32
      scf.for %scan3A_207 = %scan3A_116 to %scan3A_118 step %scan3A_119  : i32 {
        %mul3A_208 = arith.constant 3 : i32
        %mul3A_209 = arith.muli %scan3A_207, %mul3A_208 : i32
        %add3A_210 = arith.constant 0 : i32
        %add3A_211 = arith.addi %add3A_210, %mul3A_209 : i32
        %add3A_212 = arith.constant 0 : i32
        %add3A_213 = arith.addi %add3A_211, %add3A_212 : i32
        %dma_wait3A_214 = arith.constant 0 : i32
        %dma_wait3A_215 = arith.constant 0 : i32
        %dma_wait3A_216 = arith.constant 0 : i32
        %dma_wait3A_217 = arith.constant 0 : i32
        %dma_wait3A_218 = tpu.memref_slice %arg8[%dma_wait3A_215, %dma_wait3A_216, %dma_wait3A_217] : memref<3x120x128xf32, #tpu.memory_space<vmem>> -> memref<1x120x128xf32, #tpu.memory_space<vmem>>
        %dma_wait3A_219 = tpu.memref_squeeze %dma_wait3A_218 : memref<1x120x128xf32, #tpu.memory_space<vmem>> -> memref<120x128xf32, #tpu.memory_space<vmem>>
        %dma_wait3A_220 = arith.constant 0 : i32
        %dma_wait3A_221 = tpu.memref_slice %arg6[%dma_wait3A_214, %dma_wait3A_220] : memref<3x120xi32, #tpu.memory_space<vmem>> -> memref<1x120xi32, #tpu.memory_space<vmem>>
        %dma_wait3A_222 = tpu.memref_squeeze %dma_wait3A_221 : memref<1x120xi32, #tpu.memory_space<vmem>> -> memref<120xi32, #tpu.memory_space<vmem>>
        %dma_wait3A_223 = arith.constant 0 : i32
        %dma_wait3A_224 = arith.constant 0 : i32
        %dma_wait3A_225 = tpu.memref_slice %arg4[%dma_wait3A_223, %dma_wait3A_224] : memref<80000x128xf32, #tpu.memory_space<hbm>> -> memref<80000x128xf32, #tpu.memory_space<hbm>>
        tpu.wait_indirect_dma semaphore(%arg10 : memref<!tpu.dma_semaphore, #tpu.memory_space<semaphore_mem>>) src(%dma_wait3A_225 : memref<80000x128xf32, #tpu.memory_space<hbm>>) dst(%dma_wait3A_219 : memref<120x128xf32, #tpu.memory_space<vmem>>)
        %add3A_226 = arith.addi %add3A_26, %add3A_213 : i32
        %add3A_227 = arith.constant 3 : i32
        %add3A_228 = arith.addi %add3A_226, %add3A_227 : i32
        %dma_start3A_229 = arith.constant 0 : i32
        %dma_start3A_230 = arith.constant 0 : i32
        %dma_start3A_231 = tpu.memref_slice %arg6[%dma_start3A_229, %dma_start3A_230] : memref<3x120xi32, #tpu.memory_space<vmem>> -> memref<1x120xi32, #tpu.memory_space<vmem>>
        %dma_start3A_232 = tpu.memref_squeeze %dma_start3A_231 : memref<1x120xi32, #tpu.memory_space<vmem>> -> memref<120xi32, #tpu.memory_space<vmem>>
        %dma_start3A_233 = arith.constant 0 : i32
        %dma_start3A_234 = tpu.memref_slice %arg2[%add3A_228, %dma_start3A_233] : memref<2688x120xi32, #tpu.memory_space<hbm>> -> memref<1x120xi32, #tpu.memory_space<hbm>>
        %dma_start3A_235 = tpu.memref_squeeze %dma_start3A_234 : memref<1x120xi32, #tpu.memory_space<hbm>> -> memref<120xi32, #tpu.memory_space<hbm>>
        %dma_start3A_236 = arith.constant 0 : i32
        %dma_start3A_237 = tpu.memref_slice %arg6[%dma_start3A_229, %dma_start3A_236] : memref<3x120xi32, #tpu.memory_space<vmem>> -> memref<1x120xi32, #tpu.memory_space<vmem>>
        %dma_start3A_238 = tpu.memref_squeeze %dma_start3A_237 : memref<1x120xi32, #tpu.memory_space<vmem>> -> memref<120xi32, #tpu.memory_space<vmem>>
        %dma_start3A_239 = arith.constant 0 : i32
        %dma_start3A_240 = tpu.memref_slice %arg2[%add3A_228, %dma_start3A_239] : memref<2688x120xi32, #tpu.memory_space<hbm>> -> memref<1x120xi32, #tpu.memory_space<hbm>>
        %dma_start3A_241 = tpu.memref_squeeze %dma_start3A_240 : memref<1x120xi32, #tpu.memory_space<hbm>> -> memref<120xi32, #tpu.memory_space<hbm>>
        tpu.enqueue_dma source(%dma_start3A_241 : memref<120xi32, #tpu.memory_space<hbm>>) target(%dma_start3A_238 : memref<120xi32, #tpu.memory_space<vmem>>) target_semaphore(%arg13 : memref<!tpu.dma_semaphore, #tpu.memory_space<semaphore_mem>>)
        %add3A_242 = arith.addi %add3A_26, %add3A_213 : i32
        %dma_wait3A_243 = arith.constant 0 : i32
        %dma_wait3A_244 = arith.constant 0 : i32
        %dma_wait3A_245 = tpu.memref_slice %arg7[%dma_wait3A_243, %dma_wait3A_244] : memref<3x120xi32, #tpu.memory_space<vmem>> -> memref<1x120xi32, #tpu.memory_space<vmem>>
        %dma_wait3A_246 = tpu.memref_squeeze %dma_wait3A_245 : memref<1x120xi32, #tpu.memory_space<vmem>> -> memref<120xi32, #tpu.memory_space<vmem>>
        %dma_wait3A_247 = arith.constant 0 : i32
        %dma_wait3A_248 = tpu.memref_slice %arg3[%add3A_242, %dma_wait3A_247] : memref<2688x120xi32, #tpu.memory_space<hbm>> -> memref<1x120xi32, #tpu.memory_space<hbm>>
        %dma_wait3A_249 = tpu.memref_squeeze %dma_wait3A_248 : memref<1x120xi32, #tpu.memory_space<hbm>> -> memref<120xi32, #tpu.memory_space<hbm>>
        %dma_wait3A_250 = arith.constant 0 : i32
        %dma_wait3A_251 = tpu.memref_slice %arg7[%dma_wait3A_243, %dma_wait3A_250] : memref<3x120xi32, #tpu.memory_space<vmem>> -> memref<1x120xi32, #tpu.memory_space<vmem>>
        %dma_wait3A_252 = tpu.memref_squeeze %dma_wait3A_251 : memref<1x120xi32, #tpu.memory_space<vmem>> -> memref<120xi32, #tpu.memory_space<vmem>>
        %dma_wait3A_253 = arith.constant 0 : i32
        %dma_wait3A_254 = tpu.memref_slice %arg3[%add3A_242, %dma_wait3A_253] : memref<2688x120xi32, #tpu.memory_space<hbm>> -> memref<1x120xi32, #tpu.memory_space<hbm>>
        %dma_wait3A_255 = tpu.memref_squeeze %dma_wait3A_254 : memref<1x120xi32, #tpu.memory_space<hbm>> -> memref<120xi32, #tpu.memory_space<hbm>>
        tpu.wait_dma2 semaphore(%arg16 : memref<!tpu.dma_semaphore, #tpu.memory_space<semaphore_mem>>) src(%dma_wait3A_255 : memref<120xi32, #tpu.memory_space<hbm>>) dst(%dma_wait3A_252 : memref<120xi32, #tpu.memory_space<vmem>>)
        %run_scoped3A_256 = arith.constant 0 : i32
        %run_scoped3A_257 = arith.constant 0 : i32
        "tpu.region"() ({
          %run_scoped3A_488 = tpu.sem_alloc : memref<!tpu.dma_semaphore, #tpu.memory_space<semaphore_mem>>
          %dma_start3A_489 = arith.constant 0 : i32
          %dma_start3A_490 = arith.constant 0 : i32
          %dma_start3A_491 = tpu.memref_slice %arg8[%run_scoped3A_256, %dma_start3A_489, %dma_start3A_490] : memref<3x120x128xf32, #tpu.memory_space<vmem>> -> memref<1x120x128xf32, #tpu.memory_space<vmem>>
          %dma_start3A_492 = tpu.memref_squeeze %dma_start3A_491 : memref<1x120x128xf32, #tpu.memory_space<vmem>> -> memref<120x128xf32, #tpu.memory_space<vmem>>
          %dma_start3A_493 = arith.constant 0 : i32
          %dma_start3A_494 = tpu.memref_slice %arg7[%run_scoped3A_257, %dma_start3A_493] : memref<3x120xi32, #tpu.memory_space<vmem>> -> memref<1x120xi32, #tpu.memory_space<vmem>>
          %dma_start3A_495 = tpu.memref_squeeze %dma_start3A_494 : memref<1x120xi32, #tpu.memory_space<vmem>> -> memref<120xi32, #tpu.memory_space<vmem>>
          %dma_start3A_496 = arith.constant 0 : i32
          %dma_start3A_497 = arith.constant 0 : i32
          %dma_start3A_498 = tpu.memref_slice %arg9[%dma_start3A_496, %dma_start3A_497] : memref<10112x128xf32, #tpu.memory_space<vmem_shared>> -> memref<10112x128xf32, #tpu.memory_space<vmem_shared>>
          tpu.enqueue_indirect_dma source(%dma_start3A_492 : memref<120x128xf32, #tpu.memory_space<vmem>>) target(%dma_start3A_498 : memref<10112x128xf32, #tpu.memory_space<vmem_shared>>) offsets(%dma_start3A_495 : memref<120xi32, #tpu.memory_space<vmem>>) semaphore(%run_scoped3A_488 : memref<!tpu.dma_semaphore, #tpu.memory_space<semaphore_mem>>) {add = true}
          %dma_wait3A_499 = arith.constant 0 : i32
          %dma_wait3A_500 = arith.constant 0 : i32
          %dma_wait3A_501 = tpu.memref_slice %arg8[%run_scoped3A_256, %dma_wait3A_499, %dma_wait3A_500] : memref<3x120x128xf32, #tpu.memory_space<vmem>> -> memref<1x120x128xf32, #tpu.memory_space<vmem>>
          %dma_wait3A_502 = tpu.memref_squeeze %dma_wait3A_501 : memref<1x120x128xf32, #tpu.memory_space<vmem>> -> memref<120x128xf32, #tpu.memory_space<vmem>>
          %dma_wait3A_503 = arith.constant 0 : i32
          %dma_wait3A_504 = tpu.memref_slice %arg7[%run_scoped3A_257, %dma_wait3A_503] : memref<3x120xi32, #tpu.memory_space<vmem>> -> memref<1x120xi32, #tpu.memory_space<vmem>>
          %dma_wait3A_505 = tpu.memref_squeeze %dma_wait3A_504 : memref<1x120xi32, #tpu.memory_space<vmem>> -> memref<120xi32, #tpu.memory_space<vmem>>
          %dma_wait3A_506 = arith.constant 0 : i32
          %dma_wait3A_507 = arith.constant 0 : i32
          %dma_wait3A_508 = tpu.memref_slice %arg9[%dma_wait3A_506, %dma_wait3A_507] : memref<10112x128xf32, #tpu.memory_space<vmem_shared>> -> memref<10112x128xf32, #tpu.memory_space<vmem_shared>>
          tpu.wait_indirect_dma semaphore(%run_scoped3A_488 : memref<!tpu.dma_semaphore, #tpu.memory_space<semaphore_mem>>) src(%dma_wait3A_502 : memref<120x128xf32, #tpu.memory_space<vmem>>) dst(%dma_wait3A_508 : memref<10112x128xf32, #tpu.memory_space<vmem_shared>>)
          tpu.yield
        }) : () -> ()
        %add3A_258 = arith.addi %add3A_26, %add3A_213 : i32
        %add3A_259 = arith.constant 3 : i32
        %add3A_260 = arith.addi %add3A_258, %add3A_259 : i32
        %dma_start3A_261 = arith.constant 0 : i32
        %dma_start3A_262 = arith.constant 0 : i32
        %dma_start3A_263 = tpu.memref_slice %arg7[%dma_start3A_261, %dma_start3A_262] : memref<3x120xi32, #tpu.memory_space<vmem>> -> memref<1x120xi32, #tpu.memory_space<vmem>>
        %dma_start3A_264 = tpu.memref_squeeze %dma_start3A_263 : memref<1x120xi32, #tpu.memory_space<vmem>> -> memref<120xi32, #tpu.memory_space<vmem>>
        %dma_start3A_265 = arith.constant 0 : i32
        %dma_start3A_266 = tpu.memref_slice %arg3[%add3A_260, %dma_start3A_265] : memref<2688x120xi32, #tpu.memory_space<hbm>> -> memref<1x120xi32, #tpu.memory_space<hbm>>
        %dma_start3A_267 = tpu.memref_squeeze %dma_start3A_266 : memref<1x120xi32, #tpu.memory_space<hbm>> -> memref<120xi32, #tpu.memory_space<hbm>>
        %dma_start3A_268 = arith.constant 0 : i32
        %dma_start3A_269 = tpu.memref_slice %arg7[%dma_start3A_261, %dma_start3A_268] : memref<3x120xi32, #tpu.memory_space<vmem>> -> memref<1x120xi32, #tpu.memory_space<vmem>>
        %dma_start3A_270 = tpu.memref_squeeze %dma_start3A_269 : memref<1x120xi32, #tpu.memory_space<vmem>> -> memref<120xi32, #tpu.memory_space<vmem>>
        %dma_start3A_271 = arith.constant 0 : i32
        %dma_start3A_272 = tpu.memref_slice %arg3[%add3A_260, %dma_start3A_271] : memref<2688x120xi32, #tpu.memory_space<hbm>> -> memref<1x120xi32, #tpu.memory_space<hbm>>
        %dma_start3A_273 = tpu.memref_squeeze %dma_start3A_272 : memref<1x120xi32, #tpu.memory_space<hbm>> -> memref<120xi32, #tpu.memory_space<hbm>>
        tpu.enqueue_dma source(%dma_start3A_273 : memref<120xi32, #tpu.memory_space<hbm>>) target(%dma_start3A_270 : memref<120xi32, #tpu.memory_space<vmem>>) target_semaphore(%arg16 : memref<!tpu.dma_semaphore, #tpu.memory_space<semaphore_mem>>)
        %add3A_274 = arith.addi %add3A_26, %add3A_213 : i32
        %add3A_275 = arith.constant 3 : i32
        %add3A_276 = arith.addi %add3A_274, %add3A_275 : i32
        %dma_wait3A_277 = arith.constant 0 : i32
        %dma_wait3A_278 = arith.constant 0 : i32
        %dma_wait3A_279 = tpu.memref_slice %arg6[%dma_wait3A_277, %dma_wait3A_278] : memref<3x120xi32, #tpu.memory_space<vmem>> -> memref<1x120xi32, #tpu.memory_space<vmem>>
        %dma_wait3A_280 = tpu.memref_squeeze %dma_wait3A_279 : memref<1x120xi32, #tpu.memory_space<vmem>> -> memref<120xi32, #tpu.memory_space<vmem>>
        %dma_wait3A_281 = arith.constant 0 : i32
        %dma_wait3A_282 = tpu.memref_slice %arg2[%add3A_276, %dma_wait3A_281] : memref<2688x120xi32, #tpu.memory_space<hbm>> -> memref<1x120xi32, #tpu.memory_space<hbm>>
        %dma_wait3A_283 = tpu.memref_squeeze %dma_wait3A_282 : memref<1x120xi32, #tpu.memory_space<hbm>> -> memref<120xi32, #tpu.memory_space<hbm>>
        %dma_wait3A_284 = arith.constant 0 : i32
        %dma_wait3A_285 = tpu.memref_slice %arg6[%dma_wait3A_277, %dma_wait3A_284] : memref<3x120xi32, #tpu.memory_space<vmem>> -> memref<1x120xi32, #tpu.memory_space<vmem>>
        %dma_wait3A_286 = tpu.memref_squeeze %dma_wait3A_285 : memref<1x120xi32, #tpu.memory_space<vmem>> -> memref<120xi32, #tpu.memory_space<vmem>>
        %dma_wait3A_287 = arith.constant 0 : i32
        %dma_wait3A_288 = tpu.memref_slice %arg2[%add3A_276, %dma_wait3A_287] : memref<2688x120xi32, #tpu.memory_space<hbm>> -> memref<1x120xi32, #tpu.memory_space<hbm>>
        %dma_wait3A_289 = tpu.memref_squeeze %dma_wait3A_288 : memref<1x120xi32, #tpu.memory_space<hbm>> -> memref<120xi32, #tpu.memory_space<hbm>>
        tpu.wait_dma2 semaphore(%arg13 : memref<!tpu.dma_semaphore, #tpu.memory_space<semaphore_mem>>) src(%dma_wait3A_289 : memref<120xi32, #tpu.memory_space<hbm>>) dst(%dma_wait3A_286 : memref<120xi32, #tpu.memory_space<vmem>>)
        %add3A_290 = arith.constant 3 : i32
        %add3A_291 = arith.addi %add3A_213, %add3A_290 : i32
        %dma_start3A_292 = arith.constant 0 : i32
        %dma_start3A_293 = arith.constant 0 : i32
        %dma_start3A_294 = arith.constant 0 : i32
        %dma_start3A_295 = arith.constant 0 : i32
        %dma_start3A_296 = tpu.memref_slice %arg8[%dma_start3A_293, %dma_start3A_294, %dma_start3A_295] : memref<3x120x128xf32, #tpu.memory_space<vmem>> -> memref<1x120x128xf32, #tpu.memory_space<vmem>>
        %dma_start3A_297 = tpu.memref_squeeze %dma_start3A_296 : memref<1x120x128xf32, #tpu.memory_space<vmem>> -> memref<120x128xf32, #tpu.memory_space<vmem>>
        %dma_start3A_298 = arith.constant 0 : i32
        %dma_start3A_299 = tpu.memref_slice %arg6[%dma_start3A_292, %dma_start3A_298] : memref<3x120xi32, #tpu.memory_space<vmem>> -> memref<1x120xi32, #tpu.memory_space<vmem>>
        %dma_start3A_300 = tpu.memref_squeeze %dma_start3A_299 : memref<1x120xi32, #tpu.memory_space<vmem>> -> memref<120xi32, #tpu.memory_space<vmem>>
        %dma_start3A_301 = arith.constant 0 : i32
        %dma_start3A_302 = arith.constant 0 : i32
        %dma_start3A_303 = tpu.memref_slice %arg4[%dma_start3A_301, %dma_start3A_302] : memref<80000x128xf32, #tpu.memory_space<hbm>> -> memref<80000x128xf32, #tpu.memory_space<hbm>>
        tpu.enqueue_indirect_dma source(%dma_start3A_303 : memref<80000x128xf32, #tpu.memory_space<hbm>>) target(%dma_start3A_297 : memref<120x128xf32, #tpu.memory_space<vmem>>) offsets(%dma_start3A_300 : memref<120xi32, #tpu.memory_space<vmem>>) semaphore(%arg10 : memref<!tpu.dma_semaphore, #tpu.memory_space<semaphore_mem>>)
        %add3A_304 = arith.constant 1 : i32
        %add3A_305 = arith.addi %add3A_211, %add3A_304 : i32
        %dma_wait3A_306 = arith.constant 1 : i32
        %dma_wait3A_307 = arith.constant 1 : i32
        %dma_wait3A_308 = arith.constant 0 : i32
        %dma_wait3A_309 = arith.constant 0 : i32
        %dma_wait3A_310 = tpu.memref_slice %arg8[%dma_wait3A_307, %dma_wait3A_308, %dma_wait3A_309] : memref<3x120x128xf32, #tpu.memory_space<vmem>> -> memref<1x120x128xf32, #tpu.memory_space<vmem>>
        %dma_wait3A_311 = tpu.memref_squeeze %dma_wait3A_310 : memref<1x120x128xf32, #tpu.memory_space<vmem>> -> memref<120x128xf32, #tpu.memory_space<vmem>>
        %dma_wait3A_312 = arith.constant 0 : i32
        %dma_wait3A_313 = tpu.memref_slice %arg6[%dma_wait3A_306, %dma_wait3A_312] : memref<3x120xi32, #tpu.memory_space<vmem>> -> memref<1x120xi32, #tpu.memory_space<vmem>>
        %dma_wait3A_314 = tpu.memref_squeeze %dma_wait3A_313 : memref<1x120xi32, #tpu.memory_space<vmem>> -> memref<120xi32, #tpu.memory_space<vmem>>
        %dma_wait3A_315 = arith.constant 0 : i32
        %dma_wait3A_316 = arith.constant 0 : i32
        %dma_wait3A_317 = tpu.memref_slice %arg4[%dma_wait3A_315, %dma_wait3A_316] : memref<80000x128xf32, #tpu.memory_space<hbm>> -> memref<80000x128xf32, #tpu.memory_space<hbm>>
        tpu.wait_indirect_dma semaphore(%arg11 : memref<!tpu.dma_semaphore, #tpu.memory_space<semaphore_mem>>) src(%dma_wait3A_317 : memref<80000x128xf32, #tpu.memory_space<hbm>>) dst(%dma_wait3A_311 : memref<120x128xf32, #tpu.memory_space<vmem>>)
        %add3A_318 = arith.addi %add3A_26, %add3A_305 : i32
        %add3A_319 = arith.constant 3 : i32
        %add3A_320 = arith.addi %add3A_318, %add3A_319 : i32
        %dma_start3A_321 = arith.constant 1 : i32
        %dma_start3A_322 = arith.constant 0 : i32
        %dma_start3A_323 = tpu.memref_slice %arg6[%dma_start3A_321, %dma_start3A_322] : memref<3x120xi32, #tpu.memory_space<vmem>> -> memref<1x120xi32, #tpu.memory_space<vmem>>
        %dma_start3A_324 = tpu.memref_squeeze %dma_start3A_323 : memref<1x120xi32, #tpu.memory_space<vmem>> -> memref<120xi32, #tpu.memory_space<vmem>>
        %dma_start3A_325 = arith.constant 0 : i32
        %dma_start3A_326 = tpu.memref_slice %arg2[%add3A_320, %dma_start3A_325] : memref<2688x120xi32, #tpu.memory_space<hbm>> -> memref<1x120xi32, #tpu.memory_space<hbm>>
        %dma_start3A_327 = tpu.memref_squeeze %dma_start3A_326 : memref<1x120xi32, #tpu.memory_space<hbm>> -> memref<120xi32, #tpu.memory_space<hbm>>
        %dma_start3A_328 = arith.constant 0 : i32
        %dma_start3A_329 = tpu.memref_slice %arg6[%dma_start3A_321, %dma_start3A_328] : memref<3x120xi32, #tpu.memory_space<vmem>> -> memref<1x120xi32, #tpu.memory_space<vmem>>
        %dma_start3A_330 = tpu.memref_squeeze %dma_start3A_329 : memref<1x120xi32, #tpu.memory_space<vmem>> -> memref<120xi32, #tpu.memory_space<vmem>>
        %dma_start3A_331 = arith.constant 0 : i32
        %dma_start3A_332 = tpu.memref_slice %arg2[%add3A_320, %dma_start3A_331] : memref<2688x120xi32, #tpu.memory_space<hbm>> -> memref<1x120xi32, #tpu.memory_space<hbm>>
        %dma_start3A_333 = tpu.memref_squeeze %dma_start3A_332 : memref<1x120xi32, #tpu.memory_space<hbm>> -> memref<120xi32, #tpu.memory_space<hbm>>
        tpu.enqueue_dma source(%dma_start3A_333 : memref<120xi32, #tpu.memory_space<hbm>>) target(%dma_start3A_330 : memref<120xi32, #tpu.memory_space<vmem>>) target_semaphore(%arg14 : memref<!tpu.dma_semaphore, #tpu.memory_space<semaphore_mem>>)
        %add3A_334 = arith.addi %add3A_26, %add3A_305 : i32
        %dma_wait3A_335 = arith.constant 1 : i32
        %dma_wait3A_336 = arith.constant 0 : i32
        %dma_wait3A_337 = tpu.memref_slice %arg7[%dma_wait3A_335, %dma_wait3A_336] : memref<3x120xi32, #tpu.memory_space<vmem>> -> memref<1x120xi32, #tpu.memory_space<vmem>>
        %dma_wait3A_338 = tpu.memref_squeeze %dma_wait3A_337 : memref<1x120xi32, #tpu.memory_space<vmem>> -> memref<120xi32, #tpu.memory_space<vmem>>
        %dma_wait3A_339 = arith.constant 0 : i32
        %dma_wait3A_340 = tpu.memref_slice %arg3[%add3A_334, %dma_wait3A_339] : memref<2688x120xi32, #tpu.memory_space<hbm>> -> memref<1x120xi32, #tpu.memory_space<hbm>>
        %dma_wait3A_341 = tpu.memref_squeeze %dma_wait3A_340 : memref<1x120xi32, #tpu.memory_space<hbm>> -> memref<120xi32, #tpu.memory_space<hbm>>
        %dma_wait3A_342 = arith.constant 0 : i32
        %dma_wait3A_343 = tpu.memref_slice %arg7[%dma_wait3A_335, %dma_wait3A_342] : memref<3x120xi32, #tpu.memory_space<vmem>> -> memref<1x120xi32, #tpu.memory_space<vmem>>
        %dma_wait3A_344 = tpu.memref_squeeze %dma_wait3A_343 : memref<1x120xi32, #tpu.memory_space<vmem>> -> memref<120xi32, #tpu.memory_space<vmem>>
        %dma_wait3A_345 = arith.constant 0 : i32
        %dma_wait3A_346 = tpu.memref_slice %arg3[%add3A_334, %dma_wait3A_345] : memref<2688x120xi32, #tpu.memory_space<hbm>> -> memref<1x120xi32, #tpu.memory_space<hbm>>
        %dma_wait3A_347 = tpu.memref_squeeze %dma_wait3A_346 : memref<1x120xi32, #tpu.memory_space<hbm>> -> memref<120xi32, #tpu.memory_space<hbm>>
        tpu.wait_dma2 semaphore(%arg17 : memref<!tpu.dma_semaphore, #tpu.memory_space<semaphore_mem>>) src(%dma_wait3A_347 : memref<120xi32, #tpu.memory_space<hbm>>) dst(%dma_wait3A_344 : memref<120xi32, #tpu.memory_space<vmem>>)
        %run_scoped3A_348 = arith.constant 1 : i32
        %run_scoped3A_349 = arith.constant 1 : i32
        "tpu.region"() ({
          %run_scoped3A_488 = tpu.sem_alloc : memref<!tpu.dma_semaphore, #tpu.memory_space<semaphore_mem>>
          %dma_start3A_489 = arith.constant 0 : i32
          %dma_start3A_490 = arith.constant 0 : i32
          %dma_start3A_491 = tpu.memref_slice %arg8[%run_scoped3A_348, %dma_start3A_489, %dma_start3A_490] : memref<3x120x128xf32, #tpu.memory_space<vmem>> -> memref<1x120x128xf32, #tpu.memory_space<vmem>>
          %dma_start3A_492 = tpu.memref_squeeze %dma_start3A_491 : memref<1x120x128xf32, #tpu.memory_space<vmem>> -> memref<120x128xf32, #tpu.memory_space<vmem>>
          %dma_start3A_493 = arith.constant 0 : i32
          %dma_start3A_494 = tpu.memref_slice %arg7[%run_scoped3A_349, %dma_start3A_493] : memref<3x120xi32, #tpu.memory_space<vmem>> -> memref<1x120xi32, #tpu.memory_space<vmem>>
          %dma_start3A_495 = tpu.memref_squeeze %dma_start3A_494 : memref<1x120xi32, #tpu.memory_space<vmem>> -> memref<120xi32, #tpu.memory_space<vmem>>
          %dma_start3A_496 = arith.constant 0 : i32
          %dma_start3A_497 = arith.constant 0 : i32
          %dma_start3A_498 = tpu.memref_slice %arg9[%dma_start3A_496, %dma_start3A_497] : memref<10112x128xf32, #tpu.memory_space<vmem_shared>> -> memref<10112x128xf32, #tpu.memory_space<vmem_shared>>
          tpu.enqueue_indirect_dma source(%dma_start3A_492 : memref<120x128xf32, #tpu.memory_space<vmem>>) target(%dma_start3A_498 : memref<10112x128xf32, #tpu.memory_space<vmem_shared>>) offsets(%dma_start3A_495 : memref<120xi32, #tpu.memory_space<vmem>>) semaphore(%run_scoped3A_488 : memref<!tpu.dma_semaphore, #tpu.memory_space<semaphore_mem>>) {add = true}
          %dma_wait3A_499 = arith.constant 0 : i32
          %dma_wait3A_500 = arith.constant 0 : i32
          %dma_wait3A_501 = tpu.memref_slice %arg8[%run_scoped3A_348, %dma_wait3A_499, %dma_wait3A_500] : memref<3x120x128xf32, #tpu.memory_space<vmem>> -> memref<1x120x128xf32, #tpu.memory_space<vmem>>
          %dma_wait3A_502 = tpu.memref_squeeze %dma_wait3A_501 : memref<1x120x128xf32, #tpu.memory_space<vmem>> -> memref<120x128xf32, #tpu.memory_space<vmem>>
          %dma_wait3A_503 = arith.constant 0 : i32
          %dma_wait3A_504 = tpu.memref_slice %arg7[%run_scoped3A_349, %dma_wait3A_503] : memref<3x120xi32, #tpu.memory_space<vmem>> -> memref<1x120xi32, #tpu.memory_space<vmem>>
          %dma_wait3A_505 = tpu.memref_squeeze %dma_wait3A_504 : memref<1x120xi32, #tpu.memory_space<vmem>> -> memref<120xi32, #tpu.memory_space<vmem>>
          %dma_wait3A_506 = arith.constant 0 : i32
          %dma_wait3A_507 = arith.constant 0 : i32
          %dma_wait3A_508 = tpu.memref_slice %arg9[%dma_wait3A_506, %dma_wait3A_507] : memref<10112x128xf32, #tpu.memory_space<vmem_shared>> -> memref<10112x128xf32, #tpu.memory_space<vmem_shared>>
          tpu.wait_indirect_dma semaphore(%run_scoped3A_488 : memref<!tpu.dma_semaphore, #tpu.memory_space<semaphore_mem>>) src(%dma_wait3A_502 : memref<120x128xf32, #tpu.memory_space<vmem>>) dst(%dma_wait3A_508 : memref<10112x128xf32, #tpu.memory_space<vmem_shared>>)
          tpu.yield
        }) : () -> ()
        %add3A_350 = arith.addi %add3A_26, %add3A_305 : i32
        %add3A_351 = arith.constant 3 : i32
        %add3A_352 = arith.addi %add3A_350, %add3A_351 : i32
        %dma_start3A_353 = arith.constant 1 : i32
        %dma_start3A_354 = arith.constant 0 : i32
        %dma_start3A_355 = tpu.memref_slice %arg7[%dma_start3A_353, %dma_start3A_354] : memref<3x120xi32, #tpu.memory_space<vmem>> -> memref<1x120xi32, #tpu.memory_space<vmem>>
        %dma_start3A_356 = tpu.memref_squeeze %dma_start3A_355 : memref<1x120xi32, #tpu.memory_space<vmem>> -> memref<120xi32, #tpu.memory_space<vmem>>
        %dma_start3A_357 = arith.constant 0 : i32
        %dma_start3A_358 = tpu.memref_slice %arg3[%add3A_352, %dma_start3A_357] : memref<2688x120xi32, #tpu.memory_space<hbm>> -> memref<1x120xi32, #tpu.memory_space<hbm>>
        %dma_start3A_359 = tpu.memref_squeeze %dma_start3A_358 : memref<1x120xi32, #tpu.memory_space<hbm>> -> memref<120xi32, #tpu.memory_space<hbm>>
        %dma_start3A_360 = arith.constant 0 : i32
        %dma_start3A_361 = tpu.memref_slice %arg7[%dma_start3A_353, %dma_start3A_360] : memref<3x120xi32, #tpu.memory_space<vmem>> -> memref<1x120xi32, #tpu.memory_space<vmem>>
        %dma_start3A_362 = tpu.memref_squeeze %dma_start3A_361 : memref<1x120xi32, #tpu.memory_space<vmem>> -> memref<120xi32, #tpu.memory_space<vmem>>
        %dma_start3A_363 = arith.constant 0 : i32
        %dma_start3A_364 = tpu.memref_slice %arg3[%add3A_352, %dma_start3A_363] : memref<2688x120xi32, #tpu.memory_space<hbm>> -> memref<1x120xi32, #tpu.memory_space<hbm>>
        %dma_start3A_365 = tpu.memref_squeeze %dma_start3A_364 : memref<1x120xi32, #tpu.memory_space<hbm>> -> memref<120xi32, #tpu.memory_space<hbm>>
        tpu.enqueue_dma source(%dma_start3A_365 : memref<120xi32, #tpu.memory_space<hbm>>) target(%dma_start3A_362 : memref<120xi32, #tpu.memory_space<vmem>>) target_semaphore(%arg17 : memref<!tpu.dma_semaphore, #tpu.memory_space<semaphore_mem>>)
        %add3A_366 = arith.addi %add3A_26, %add3A_305 : i32
        %add3A_367 = arith.constant 3 : i32
        %add3A_368 = arith.addi %add3A_366, %add3A_367 : i32
        %dma_wait3A_369 = arith.constant 1 : i32
        %dma_wait3A_370 = arith.constant 0 : i32
        %dma_wait3A_371 = tpu.memref_slice %arg6[%dma_wait3A_369, %dma_wait3A_370] : memref<3x120xi32, #tpu.memory_space<vmem>> -> memref<1x120xi32, #tpu.memory_space<vmem>>
        %dma_wait3A_372 = tpu.memref_squeeze %dma_wait3A_371 : memref<1x120xi32, #tpu.memory_space<vmem>> -> memref<120xi32, #tpu.memory_space<vmem>>
        %dma_wait3A_373 = arith.constant 0 : i32
        %dma_wait3A_374 = tpu.memref_slice %arg2[%add3A_368, %dma_wait3A_373] : memref<2688x120xi32, #tpu.memory_space<hbm>> -> memref<1x120xi32, #tpu.memory_space<hbm>>
        %dma_wait3A_375 = tpu.memref_squeeze %dma_wait3A_374 : memref<1x120xi32, #tpu.memory_space<hbm>> -> memref<120xi32, #tpu.memory_space<hbm>>
        %dma_wait3A_376 = arith.constant 0 : i32
        %dma_wait3A_377 = tpu.memref_slice %arg6[%dma_wait3A_369, %dma_wait3A_376] : memref<3x120xi32, #tpu.memory_space<vmem>> -> memref<1x120xi32, #tpu.memory_space<vmem>>
        %dma_wait3A_378 = tpu.memref_squeeze %dma_wait3A_377 : memref<1x120xi32, #tpu.memory_space<vmem>> -> memref<120xi32, #tpu.memory_space<vmem>>
        %dma_wait3A_379 = arith.constant 0 : i32
        %dma_wait3A_380 = tpu.memref_slice %arg2[%add3A_368, %dma_wait3A_379] : memref<2688x120xi32, #tpu.memory_space<hbm>> -> memref<1x120xi32, #tpu.memory_space<hbm>>
        %dma_wait3A_381 = tpu.memref_squeeze %dma_wait3A_380 : memref<1x120xi32, #tpu.memory_space<hbm>> -> memref<120xi32, #tpu.memory_space<hbm>>
        tpu.wait_dma2 semaphore(%arg14 : memref<!tpu.dma_semaphore, #tpu.memory_space<semaphore_mem>>) src(%dma_wait3A_381 : memref<120xi32, #tpu.memory_space<hbm>>) dst(%dma_wait3A_378 : memref<120xi32, #tpu.memory_space<vmem>>)
        %add3A_382 = arith.constant 3 : i32
        %add3A_383 = arith.addi %add3A_305, %add3A_382 : i32
        %dma_start3A_384 = arith.constant 1 : i32
        %dma_start3A_385 = arith.constant 1 : i32
        %dma_start3A_386 = arith.constant 0 : i32
        %dma_start3A_387 = arith.constant 0 : i32
        %dma_start3A_388 = tpu.memref_slice %arg8[%dma_start3A_385, %dma_start3A_386, %dma_start3A_387] : memref<3x120x128xf32, #tpu.memory_space<vmem>> -> memref<1x120x128xf32, #tpu.memory_space<vmem>>
        %dma_start3A_389 = tpu.memref_squeeze %dma_start3A_388 : memref<1x120x128xf32, #tpu.memory_space<vmem>> -> memref<120x128xf32, #tpu.memory_space<vmem>>
        %dma_start3A_390 = arith.constant 0 : i32
        %dma_start3A_391 = tpu.memref_slice %arg6[%dma_start3A_384, %dma_start3A_390] : memref<3x120xi32, #tpu.memory_space<vmem>> -> memref<1x120xi32, #tpu.memory_space<vmem>>
        %dma_start3A_392 = tpu.memref_squeeze %dma_start3A_391 : memref<1x120xi32, #tpu.memory_space<vmem>> -> memref<120xi32, #tpu.memory_space<vmem>>
        %dma_start3A_393 = arith.constant 0 : i32
        %dma_start3A_394 = arith.constant 0 : i32
        %dma_start3A_395 = tpu.memref_slice %arg4[%dma_start3A_393, %dma_start3A_394] : memref<80000x128xf32, #tpu.memory_space<hbm>> -> memref<80000x128xf32, #tpu.memory_space<hbm>>
        tpu.enqueue_indirect_dma source(%dma_start3A_395 : memref<80000x128xf32, #tpu.memory_space<hbm>>) target(%dma_start3A_389 : memref<120x128xf32, #tpu.memory_space<vmem>>) offsets(%dma_start3A_392 : memref<120xi32, #tpu.memory_space<vmem>>) semaphore(%arg11 : memref<!tpu.dma_semaphore, #tpu.memory_space<semaphore_mem>>)
        %add3A_396 = arith.constant 2 : i32
        %add3A_397 = arith.addi %add3A_211, %add3A_396 : i32
        %dma_wait3A_398 = arith.constant 2 : i32
        %dma_wait3A_399 = arith.constant 2 : i32
        %dma_wait3A_400 = arith.constant 0 : i32
        %dma_wait3A_401 = arith.constant 0 : i32
        %dma_wait3A_402 = tpu.memref_slice %arg8[%dma_wait3A_399, %dma_wait3A_400, %dma_wait3A_401] : memref<3x120x128xf32, #tpu.memory_space<vmem>> -> memref<1x120x128xf32, #tpu.memory_space<vmem>>
        %dma_wait3A_403 = tpu.memref_squeeze %dma_wait3A_402 : memref<1x120x128xf32, #tpu.memory_space<vmem>> -> memref<120x128xf32, #tpu.memory_space<vmem>>
        %dma_wait3A_404 = arith.constant 0 : i32
        %dma_wait3A_405 = tpu.memref_slice %arg6[%dma_wait3A_398, %dma_wait3A_404] : memref<3x120xi32, #tpu.memory_space<vmem>> -> memref<1x120xi32, #tpu.memory_space<vmem>>
        %dma_wait3A_406 = tpu.memref_squeeze %dma_wait3A_405 : memref<1x120xi32, #tpu.memory_space<vmem>> -> memref<120xi32, #tpu.memory_space<vmem>>
        %dma_wait3A_407 = arith.constant 0 : i32
        %dma_wait3A_408 = arith.constant 0 : i32
        %dma_wait3A_409 = tpu.memref_slice %arg4[%dma_wait3A_407, %dma_wait3A_408] : memref<80000x128xf32, #tpu.memory_space<hbm>> -> memref<80000x128xf32, #tpu.memory_space<hbm>>
        tpu.wait_indirect_dma semaphore(%arg12 : memref<!tpu.dma_semaphore, #tpu.memory_space<semaphore_mem>>) src(%dma_wait3A_409 : memref<80000x128xf32, #tpu.memory_space<hbm>>) dst(%dma_wait3A_403 : memref<120x128xf32, #tpu.memory_space<vmem>>)
        %add3A_410 = arith.addi %add3A_26, %add3A_397 : i32
        %add3A_411 = arith.constant 3 : i32
        %add3A_412 = arith.addi %add3A_410, %add3A_411 : i32
        %dma_start3A_413 = arith.constant 2 : i32
        %dma_start3A_414 = arith.constant 0 : i32
        %dma_start3A_415 = tpu.memref_slice %arg6[%dma_start3A_413, %dma_start3A_414] : memref<3x120xi32, #tpu.memory_space<vmem>> -> memref<1x120xi32, #tpu.memory_space<vmem>>
        %dma_start3A_416 = tpu.memref_squeeze %dma_start3A_415 : memref<1x120xi32, #tpu.memory_space<vmem>> -> memref<120xi32, #tpu.memory_space<vmem>>
        %dma_start3A_417 = arith.constant 0 : i32
        %dma_start3A_418 = tpu.memref_slice %arg2[%add3A_412, %dma_start3A_417] : memref<2688x120xi32, #tpu.memory_space<hbm>> -> memref<1x120xi32, #tpu.memory_space<hbm>>
        %dma_start3A_419 = tpu.memref_squeeze %dma_start3A_418 : memref<1x120xi32, #tpu.memory_space<hbm>> -> memref<120xi32, #tpu.memory_space<hbm>>
        %dma_start3A_420 = arith.constant 0 : i32
        %dma_start3A_421 = tpu.memref_slice %arg6[%dma_start3A_413, %dma_start3A_420] : memref<3x120xi32, #tpu.memory_space<vmem>> -> memref<1x120xi32, #tpu.memory_space<vmem>>
        %dma_start3A_422 = tpu.memref_squeeze %dma_start3A_421 : memref<1x120xi32, #tpu.memory_space<vmem>> -> memref<120xi32, #tpu.memory_space<vmem>>
        %dma_start3A_423 = arith.constant 0 : i32
        %dma_start3A_424 = tpu.memref_slice %arg2[%add3A_412, %dma_start3A_423] : memref<2688x120xi32, #tpu.memory_space<hbm>> -> memref<1x120xi32, #tpu.memory_space<hbm>>
        %dma_start3A_425 = tpu.memref_squeeze %dma_start3A_424 : memref<1x120xi32, #tpu.memory_space<hbm>> -> memref<120xi32, #tpu.memory_space<hbm>>
        tpu.enqueue_dma source(%dma_start3A_425 : memref<120xi32, #tpu.memory_space<hbm>>) target(%dma_start3A_422 : memref<120xi32, #tpu.memory_space<vmem>>) target_semaphore(%arg15 : memref<!tpu.dma_semaphore, #tpu.memory_space<semaphore_mem>>)
        %add3A_426 = arith.addi %add3A_26, %add3A_397 : i32
        %dma_wait3A_427 = arith.constant 2 : i32
        %dma_wait3A_428 = arith.constant 0 : i32
        %dma_wait3A_429 = tpu.memref_slice %arg7[%dma_wait3A_427, %dma_wait3A_428] : memref<3x120xi32, #tpu.memory_space<vmem>> -> memref<1x120xi32, #tpu.memory_space<vmem>>
        %dma_wait3A_430 = tpu.memref_squeeze %dma_wait3A_429 : memref<1x120xi32, #tpu.memory_space<vmem>> -> memref<120xi32, #tpu.memory_space<vmem>>
        %dma_wait3A_431 = arith.constant 0 : i32
        %dma_wait3A_432 = tpu.memref_slice %arg3[%add3A_426, %dma_wait3A_431] : memref<2688x120xi32, #tpu.memory_space<hbm>> -> memref<1x120xi32, #tpu.memory_space<hbm>>
        %dma_wait3A_433 = tpu.memref_squeeze %dma_wait3A_432 : memref<1x120xi32, #tpu.memory_space<hbm>> -> memref<120xi32, #tpu.memory_space<hbm>>
        %dma_wait3A_434 = arith.constant 0 : i32
        %dma_wait3A_435 = tpu.memref_slice %arg7[%dma_wait3A_427, %dma_wait3A_434] : memref<3x120xi32, #tpu.memory_space<vmem>> -> memref<1x120xi32, #tpu.memory_space<vmem>>
        %dma_wait3A_436 = tpu.memref_squeeze %dma_wait3A_435 : memref<1x120xi32, #tpu.memory_space<vmem>> -> memref<120xi32, #tpu.memory_space<vmem>>
        %dma_wait3A_437 = arith.constant 0 : i32
        %dma_wait3A_438 = tpu.memref_slice %arg3[%add3A_426, %dma_wait3A_437] : memref<2688x120xi32, #tpu.memory_space<hbm>> -> memref<1x120xi32, #tpu.memory_space<hbm>>
        %dma_wait3A_439 = tpu.memref_squeeze %dma_wait3A_438 : memref<1x120xi32, #tpu.memory_space<hbm>> -> memref<120xi32, #tpu.memory_space<hbm>>
        tpu.wait_dma2 semaphore(%arg18 : memref<!tpu.dma_semaphore, #tpu.memory_space<semaphore_mem>>) src(%dma_wait3A_439 : memref<120xi32, #tpu.memory_space<hbm>>) dst(%dma_wait3A_436 : memref<120xi32, #tpu.memory_space<vmem>>)
        %run_scoped3A_440 = arith.constant 2 : i32
        %run_scoped3A_441 = arith.constant 2 : i32
        "tpu.region"() ({
          %run_scoped3A_488 = tpu.sem_alloc : memref<!tpu.dma_semaphore, #tpu.memory_space<semaphore_mem>>
          %dma_start3A_489 = arith.constant 0 : i32
          %dma_start3A_490 = arith.constant 0 : i32
          %dma_start3A_491 = tpu.memref_slice %arg8[%run_scoped3A_440, %dma_start3A_489, %dma_start3A_490] : memref<3x120x128xf32, #tpu.memory_space<vmem>> -> memref<1x120x128xf32, #tpu.memory_space<vmem>>
          %dma_start3A_492 = tpu.memref_squeeze %dma_start3A_491 : memref<1x120x128xf32, #tpu.memory_space<vmem>> -> memref<120x128xf32, #tpu.memory_space<vmem>>
          %dma_start3A_493 = arith.constant 0 : i32
          %dma_start3A_494 = tpu.memref_slice %arg7[%run_scoped3A_441, %dma_start3A_493] : memref<3x120xi32, #tpu.memory_space<vmem>> -> memref<1x120xi32, #tpu.memory_space<vmem>>
          %dma_start3A_495 = tpu.memref_squeeze %dma_start3A_494 : memref<1x120xi32, #tpu.memory_space<vmem>> -> memref<120xi32, #tpu.memory_space<vmem>>
          %dma_start3A_496 = arith.constant 0 : i32
          %dma_start3A_497 = arith.constant 0 : i32
          %dma_start3A_498 = tpu.memref_slice %arg9[%dma_start3A_496, %dma_start3A_497] : memref<10112x128xf32, #tpu.memory_space<vmem_shared>> -> memref<10112x128xf32, #tpu.memory_space<vmem_shared>>
          tpu.enqueue_indirect_dma source(%dma_start3A_492 : memref<120x128xf32, #tpu.memory_space<vmem>>) target(%dma_start3A_498 : memref<10112x128xf32, #tpu.memory_space<vmem_shared>>) offsets(%dma_start3A_495 : memref<120xi32, #tpu.memory_space<vmem>>) semaphore(%run_scoped3A_488 : memref<!tpu.dma_semaphore, #tpu.memory_space<semaphore_mem>>) {add = true}
          %dma_wait3A_499 = arith.constant 0 : i32
          %dma_wait3A_500 = arith.constant 0 : i32
          %dma_wait3A_501 = tpu.memref_slice %arg8[%run_scoped3A_440, %dma_wait3A_499, %dma_wait3A_500] : memref<3x120x128xf32, #tpu.memory_space<vmem>> -> memref<1x120x128xf32, #tpu.memory_space<vmem>>
          %dma_wait3A_502 = tpu.memref_squeeze %dma_wait3A_501 : memref<1x120x128xf32, #tpu.memory_space<vmem>> -> memref<120x128xf32, #tpu.memory_space<vmem>>
          %dma_wait3A_503 = arith.constant 0 : i32
          %dma_wait3A_504 = tpu.memref_slice %arg7[%run_scoped3A_441, %dma_wait3A_503] : memref<3x120xi32, #tpu.memory_space<vmem>> -> memref<1x120xi32, #tpu.memory_space<vmem>>
          %dma_wait3A_505 = tpu.memref_squeeze %dma_wait3A_504 : memref<1x120xi32, #tpu.memory_space<vmem>> -> memref<120xi32, #tpu.memory_space<vmem>>
          %dma_wait3A_506 = arith.constant 0 : i32
          %dma_wait3A_507 = arith.constant 0 : i32
          %dma_wait3A_508 = tpu.memref_slice %arg9[%dma_wait3A_506, %dma_wait3A_507] : memref<10112x128xf32, #tpu.memory_space<vmem_shared>> -> memref<10112x128xf32, #tpu.memory_space<vmem_shared>>
          tpu.wait_indirect_dma semaphore(%run_scoped3A_488 : memref<!tpu.dma_semaphore, #tpu.memory_space<semaphore_mem>>) src(%dma_wait3A_502 : memref<120x128xf32, #tpu.memory_space<vmem>>) dst(%dma_wait3A_508 : memref<10112x128xf32, #tpu.memory_space<vmem_shared>>)
          tpu.yield
        }) : () -> ()
        %add3A_442 = arith.addi %add3A_26, %add3A_397 : i32
        %add3A_443 = arith.constant 3 : i32
        %add3A_444 = arith.addi %add3A_442, %add3A_443 : i32
        %dma_start3A_445 = arith.constant 2 : i32
        %dma_start3A_446 = arith.constant 0 : i32
        %dma_start3A_447 = tpu.memref_slice %arg7[%dma_start3A_445, %dma_start3A_446] : memref<3x120xi32, #tpu.memory_space<vmem>> -> memref<1x120xi32, #tpu.memory_space<vmem>>
        %dma_start3A_448 = tpu.memref_squeeze %dma_start3A_447 : memref<1x120xi32, #tpu.memory_space<vmem>> -> memref<120xi32, #tpu.memory_space<vmem>>
        %dma_start3A_449 = arith.constant 0 : i32
        %dma_start3A_450 = tpu.memref_slice %arg3[%add3A_444, %dma_start3A_449] : memref<2688x120xi32, #tpu.memory_space<hbm>> -> memref<1x120xi32, #tpu.memory_space<hbm>>
        %dma_start3A_451 = tpu.memref_squeeze %dma_start3A_450 : memref<1x120xi32, #tpu.memory_space<hbm>> -> memref<120xi32, #tpu.memory_space<hbm>>
        %dma_start3A_452 = arith.constant 0 : i32
        %dma_start3A_453 = tpu.memref_slice %arg7[%dma_start3A_445, %dma_start3A_452] : memref<3x120xi32, #tpu.memory_space<vmem>> -> memref<1x120xi32, #tpu.memory_space<vmem>>
        %dma_start3A_454 = tpu.memref_squeeze %dma_start3A_453 : memref<1x120xi32, #tpu.memory_space<vmem>> -> memref<120xi32, #tpu.memory_space<vmem>>
        %dma_start3A_455 = arith.constant 0 : i32
        %dma_start3A_456 = tpu.memref_slice %arg3[%add3A_444, %dma_start3A_455] : memref<2688x120xi32, #tpu.memory_space<hbm>> -> memref<1x120xi32, #tpu.memory_space<hbm>>
        %dma_start3A_457 = tpu.memref_squeeze %dma_start3A_456 : memref<1x120xi32, #tpu.memory_space<hbm>> -> memref<120xi32, #tpu.memory_space<hbm>>
        tpu.enqueue_dma source(%dma_start3A_457 : memref<120xi32, #tpu.memory_space<hbm>>) target(%dma_start3A_454 : memref<120xi32, #tpu.memory_space<vmem>>) target_semaphore(%arg18 : memref<!tpu.dma_semaphore, #tpu.memory_space<semaphore_mem>>)
        %add3A_458 = arith.addi %add3A_26, %add3A_397 : i32
        %add3A_459 = arith.constant 3 : i32
        %add3A_460 = arith.addi %add3A_458, %add3A_459 : i32
        %dma_wait3A_461 = arith.constant 2 : i32
        %dma_wait3A_462 = arith.constant 0 : i32
        %dma_wait3A_463 = tpu.memref_slice %arg6[%dma_wait3A_461, %dma_wait3A_462] : memref<3x120xi32, #tpu.memory_space<vmem>> -> memref<1x120xi32, #tpu.memory_space<vmem>>
        %dma_wait3A_464 = tpu.memref_squeeze %dma_wait3A_463 : memref<1x120xi32, #tpu.memory_space<vmem>> -> memref<120xi32, #tpu.memory_space<vmem>>
        %dma_wait3A_465 = arith.constant 0 : i32
        %dma_wait3A_466 = tpu.memref_slice %arg2[%add3A_460, %dma_wait3A_465] : memref<2688x120xi32, #tpu.memory_space<hbm>> -> memref<1x120xi32, #tpu.memory_space<hbm>>
        %dma_wait3A_467 = tpu.memref_squeeze %dma_wait3A_466 : memref<1x120xi32, #tpu.memory_space<hbm>> -> memref<120xi32, #tpu.memory_space<hbm>>
        %dma_wait3A_468 = arith.constant 0 : i32
        %dma_wait3A_469 = tpu.memref_slice %arg6[%dma_wait3A_461, %dma_wait3A_468] : memref<3x120xi32, #tpu.memory_space<vmem>> -> memref<1x120xi32, #tpu.memory_space<vmem>>
        %dma_wait3A_470 = tpu.memref_squeeze %dma_wait3A_469 : memref<1x120xi32, #tpu.memory_space<vmem>> -> memref<120xi32, #tpu.memory_space<vmem>>
        %dma_wait3A_471 = arith.constant 0 : i32
        %dma_wait3A_472 = tpu.memref_slice %arg2[%add3A_460, %dma_wait3A_471] : memref<2688x120xi32, #tpu.memory_space<hbm>> -> memref<1x120xi32, #tpu.memory_space<hbm>>
        %dma_wait3A_473 = tpu.memref_squeeze %dma_wait3A_472 : memref<1x120xi32, #tpu.memory_space<hbm>> -> memref<120xi32, #tpu.memory_space<hbm>>
        tpu.wait_dma2 semaphore(%arg15 : memref<!tpu.dma_semaphore, #tpu.memory_space<semaphore_mem>>) src(%dma_wait3A_473 : memref<120xi32, #tpu.memory_space<hbm>>) dst(%dma_wait3A_470 : memref<120xi32, #tpu.memory_space<vmem>>)
        %add3A_474 = arith.constant 3 : i32
        %add3A_475 = arith.addi %add3A_397, %add3A_474 : i32
        %dma_start3A_476 = arith.constant 2 : i32
        %dma_start3A_477 = arith.constant 2 : i32
        %dma_start3A_478 = arith.constant 0 : i32
        %dma_start3A_479 = arith.constant 0 : i32
        %dma_start3A_480 = tpu.memref_slice %arg8[%dma_start3A_477, %dma_start3A_478, %dma_start3A_479] : memref<3x120x128xf32, #tpu.memory_space<vmem>> -> memref<1x120x128xf32, #tpu.memory_space<vmem>>
        %dma_start3A_481 = tpu.memref_squeeze %dma_start3A_480 : memref<1x120x128xf32, #tpu.memory_space<vmem>> -> memref<120x128xf32, #tpu.memory_space<vmem>>
        %dma_start3A_482 = arith.constant 0 : i32
        %dma_start3A_483 = tpu.memref_slice %arg6[%dma_start3A_476, %dma_start3A_482] : memref<3x120xi32, #tpu.memory_space<vmem>> -> memref<1x120xi32, #tpu.memory_space<vmem>>
        %dma_start3A_484 = tpu.memref_squeeze %dma_start3A_483 : memref<1x120xi32, #tpu.memory_space<vmem>> -> memref<120xi32, #tpu.memory_space<vmem>>
        %dma_start3A_485 = arith.constant 0 : i32
        %dma_start3A_486 = arith.constant 0 : i32
        %dma_start3A_487 = tpu.memref_slice %arg4[%dma_start3A_485, %dma_start3A_486] : memref<80000x128xf32, #tpu.memory_space<hbm>> -> memref<80000x128xf32, #tpu.memory_space<hbm>>
        tpu.enqueue_indirect_dma source(%dma_start3A_487 : memref<80000x128xf32, #tpu.memory_space<hbm>>) target(%dma_start3A_481 : memref<120x128xf32, #tpu.memory_space<vmem>>) offsets(%dma_start3A_484 : memref<120xi32, #tpu.memory_space<vmem>>) semaphore(%arg12 : memref<!tpu.dma_semaphore, #tpu.memory_space<semaphore_mem>>)
      }
      %scan3A_120 = arith.constant 9 : i32
      %dma_wait3A = arith.constant 0 : i32
      %dma_wait3A_121 = arith.constant 0 : i32
      %dma_wait3A_122 = arith.constant 0 : i32
      %dma_wait3A_123 = arith.constant 0 : i32
      %dma_wait3A_124 = tpu.memref_slice %arg8[%dma_wait3A_121, %dma_wait3A_122, %dma_wait3A_123] : memref<3x120x128xf32, #tpu.memory_space<vmem>> -> memref<1x120x128xf32, #tpu.memory_space<vmem>>
      %dma_wait3A_125 = tpu.memref_squeeze %dma_wait3A_124 : memref<1x120x128xf32, #tpu.memory_space<vmem>> -> memref<120x128xf32, #tpu.memory_space<vmem>>
      %dma_wait3A_126 = arith.constant 0 : i32
      %dma_wait3A_127 = tpu.memref_slice %arg6[%dma_wait3A, %dma_wait3A_126] : memref<3x120xi32, #tpu.memory_space<vmem>> -> memref<1x120xi32, #tpu.memory_space<vmem>>
      %dma_wait3A_128 = tpu.memref_squeeze %dma_wait3A_127 : memref<1x120xi32, #tpu.memory_space<vmem>> -> memref<120xi32, #tpu.memory_space<vmem>>
      %dma_wait3A_129 = arith.constant 0 : i32
      %dma_wait3A_130 = arith.constant 0 : i32
      %dma_wait3A_131 = tpu.memref_slice %arg4[%dma_wait3A_129, %dma_wait3A_130] : memref<80000x128xf32, #tpu.memory_space<hbm>> -> memref<80000x128xf32, #tpu.memory_space<hbm>>
      tpu.wait_indirect_dma semaphore(%arg10 : memref<!tpu.dma_semaphore, #tpu.memory_space<semaphore_mem>>) src(%dma_wait3A_131 : memref<80000x128xf32, #tpu.memory_space<hbm>>) dst(%dma_wait3A_125 : memref<120x128xf32, #tpu.memory_space<vmem>>)
      %add3A_132 = arith.constant 27 : i32
      %add3A_133 = arith.addi %add3A_26, %add3A_132 : i32
      %dma_wait3A_134 = arith.constant 0 : i32
      %dma_wait3A_135 = arith.constant 0 : i32
      %dma_wait3A_136 = tpu.memref_slice %arg7[%dma_wait3A_134, %dma_wait3A_135] : memref<3x120xi32, #tpu.memory_space<vmem>> -> memref<1x120xi32, #tpu.memory_space<vmem>>
      %dma_wait3A_137 = tpu.memref_squeeze %dma_wait3A_136 : memref<1x120xi32, #tpu.memory_space<vmem>> -> memref<120xi32, #tpu.memory_space<vmem>>
      %dma_wait3A_138 = arith.constant 0 : i32
      %dma_wait3A_139 = tpu.memref_slice %arg3[%add3A_133, %dma_wait3A_138] : memref<2688x120xi32, #tpu.memory_space<hbm>> -> memref<1x120xi32, #tpu.memory_space<hbm>>
      %dma_wait3A_140 = tpu.memref_squeeze %dma_wait3A_139 : memref<1x120xi32, #tpu.memory_space<hbm>> -> memref<120xi32, #tpu.memory_space<hbm>>
      %dma_wait3A_141 = arith.constant 0 : i32
      %dma_wait3A_142 = tpu.memref_slice %arg7[%dma_wait3A_134, %dma_wait3A_141] : memref<3x120xi32, #tpu.memory_space<vmem>> -> memref<1x120xi32, #tpu.memory_space<vmem>>
      %dma_wait3A_143 = tpu.memref_squeeze %dma_wait3A_142 : memref<1x120xi32, #tpu.memory_space<vmem>> -> memref<120xi32, #tpu.memory_space<vmem>>
      %dma_wait3A_144 = arith.constant 0 : i32
      %dma_wait3A_145 = tpu.memref_slice %arg3[%add3A_133, %dma_wait3A_144] : memref<2688x120xi32, #tpu.memory_space<hbm>> -> memref<1x120xi32, #tpu.memory_space<hbm>>
      %dma_wait3A_146 = tpu.memref_squeeze %dma_wait3A_145 : memref<1x120xi32, #tpu.memory_space<hbm>> -> memref<120xi32, #tpu.memory_space<hbm>>
      tpu.wait_dma2 semaphore(%arg16 : memref<!tpu.dma_semaphore, #tpu.memory_space<semaphore_mem>>) src(%dma_wait3A_146 : memref<120xi32, #tpu.memory_space<hbm>>) dst(%dma_wait3A_143 : memref<120xi32, #tpu.memory_space<vmem>>)
      %run_scoped3A_147 = arith.constant 0 : i32
      %run_scoped3A_148 = arith.constant 0 : i32
      "tpu.region"() ({
        %run_scoped3A_207 = tpu.sem_alloc : memref<!tpu.dma_semaphore, #tpu.memory_space<semaphore_mem>>
        %dma_start3A_208 = arith.constant 0 : i32
        %dma_start3A_209 = arith.constant 0 : i32
        %dma_start3A_210 = tpu.memref_slice %arg8[%run_scoped3A_147, %dma_start3A_208, %dma_start3A_209] : memref<3x120x128xf32, #tpu.memory_space<vmem>> -> memref<1x120x128xf32, #tpu.memory_space<vmem>>
        %dma_start3A_211 = tpu.memref_squeeze %dma_start3A_210 : memref<1x120x128xf32, #tpu.memory_space<vmem>> -> memref<120x128xf32, #tpu.memory_space<vmem>>
        %dma_start3A_212 = arith.constant 0 : i32
        %dma_start3A_213 = tpu.memref_slice %arg7[%run_scoped3A_148, %dma_start3A_212] : memref<3x120xi32, #tpu.memory_space<vmem>> -> memref<1x120xi32, #tpu.memory_space<vmem>>
        %dma_start3A_214 = tpu.memref_squeeze %dma_start3A_213 : memref<1x120xi32, #tpu.memory_space<vmem>> -> memref<120xi32, #tpu.memory_space<vmem>>
        %dma_start3A_215 = arith.constant 0 : i32
        %dma_start3A_216 = arith.constant 0 : i32
        %dma_start3A_217 = tpu.memref_slice %arg9[%dma_start3A_215, %dma_start3A_216] : memref<10112x128xf32, #tpu.memory_space<vmem_shared>> -> memref<10112x128xf32, #tpu.memory_space<vmem_shared>>
        tpu.enqueue_indirect_dma source(%dma_start3A_211 : memref<120x128xf32, #tpu.memory_space<vmem>>) target(%dma_start3A_217 : memref<10112x128xf32, #tpu.memory_space<vmem_shared>>) offsets(%dma_start3A_214 : memref<120xi32, #tpu.memory_space<vmem>>) semaphore(%run_scoped3A_207 : memref<!tpu.dma_semaphore, #tpu.memory_space<semaphore_mem>>) {add = true}
        %dma_wait3A_218 = arith.constant 0 : i32
        %dma_wait3A_219 = arith.constant 0 : i32
        %dma_wait3A_220 = tpu.memref_slice %arg8[%run_scoped3A_147, %dma_wait3A_218, %dma_wait3A_219] : memref<3x120x128xf32, #tpu.memory_space<vmem>> -> memref<1x120x128xf32, #tpu.memory_space<vmem>>
        %dma_wait3A_221 = tpu.memref_squeeze %dma_wait3A_220 : memref<1x120x128xf32, #tpu.memory_space<vmem>> -> memref<120x128xf32, #tpu.memory_space<vmem>>
        %dma_wait3A_222 = arith.constant 0 : i32
        %dma_wait3A_223 = tpu.memref_slice %arg7[%run_scoped3A_148, %dma_wait3A_222] : memref<3x120xi32, #tpu.memory_space<vmem>> -> memref<1x120xi32, #tpu.memory_space<vmem>>
        %dma_wait3A_224 = tpu.memref_squeeze %dma_wait3A_223 : memref<1x120xi32, #tpu.memory_space<vmem>> -> memref<120xi32, #tpu.memory_space<vmem>>
        %dma_wait3A_225 = arith.constant 0 : i32
        %dma_wait3A_226 = arith.constant 0 : i32
        %dma_wait3A_227 = tpu.memref_slice %arg9[%dma_wait3A_225, %dma_wait3A_226] : memref<10112x128xf32, #tpu.memory_space<vmem_shared>> -> memref<10112x128xf32, #tpu.memory_space<vmem_shared>>
        tpu.wait_indirect_dma semaphore(%run_scoped3A_207 : memref<!tpu.dma_semaphore, #tpu.memory_space<semaphore_mem>>) src(%dma_wait3A_221 : memref<120x128xf32, #tpu.memory_space<vmem>>) dst(%dma_wait3A_227 : memref<10112x128xf32, #tpu.memory_space<vmem_shared>>)
        tpu.yield
      }) : () -> ()
      %dma_wait3A_149 = arith.constant 1 : i32
      %dma_wait3A_150 = arith.constant 1 : i32
      %dma_wait3A_151 = arith.constant 0 : i32
      %dma_wait3A_152 = arith.constant 0 : i32
      %dma_wait3A_153 = tpu.memref_slice %arg8[%dma_wait3A_150, %dma_wait3A_151, %dma_wait3A_152] : memref<3x120x128xf32, #tpu.memory_space<vmem>> -> memref<1x120x128xf32, #tpu.memory_space<vmem>>
      %dma_wait3A_154 = tpu.memref_squeeze %dma_wait3A_153 : memref<1x120x128xf32, #tpu.memory_space<vmem>> -> memref<120x128xf32, #tpu.memory_space<vmem>>
      %dma_wait3A_155 = arith.constant 0 : i32
      %dma_wait3A_156 = tpu.memref_slice %arg6[%dma_wait3A_149, %dma_wait3A_155] : memref<3x120xi32, #tpu.memory_space<vmem>> -> memref<1x120xi32, #tpu.memory_space<vmem>>
      %dma_wait3A_157 = tpu.memref_squeeze %dma_wait3A_156 : memref<1x120xi32, #tpu.memory_space<vmem>> -> memref<120xi32, #tpu.memory_space<vmem>>
      %dma_wait3A_158 = arith.constant 0 : i32
      %dma_wait3A_159 = arith.constant 0 : i32
      %dma_wait3A_160 = tpu.memref_slice %arg4[%dma_wait3A_158, %dma_wait3A_159] : memref<80000x128xf32, #tpu.memory_space<hbm>> -> memref<80000x128xf32, #tpu.memory_space<hbm>>
      tpu.wait_indirect_dma semaphore(%arg11 : memref<!tpu.dma_semaphore, #tpu.memory_space<semaphore_mem>>) src(%dma_wait3A_160 : memref<80000x128xf32, #tpu.memory_space<hbm>>) dst(%dma_wait3A_154 : memref<120x128xf32, #tpu.memory_space<vmem>>)
      %add3A_161 = arith.constant 28 : i32
      %add3A_162 = arith.addi %add3A_26, %add3A_161 : i32
      %dma_wait3A_163 = arith.constant 1 : i32
      %dma_wait3A_164 = arith.constant 0 : i32
      %dma_wait3A_165 = tpu.memref_slice %arg7[%dma_wait3A_163, %dma_wait3A_164] : memref<3x120xi32, #tpu.memory_space<vmem>> -> memref<1x120xi32, #tpu.memory_space<vmem>>
      %dma_wait3A_166 = tpu.memref_squeeze %dma_wait3A_165 : memref<1x120xi32, #tpu.memory_space<vmem>> -> memref<120xi32, #tpu.memory_space<vmem>>
      %dma_wait3A_167 = arith.constant 0 : i32
      %dma_wait3A_168 = tpu.memref_slice %arg3[%add3A_162, %dma_wait3A_167] : memref<2688x120xi32, #tpu.memory_space<hbm>> -> memref<1x120xi32, #tpu.memory_space<hbm>>
      %dma_wait3A_169 = tpu.memref_squeeze %dma_wait3A_168 : memref<1x120xi32, #tpu.memory_space<hbm>> -> memref<120xi32, #tpu.memory_space<hbm>>
      %dma_wait3A_170 = arith.constant 0 : i32
      %dma_wait3A_171 = tpu.memref_slice %arg7[%dma_wait3A_163, %dma_wait3A_170] : memref<3x120xi32, #tpu.memory_space<vmem>> -> memref<1x120xi32, #tpu.memory_space<vmem>>
      %dma_wait3A_172 = tpu.memref_squeeze %dma_wait3A_171 : memref<1x120xi32, #tpu.memory_space<vmem>> -> memref<120xi32, #tpu.memory_space<vmem>>
      %dma_wait3A_173 = arith.constant 0 : i32
      %dma_wait3A_174 = tpu.memref_slice %arg3[%add3A_162, %dma_wait3A_173] : memref<2688x120xi32, #tpu.memory_space<hbm>> -> memref<1x120xi32, #tpu.memory_space<hbm>>
      %dma_wait3A_175 = tpu.memref_squeeze %dma_wait3A_174 : memref<1x120xi32, #tpu.memory_space<hbm>> -> memref<120xi32, #tpu.memory_space<hbm>>
      tpu.wait_dma2 semaphore(%arg17 : memref<!tpu.dma_semaphore, #tpu.memory_space<semaphore_mem>>) src(%dma_wait3A_175 : memref<120xi32, #tpu.memory_space<hbm>>) dst(%dma_wait3A_172 : memref<120xi32, #tpu.memory_space<vmem>>)
      %run_scoped3A_176 = arith.constant 1 : i32
      %run_scoped3A_177 = arith.constant 1 : i32
      "tpu.region"() ({
        %run_scoped3A_207 = tpu.sem_alloc : memref<!tpu.dma_semaphore, #tpu.memory_space<semaphore_mem>>
        %dma_start3A_208 = arith.constant 0 : i32
        %dma_start3A_209 = arith.constant 0 : i32
        %dma_start3A_210 = tpu.memref_slice %arg8[%run_scoped3A_176, %dma_start3A_208, %dma_start3A_209] : memref<3x120x128xf32, #tpu.memory_space<vmem>> -> memref<1x120x128xf32, #tpu.memory_space<vmem>>
        %dma_start3A_211 = tpu.memref_squeeze %dma_start3A_210 : memref<1x120x128xf32, #tpu.memory_space<vmem>> -> memref<120x128xf32, #tpu.memory_space<vmem>>
        %dma_start3A_212 = arith.constant 0 : i32
        %dma_start3A_213 = tpu.memref_slice %arg7[%run_scoped3A_177, %dma_start3A_212] : memref<3x120xi32, #tpu.memory_space<vmem>> -> memref<1x120xi32, #tpu.memory_space<vmem>>
        %dma_start3A_214 = tpu.memref_squeeze %dma_start3A_213 : memref<1x120xi32, #tpu.memory_space<vmem>> -> memref<120xi32, #tpu.memory_space<vmem>>
        %dma_start3A_215 = arith.constant 0 : i32
        %dma_start3A_216 = arith.constant 0 : i32
        %dma_start3A_217 = tpu.memref_slice %arg9[%dma_start3A_215, %dma_start3A_216] : memref<10112x128xf32, #tpu.memory_space<vmem_shared>> -> memref<10112x128xf32, #tpu.memory_space<vmem_shared>>
        tpu.enqueue_indirect_dma source(%dma_start3A_211 : memref<120x128xf32, #tpu.memory_space<vmem>>) target(%dma_start3A_217 : memref<10112x128xf32, #tpu.memory_space<vmem_shared>>) offsets(%dma_start3A_214 : memref<120xi32, #tpu.memory_space<vmem>>) semaphore(%run_scoped3A_207 : memref<!tpu.dma_semaphore, #tpu.memory_space<semaphore_mem>>) {add = true}
        %dma_wait3A_218 = arith.constant 0 : i32
        %dma_wait3A_219 = arith.constant 0 : i32
        %dma_wait3A_220 = tpu.memref_slice %arg8[%run_scoped3A_176, %dma_wait3A_218, %dma_wait3A_219] : memref<3x120x128xf32, #tpu.memory_space<vmem>> -> memref<1x120x128xf32, #tpu.memory_space<vmem>>
        %dma_wait3A_221 = tpu.memref_squeeze %dma_wait3A_220 : memref<1x120x128xf32, #tpu.memory_space<vmem>> -> memref<120x128xf32, #tpu.memory_space<vmem>>
        %dma_wait3A_222 = arith.constant 0 : i32
        %dma_wait3A_223 = tpu.memref_slice %arg7[%run_scoped3A_177, %dma_wait3A_222] : memref<3x120xi32, #tpu.memory_space<vmem>> -> memref<1x120xi32, #tpu.memory_space<vmem>>
        %dma_wait3A_224 = tpu.memref_squeeze %dma_wait3A_223 : memref<1x120xi32, #tpu.memory_space<vmem>> -> memref<120xi32, #tpu.memory_space<vmem>>
        %dma_wait3A_225 = arith.constant 0 : i32
        %dma_wait3A_226 = arith.constant 0 : i32
        %dma_wait3A_227 = tpu.memref_slice %arg9[%dma_wait3A_225, %dma_wait3A_226] : memref<10112x128xf32, #tpu.memory_space<vmem_shared>> -> memref<10112x128xf32, #tpu.memory_space<vmem_shared>>
        tpu.wait_indirect_dma semaphore(%run_scoped3A_207 : memref<!tpu.dma_semaphore, #tpu.memory_space<semaphore_mem>>) src(%dma_wait3A_221 : memref<120x128xf32, #tpu.memory_space<vmem>>) dst(%dma_wait3A_227 : memref<10112x128xf32, #tpu.memory_space<vmem_shared>>)
        tpu.yield
      }) : () -> ()
      %dma_wait3A_178 = arith.constant 2 : i32
      %dma_wait3A_179 = arith.constant 2 : i32
      %dma_wait3A_180 = arith.constant 0 : i32
      %dma_wait3A_181 = arith.constant 0 : i32
      %dma_wait3A_182 = tpu.memref_slice %arg8[%dma_wait3A_179, %dma_wait3A_180, %dma_wait3A_181] : memref<3x120x128xf32, #tpu.memory_space<vmem>> -> memref<1x120x128xf32, #tpu.memory_space<vmem>>
      %dma_wait3A_183 = tpu.memref_squeeze %dma_wait3A_182 : memref<1x120x128xf32, #tpu.memory_space<vmem>> -> memref<120x128xf32, #tpu.memory_space<vmem>>
      %dma_wait3A_184 = arith.constant 0 : i32
      %dma_wait3A_185 = tpu.memref_slice %arg6[%dma_wait3A_178, %dma_wait3A_184] : memref<3x120xi32, #tpu.memory_space<vmem>> -> memref<1x120xi32, #tpu.memory_space<vmem>>
      %dma_wait3A_186 = tpu.memref_squeeze %dma_wait3A_185 : memref<1x120xi32, #tpu.memory_space<vmem>> -> memref<120xi32, #tpu.memory_space<vmem>>
      %dma_wait3A_187 = arith.constant 0 : i32
      %dma_wait3A_188 = arith.constant 0 : i32
      %dma_wait3A_189 = tpu.memref_slice %arg4[%dma_wait3A_187, %dma_wait3A_188] : memref<80000x128xf32, #tpu.memory_space<hbm>> -> memref<80000x128xf32, #tpu.memory_space<hbm>>
      tpu.wait_indirect_dma semaphore(%arg12 : memref<!tpu.dma_semaphore, #tpu.memory_space<semaphore_mem>>) src(%dma_wait3A_189 : memref<80000x128xf32, #tpu.memory_space<hbm>>) dst(%dma_wait3A_183 : memref<120x128xf32, #tpu.memory_space<vmem>>)
      %add3A_190 = arith.constant 29 : i32
      %add3A_191 = arith.addi %add3A_26, %add3A_190 : i32
      %dma_wait3A_192 = arith.constant 2 : i32
      %dma_wait3A_193 = arith.constant 0 : i32
      %dma_wait3A_194 = tpu.memref_slice %arg7[%dma_wait3A_192, %dma_wait3A_193] : memref<3x120xi32, #tpu.memory_space<vmem>> -> memref<1x120xi32, #tpu.memory_space<vmem>>
      %dma_wait3A_195 = tpu.memref_squeeze %dma_wait3A_194 : memref<1x120xi32, #tpu.memory_space<vmem>> -> memref<120xi32, #tpu.memory_space<vmem>>
      %dma_wait3A_196 = arith.constant 0 : i32
      %dma_wait3A_197 = tpu.memref_slice %arg3[%add3A_191, %dma_wait3A_196] : memref<2688x120xi32, #tpu.memory_space<hbm>> -> memref<1x120xi32, #tpu.memory_space<hbm>>
      %dma_wait3A_198 = tpu.memref_squeeze %dma_wait3A_197 : memref<1x120xi32, #tpu.memory_space<hbm>> -> memref<120xi32, #tpu.memory_space<hbm>>
      %dma_wait3A_199 = arith.constant 0 : i32
      %dma_wait3A_200 = tpu.memref_slice %arg7[%dma_wait3A_192, %dma_wait3A_199] : memref<3x120xi32, #tpu.memory_space<vmem>> -> memref<1x120xi32, #tpu.memory_space<vmem>>
      %dma_wait3A_201 = tpu.memref_squeeze %dma_wait3A_200 : memref<1x120xi32, #tpu.memory_space<vmem>> -> memref<120xi32, #tpu.memory_space<vmem>>
      %dma_wait3A_202 = arith.constant 0 : i32
      %dma_wait3A_203 = tpu.memref_slice %arg3[%add3A_191, %dma_wait3A_202] : memref<2688x120xi32, #tpu.memory_space<hbm>> -> memref<1x120xi32, #tpu.memory_space<hbm>>
      %dma_wait3A_204 = tpu.memref_squeeze %dma_wait3A_203 : memref<1x120xi32, #tpu.memory_space<hbm>> -> memref<120xi32, #tpu.memory_space<hbm>>
      tpu.wait_dma2 semaphore(%arg18 : memref<!tpu.dma_semaphore, #tpu.memory_space<semaphore_mem>>) src(%dma_wait3A_204 : memref<120xi32, #tpu.memory_space<hbm>>) dst(%dma_wait3A_201 : memref<120xi32, #tpu.memory_space<vmem>>)
      %run_scoped3A_205 = arith.constant 2 : i32
      %run_scoped3A_206 = arith.constant 2 : i32
      "tpu.region"() ({
        %run_scoped3A_207 = tpu.sem_alloc : memref<!tpu.dma_semaphore, #tpu.memory_space<semaphore_mem>>
        %dma_start3A_208 = arith.constant 0 : i32
        %dma_start3A_209 = arith.constant 0 : i32
        %dma_start3A_210 = tpu.memref_slice %arg8[%run_scoped3A_205, %dma_start3A_208, %dma_start3A_209] : memref<3x120x128xf32, #tpu.memory_space<vmem>> -> memref<1x120x128xf32, #tpu.memory_space<vmem>>
        %dma_start3A_211 = tpu.memref_squeeze %dma_start3A_210 : memref<1x120x128xf32, #tpu.memory_space<vmem>> -> memref<120x128xf32, #tpu.memory_space<vmem>>
        %dma_start3A_212 = arith.constant 0 : i32
        %dma_start3A_213 = tpu.memref_slice %arg7[%run_scoped3A_206, %dma_start3A_212] : memref<3x120xi32, #tpu.memory_space<vmem>> -> memref<1x120xi32, #tpu.memory_space<vmem>>
        %dma_start3A_214 = tpu.memref_squeeze %dma_start3A_213 : memref<1x120xi32, #tpu.memory_space<vmem>> -> memref<120xi32, #tpu.memory_space<vmem>>
        %dma_start3A_215 = arith.constant 0 : i32
        %dma_start3A_216 = arith.constant 0 : i32
        %dma_start3A_217 = tpu.memref_slice %arg9[%dma_start3A_215, %dma_start3A_216] : memref<10112x128xf32, #tpu.memory_space<vmem_shared>> -> memref<10112x128xf32, #tpu.memory_space<vmem_shared>>
        tpu.enqueue_indirect_dma source(%dma_start3A_211 : memref<120x128xf32, #tpu.memory_space<vmem>>) target(%dma_start3A_217 : memref<10112x128xf32, #tpu.memory_space<vmem_shared>>) offsets(%dma_start3A_214 : memref<120xi32, #tpu.memory_space<vmem>>) semaphore(%run_scoped3A_207 : memref<!tpu.dma_semaphore, #tpu.memory_space<semaphore_mem>>) {add = true}
        %dma_wait3A_218 = arith.constant 0 : i32
        %dma_wait3A_219 = arith.constant 0 : i32
        %dma_wait3A_220 = tpu.memref_slice %arg8[%run_scoped3A_205, %dma_wait3A_218, %dma_wait3A_219] : memref<3x120x128xf32, #tpu.memory_space<vmem>> -> memref<1x120x128xf32, #tpu.memory_space<vmem>>
        %dma_wait3A_221 = tpu.memref_squeeze %dma_wait3A_220 : memref<1x120x128xf32, #tpu.memory_space<vmem>> -> memref<120x128xf32, #tpu.memory_space<vmem>>
        %dma_wait3A_222 = arith.constant 0 : i32
        %dma_wait3A_223 = tpu.memref_slice %arg7[%run_scoped3A_206, %dma_wait3A_222] : memref<3x120xi32, #tpu.memory_space<vmem>> -> memref<1x120xi32, #tpu.memory_space<vmem>>
        %dma_wait3A_224 = tpu.memref_squeeze %dma_wait3A_223 : memref<1x120xi32, #tpu.memory_space<vmem>> -> memref<120xi32, #tpu.memory_space<vmem>>
        %dma_wait3A_225 = arith.constant 0 : i32
        %dma_wait3A_226 = arith.constant 0 : i32
        %dma_wait3A_227 = tpu.memref_slice %arg9[%dma_wait3A_225, %dma_wait3A_226] : memref<10112x128xf32, #tpu.memory_space<vmem_shared>> -> memref<10112x128xf32, #tpu.memory_space<vmem_shared>>
        tpu.wait_indirect_dma semaphore(%run_scoped3A_207 : memref<!tpu.dma_semaphore, #tpu.memory_space<semaphore_mem>>) src(%dma_wait3A_221 : memref<120x128xf32, #tpu.memory_space<vmem>>) dst(%dma_wait3A_227 : memref<10112x128xf32, #tpu.memory_space<vmem_shared>>)
        tpu.yield
      }) : () -> ()
    } else {
    }
    %barrier3A_18 = arith.constant 0 : index
    tpu.barrier barrier_id(%barrier3A_18)
    %mul3A_19 = arith.constant 632 : i32
    %mul3A_20 = arith.muli %arg1, %mul3A_19 : i32
    %mul3A_21 = arith.constant 632 : i32
    %mul3A_22 = arith.muli %arg1, %mul3A_21 : i32
    "tpu.region"() ({
      %run_scoped3A_23 = tpu.sem_alloc : memref<!tpu.dma_semaphore, #tpu.memory_space<semaphore_mem>>
      %dma_start3A = arith.constant 0 : i32
      %dma_start3A_24 = tpu.memref_slice %arg5[%arg0, %mul3A_22, %dma_start3A] : memref<2x10112x128xf32, #tpu.memory_space<hbm>> -> memref<1x632x128xf32, #tpu.memory_space<hbm>>
      %dma_start3A_25 = tpu.memref_squeeze %dma_start3A_24 : memref<1x632x128xf32, #tpu.memory_space<hbm>> -> memref<632x128xf32, #tpu.memory_space<hbm>>
      %dma_start3A_26 = arith.constant 0 : i32
      %dma_start3A_27 = tpu.memref_slice %arg9[%mul3A_20, %dma_start3A_26] : memref<10112x128xf32, #tpu.memory_space<vmem_shared>> -> memref<632x128xf32, #tpu.memory_space<vmem_shared>>
      tpu.enqueue_dma source(%dma_start3A_27 : memref<632x128xf32, #tpu.memory_space<vmem_shared>>) target(%dma_start3A_25 : memref<632x128xf32, #tpu.memory_space<hbm>>) target_semaphore(%run_scoped3A_23 : memref<!tpu.dma_semaphore, #tpu.memory_space<semaphore_mem>>)
      %dma_wait3A = arith.constant 0 : i32
      %dma_wait3A_28 = tpu.memref_slice %arg5[%arg0, %mul3A_22, %dma_wait3A] : memref<2x10112x128xf32, #tpu.memory_space<hbm>> -> memref<1x632x128xf32, #tpu.memory_space<hbm>>
      %dma_wait3A_29 = tpu.memref_squeeze %dma_wait3A_28 : memref<1x632x128xf32, #tpu.memory_space<hbm>> -> memref<632x128xf32, #tpu.memory_space<hbm>>
      %dma_wait3A_30 = arith.constant 0 : i32
      %dma_wait3A_31 = tpu.memref_slice %arg9[%mul3A_20, %dma_wait3A_30] : memref<10112x128xf32, #tpu.memory_space<vmem_shared>> -> memref<632x128xf32, #tpu.memory_space<vmem_shared>>
      tpu.wait_dma2 semaphore(%run_scoped3A_23 : memref<!tpu.dma_semaphore, #tpu.memory_space<semaphore_mem>>) src(%dma_wait3A_31 : memref<632x128xf32, #tpu.memory_space<vmem_shared>>) dst(%dma_wait3A_29 : memref<632x128xf32, #tpu.memory_space<hbm>>)
      tpu.yield
    }) : () -> ()
    return
  }
}

#map = affine_map<(d0, d1) -> (0, 0)>
#map1 = affine_map<(d0, d1) -> (0, 0, 0)>
module attributes {stable_mosaic.version = 14 : i64} {
  func.func @_sc_edge_agg_body(%arg0: i32, %arg1: i32, %arg2: memref<2688x120xi32, #tpu.memory_space<hbm>>, %arg3: memref<2688x120xi32, #tpu.memory_space<hbm>>, %arg4: memref<80000x128xf32, #tpu.memory_space<hbm>>, %arg5: memref<2x10112x128xf32, #tpu.memory_space<hbm>>, %arg6: memref<3x120xi32, #tpu.memory_space<vmem>>, %arg7: memref<3x120xi32, #tpu.memory_space<vmem>>, %arg8: memref<3x120x128xf32, #tpu.memory_space<vmem>>, %arg9: memref<10112x128xf32, #tpu.memory_space<vmem_shared>>, %arg10: memref<!tpu.dma_semaphore, #tpu.memory_space<semaphore_mem>>, %arg11: memref<!tpu.dma_semaphore, #tpu.memory_space<semaphore_mem>>, %arg12: memref<!tpu.dma_semaphore, #tpu.memory_space<semaphore_mem>>, %arg13: memref<!tpu.dma_semaphore, #tpu.memory_space<semaphore_mem>>, %arg14: memref<!tpu.dma_semaphore, #tpu.memory_space<semaphore_mem>>, %arg15: memref<!tpu.dma_semaphore, #tpu.memory_space<semaphore_mem>>, %arg16: memref<!tpu.dma_semaphore, #tpu.memory_space<semaphore_mem>>, %arg17: memref<!tpu.dma_semaphore, #tpu.memory_space<semaphore_mem>>, %arg18: memref<!tpu.dma_semaphore, #tpu.memory_space<semaphore_mem>>) attributes {dimension_semantics = [#tpu.dimension_semantics<core_parallel>, #tpu.dimension_semantics<subcore_parallel>], iteration_bounds = array<i64: 2, 16>, scalar_prefetch = 0 : i64, scratch_operands = 13 : i64, tpu.core_type = #tpu.core_type<sc_vector_subcore>, window_params = [{transform_indices = #map}, {transform_indices = #map}, {transform_indices = #map}, {transform_indices = #map1}]} {
    %scan3A = arith.constant 0 : i32
    %scan3A_0 = arith.constant 120 : i32
    %scan3A_1 = arith.addi %scan3A, %scan3A_0 : i32
    %scan3A_2 = arith.constant 1 : i32
    scf.for %scan3A_23 = %scan3A to %scan3A_1 step %scan3A_2  : i32 {
      %mul3A_24 = arith.constant 1 : i32
      %mul3A_25 = arith.muli %scan3A_23, %mul3A_24 : i32
      %add3A_26 = arith.constant 0 : i32
      %add3A_27 = arith.addi %add3A_26, %mul3A_25 : i32
      %broadcast_in_dim3A = arith.constant 0.000000e+00 : f32
      %broadcast_in_dim3A_28 = vector.broadcast %broadcast_in_dim3A : f32 to vector<16xf32>
      %swap3A = arith.constant 0 : i32
      %swap3A_29 = arith.index_cast %swap3A : i32 to index
      %swap3A_30 = arith.index_cast %add3A_27 : i32 to index
      %swap3A_31 = arith.constant 0 : index
      %swap3A_32 = tpu.vector_load %arg8[%swap3A_29, %swap3A_30, %swap3A_31] {strides = array<i32>} : memref<3x120x128xf32, #tpu.memory_space<vmem>>, vector<1x1x16xf32>,
      %swap3A_33 = vector.shape_cast %swap3A_32 : vector<1x1x16xf32> to vector<16xf32>
      %swap3A_34 = vector.shape_cast %broadcast_in_dim3A_28 : vector<16xf32> to vector<1x1x16xf32>
      tpu.vector_store %arg8[%swap3A_29, %swap3A_30, %swap3A_31], %swap3A_34 {strides = array<i32>} : memref<3x120x128xf32, #tpu.memory_space<vmem>>, vector<1x1x16xf32>,
      %broadcast_in_dim3A_35 = arith.constant 0.000000e+00 : f32
      %broadcast_in_dim3A_36 = vector.broadcast %broadcast_in_dim3A_35 : f32 to vector<16xf32>
      %swap3A_37 = arith.constant 0 : i32
      %swap3A_38 = arith.index_cast %swap3A_37 : i32 to index
      %swap3A_39 = arith.index_cast %add3A_27 : i32 to index
      %swap3A_40 = arith.constant 16 : index
      %swap3A_41 = tpu.vector_load %arg8[%swap3A_38, %swap3A_39, %swap3A_40] {strides = array<i32>} : memref<3x120x128xf32, #tpu.memory_space<vmem>>, vector<1x1x16xf32>,
      %swap3A_42 = vector.shape_cast %swap3A_41 : vector<1x1x16xf32> to vector<16xf32>
      %swap3A_43 = vector.shape_cast %broadcast_in_dim3A_36 : vector<16xf32> to vector<1x1x16xf32>
      tpu.vector_store %arg8[%swap3A_38, %swap3A_39, %swap3A_40], %swap3A_43 {strides = array<i32>} : memref<3x120x128xf32, #tpu.memory_space<vmem>>, vector<1x1x16xf32>,
      %broadcast_in_dim3A_44 = arith.constant 0.000000e+00 : f32
      %broadcast_in_dim3A_45 = vector.broadcast %broadcast_in_dim3A_44 : f32 to vector<16xf32>
      %swap3A_46 = arith.constant 0 : i32
      %swap3A_47 = arith.index_cast %swap3A_46 : i32 to index
      %swap3A_48 = arith.index_cast %add3A_27 : i32 to index
      %swap3A_49 = arith.constant 32 : index
      %swap3A_50 = tpu.vector_load %arg8[%swap3A_47, %swap3A_48, %swap3A_49] {strides = array<i32>} : memref<3x120x128xf32, #tpu.memory_space<vmem>>, vector<1x1x16xf32>,
      %swap3A_51 = vector.shape_cast %swap3A_50 : vector<1x1x16xf32> to vector<16xf32>
      %swap3A_52 = vector.shape_cast %broadcast_in_dim3A_45 : vector<16xf32> to vector<1x1x16xf32>
      tpu.vector_store %arg8[%swap3A_47, %swap3A_48, %swap3A_49], %swap3A_52 {strides = array<i32>} : memref<3x120x128xf32, #tpu.memory_space<vmem>>, vector<1x1x16xf32>,
      %broadcast_in_dim3A_53 = arith.constant 0.000000e+00 : f32
      %broadcast_in_dim3A_54 = vector.broadcast %broadcast_in_dim3A_53 : f32 to vector<16xf32>
      %swap3A_55 = arith.constant 0 : i32
      %swap3A_56 = arith.index_cast %swap3A_55 : i32 to index
      %swap3A_57 = arith.index_cast %add3A_27 : i32 to index
      %swap3A_58 = arith.constant 48 : index
      %swap3A_59 = tpu.vector_load %arg8[%swap3A_56, %swap3A_57, %swap3A_58] {strides = array<i32>} : memref<3x120x128xf32, #tpu.memory_space<vmem>>, vector<1x1x16xf32>,
      %swap3A_60 = vector.shape_cast %swap3A_59 : vector<1x1x16xf32> to vector<16xf32>
      %swap3A_61 = vector.shape_cast %broadcast_in_dim3A_54 : vector<16xf32> to vector<1x1x16xf32>
      tpu.vector_store %arg8[%swap3A_56, %swap3A_57, %swap3A_58], %swap3A_61 {strides = array<i32>} : memref<3x120x128xf32, #tpu.memory_space<vmem>>, vector<1x1x16xf32>,
      %broadcast_in_dim3A_62 = arith.constant 0.000000e+00 : f32
      %broadcast_in_dim3A_63 = vector.broadcast %broadcast_in_dim3A_62 : f32 to vector<16xf32>
      %swap3A_64 = arith.constant 0 : i32
      %swap3A_65 = arith.index_cast %swap3A_64 : i32 to index
      %swap3A_66 = arith.index_cast %add3A_27 : i32 to index
      %swap3A_67 = arith.constant 64 : index
      %swap3A_68 = tpu.vector_load %arg8[%swap3A_65, %swap3A_66, %swap3A_67] {strides = array<i32>} : memref<3x120x128xf32, #tpu.memory_space<vmem>>, vector<1x1x16xf32>,
      %swap3A_69 = vector.shape_cast %swap3A_68 : vector<1x1x16xf32> to vector<16xf32>
      %swap3A_70 = vector.shape_cast %broadcast_in_dim3A_63 : vector<16xf32> to vector<1x1x16xf32>
      tpu.vector_store %arg8[%swap3A_65, %swap3A_66, %swap3A_67], %swap3A_70 {strides = array<i32>} : memref<3x120x128xf32, #tpu.memory_space<vmem>>, vector<1x1x16xf32>,
      %broadcast_in_dim3A_71 = arith.constant 0.000000e+00 : f32
      %broadcast_in_dim3A_72 = vector.broadcast %broadcast_in_dim3A_71 : f32 to vector<16xf32>
      %swap3A_73 = arith.constant 0 : i32
      %swap3A_74 = arith.index_cast %swap3A_73 : i32 to index
      %swap3A_75 = arith.index_cast %add3A_27 : i32 to index
      %swap3A_76 = arith.constant 80 : index
      %swap3A_77 = tpu.vector_load %arg8[%swap3A_74, %swap3A_75, %swap3A_76] {strides = array<i32>} : memref<3x120x128xf32, #tpu.memory_space<vmem>>, vector<1x1x16xf32>,
      %swap3A_78 = vector.shape_cast %swap3A_77 : vector<1x1x16xf32> to vector<16xf32>
      %swap3A_79 = vector.shape_cast %broadcast_in_dim3A_72 : vector<16xf32> to vector<1x1x16xf32>
      tpu.vector_store %arg8[%swap3A_74, %swap3A_75, %swap3A_76], %swap3A_79 {strides = array<i32>} : memref<3x120x128xf32, #tpu.memory_space<vmem>>, vector<1x1x16xf32>,
      %broadcast_in_dim3A_80 = arith.constant 0.000000e+00 : f32
      %broadcast_in_dim3A_81 = vector.broadcast %broadcast_in_dim3A_80 : f32 to vector<16xf32>
      %swap3A_82 = arith.constant 0 : i32
      %swap3A_83 = arith.index_cast %swap3A_82 : i32 to index
      %swap3A_84 = arith.index_cast %add3A_27 : i32 to index
      %swap3A_85 = arith.constant 96 : index
      %swap3A_86 = tpu.vector_load %arg8[%swap3A_83, %swap3A_84, %swap3A_85] {strides = array<i32>} : memref<3x120x128xf32, #tpu.memory_space<vmem>>, vector<1x1x16xf32>,
      %swap3A_87 = vector.shape_cast %swap3A_86 : vector<1x1x16xf32> to vector<16xf32>
      %swap3A_88 = vector.shape_cast %broadcast_in_dim3A_81 : vector<16xf32> to vector<1x1x16xf32>
      tpu.vector_store %arg8[%swap3A_83, %swap3A_84, %swap3A_85], %swap3A_88 {strides = array<i32>} : memref<3x120x128xf32, #tpu.memory_space<vmem>>, vector<1x1x16xf32>,
      %broadcast_in_dim3A_89 = arith.constant 0.000000e+00 : f32
      %broadcast_in_dim3A_90 = vector.broadcast %broadcast_in_dim3A_89 : f32 to vector<16xf32>
      %swap3A_91 = arith.constant 0 : i32
      %swap3A_92 = arith.index_cast %swap3A_91 : i32 to index
      %swap3A_93 = arith.index_cast %add3A_27 : i32 to index
      %swap3A_94 = arith.constant 112 : index
      %swap3A_95 = tpu.vector_load %arg8[%swap3A_92, %swap3A_93, %swap3A_94] {strides = array<i32>} : memref<3x120x128xf32, #tpu.memory_space<vmem>>, vector<1x1x16xf32>,
      %swap3A_96 = vector.shape_cast %swap3A_95 : vector<1x1x16xf32> to vector<16xf32>
      %swap3A_97 = vector.shape_cast %broadcast_in_dim3A_90 : vector<16xf32> to vector<1x1x16xf32>
      tpu.vector_store %arg8[%swap3A_92, %swap3A_93, %swap3A_94], %swap3A_97 {strides = array<i32>} : memref<3x120x128xf32, #tpu.memory_space<vmem>>, vector<1x1x16xf32>,
    }
    %scan3A_3 = arith.constant 120 : i32
    %scan3A_4 = arith.constant 0 : i32
    %scan3A_5 = arith.constant 5 : i32
    %scan3A_6 = arith.addi %scan3A_4, %scan3A_5 : i32
    %scan3A_7 = arith.constant 1 : i32
    scf.for %scan3A_23 = %scan3A_4 to %scan3A_6 step %scan3A_7  : i32 {
      %mul3A_24 = arith.constant 1 : i32
      %mul3A_25 = arith.muli %scan3A_23, %mul3A_24 : i32
      %add3A_26 = arith.constant 0 : i32
      %add3A_27 = arith.addi %add3A_26, %mul3A_25 : i32
      %mul3A_28 = arith.constant 632 : i32
      %mul3A_29 = arith.muli %arg1, %mul3A_28 : i32
      %mul3A_30 = arith.constant 120 : i32
      %mul3A_31 = arith.muli %add3A_27, %mul3A_30 : i32
      %add3A_32 = arith.addi %mul3A_29, %mul3A_31 : i32
      %run_scoped3A_33 = arith.constant 0 : i32
      "tpu.region"() ({
        %run_scoped3A_34 = tpu.sem_alloc : memref<!tpu.dma_semaphore, #tpu.memory_space<semaphore_mem>>
        %dma_start3A = arith.constant 0 : i32
        %dma_start3A_35 = arith.constant 0 : i32
        %dma_start3A_36 = tpu.memref_slice %arg8[%run_scoped3A_33, %dma_start3A, %dma_start3A_35] : memref<3x120x128xf32, #tpu.memory_space<vmem>> -> memref<1x120x128xf32, #tpu.memory_space<vmem>>
        %dma_start3A_37 = tpu.memref_squeeze %dma_start3A_36 : memref<1x120x128xf32, #tpu.memory_space<vmem>> -> memref<120x128xf32, #tpu.memory_space<vmem>>
        %dma_start3A_38 = arith.constant 0 : i32
        %dma_start3A_39 = tpu.memref_slice %arg9[%add3A_32, %dma_start3A_38] : memref<10112x128xf32, #tpu.memory_space<vmem_shared>> -> memref<120x128xf32, #tpu.memory_space<vmem_shared>>
        %dma_start3A_40 = arith.constant 0 : i32
        %dma_start3A_41 = tpu.memref_slice %arg9[%add3A_32, %dma_start3A_40] : memref<10112x128xf32, #tpu.memory_space<vmem_shared>> -> memref<120x128xf32, #tpu.memory_space<vmem_shared>>
        %dma_start3A_42 = arith.constant 0 : i32
        %dma_start3A_43 = arith.constant 0 : i32
        %dma_start3A_44 = tpu.memref_slice %arg8[%run_scoped3A_33, %dma_start3A_42, %dma_start3A_43] : memref<3x120x128xf32, #tpu.memory_space<vmem>> -> memref<1x120x128xf32, #tpu.memory_space<vmem>>
        %dma_start3A_45 = tpu.memref_squeeze %dma_start3A_44 : memref<1x120x128xf32, #tpu.memory_space<vmem>> -> memref<120x128xf32, #tpu.memory_space<vmem>>
        tpu.enqueue_dma source(%dma_start3A_45 : memref<120x128xf32, #tpu.memory_space<vmem>>) target(%dma_start3A_41 : memref<120x128xf32, #tpu.memory_space<vmem_shared>>) target_semaphore(%run_scoped3A_34 : memref<!tpu.dma_semaphore, #tpu.memory_space<semaphore_mem>>)
        %dma_wait3A = arith.constant 0 : i32
        %dma_wait3A_46 = arith.constant 0 : i32
        %dma_wait3A_47 = tpu.memref_slice %arg8[%run_scoped3A_33, %dma_wait3A, %dma_wait3A_46] : memref<3x120x128xf32, #tpu.memory_space<vmem>> -> memref<1x120x128xf32, #tpu.memory_space<vmem>>
        %dma_wait3A_48 = tpu.memref_squeeze %dma_wait3A_47 : memref<1x120x128xf32, #tpu.memory_space<vmem>> -> memref<120x128xf32, #tpu.memory_space<vmem>>
        %dma_wait3A_49 = arith.constant 0 : i32
        %dma_wait3A_50 = tpu.memref_slice %arg9[%add3A_32, %dma_wait3A_49] : memref<10112x128xf32, #tpu.memory_space<vmem_shared>> -> memref<120x128xf32, #tpu.memory_space<vmem_shared>>
        %dma_wait3A_51 = arith.constant 0 : i32
        %dma_wait3A_52 = tpu.memref_slice %arg9[%add3A_32, %dma_wait3A_51] : memref<10112x128xf32, #tpu.memory_space<vmem_shared>> -> memref<120x128xf32, #tpu.memory_space<vmem_shared>>
        %dma_wait3A_53 = arith.constant 0 : i32
        %dma_wait3A_54 = arith.constant 0 : i32
        %dma_wait3A_55 = tpu.memref_slice %arg8[%run_scoped3A_33, %dma_wait3A_53, %dma_wait3A_54] : memref<3x120x128xf32, #tpu.memory_space<vmem>> -> memref<1x120x128xf32, #tpu.memory_space<vmem>>
        %dma_wait3A_56 = tpu.memref_squeeze %dma_wait3A_55 : memref<1x120x128xf32, #tpu.memory_space<vmem>> -> memref<120x128xf32, #tpu.memory_space<vmem>>
        tpu.wait_dma2 semaphore(%run_scoped3A_34 : memref<!tpu.dma_semaphore, #tpu.memory_space<semaphore_mem>>) src(%dma_wait3A_56 : memref<120x128xf32, #tpu.memory_space<vmem>>) dst(%dma_wait3A_52 : memref<120x128xf32, #tpu.memory_space<vmem_shared>>)
        tpu.yield
      }) : () -> ()
    }
    %scan3A_8 = arith.constant 5 : i32
    %mul3A = arith.constant 632 : i32
    %mul3A_9 = arith.muli %arg1, %mul3A : i32
    %add3A = arith.constant 600 : i32
    %add3A_10 = arith.addi %mul3A_9, %add3A : i32
    %run_scoped3A = arith.constant 0 : i32
    "tpu.region"() ({
      %run_scoped3A_23 = tpu.sem_alloc : memref<!tpu.dma_semaphore, #tpu.memory_space<semaphore_mem>>
      %dma_start3A = arith.constant 0 : i32
      %dma_start3A_24 = arith.constant 0 : i32
      %dma_start3A_25 = tpu.memref_slice %arg8[%run_scoped3A, %dma_start3A, %dma_start3A_24] : memref<3x120x128xf32, #tpu.memory_space<vmem>> -> memref<1x120x128xf32, #tpu.memory_space<vmem>>
      %dma_start3A_26 = tpu.memref_squeeze %dma_start3A_25 : memref<1x120x128xf32, #tpu.memory_space<vmem>> -> memref<120x128xf32, #tpu.memory_space<vmem>>
      %dma_start3A_27 = arith.constant 0 : i32
      %dma_start3A_28 = arith.constant 0 : i32
      %dma_start3A_29 = tpu.memref_slice %dma_start3A_26[%dma_start3A_27, %dma_start3A_28] : memref<120x128xf32, #tpu.memory_space<vmem>> -> memref<32x128xf32, #tpu.memory_space<vmem>>
      %dma_start3A_30 = arith.constant 0 : i32
      %dma_start3A_31 = tpu.memref_slice %arg9[%add3A_10, %dma_start3A_30] : memref<10112x128xf32, #tpu.memory_space<vmem_shared>> -> memref<32x128xf32, #tpu.memory_space<vmem_shared>>
      %dma_start3A_32 = arith.constant 0 : i32
      %dma_start3A_33 = tpu.memref_slice %arg9[%add3A_10, %dma_start3A_32] : memref<10112x128xf32, #tpu.memory_space<vmem_shared>> -> memref<32x128xf32, #tpu.memory_space<vmem_shared>>
      %dma_start3A_34 = arith.constant 0 : i32
      %dma_start3A_35 = arith.constant 0 : i32
      %dma_start3A_36 = tpu.memref_slice %arg8[%run_scoped3A, %dma_start3A_34, %dma_start3A_35] : memref<3x120x128xf32, #tpu.memory_space<vmem>> -> memref<1x120x128xf32, #tpu.memory_space<vmem>>
      %dma_start3A_37 = tpu.memref_squeeze %dma_start3A_36 : memref<1x120x128xf32, #tpu.memory_space<vmem>> -> memref<120x128xf32, #tpu.memory_space<vmem>>
      %dma_start3A_38 = arith.constant 0 : i32
      %dma_start3A_39 = arith.constant 0 : i32
      %dma_start3A_40 = tpu.memref_slice %dma_start3A_37[%dma_start3A_38, %dma_start3A_39] : memref<120x128xf32, #tpu.memory_space<vmem>> -> memref<32x128xf32, #tpu.memory_space<vmem>>
      tpu.enqueue_dma source(%dma_start3A_40 : memref<32x128xf32, #tpu.memory_space<vmem>>) target(%dma_start3A_33 : memref<32x128xf32, #tpu.memory_space<vmem_shared>>) target_semaphore(%run_scoped3A_23 : memref<!tpu.dma_semaphore, #tpu.memory_space<semaphore_mem>>)
      %dma_wait3A = arith.constant 0 : i32
      %dma_wait3A_41 = arith.constant 0 : i32
      %dma_wait3A_42 = tpu.memref_slice %arg8[%run_scoped3A, %dma_wait3A, %dma_wait3A_41] : memref<3x120x128xf32, #tpu.memory_space<vmem>> -> memref<1x120x128xf32, #tpu.memory_space<vmem>>
      %dma_wait3A_43 = tpu.memref_squeeze %dma_wait3A_42 : memref<1x120x128xf32, #tpu.memory_space<vmem>> -> memref<120x128xf32, #tpu.memory_space<vmem>>
      %dma_wait3A_44 = arith.constant 0 : i32
      %dma_wait3A_45 = arith.constant 0 : i32
      %dma_wait3A_46 = tpu.memref_slice %dma_wait3A_43[%dma_wait3A_44, %dma_wait3A_45] : memref<120x128xf32, #tpu.memory_space<vmem>> -> memref<32x128xf32, #tpu.memory_space<vmem>>
      %dma_wait3A_47 = arith.constant 0 : i32
      %dma_wait3A_48 = tpu.memref_slice %arg9[%add3A_10, %dma_wait3A_47] : memref<10112x128xf32, #tpu.memory_space<vmem_shared>> -> memref<32x128xf32, #tpu.memory_space<vmem_shared>>
      %dma_wait3A_49 = arith.constant 0 : i32
      %dma_wait3A_50 = tpu.memref_slice %arg9[%add3A_10, %dma_wait3A_49] : memref<10112x128xf32, #tpu.memory_space<vmem_shared>> -> memref<32x128xf32, #tpu.memory_space<vmem_shared>>
      %dma_wait3A_51 = arith.constant 0 : i32
      %dma_wait3A_52 = arith.constant 0 : i32
      %dma_wait3A_53 = tpu.memref_slice %arg8[%run_scoped3A, %dma_wait3A_51, %dma_wait3A_52] : memref<3x120x128xf32, #tpu.memory_space<vmem>> -> memref<1x120x128xf32, #tpu.memory_space<vmem>>
      %dma_wait3A_54 = tpu.memref_squeeze %dma_wait3A_53 : memref<1x120x128xf32, #tpu.memory_space<vmem>> -> memref<120x128xf32, #tpu.memory_space<vmem>>
      %dma_wait3A_55 = arith.constant 0 : i32
      %dma_wait3A_56 = arith.constant 0 : i32
      %dma_wait3A_57 = tpu.memref_slice %dma_wait3A_54[%dma_wait3A_55, %dma_wait3A_56] : memref<120x128xf32, #tpu.memory_space<vmem>> -> memref<32x128xf32, #tpu.memory_space<vmem>>
      tpu.wait_dma2 semaphore(%run_scoped3A_23 : memref<!tpu.dma_semaphore, #tpu.memory_space<semaphore_mem>>) src(%dma_wait3A_57 : memref<32x128xf32, #tpu.memory_space<vmem>>) dst(%dma_wait3A_50 : memref<32x128xf32, #tpu.memory_space<vmem_shared>>)
      tpu.yield
    }) : () -> ()
    %barrier3A = arith.constant 0 : index
    tpu.barrier barrier_id(%barrier3A)
    %eq3A = arith.constant 0 : i32
    %eq3A_11 = arith.cmpi eq, %arg0, %eq3A : i32
    %convert_element_type3A = arith.extui %eq3A_11 : i1 to i32
    %cond3A = arith.constant 0 : i32
    %cond3A_12 = arith.cmpi ne, %convert_element_type3A, %cond3A : i32
    scf.if %cond3A_12 {
      %mul3A_23 = arith.constant 138 : i32
      %mul3A_24 = arith.muli %arg1, %mul3A_23 : i32
      %add3A_25 = arith.constant 0 : i32
      %add3A_26 = arith.addi %mul3A_24, %add3A_25 : i32
      %run_scoped3A_27 = arith.constant 0 : i32
      "tpu.region"() ({
        %run_scoped3A_205 = tpu.sem_alloc : memref<!tpu.dma_semaphore, #tpu.memory_space<semaphore_mem>>
        %dma_start3A_206 = arith.constant 0 : i32
        %dma_start3A_207 = tpu.memref_slice %arg6[%run_scoped3A_27, %dma_start3A_206] : memref<3x120xi32, #tpu.memory_space<vmem>> -> memref<1x120xi32, #tpu.memory_space<vmem>>
        %dma_start3A_208 = tpu.memref_squeeze %dma_start3A_207 : memref<1x120xi32, #tpu.memory_space<vmem>> -> memref<120xi32, #tpu.memory_space<vmem>>
        %dma_start3A_209 = arith.constant 0 : i32
        %dma_start3A_210 = tpu.memref_slice %arg2[%add3A_26, %dma_start3A_209] : memref<2688x120xi32, #tpu.memory_space<hbm>> -> memref<1x120xi32, #tpu.memory_space<hbm>>
        %dma_start3A_211 = tpu.memref_squeeze %dma_start3A_210 : memref<1x120xi32, #tpu.memory_space<hbm>> -> memref<120xi32, #tpu.memory_space<hbm>>
        %dma_start3A_212 = arith.constant 0 : i32
        %dma_start3A_213 = tpu.memref_slice %arg6[%run_scoped3A_27, %dma_start3A_212] : memref<3x120xi32, #tpu.memory_space<vmem>> -> memref<1x120xi32, #tpu.memory_space<vmem>>
        %dma_start3A_214 = tpu.memref_squeeze %dma_start3A_213 : memref<1x120xi32, #tpu.memory_space<vmem>> -> memref<120xi32, #tpu.memory_space<vmem>>
        %dma_start3A_215 = arith.constant 0 : i32
        %dma_start3A_216 = tpu.memref_slice %arg2[%add3A_26, %dma_start3A_215] : memref<2688x120xi32, #tpu.memory_space<hbm>> -> memref<1x120xi32, #tpu.memory_space<hbm>>
        %dma_start3A_217 = tpu.memref_squeeze %dma_start3A_216 : memref<1x120xi32, #tpu.memory_space<hbm>> -> memref<120xi32, #tpu.memory_space<hbm>>
        tpu.enqueue_dma source(%dma_start3A_217 : memref<120xi32, #tpu.memory_space<hbm>>) target(%dma_start3A_214 : memref<120xi32, #tpu.memory_space<vmem>>) target_semaphore(%run_scoped3A_205 : memref<!tpu.dma_semaphore, #tpu.memory_space<semaphore_mem>>)
        %dma_wait3A_218 = arith.constant 0 : i32
        %dma_wait3A_219 = tpu.memref_slice %arg6[%run_scoped3A_27, %dma_wait3A_218] : memref<3x120xi32, #tpu.memory_space<vmem>> -> memref<1x120xi32, #tpu.memory_space<vmem>>
        %dma_wait3A_220 = tpu.memref_squeeze %dma_wait3A_219 : memref<1x120xi32, #tpu.memory_space<vmem>> -> memref<120xi32, #tpu.memory_space<vmem>>
        %dma_wait3A_221 = arith.constant 0 : i32
        %dma_wait3A_222 = tpu.memref_slice %arg2[%add3A_26, %dma_wait3A_221] : memref<2688x120xi32, #tpu.memory_space<hbm>> -> memref<1x120xi32, #tpu.memory_space<hbm>>
        %dma_wait3A_223 = tpu.memref_squeeze %dma_wait3A_222 : memref<1x120xi32, #tpu.memory_space<hbm>> -> memref<120xi32, #tpu.memory_space<hbm>>
        %dma_wait3A_224 = arith.constant 0 : i32
        %dma_wait3A_225 = tpu.memref_slice %arg6[%run_scoped3A_27, %dma_wait3A_224] : memref<3x120xi32, #tpu.memory_space<vmem>> -> memref<1x120xi32, #tpu.memory_space<vmem>>
        %dma_wait3A_226 = tpu.memref_squeeze %dma_wait3A_225 : memref<1x120xi32, #tpu.memory_space<vmem>> -> memref<120xi32, #tpu.memory_space<vmem>>
        %dma_wait3A_227 = arith.constant 0 : i32
        %dma_wait3A_228 = tpu.memref_slice %arg2[%add3A_26, %dma_wait3A_227] : memref<2688x120xi32, #tpu.memory_space<hbm>> -> memref<1x120xi32, #tpu.memory_space<hbm>>
        %dma_wait3A_229 = tpu.memref_squeeze %dma_wait3A_228 : memref<1x120xi32, #tpu.memory_space<hbm>> -> memref<120xi32, #tpu.memory_space<hbm>>
        tpu.wait_dma2 semaphore(%run_scoped3A_205 : memref<!tpu.dma_semaphore, #tpu.memory_space<semaphore_mem>>) src(%dma_wait3A_229 : memref<120xi32, #tpu.memory_space<hbm>>) dst(%dma_wait3A_226 : memref<120xi32, #tpu.memory_space<vmem>>)
        tpu.yield
      }) : () -> ()
      %add3A_28 = arith.constant 0 : i32
      %add3A_29 = arith.addi %mul3A_24, %add3A_28 : i32
      %dma_start3A = arith.constant 0 : i32
      %dma_start3A_30 = arith.constant 0 : i32
      %dma_start3A_31 = tpu.memref_slice %arg7[%dma_start3A, %dma_start3A_30] : memref<3x120xi32, #tpu.memory_space<vmem>> -> memref<1x120xi32, #tpu.memory_space<vmem>>
      %dma_start3A_32 = tpu.memref_squeeze %dma_start3A_31 : memref<1x120xi32, #tpu.memory_space<vmem>> -> memref<120xi32, #tpu.memory_space<vmem>>
      %dma_start3A_33 = arith.constant 0 : i32
      %dma_start3A_34 = tpu.memref_slice %arg3[%add3A_29, %dma_start3A_33] : memref<2688x120xi32, #tpu.memory_space<hbm>> -> memref<1x120xi32, #tpu.memory_space<hbm>>
      %dma_start3A_35 = tpu.memref_squeeze %dma_start3A_34 : memref<1x120xi32, #tpu.memory_space<hbm>> -> memref<120xi32, #tpu.memory_space<hbm>>
      %dma_start3A_36 = arith.constant 0 : i32
      %dma_start3A_37 = tpu.memref_slice %arg7[%dma_start3A, %dma_start3A_36] : memref<3x120xi32, #tpu.memory_space<vmem>> -> memref<1x120xi32, #tpu.memory_space<vmem>>
      %dma_start3A_38 = tpu.memref_squeeze %dma_start3A_37 : memref<1x120xi32, #tpu.memory_space<vmem>> -> memref<120xi32, #tpu.memory_space<vmem>>
      %dma_start3A_39 = arith.constant 0 : i32
      %dma_start3A_40 = tpu.memref_slice %arg3[%add3A_29, %dma_start3A_39] : memref<2688x120xi32, #tpu.memory_space<hbm>> -> memref<1x120xi32, #tpu.memory_space<hbm>>
      %dma_start3A_41 = tpu.memref_squeeze %dma_start3A_40 : memref<1x120xi32, #tpu.memory_space<hbm>> -> memref<120xi32, #tpu.memory_space<hbm>>
      tpu.enqueue_dma source(%dma_start3A_41 : memref<120xi32, #tpu.memory_space<hbm>>) target(%dma_start3A_38 : memref<120xi32, #tpu.memory_space<vmem>>) target_semaphore(%arg16 : memref<!tpu.dma_semaphore, #tpu.memory_space<semaphore_mem>>)
      %dma_start3A_42 = arith.constant 0 : i32
      %dma_start3A_43 = arith.constant 0 : i32
      %dma_start3A_44 = arith.constant 0 : i32
      %dma_start3A_45 = arith.constant 0 : i32
      %dma_start3A_46 = tpu.memref_slice %arg8[%dma_start3A_43, %dma_start3A_44, %dma_start3A_45] : memref<3x120x128xf32, #tpu.memory_space<vmem>> -> memref<1x120x128xf32, #tpu.memory_space<vmem>>
      %dma_start3A_47 = tpu.memref_squeeze %dma_start3A_46 : memref<1x120x128xf32, #tpu.memory_space<vmem>> -> memref<120x128xf32, #tpu.memory_space<vmem>>
      %dma_start3A_48 = arith.constant 0 : i32
      %dma_start3A_49 = tpu.memref_slice %arg6[%dma_start3A_42, %dma_start3A_48] : memref<3x120xi32, #tpu.memory_space<vmem>> -> memref<1x120xi32, #tpu.memory_space<vmem>>
      %dma_start3A_50 = tpu.memref_squeeze %dma_start3A_49 : memref<1x120xi32, #tpu.memory_space<vmem>> -> memref<120xi32, #tpu.memory_space<vmem>>
      %dma_start3A_51 = arith.constant 0 : i32
      %dma_start3A_52 = arith.constant 0 : i32
      %dma_start3A_53 = tpu.memref_slice %arg4[%dma_start3A_51, %dma_start3A_52] : memref<80000x128xf32, #tpu.memory_space<hbm>> -> memref<80000x128xf32, #tpu.memory_space<hbm>>
      tpu.enqueue_indirect_dma source(%dma_start3A_53 : memref<80000x128xf32, #tpu.memory_space<hbm>>) target(%dma_start3A_47 : memref<120x128xf32, #tpu.memory_space<vmem>>) offsets(%dma_start3A_50 : memref<120xi32, #tpu.memory_space<vmem>>) semaphore(%arg10 : memref<!tpu.dma_semaphore, #tpu.memory_space<semaphore_mem>>)
      %add3A_54 = arith.constant 1 : i32
      %add3A_55 = arith.addi %mul3A_24, %add3A_54 : i32
      %run_scoped3A_56 = arith.constant 1 : i32
      "tpu.region"() ({
        %run_scoped3A_205 = tpu.sem_alloc : memref<!tpu.dma_semaphore, #tpu.memory_space<semaphore_mem>>
        %dma_start3A_206 = arith.constant 0 : i32
        %dma_start3A_207 = tpu.memref_slice %arg6[%run_scoped3A_56, %dma_start3A_206] : memref<3x120xi32, #tpu.memory_space<vmem>> -> memref<1x120xi32, #tpu.memory_space<vmem>>
        %dma_start3A_208 = tpu.memref_squeeze %dma_start3A_207 : memref<1x120xi32, #tpu.memory_space<vmem>> -> memref<120xi32, #tpu.memory_space<vmem>>
        %dma_start3A_209 = arith.constant 0 : i32
        %dma_start3A_210 = tpu.memref_slice %arg2[%add3A_55, %dma_start3A_209] : memref<2688x120xi32, #tpu.memory_space<hbm>> -> memref<1x120xi32, #tpu.memory_space<hbm>>
        %dma_start3A_211 = tpu.memref_squeeze %dma_start3A_210 : memref<1x120xi32, #tpu.memory_space<hbm>> -> memref<120xi32, #tpu.memory_space<hbm>>
        %dma_start3A_212 = arith.constant 0 : i32
        %dma_start3A_213 = tpu.memref_slice %arg6[%run_scoped3A_56, %dma_start3A_212] : memref<3x120xi32, #tpu.memory_space<vmem>> -> memref<1x120xi32, #tpu.memory_space<vmem>>
        %dma_start3A_214 = tpu.memref_squeeze %dma_start3A_213 : memref<1x120xi32, #tpu.memory_space<vmem>> -> memref<120xi32, #tpu.memory_space<vmem>>
        %dma_start3A_215 = arith.constant 0 : i32
        %dma_start3A_216 = tpu.memref_slice %arg2[%add3A_55, %dma_start3A_215] : memref<2688x120xi32, #tpu.memory_space<hbm>> -> memref<1x120xi32, #tpu.memory_space<hbm>>
        %dma_start3A_217 = tpu.memref_squeeze %dma_start3A_216 : memref<1x120xi32, #tpu.memory_space<hbm>> -> memref<120xi32, #tpu.memory_space<hbm>>
        tpu.enqueue_dma source(%dma_start3A_217 : memref<120xi32, #tpu.memory_space<hbm>>) target(%dma_start3A_214 : memref<120xi32, #tpu.memory_space<vmem>>) target_semaphore(%run_scoped3A_205 : memref<!tpu.dma_semaphore, #tpu.memory_space<semaphore_mem>>)
        %dma_wait3A_218 = arith.constant 0 : i32
        %dma_wait3A_219 = tpu.memref_slice %arg6[%run_scoped3A_56, %dma_wait3A_218] : memref<3x120xi32, #tpu.memory_space<vmem>> -> memref<1x120xi32, #tpu.memory_space<vmem>>
        %dma_wait3A_220 = tpu.memref_squeeze %dma_wait3A_219 : memref<1x120xi32, #tpu.memory_space<vmem>> -> memref<120xi32, #tpu.memory_space<vmem>>
        %dma_wait3A_221 = arith.constant 0 : i32
        %dma_wait3A_222 = tpu.memref_slice %arg2[%add3A_55, %dma_wait3A_221] : memref<2688x120xi32, #tpu.memory_space<hbm>> -> memref<1x120xi32, #tpu.memory_space<hbm>>
        %dma_wait3A_223 = tpu.memref_squeeze %dma_wait3A_222 : memref<1x120xi32, #tpu.memory_space<hbm>> -> memref<120xi32, #tpu.memory_space<hbm>>
        %dma_wait3A_224 = arith.constant 0 : i32
        %dma_wait3A_225 = tpu.memref_slice %arg6[%run_scoped3A_56, %dma_wait3A_224] : memref<3x120xi32, #tpu.memory_space<vmem>> -> memref<1x120xi32, #tpu.memory_space<vmem>>
        %dma_wait3A_226 = tpu.memref_squeeze %dma_wait3A_225 : memref<1x120xi32, #tpu.memory_space<vmem>> -> memref<120xi32, #tpu.memory_space<vmem>>
        %dma_wait3A_227 = arith.constant 0 : i32
        %dma_wait3A_228 = tpu.memref_slice %arg2[%add3A_55, %dma_wait3A_227] : memref<2688x120xi32, #tpu.memory_space<hbm>> -> memref<1x120xi32, #tpu.memory_space<hbm>>
        %dma_wait3A_229 = tpu.memref_squeeze %dma_wait3A_228 : memref<1x120xi32, #tpu.memory_space<hbm>> -> memref<120xi32, #tpu.memory_space<hbm>>
        tpu.wait_dma2 semaphore(%run_scoped3A_205 : memref<!tpu.dma_semaphore, #tpu.memory_space<semaphore_mem>>) src(%dma_wait3A_229 : memref<120xi32, #tpu.memory_space<hbm>>) dst(%dma_wait3A_226 : memref<120xi32, #tpu.memory_space<vmem>>)
        tpu.yield
      }) : () -> ()
      %add3A_57 = arith.constant 1 : i32
      %add3A_58 = arith.addi %mul3A_24, %add3A_57 : i32
      %dma_start3A_59 = arith.constant 1 : i32
      %dma_start3A_60 = arith.constant 0 : i32
      %dma_start3A_61 = tpu.memref_slice %arg7[%dma_start3A_59, %dma_start3A_60] : memref<3x120xi32, #tpu.memory_space<vmem>> -> memref<1x120xi32, #tpu.memory_space<vmem>>
      %dma_start3A_62 = tpu.memref_squeeze %dma_start3A_61 : memref<1x120xi32, #tpu.memory_space<vmem>> -> memref<120xi32, #tpu.memory_space<vmem>>
      %dma_start3A_63 = arith.constant 0 : i32
      %dma_start3A_64 = tpu.memref_slice %arg3[%add3A_58, %dma_start3A_63] : memref<2688x120xi32, #tpu.memory_space<hbm>> -> memref<1x120xi32, #tpu.memory_space<hbm>>
      %dma_start3A_65 = tpu.memref_squeeze %dma_start3A_64 : memref<1x120xi32, #tpu.memory_space<hbm>> -> memref<120xi32, #tpu.memory_space<hbm>>
      %dma_start3A_66 = arith.constant 0 : i32
      %dma_start3A_67 = tpu.memref_slice %arg7[%dma_start3A_59, %dma_start3A_66] : memref<3x120xi32, #tpu.memory_space<vmem>> -> memref<1x120xi32, #tpu.memory_space<vmem>>
      %dma_start3A_68 = tpu.memref_squeeze %dma_start3A_67 : memref<1x120xi32, #tpu.memory_space<vmem>> -> memref<120xi32, #tpu.memory_space<vmem>>
      %dma_start3A_69 = arith.constant 0 : i32
      %dma_start3A_70 = tpu.memref_slice %arg3[%add3A_58, %dma_start3A_69] : memref<2688x120xi32, #tpu.memory_space<hbm>> -> memref<1x120xi32, #tpu.memory_space<hbm>>
      %dma_start3A_71 = tpu.memref_squeeze %dma_start3A_70 : memref<1x120xi32, #tpu.memory_space<hbm>> -> memref<120xi32, #tpu.memory_space<hbm>>
      tpu.enqueue_dma source(%dma_start3A_71 : memref<120xi32, #tpu.memory_space<hbm>>) target(%dma_start3A_68 : memref<120xi32, #tpu.memory_space<vmem>>) target_semaphore(%arg17 : memref<!tpu.dma_semaphore, #tpu.memory_space<semaphore_mem>>)
      %dma_start3A_72 = arith.constant 1 : i32
      %dma_start3A_73 = arith.constant 1 : i32
      %dma_start3A_74 = arith.constant 0 : i32
      %dma_start3A_75 = arith.constant 0 : i32
      %dma_start3A_76 = tpu.memref_slice %arg8[%dma_start3A_73, %dma_start3A_74, %dma_start3A_75] : memref<3x120x128xf32, #tpu.memory_space<vmem>> -> memref<1x120x128xf32, #tpu.memory_space<vmem>>
      %dma_start3A_77 = tpu.memref_squeeze %dma_start3A_76 : memref<1x120x128xf32, #tpu.memory_space<vmem>> -> memref<120x128xf32, #tpu.memory_space<vmem>>
      %dma_start3A_78 = arith.constant 0 : i32
      %dma_start3A_79 = tpu.memref_slice %arg6[%dma_start3A_72, %dma_start3A_78] : memref<3x120xi32, #tpu.memory_space<vmem>> -> memref<1x120xi32, #tpu.memory_space<vmem>>
      %dma_start3A_80 = tpu.memref_squeeze %dma_start3A_79 : memref<1x120xi32, #tpu.memory_space<vmem>> -> memref<120xi32, #tpu.memory_space<vmem>>
      %dma_start3A_81 = arith.constant 0 : i32
      %dma_start3A_82 = arith.constant 0 : i32
      %dma_start3A_83 = tpu.memref_slice %arg4[%dma_start3A_81, %dma_start3A_82] : memref<80000x128xf32, #tpu.memory_space<hbm>> -> memref<80000x128xf32, #tpu.memory_space<hbm>>
      tpu.enqueue_indirect_dma source(%dma_start3A_83 : memref<80000x128xf32, #tpu.memory_space<hbm>>) target(%dma_start3A_77 : memref<120x128xf32, #tpu.memory_space<vmem>>) offsets(%dma_start3A_80 : memref<120xi32, #tpu.memory_space<vmem>>) semaphore(%arg11 : memref<!tpu.dma_semaphore, #tpu.memory_space<semaphore_mem>>)
      %add3A_84 = arith.constant 2 : i32
      %add3A_85 = arith.addi %mul3A_24, %add3A_84 : i32
      %run_scoped3A_86 = arith.constant 2 : i32
      "tpu.region"() ({
        %run_scoped3A_205 = tpu.sem_alloc : memref<!tpu.dma_semaphore, #tpu.memory_space<semaphore_mem>>
        %dma_start3A_206 = arith.constant 0 : i32
        %dma_start3A_207 = tpu.memref_slice %arg6[%run_scoped3A_86, %dma_start3A_206] : memref<3x120xi32, #tpu.memory_space<vmem>> -> memref<1x120xi32, #tpu.memory_space<vmem>>
        %dma_start3A_208 = tpu.memref_squeeze %dma_start3A_207 : memref<1x120xi32, #tpu.memory_space<vmem>> -> memref<120xi32, #tpu.memory_space<vmem>>
        %dma_start3A_209 = arith.constant 0 : i32
        %dma_start3A_210 = tpu.memref_slice %arg2[%add3A_85, %dma_start3A_209] : memref<2688x120xi32, #tpu.memory_space<hbm>> -> memref<1x120xi32, #tpu.memory_space<hbm>>
        %dma_start3A_211 = tpu.memref_squeeze %dma_start3A_210 : memref<1x120xi32, #tpu.memory_space<hbm>> -> memref<120xi32, #tpu.memory_space<hbm>>
        %dma_start3A_212 = arith.constant 0 : i32
        %dma_start3A_213 = tpu.memref_slice %arg6[%run_scoped3A_86, %dma_start3A_212] : memref<3x120xi32, #tpu.memory_space<vmem>> -> memref<1x120xi32, #tpu.memory_space<vmem>>
        %dma_start3A_214 = tpu.memref_squeeze %dma_start3A_213 : memref<1x120xi32, #tpu.memory_space<vmem>> -> memref<120xi32, #tpu.memory_space<vmem>>
        %dma_start3A_215 = arith.constant 0 : i32
        %dma_start3A_216 = tpu.memref_slice %arg2[%add3A_85, %dma_start3A_215] : memref<2688x120xi32, #tpu.memory_space<hbm>> -> memref<1x120xi32, #tpu.memory_space<hbm>>
        %dma_start3A_217 = tpu.memref_squeeze %dma_start3A_216 : memref<1x120xi32, #tpu.memory_space<hbm>> -> memref<120xi32, #tpu.memory_space<hbm>>
        tpu.enqueue_dma source(%dma_start3A_217 : memref<120xi32, #tpu.memory_space<hbm>>) target(%dma_start3A_214 : memref<120xi32, #tpu.memory_space<vmem>>) target_semaphore(%run_scoped3A_205 : memref<!tpu.dma_semaphore, #tpu.memory_space<semaphore_mem>>)
        %dma_wait3A_218 = arith.constant 0 : i32
        %dma_wait3A_219 = tpu.memref_slice %arg6[%run_scoped3A_86, %dma_wait3A_218] : memref<3x120xi32, #tpu.memory_space<vmem>> -> memref<1x120xi32, #tpu.memory_space<vmem>>
        %dma_wait3A_220 = tpu.memref_squeeze %dma_wait3A_219 : memref<1x120xi32, #tpu.memory_space<vmem>> -> memref<120xi32, #tpu.memory_space<vmem>>
        %dma_wait3A_221 = arith.constant 0 : i32
        %dma_wait3A_222 = tpu.memref_slice %arg2[%add3A_85, %dma_wait3A_221] : memref<2688x120xi32, #tpu.memory_space<hbm>> -> memref<1x120xi32, #tpu.memory_space<hbm>>
        %dma_wait3A_223 = tpu.memref_squeeze %dma_wait3A_222 : memref<1x120xi32, #tpu.memory_space<hbm>> -> memref<120xi32, #tpu.memory_space<hbm>>
        %dma_wait3A_224 = arith.constant 0 : i32
        %dma_wait3A_225 = tpu.memref_slice %arg6[%run_scoped3A_86, %dma_wait3A_224] : memref<3x120xi32, #tpu.memory_space<vmem>> -> memref<1x120xi32, #tpu.memory_space<vmem>>
        %dma_wait3A_226 = tpu.memref_squeeze %dma_wait3A_225 : memref<1x120xi32, #tpu.memory_space<vmem>> -> memref<120xi32, #tpu.memory_space<vmem>>
        %dma_wait3A_227 = arith.constant 0 : i32
        %dma_wait3A_228 = tpu.memref_slice %arg2[%add3A_85, %dma_wait3A_227] : memref<2688x120xi32, #tpu.memory_space<hbm>> -> memref<1x120xi32, #tpu.memory_space<hbm>>
        %dma_wait3A_229 = tpu.memref_squeeze %dma_wait3A_228 : memref<1x120xi32, #tpu.memory_space<hbm>> -> memref<120xi32, #tpu.memory_space<hbm>>
        tpu.wait_dma2 semaphore(%run_scoped3A_205 : memref<!tpu.dma_semaphore, #tpu.memory_space<semaphore_mem>>) src(%dma_wait3A_229 : memref<120xi32, #tpu.memory_space<hbm>>) dst(%dma_wait3A_226 : memref<120xi32, #tpu.memory_space<vmem>>)
        tpu.yield
      }) : () -> ()
      %add3A_87 = arith.constant 2 : i32
      %add3A_88 = arith.addi %mul3A_24, %add3A_87 : i32
      %dma_start3A_89 = arith.constant 2 : i32
      %dma_start3A_90 = arith.constant 0 : i32
      %dma_start3A_91 = tpu.memref_slice %arg7[%dma_start3A_89, %dma_start3A_90] : memref<3x120xi32, #tpu.memory_space<vmem>> -> memref<1x120xi32, #tpu.memory_space<vmem>>
      %dma_start3A_92 = tpu.memref_squeeze %dma_start3A_91 : memref<1x120xi32, #tpu.memory_space<vmem>> -> memref<120xi32, #tpu.memory_space<vmem>>
      %dma_start3A_93 = arith.constant 0 : i32
      %dma_start3A_94 = tpu.memref_slice %arg3[%add3A_88, %dma_start3A_93] : memref<2688x120xi32, #tpu.memory_space<hbm>> -> memref<1x120xi32, #tpu.memory_space<hbm>>
      %dma_start3A_95 = tpu.memref_squeeze %dma_start3A_94 : memref<1x120xi32, #tpu.memory_space<hbm>> -> memref<120xi32, #tpu.memory_space<hbm>>
      %dma_start3A_96 = arith.constant 0 : i32
      %dma_start3A_97 = tpu.memref_slice %arg7[%dma_start3A_89, %dma_start3A_96] : memref<3x120xi32, #tpu.memory_space<vmem>> -> memref<1x120xi32, #tpu.memory_space<vmem>>
      %dma_start3A_98 = tpu.memref_squeeze %dma_start3A_97 : memref<1x120xi32, #tpu.memory_space<vmem>> -> memref<120xi32, #tpu.memory_space<vmem>>
      %dma_start3A_99 = arith.constant 0 : i32
      %dma_start3A_100 = tpu.memref_slice %arg3[%add3A_88, %dma_start3A_99] : memref<2688x120xi32, #tpu.memory_space<hbm>> -> memref<1x120xi32, #tpu.memory_space<hbm>>
      %dma_start3A_101 = tpu.memref_squeeze %dma_start3A_100 : memref<1x120xi32, #tpu.memory_space<hbm>> -> memref<120xi32, #tpu.memory_space<hbm>>
      tpu.enqueue_dma source(%dma_start3A_101 : memref<120xi32, #tpu.memory_space<hbm>>) target(%dma_start3A_98 : memref<120xi32, #tpu.memory_space<vmem>>) target_semaphore(%arg18 : memref<!tpu.dma_semaphore, #tpu.memory_space<semaphore_mem>>)
      %dma_start3A_102 = arith.constant 2 : i32
      %dma_start3A_103 = arith.constant 2 : i32
      %dma_start3A_104 = arith.constant 0 : i32
      %dma_start3A_105 = arith.constant 0 : i32
      %dma_start3A_106 = tpu.memref_slice %arg8[%dma_start3A_103, %dma_start3A_104, %dma_start3A_105] : memref<3x120x128xf32, #tpu.memory_space<vmem>> -> memref<1x120x128xf32, #tpu.memory_space<vmem>>
      %dma_start3A_107 = tpu.memref_squeeze %dma_start3A_106 : memref<1x120x128xf32, #tpu.memory_space<vmem>> -> memref<120x128xf32, #tpu.memory_space<vmem>>
      %dma_start3A_108 = arith.constant 0 : i32
      %dma_start3A_109 = tpu.memref_slice %arg6[%dma_start3A_102, %dma_start3A_108] : memref<3x120xi32, #tpu.memory_space<vmem>> -> memref<1x120xi32, #tpu.memory_space<vmem>>
      %dma_start3A_110 = tpu.memref_squeeze %dma_start3A_109 : memref<1x120xi32, #tpu.memory_space<vmem>> -> memref<120xi32, #tpu.memory_space<vmem>>
      %dma_start3A_111 = arith.constant 0 : i32
      %dma_start3A_112 = arith.constant 0 : i32
      %dma_start3A_113 = tpu.memref_slice %arg4[%dma_start3A_111, %dma_start3A_112] : memref<80000x128xf32, #tpu.memory_space<hbm>> -> memref<80000x128xf32, #tpu.memory_space<hbm>>
      tpu.enqueue_indirect_dma source(%dma_start3A_113 : memref<80000x128xf32, #tpu.memory_space<hbm>>) target(%dma_start3A_107 : memref<120x128xf32, #tpu.memory_space<vmem>>) offsets(%dma_start3A_110 : memref<120xi32, #tpu.memory_space<vmem>>) semaphore(%arg12 : memref<!tpu.dma_semaphore, #tpu.memory_space<semaphore_mem>>)
      %scan3A_114 = arith.constant 0 : i32
      %scan3A_115 = arith.constant 45 : i32
      %scan3A_116 = arith.addi %scan3A_114, %scan3A_115 : i32
      %scan3A_117 = arith.constant 1 : i32
      scf.for %scan3A_205 = %scan3A_114 to %scan3A_116 step %scan3A_117  : i32 {
        %mul3A_206 = arith.constant 3 : i32
        %mul3A_207 = arith.muli %scan3A_205, %mul3A_206 : i32
        %add3A_208 = arith.constant 0 : i32
        %add3A_209 = arith.addi %add3A_208, %mul3A_207 : i32
        %add3A_210 = arith.constant 0 : i32
        %add3A_211 = arith.addi %add3A_209, %add3A_210 : i32
        %dma_wait3A_212 = arith.constant 0 : i32
        %dma_wait3A_213 = arith.constant 0 : i32
        %dma_wait3A_214 = arith.constant 0 : i32
        %dma_wait3A_215 = arith.constant 0 : i32
        %dma_wait3A_216 = tpu.memref_slice %arg8[%dma_wait3A_213, %dma_wait3A_214, %dma_wait3A_215] : memref<3x120x128xf32, #tpu.memory_space<vmem>> -> memref<1x120x128xf32, #tpu.memory_space<vmem>>
        %dma_wait3A_217 = tpu.memref_squeeze %dma_wait3A_216 : memref<1x120x128xf32, #tpu.memory_space<vmem>> -> memref<120x128xf32, #tpu.memory_space<vmem>>
        %dma_wait3A_218 = arith.constant 0 : i32
        %dma_wait3A_219 = tpu.memref_slice %arg6[%dma_wait3A_212, %dma_wait3A_218] : memref<3x120xi32, #tpu.memory_space<vmem>> -> memref<1x120xi32, #tpu.memory_space<vmem>>
        %dma_wait3A_220 = tpu.memref_squeeze %dma_wait3A_219 : memref<1x120xi32, #tpu.memory_space<vmem>> -> memref<120xi32, #tpu.memory_space<vmem>>
        %dma_wait3A_221 = arith.constant 0 : i32
        %dma_wait3A_222 = arith.constant 0 : i32
        %dma_wait3A_223 = tpu.memref_slice %arg4[%dma_wait3A_221, %dma_wait3A_222] : memref<80000x128xf32, #tpu.memory_space<hbm>> -> memref<80000x128xf32, #tpu.memory_space<hbm>>
        tpu.wait_indirect_dma semaphore(%arg10 : memref<!tpu.dma_semaphore, #tpu.memory_space<semaphore_mem>>) src(%dma_wait3A_223 : memref<80000x128xf32, #tpu.memory_space<hbm>>) dst(%dma_wait3A_217 : memref<120x128xf32, #tpu.memory_space<vmem>>)
        %add3A_224 = arith.addi %mul3A_24, %add3A_211 : i32
        %add3A_225 = arith.constant 3 : i32
        %add3A_226 = arith.addi %add3A_224, %add3A_225 : i32
        %dma_start3A_227 = arith.constant 0 : i32
        %dma_start3A_228 = arith.constant 0 : i32
        %dma_start3A_229 = tpu.memref_slice %arg6[%dma_start3A_227, %dma_start3A_228] : memref<3x120xi32, #tpu.memory_space<vmem>> -> memref<1x120xi32, #tpu.memory_space<vmem>>
        %dma_start3A_230 = tpu.memref_squeeze %dma_start3A_229 : memref<1x120xi32, #tpu.memory_space<vmem>> -> memref<120xi32, #tpu.memory_space<vmem>>
        %dma_start3A_231 = arith.constant 0 : i32
        %dma_start3A_232 = tpu.memref_slice %arg2[%add3A_226, %dma_start3A_231] : memref<2688x120xi32, #tpu.memory_space<hbm>> -> memref<1x120xi32, #tpu.memory_space<hbm>>
        %dma_start3A_233 = tpu.memref_squeeze %dma_start3A_232 : memref<1x120xi32, #tpu.memory_space<hbm>> -> memref<120xi32, #tpu.memory_space<hbm>>
        %dma_start3A_234 = arith.constant 0 : i32
        %dma_start3A_235 = tpu.memref_slice %arg6[%dma_start3A_227, %dma_start3A_234] : memref<3x120xi32, #tpu.memory_space<vmem>> -> memref<1x120xi32, #tpu.memory_space<vmem>>
        %dma_start3A_236 = tpu.memref_squeeze %dma_start3A_235 : memref<1x120xi32, #tpu.memory_space<vmem>> -> memref<120xi32, #tpu.memory_space<vmem>>
        %dma_start3A_237 = arith.constant 0 : i32
        %dma_start3A_238 = tpu.memref_slice %arg2[%add3A_226, %dma_start3A_237] : memref<2688x120xi32, #tpu.memory_space<hbm>> -> memref<1x120xi32, #tpu.memory_space<hbm>>
        %dma_start3A_239 = tpu.memref_squeeze %dma_start3A_238 : memref<1x120xi32, #tpu.memory_space<hbm>> -> memref<120xi32, #tpu.memory_space<hbm>>
        tpu.enqueue_dma source(%dma_start3A_239 : memref<120xi32, #tpu.memory_space<hbm>>) target(%dma_start3A_236 : memref<120xi32, #tpu.memory_space<vmem>>) target_semaphore(%arg13 : memref<!tpu.dma_semaphore, #tpu.memory_space<semaphore_mem>>)
        %add3A_240 = arith.addi %mul3A_24, %add3A_211 : i32
        %dma_wait3A_241 = arith.constant 0 : i32
        %dma_wait3A_242 = arith.constant 0 : i32
        %dma_wait3A_243 = tpu.memref_slice %arg7[%dma_wait3A_241, %dma_wait3A_242] : memref<3x120xi32, #tpu.memory_space<vmem>> -> memref<1x120xi32, #tpu.memory_space<vmem>>
        %dma_wait3A_244 = tpu.memref_squeeze %dma_wait3A_243 : memref<1x120xi32, #tpu.memory_space<vmem>> -> memref<120xi32, #tpu.memory_space<vmem>>
        %dma_wait3A_245 = arith.constant 0 : i32
        %dma_wait3A_246 = tpu.memref_slice %arg3[%add3A_240, %dma_wait3A_245] : memref<2688x120xi32, #tpu.memory_space<hbm>> -> memref<1x120xi32, #tpu.memory_space<hbm>>
        %dma_wait3A_247 = tpu.memref_squeeze %dma_wait3A_246 : memref<1x120xi32, #tpu.memory_space<hbm>> -> memref<120xi32, #tpu.memory_space<hbm>>
        %dma_wait3A_248 = arith.constant 0 : i32
        %dma_wait3A_249 = tpu.memref_slice %arg7[%dma_wait3A_241, %dma_wait3A_248] : memref<3x120xi32, #tpu.memory_space<vmem>> -> memref<1x120xi32, #tpu.memory_space<vmem>>
        %dma_wait3A_250 = tpu.memref_squeeze %dma_wait3A_249 : memref<1x120xi32, #tpu.memory_space<vmem>> -> memref<120xi32, #tpu.memory_space<vmem>>
        %dma_wait3A_251 = arith.constant 0 : i32
        %dma_wait3A_252 = tpu.memref_slice %arg3[%add3A_240, %dma_wait3A_251] : memref<2688x120xi32, #tpu.memory_space<hbm>> -> memref<1x120xi32, #tpu.memory_space<hbm>>
        %dma_wait3A_253 = tpu.memref_squeeze %dma_wait3A_252 : memref<1x120xi32, #tpu.memory_space<hbm>> -> memref<120xi32, #tpu.memory_space<hbm>>
        tpu.wait_dma2 semaphore(%arg16 : memref<!tpu.dma_semaphore, #tpu.memory_space<semaphore_mem>>) src(%dma_wait3A_253 : memref<120xi32, #tpu.memory_space<hbm>>) dst(%dma_wait3A_250 : memref<120xi32, #tpu.memory_space<vmem>>)
        %run_scoped3A_254 = arith.constant 0 : i32
        %run_scoped3A_255 = arith.constant 0 : i32
        "tpu.region"() ({
          %run_scoped3A_486 = tpu.sem_alloc : memref<!tpu.dma_semaphore, #tpu.memory_space<semaphore_mem>>
          %dma_start3A_487 = arith.constant 0 : i32
          %dma_start3A_488 = arith.constant 0 : i32
          %dma_start3A_489 = tpu.memref_slice %arg8[%run_scoped3A_254, %dma_start3A_487, %dma_start3A_488] : memref<3x120x128xf32, #tpu.memory_space<vmem>> -> memref<1x120x128xf32, #tpu.memory_space<vmem>>
          %dma_start3A_490 = tpu.memref_squeeze %dma_start3A_489 : memref<1x120x128xf32, #tpu.memory_space<vmem>> -> memref<120x128xf32, #tpu.memory_space<vmem>>
          %dma_start3A_491 = arith.constant 0 : i32
          %dma_start3A_492 = tpu.memref_slice %arg7[%run_scoped3A_255, %dma_start3A_491] : memref<3x120xi32, #tpu.memory_space<vmem>> -> memref<1x120xi32, #tpu.memory_space<vmem>>
          %dma_start3A_493 = tpu.memref_squeeze %dma_start3A_492 : memref<1x120xi32, #tpu.memory_space<vmem>> -> memref<120xi32, #tpu.memory_space<vmem>>
          %dma_start3A_494 = arith.constant 0 : i32
          %dma_start3A_495 = arith.constant 0 : i32
          %dma_start3A_496 = tpu.memref_slice %arg9[%dma_start3A_494, %dma_start3A_495] : memref<10112x128xf32, #tpu.memory_space<vmem_shared>> -> memref<10112x128xf32, #tpu.memory_space<vmem_shared>>
          tpu.enqueue_indirect_dma source(%dma_start3A_490 : memref<120x128xf32, #tpu.memory_space<vmem>>) target(%dma_start3A_496 : memref<10112x128xf32, #tpu.memory_space<vmem_shared>>) offsets(%dma_start3A_493 : memref<120xi32, #tpu.memory_space<vmem>>) semaphore(%run_scoped3A_486 : memref<!tpu.dma_semaphore, #tpu.memory_space<semaphore_mem>>) {add = true}
          %dma_wait3A_497 = arith.constant 0 : i32
          %dma_wait3A_498 = arith.constant 0 : i32
          %dma_wait3A_499 = tpu.memref_slice %arg8[%run_scoped3A_254, %dma_wait3A_497, %dma_wait3A_498] : memref<3x120x128xf32, #tpu.memory_space<vmem>> -> memref<1x120x128xf32, #tpu.memory_space<vmem>>
          %dma_wait3A_500 = tpu.memref_squeeze %dma_wait3A_499 : memref<1x120x128xf32, #tpu.memory_space<vmem>> -> memref<120x128xf32, #tpu.memory_space<vmem>>
          %dma_wait3A_501 = arith.constant 0 : i32
          %dma_wait3A_502 = tpu.memref_slice %arg7[%run_scoped3A_255, %dma_wait3A_501] : memref<3x120xi32, #tpu.memory_space<vmem>> -> memref<1x120xi32, #tpu.memory_space<vmem>>
          %dma_wait3A_503 = tpu.memref_squeeze %dma_wait3A_502 : memref<1x120xi32, #tpu.memory_space<vmem>> -> memref<120xi32, #tpu.memory_space<vmem>>
          %dma_wait3A_504 = arith.constant 0 : i32
          %dma_wait3A_505 = arith.constant 0 : i32
          %dma_wait3A_506 = tpu.memref_slice %arg9[%dma_wait3A_504, %dma_wait3A_505] : memref<10112x128xf32, #tpu.memory_space<vmem_shared>> -> memref<10112x128xf32, #tpu.memory_space<vmem_shared>>
          tpu.wait_indirect_dma semaphore(%run_scoped3A_486 : memref<!tpu.dma_semaphore, #tpu.memory_space<semaphore_mem>>) src(%dma_wait3A_500 : memref<120x128xf32, #tpu.memory_space<vmem>>) dst(%dma_wait3A_506 : memref<10112x128xf32, #tpu.memory_space<vmem_shared>>)
          tpu.yield
        }) : () -> ()
        %add3A_256 = arith.addi %mul3A_24, %add3A_211 : i32
        %add3A_257 = arith.constant 3 : i32
        %add3A_258 = arith.addi %add3A_256, %add3A_257 : i32
        %dma_start3A_259 = arith.constant 0 : i32
        %dma_start3A_260 = arith.constant 0 : i32
        %dma_start3A_261 = tpu.memref_slice %arg7[%dma_start3A_259, %dma_start3A_260] : memref<3x120xi32, #tpu.memory_space<vmem>> -> memref<1x120xi32, #tpu.memory_space<vmem>>
        %dma_start3A_262 = tpu.memref_squeeze %dma_start3A_261 : memref<1x120xi32, #tpu.memory_space<vmem>> -> memref<120xi32, #tpu.memory_space<vmem>>
        %dma_start3A_263 = arith.constant 0 : i32
        %dma_start3A_264 = tpu.memref_slice %arg3[%add3A_258, %dma_start3A_263] : memref<2688x120xi32, #tpu.memory_space<hbm>> -> memref<1x120xi32, #tpu.memory_space<hbm>>
        %dma_start3A_265 = tpu.memref_squeeze %dma_start3A_264 : memref<1x120xi32, #tpu.memory_space<hbm>> -> memref<120xi32, #tpu.memory_space<hbm>>
        %dma_start3A_266 = arith.constant 0 : i32
        %dma_start3A_267 = tpu.memref_slice %arg7[%dma_start3A_259, %dma_start3A_266] : memref<3x120xi32, #tpu.memory_space<vmem>> -> memref<1x120xi32, #tpu.memory_space<vmem>>
        %dma_start3A_268 = tpu.memref_squeeze %dma_start3A_267 : memref<1x120xi32, #tpu.memory_space<vmem>> -> memref<120xi32, #tpu.memory_space<vmem>>
        %dma_start3A_269 = arith.constant 0 : i32
        %dma_start3A_270 = tpu.memref_slice %arg3[%add3A_258, %dma_start3A_269] : memref<2688x120xi32, #tpu.memory_space<hbm>> -> memref<1x120xi32, #tpu.memory_space<hbm>>
        %dma_start3A_271 = tpu.memref_squeeze %dma_start3A_270 : memref<1x120xi32, #tpu.memory_space<hbm>> -> memref<120xi32, #tpu.memory_space<hbm>>
        tpu.enqueue_dma source(%dma_start3A_271 : memref<120xi32, #tpu.memory_space<hbm>>) target(%dma_start3A_268 : memref<120xi32, #tpu.memory_space<vmem>>) target_semaphore(%arg16 : memref<!tpu.dma_semaphore, #tpu.memory_space<semaphore_mem>>)
        %add3A_272 = arith.addi %mul3A_24, %add3A_211 : i32
        %add3A_273 = arith.constant 3 : i32
        %add3A_274 = arith.addi %add3A_272, %add3A_273 : i32
        %dma_wait3A_275 = arith.constant 0 : i32
        %dma_wait3A_276 = arith.constant 0 : i32
        %dma_wait3A_277 = tpu.memref_slice %arg6[%dma_wait3A_275, %dma_wait3A_276] : memref<3x120xi32, #tpu.memory_space<vmem>> -> memref<1x120xi32, #tpu.memory_space<vmem>>
        %dma_wait3A_278 = tpu.memref_squeeze %dma_wait3A_277 : memref<1x120xi32, #tpu.memory_space<vmem>> -> memref<120xi32, #tpu.memory_space<vmem>>
        %dma_wait3A_279 = arith.constant 0 : i32
        %dma_wait3A_280 = tpu.memref_slice %arg2[%add3A_274, %dma_wait3A_279] : memref<2688x120xi32, #tpu.memory_space<hbm>> -> memref<1x120xi32, #tpu.memory_space<hbm>>
        %dma_wait3A_281 = tpu.memref_squeeze %dma_wait3A_280 : memref<1x120xi32, #tpu.memory_space<hbm>> -> memref<120xi32, #tpu.memory_space<hbm>>
        %dma_wait3A_282 = arith.constant 0 : i32
        %dma_wait3A_283 = tpu.memref_slice %arg6[%dma_wait3A_275, %dma_wait3A_282] : memref<3x120xi32, #tpu.memory_space<vmem>> -> memref<1x120xi32, #tpu.memory_space<vmem>>
        %dma_wait3A_284 = tpu.memref_squeeze %dma_wait3A_283 : memref<1x120xi32, #tpu.memory_space<vmem>> -> memref<120xi32, #tpu.memory_space<vmem>>
        %dma_wait3A_285 = arith.constant 0 : i32
        %dma_wait3A_286 = tpu.memref_slice %arg2[%add3A_274, %dma_wait3A_285] : memref<2688x120xi32, #tpu.memory_space<hbm>> -> memref<1x120xi32, #tpu.memory_space<hbm>>
        %dma_wait3A_287 = tpu.memref_squeeze %dma_wait3A_286 : memref<1x120xi32, #tpu.memory_space<hbm>> -> memref<120xi32, #tpu.memory_space<hbm>>
        tpu.wait_dma2 semaphore(%arg13 : memref<!tpu.dma_semaphore, #tpu.memory_space<semaphore_mem>>) src(%dma_wait3A_287 : memref<120xi32, #tpu.memory_space<hbm>>) dst(%dma_wait3A_284 : memref<120xi32, #tpu.memory_space<vmem>>)
        %add3A_288 = arith.constant 3 : i32
        %add3A_289 = arith.addi %add3A_211, %add3A_288 : i32
        %dma_start3A_290 = arith.constant 0 : i32
        %dma_start3A_291 = arith.constant 0 : i32
        %dma_start3A_292 = arith.constant 0 : i32
        %dma_start3A_293 = arith.constant 0 : i32
        %dma_start3A_294 = tpu.memref_slice %arg8[%dma_start3A_291, %dma_start3A_292, %dma_start3A_293] : memref<3x120x128xf32, #tpu.memory_space<vmem>> -> memref<1x120x128xf32, #tpu.memory_space<vmem>>
        %dma_start3A_295 = tpu.memref_squeeze %dma_start3A_294 : memref<1x120x128xf32, #tpu.memory_space<vmem>> -> memref<120x128xf32, #tpu.memory_space<vmem>>
        %dma_start3A_296 = arith.constant 0 : i32
        %dma_start3A_297 = tpu.memref_slice %arg6[%dma_start3A_290, %dma_start3A_296] : memref<3x120xi32, #tpu.memory_space<vmem>> -> memref<1x120xi32, #tpu.memory_space<vmem>>
        %dma_start3A_298 = tpu.memref_squeeze %dma_start3A_297 : memref<1x120xi32, #tpu.memory_space<vmem>> -> memref<120xi32, #tpu.memory_space<vmem>>
        %dma_start3A_299 = arith.constant 0 : i32
        %dma_start3A_300 = arith.constant 0 : i32
        %dma_start3A_301 = tpu.memref_slice %arg4[%dma_start3A_299, %dma_start3A_300] : memref<80000x128xf32, #tpu.memory_space<hbm>> -> memref<80000x128xf32, #tpu.memory_space<hbm>>
        tpu.enqueue_indirect_dma source(%dma_start3A_301 : memref<80000x128xf32, #tpu.memory_space<hbm>>) target(%dma_start3A_295 : memref<120x128xf32, #tpu.memory_space<vmem>>) offsets(%dma_start3A_298 : memref<120xi32, #tpu.memory_space<vmem>>) semaphore(%arg10 : memref<!tpu.dma_semaphore, #tpu.memory_space<semaphore_mem>>)
        %add3A_302 = arith.constant 1 : i32
        %add3A_303 = arith.addi %add3A_209, %add3A_302 : i32
        %dma_wait3A_304 = arith.constant 1 : i32
        %dma_wait3A_305 = arith.constant 1 : i32
        %dma_wait3A_306 = arith.constant 0 : i32
        %dma_wait3A_307 = arith.constant 0 : i32
        %dma_wait3A_308 = tpu.memref_slice %arg8[%dma_wait3A_305, %dma_wait3A_306, %dma_wait3A_307] : memref<3x120x128xf32, #tpu.memory_space<vmem>> -> memref<1x120x128xf32, #tpu.memory_space<vmem>>
        %dma_wait3A_309 = tpu.memref_squeeze %dma_wait3A_308 : memref<1x120x128xf32, #tpu.memory_space<vmem>> -> memref<120x128xf32, #tpu.memory_space<vmem>>
        %dma_wait3A_310 = arith.constant 0 : i32
        %dma_wait3A_311 = tpu.memref_slice %arg6[%dma_wait3A_304, %dma_wait3A_310] : memref<3x120xi32, #tpu.memory_space<vmem>> -> memref<1x120xi32, #tpu.memory_space<vmem>>
        %dma_wait3A_312 = tpu.memref_squeeze %dma_wait3A_311 : memref<1x120xi32, #tpu.memory_space<vmem>> -> memref<120xi32, #tpu.memory_space<vmem>>
        %dma_wait3A_313 = arith.constant 0 : i32
        %dma_wait3A_314 = arith.constant 0 : i32
        %dma_wait3A_315 = tpu.memref_slice %arg4[%dma_wait3A_313, %dma_wait3A_314] : memref<80000x128xf32, #tpu.memory_space<hbm>> -> memref<80000x128xf32, #tpu.memory_space<hbm>>
        tpu.wait_indirect_dma semaphore(%arg11 : memref<!tpu.dma_semaphore, #tpu.memory_space<semaphore_mem>>) src(%dma_wait3A_315 : memref<80000x128xf32, #tpu.memory_space<hbm>>) dst(%dma_wait3A_309 : memref<120x128xf32, #tpu.memory_space<vmem>>)
        %add3A_316 = arith.addi %mul3A_24, %add3A_303 : i32
        %add3A_317 = arith.constant 3 : i32
        %add3A_318 = arith.addi %add3A_316, %add3A_317 : i32
        %dma_start3A_319 = arith.constant 1 : i32
        %dma_start3A_320 = arith.constant 0 : i32
        %dma_start3A_321 = tpu.memref_slice %arg6[%dma_start3A_319, %dma_start3A_320] : memref<3x120xi32, #tpu.memory_space<vmem>> -> memref<1x120xi32, #tpu.memory_space<vmem>>
        %dma_start3A_322 = tpu.memref_squeeze %dma_start3A_321 : memref<1x120xi32, #tpu.memory_space<vmem>> -> memref<120xi32, #tpu.memory_space<vmem>>
        %dma_start3A_323 = arith.constant 0 : i32
        %dma_start3A_324 = tpu.memref_slice %arg2[%add3A_318, %dma_start3A_323] : memref<2688x120xi32, #tpu.memory_space<hbm>> -> memref<1x120xi32, #tpu.memory_space<hbm>>
        %dma_start3A_325 = tpu.memref_squeeze %dma_start3A_324 : memref<1x120xi32, #tpu.memory_space<hbm>> -> memref<120xi32, #tpu.memory_space<hbm>>
        %dma_start3A_326 = arith.constant 0 : i32
        %dma_start3A_327 = tpu.memref_slice %arg6[%dma_start3A_319, %dma_start3A_326] : memref<3x120xi32, #tpu.memory_space<vmem>> -> memref<1x120xi32, #tpu.memory_space<vmem>>
        %dma_start3A_328 = tpu.memref_squeeze %dma_start3A_327 : memref<1x120xi32, #tpu.memory_space<vmem>> -> memref<120xi32, #tpu.memory_space<vmem>>
        %dma_start3A_329 = arith.constant 0 : i32
        %dma_start3A_330 = tpu.memref_slice %arg2[%add3A_318, %dma_start3A_329] : memref<2688x120xi32, #tpu.memory_space<hbm>> -> memref<1x120xi32, #tpu.memory_space<hbm>>
        %dma_start3A_331 = tpu.memref_squeeze %dma_start3A_330 : memref<1x120xi32, #tpu.memory_space<hbm>> -> memref<120xi32, #tpu.memory_space<hbm>>
        tpu.enqueue_dma source(%dma_start3A_331 : memref<120xi32, #tpu.memory_space<hbm>>) target(%dma_start3A_328 : memref<120xi32, #tpu.memory_space<vmem>>) target_semaphore(%arg14 : memref<!tpu.dma_semaphore, #tpu.memory_space<semaphore_mem>>)
        %add3A_332 = arith.addi %mul3A_24, %add3A_303 : i32
        %dma_wait3A_333 = arith.constant 1 : i32
        %dma_wait3A_334 = arith.constant 0 : i32
        %dma_wait3A_335 = tpu.memref_slice %arg7[%dma_wait3A_333, %dma_wait3A_334] : memref<3x120xi32, #tpu.memory_space<vmem>> -> memref<1x120xi32, #tpu.memory_space<vmem>>
        %dma_wait3A_336 = tpu.memref_squeeze %dma_wait3A_335 : memref<1x120xi32, #tpu.memory_space<vmem>> -> memref<120xi32, #tpu.memory_space<vmem>>
        %dma_wait3A_337 = arith.constant 0 : i32
        %dma_wait3A_338 = tpu.memref_slice %arg3[%add3A_332, %dma_wait3A_337] : memref<2688x120xi32, #tpu.memory_space<hbm>> -> memref<1x120xi32, #tpu.memory_space<hbm>>
        %dma_wait3A_339 = tpu.memref_squeeze %dma_wait3A_338 : memref<1x120xi32, #tpu.memory_space<hbm>> -> memref<120xi32, #tpu.memory_space<hbm>>
        %dma_wait3A_340 = arith.constant 0 : i32
        %dma_wait3A_341 = tpu.memref_slice %arg7[%dma_wait3A_333, %dma_wait3A_340] : memref<3x120xi32, #tpu.memory_space<vmem>> -> memref<1x120xi32, #tpu.memory_space<vmem>>
        %dma_wait3A_342 = tpu.memref_squeeze %dma_wait3A_341 : memref<1x120xi32, #tpu.memory_space<vmem>> -> memref<120xi32, #tpu.memory_space<vmem>>
        %dma_wait3A_343 = arith.constant 0 : i32
        %dma_wait3A_344 = tpu.memref_slice %arg3[%add3A_332, %dma_wait3A_343] : memref<2688x120xi32, #tpu.memory_space<hbm>> -> memref<1x120xi32, #tpu.memory_space<hbm>>
        %dma_wait3A_345 = tpu.memref_squeeze %dma_wait3A_344 : memref<1x120xi32, #tpu.memory_space<hbm>> -> memref<120xi32, #tpu.memory_space<hbm>>
        tpu.wait_dma2 semaphore(%arg17 : memref<!tpu.dma_semaphore, #tpu.memory_space<semaphore_mem>>) src(%dma_wait3A_345 : memref<120xi32, #tpu.memory_space<hbm>>) dst(%dma_wait3A_342 : memref<120xi32, #tpu.memory_space<vmem>>)
        %run_scoped3A_346 = arith.constant 1 : i32
        %run_scoped3A_347 = arith.constant 1 : i32
        "tpu.region"() ({
          %run_scoped3A_486 = tpu.sem_alloc : memref<!tpu.dma_semaphore, #tpu.memory_space<semaphore_mem>>
          %dma_start3A_487 = arith.constant 0 : i32
          %dma_start3A_488 = arith.constant 0 : i32
          %dma_start3A_489 = tpu.memref_slice %arg8[%run_scoped3A_346, %dma_start3A_487, %dma_start3A_488] : memref<3x120x128xf32, #tpu.memory_space<vmem>> -> memref<1x120x128xf32, #tpu.memory_space<vmem>>
          %dma_start3A_490 = tpu.memref_squeeze %dma_start3A_489 : memref<1x120x128xf32, #tpu.memory_space<vmem>> -> memref<120x128xf32, #tpu.memory_space<vmem>>
          %dma_start3A_491 = arith.constant 0 : i32
          %dma_start3A_492 = tpu.memref_slice %arg7[%run_scoped3A_347, %dma_start3A_491] : memref<3x120xi32, #tpu.memory_space<vmem>> -> memref<1x120xi32, #tpu.memory_space<vmem>>
          %dma_start3A_493 = tpu.memref_squeeze %dma_start3A_492 : memref<1x120xi32, #tpu.memory_space<vmem>> -> memref<120xi32, #tpu.memory_space<vmem>>
          %dma_start3A_494 = arith.constant 0 : i32
          %dma_start3A_495 = arith.constant 0 : i32
          %dma_start3A_496 = tpu.memref_slice %arg9[%dma_start3A_494, %dma_start3A_495] : memref<10112x128xf32, #tpu.memory_space<vmem_shared>> -> memref<10112x128xf32, #tpu.memory_space<vmem_shared>>
          tpu.enqueue_indirect_dma source(%dma_start3A_490 : memref<120x128xf32, #tpu.memory_space<vmem>>) target(%dma_start3A_496 : memref<10112x128xf32, #tpu.memory_space<vmem_shared>>) offsets(%dma_start3A_493 : memref<120xi32, #tpu.memory_space<vmem>>) semaphore(%run_scoped3A_486 : memref<!tpu.dma_semaphore, #tpu.memory_space<semaphore_mem>>) {add = true}
          %dma_wait3A_497 = arith.constant 0 : i32
          %dma_wait3A_498 = arith.constant 0 : i32
          %dma_wait3A_499 = tpu.memref_slice %arg8[%run_scoped3A_346, %dma_wait3A_497, %dma_wait3A_498] : memref<3x120x128xf32, #tpu.memory_space<vmem>> -> memref<1x120x128xf32, #tpu.memory_space<vmem>>
          %dma_wait3A_500 = tpu.memref_squeeze %dma_wait3A_499 : memref<1x120x128xf32, #tpu.memory_space<vmem>> -> memref<120x128xf32, #tpu.memory_space<vmem>>
          %dma_wait3A_501 = arith.constant 0 : i32
          %dma_wait3A_502 = tpu.memref_slice %arg7[%run_scoped3A_347, %dma_wait3A_501] : memref<3x120xi32, #tpu.memory_space<vmem>> -> memref<1x120xi32, #tpu.memory_space<vmem>>
          %dma_wait3A_503 = tpu.memref_squeeze %dma_wait3A_502 : memref<1x120xi32, #tpu.memory_space<vmem>> -> memref<120xi32, #tpu.memory_space<vmem>>
          %dma_wait3A_504 = arith.constant 0 : i32
          %dma_wait3A_505 = arith.constant 0 : i32
          %dma_wait3A_506 = tpu.memref_slice %arg9[%dma_wait3A_504, %dma_wait3A_505] : memref<10112x128xf32, #tpu.memory_space<vmem_shared>> -> memref<10112x128xf32, #tpu.memory_space<vmem_shared>>
          tpu.wait_indirect_dma semaphore(%run_scoped3A_486 : memref<!tpu.dma_semaphore, #tpu.memory_space<semaphore_mem>>) src(%dma_wait3A_500 : memref<120x128xf32, #tpu.memory_space<vmem>>) dst(%dma_wait3A_506 : memref<10112x128xf32, #tpu.memory_space<vmem_shared>>)
          tpu.yield
        }) : () -> ()
        %add3A_348 = arith.addi %mul3A_24, %add3A_303 : i32
        %add3A_349 = arith.constant 3 : i32
        %add3A_350 = arith.addi %add3A_348, %add3A_349 : i32
        %dma_start3A_351 = arith.constant 1 : i32
        %dma_start3A_352 = arith.constant 0 : i32
        %dma_start3A_353 = tpu.memref_slice %arg7[%dma_start3A_351, %dma_start3A_352] : memref<3x120xi32, #tpu.memory_space<vmem>> -> memref<1x120xi32, #tpu.memory_space<vmem>>
        %dma_start3A_354 = tpu.memref_squeeze %dma_start3A_353 : memref<1x120xi32, #tpu.memory_space<vmem>> -> memref<120xi32, #tpu.memory_space<vmem>>
        %dma_start3A_355 = arith.constant 0 : i32
        %dma_start3A_356 = tpu.memref_slice %arg3[%add3A_350, %dma_start3A_355] : memref<2688x120xi32, #tpu.memory_space<hbm>> -> memref<1x120xi32, #tpu.memory_space<hbm>>
        %dma_start3A_357 = tpu.memref_squeeze %dma_start3A_356 : memref<1x120xi32, #tpu.memory_space<hbm>> -> memref<120xi32, #tpu.memory_space<hbm>>
        %dma_start3A_358 = arith.constant 0 : i32
        %dma_start3A_359 = tpu.memref_slice %arg7[%dma_start3A_351, %dma_start3A_358] : memref<3x120xi32, #tpu.memory_space<vmem>> -> memref<1x120xi32, #tpu.memory_space<vmem>>
        %dma_start3A_360 = tpu.memref_squeeze %dma_start3A_359 : memref<1x120xi32, #tpu.memory_space<vmem>> -> memref<120xi32, #tpu.memory_space<vmem>>
        %dma_start3A_361 = arith.constant 0 : i32
        %dma_start3A_362 = tpu.memref_slice %arg3[%add3A_350, %dma_start3A_361] : memref<2688x120xi32, #tpu.memory_space<hbm>> -> memref<1x120xi32, #tpu.memory_space<hbm>>
        %dma_start3A_363 = tpu.memref_squeeze %dma_start3A_362 : memref<1x120xi32, #tpu.memory_space<hbm>> -> memref<120xi32, #tpu.memory_space<hbm>>
        tpu.enqueue_dma source(%dma_start3A_363 : memref<120xi32, #tpu.memory_space<hbm>>) target(%dma_start3A_360 : memref<120xi32, #tpu.memory_space<vmem>>) target_semaphore(%arg17 : memref<!tpu.dma_semaphore, #tpu.memory_space<semaphore_mem>>)
        %add3A_364 = arith.addi %mul3A_24, %add3A_303 : i32
        %add3A_365 = arith.constant 3 : i32
        %add3A_366 = arith.addi %add3A_364, %add3A_365 : i32
        %dma_wait3A_367 = arith.constant 1 : i32
        %dma_wait3A_368 = arith.constant 0 : i32
        %dma_wait3A_369 = tpu.memref_slice %arg6[%dma_wait3A_367, %dma_wait3A_368] : memref<3x120xi32, #tpu.memory_space<vmem>> -> memref<1x120xi32, #tpu.memory_space<vmem>>
        %dma_wait3A_370 = tpu.memref_squeeze %dma_wait3A_369 : memref<1x120xi32, #tpu.memory_space<vmem>> -> memref<120xi32, #tpu.memory_space<vmem>>
        %dma_wait3A_371 = arith.constant 0 : i32
        %dma_wait3A_372 = tpu.memref_slice %arg2[%add3A_366, %dma_wait3A_371] : memref<2688x120xi32, #tpu.memory_space<hbm>> -> memref<1x120xi32, #tpu.memory_space<hbm>>
        %dma_wait3A_373 = tpu.memref_squeeze %dma_wait3A_372 : memref<1x120xi32, #tpu.memory_space<hbm>> -> memref<120xi32, #tpu.memory_space<hbm>>
        %dma_wait3A_374 = arith.constant 0 : i32
        %dma_wait3A_375 = tpu.memref_slice %arg6[%dma_wait3A_367, %dma_wait3A_374] : memref<3x120xi32, #tpu.memory_space<vmem>> -> memref<1x120xi32, #tpu.memory_space<vmem>>
        %dma_wait3A_376 = tpu.memref_squeeze %dma_wait3A_375 : memref<1x120xi32, #tpu.memory_space<vmem>> -> memref<120xi32, #tpu.memory_space<vmem>>
        %dma_wait3A_377 = arith.constant 0 : i32
        %dma_wait3A_378 = tpu.memref_slice %arg2[%add3A_366, %dma_wait3A_377] : memref<2688x120xi32, #tpu.memory_space<hbm>> -> memref<1x120xi32, #tpu.memory_space<hbm>>
        %dma_wait3A_379 = tpu.memref_squeeze %dma_wait3A_378 : memref<1x120xi32, #tpu.memory_space<hbm>> -> memref<120xi32, #tpu.memory_space<hbm>>
        tpu.wait_dma2 semaphore(%arg14 : memref<!tpu.dma_semaphore, #tpu.memory_space<semaphore_mem>>) src(%dma_wait3A_379 : memref<120xi32, #tpu.memory_space<hbm>>) dst(%dma_wait3A_376 : memref<120xi32, #tpu.memory_space<vmem>>)
        %add3A_380 = arith.constant 3 : i32
        %add3A_381 = arith.addi %add3A_303, %add3A_380 : i32
        %dma_start3A_382 = arith.constant 1 : i32
        %dma_start3A_383 = arith.constant 1 : i32
        %dma_start3A_384 = arith.constant 0 : i32
        %dma_start3A_385 = arith.constant 0 : i32
        %dma_start3A_386 = tpu.memref_slice %arg8[%dma_start3A_383, %dma_start3A_384, %dma_start3A_385] : memref<3x120x128xf32, #tpu.memory_space<vmem>> -> memref<1x120x128xf32, #tpu.memory_space<vmem>>
        %dma_start3A_387 = tpu.memref_squeeze %dma_start3A_386 : memref<1x120x128xf32, #tpu.memory_space<vmem>> -> memref<120x128xf32, #tpu.memory_space<vmem>>
        %dma_start3A_388 = arith.constant 0 : i32
        %dma_start3A_389 = tpu.memref_slice %arg6[%dma_start3A_382, %dma_start3A_388] : memref<3x120xi32, #tpu.memory_space<vmem>> -> memref<1x120xi32, #tpu.memory_space<vmem>>
        %dma_start3A_390 = tpu.memref_squeeze %dma_start3A_389 : memref<1x120xi32, #tpu.memory_space<vmem>> -> memref<120xi32, #tpu.memory_space<vmem>>
        %dma_start3A_391 = arith.constant 0 : i32
        %dma_start3A_392 = arith.constant 0 : i32
        %dma_start3A_393 = tpu.memref_slice %arg4[%dma_start3A_391, %dma_start3A_392] : memref<80000x128xf32, #tpu.memory_space<hbm>> -> memref<80000x128xf32, #tpu.memory_space<hbm>>
        tpu.enqueue_indirect_dma source(%dma_start3A_393 : memref<80000x128xf32, #tpu.memory_space<hbm>>) target(%dma_start3A_387 : memref<120x128xf32, #tpu.memory_space<vmem>>) offsets(%dma_start3A_390 : memref<120xi32, #tpu.memory_space<vmem>>) semaphore(%arg11 : memref<!tpu.dma_semaphore, #tpu.memory_space<semaphore_mem>>)
        %add3A_394 = arith.constant 2 : i32
        %add3A_395 = arith.addi %add3A_209, %add3A_394 : i32
        %dma_wait3A_396 = arith.constant 2 : i32
        %dma_wait3A_397 = arith.constant 2 : i32
        %dma_wait3A_398 = arith.constant 0 : i32
        %dma_wait3A_399 = arith.constant 0 : i32
        %dma_wait3A_400 = tpu.memref_slice %arg8[%dma_wait3A_397, %dma_wait3A_398, %dma_wait3A_399] : memref<3x120x128xf32, #tpu.memory_space<vmem>> -> memref<1x120x128xf32, #tpu.memory_space<vmem>>
        %dma_wait3A_401 = tpu.memref_squeeze %dma_wait3A_400 : memref<1x120x128xf32, #tpu.memory_space<vmem>> -> memref<120x128xf32, #tpu.memory_space<vmem>>
        %dma_wait3A_402 = arith.constant 0 : i32
        %dma_wait3A_403 = tpu.memref_slice %arg6[%dma_wait3A_396, %dma_wait3A_402] : memref<3x120xi32, #tpu.memory_space<vmem>> -> memref<1x120xi32, #tpu.memory_space<vmem>>
        %dma_wait3A_404 = tpu.memref_squeeze %dma_wait3A_403 : memref<1x120xi32, #tpu.memory_space<vmem>> -> memref<120xi32, #tpu.memory_space<vmem>>
        %dma_wait3A_405 = arith.constant 0 : i32
        %dma_wait3A_406 = arith.constant 0 : i32
        %dma_wait3A_407 = tpu.memref_slice %arg4[%dma_wait3A_405, %dma_wait3A_406] : memref<80000x128xf32, #tpu.memory_space<hbm>> -> memref<80000x128xf32, #tpu.memory_space<hbm>>
        tpu.wait_indirect_dma semaphore(%arg12 : memref<!tpu.dma_semaphore, #tpu.memory_space<semaphore_mem>>) src(%dma_wait3A_407 : memref<80000x128xf32, #tpu.memory_space<hbm>>) dst(%dma_wait3A_401 : memref<120x128xf32, #tpu.memory_space<vmem>>)
        %add3A_408 = arith.addi %mul3A_24, %add3A_395 : i32
        %add3A_409 = arith.constant 3 : i32
        %add3A_410 = arith.addi %add3A_408, %add3A_409 : i32
        %dma_start3A_411 = arith.constant 2 : i32
        %dma_start3A_412 = arith.constant 0 : i32
        %dma_start3A_413 = tpu.memref_slice %arg6[%dma_start3A_411, %dma_start3A_412] : memref<3x120xi32, #tpu.memory_space<vmem>> -> memref<1x120xi32, #tpu.memory_space<vmem>>
        %dma_start3A_414 = tpu.memref_squeeze %dma_start3A_413 : memref<1x120xi32, #tpu.memory_space<vmem>> -> memref<120xi32, #tpu.memory_space<vmem>>
        %dma_start3A_415 = arith.constant 0 : i32
        %dma_start3A_416 = tpu.memref_slice %arg2[%add3A_410, %dma_start3A_415] : memref<2688x120xi32, #tpu.memory_space<hbm>> -> memref<1x120xi32, #tpu.memory_space<hbm>>
        %dma_start3A_417 = tpu.memref_squeeze %dma_start3A_416 : memref<1x120xi32, #tpu.memory_space<hbm>> -> memref<120xi32, #tpu.memory_space<hbm>>
        %dma_start3A_418 = arith.constant 0 : i32
        %dma_start3A_419 = tpu.memref_slice %arg6[%dma_start3A_411, %dma_start3A_418] : memref<3x120xi32, #tpu.memory_space<vmem>> -> memref<1x120xi32, #tpu.memory_space<vmem>>
        %dma_start3A_420 = tpu.memref_squeeze %dma_start3A_419 : memref<1x120xi32, #tpu.memory_space<vmem>> -> memref<120xi32, #tpu.memory_space<vmem>>
        %dma_start3A_421 = arith.constant 0 : i32
        %dma_start3A_422 = tpu.memref_slice %arg2[%add3A_410, %dma_start3A_421] : memref<2688x120xi32, #tpu.memory_space<hbm>> -> memref<1x120xi32, #tpu.memory_space<hbm>>
        %dma_start3A_423 = tpu.memref_squeeze %dma_start3A_422 : memref<1x120xi32, #tpu.memory_space<hbm>> -> memref<120xi32, #tpu.memory_space<hbm>>
        tpu.enqueue_dma source(%dma_start3A_423 : memref<120xi32, #tpu.memory_space<hbm>>) target(%dma_start3A_420 : memref<120xi32, #tpu.memory_space<vmem>>) target_semaphore(%arg15 : memref<!tpu.dma_semaphore, #tpu.memory_space<semaphore_mem>>)
        %add3A_424 = arith.addi %mul3A_24, %add3A_395 : i32
        %dma_wait3A_425 = arith.constant 2 : i32
        %dma_wait3A_426 = arith.constant 0 : i32
        %dma_wait3A_427 = tpu.memref_slice %arg7[%dma_wait3A_425, %dma_wait3A_426] : memref<3x120xi32, #tpu.memory_space<vmem>> -> memref<1x120xi32, #tpu.memory_space<vmem>>
        %dma_wait3A_428 = tpu.memref_squeeze %dma_wait3A_427 : memref<1x120xi32, #tpu.memory_space<vmem>> -> memref<120xi32, #tpu.memory_space<vmem>>
        %dma_wait3A_429 = arith.constant 0 : i32
        %dma_wait3A_430 = tpu.memref_slice %arg3[%add3A_424, %dma_wait3A_429] : memref<2688x120xi32, #tpu.memory_space<hbm>> -> memref<1x120xi32, #tpu.memory_space<hbm>>
        %dma_wait3A_431 = tpu.memref_squeeze %dma_wait3A_430 : memref<1x120xi32, #tpu.memory_space<hbm>> -> memref<120xi32, #tpu.memory_space<hbm>>
        %dma_wait3A_432 = arith.constant 0 : i32
        %dma_wait3A_433 = tpu.memref_slice %arg7[%dma_wait3A_425, %dma_wait3A_432] : memref<3x120xi32, #tpu.memory_space<vmem>> -> memref<1x120xi32, #tpu.memory_space<vmem>>
        %dma_wait3A_434 = tpu.memref_squeeze %dma_wait3A_433 : memref<1x120xi32, #tpu.memory_space<vmem>> -> memref<120xi32, #tpu.memory_space<vmem>>
        %dma_wait3A_435 = arith.constant 0 : i32
        %dma_wait3A_436 = tpu.memref_slice %arg3[%add3A_424, %dma_wait3A_435] : memref<2688x120xi32, #tpu.memory_space<hbm>> -> memref<1x120xi32, #tpu.memory_space<hbm>>
        %dma_wait3A_437 = tpu.memref_squeeze %dma_wait3A_436 : memref<1x120xi32, #tpu.memory_space<hbm>> -> memref<120xi32, #tpu.memory_space<hbm>>
        tpu.wait_dma2 semaphore(%arg18 : memref<!tpu.dma_semaphore, #tpu.memory_space<semaphore_mem>>) src(%dma_wait3A_437 : memref<120xi32, #tpu.memory_space<hbm>>) dst(%dma_wait3A_434 : memref<120xi32, #tpu.memory_space<vmem>>)
        %run_scoped3A_438 = arith.constant 2 : i32
        %run_scoped3A_439 = arith.constant 2 : i32
        "tpu.region"() ({
          %run_scoped3A_486 = tpu.sem_alloc : memref<!tpu.dma_semaphore, #tpu.memory_space<semaphore_mem>>
          %dma_start3A_487 = arith.constant 0 : i32
          %dma_start3A_488 = arith.constant 0 : i32
          %dma_start3A_489 = tpu.memref_slice %arg8[%run_scoped3A_438, %dma_start3A_487, %dma_start3A_488] : memref<3x120x128xf32, #tpu.memory_space<vmem>> -> memref<1x120x128xf32, #tpu.memory_space<vmem>>
          %dma_start3A_490 = tpu.memref_squeeze %dma_start3A_489 : memref<1x120x128xf32, #tpu.memory_space<vmem>> -> memref<120x128xf32, #tpu.memory_space<vmem>>
          %dma_start3A_491 = arith.constant 0 : i32
          %dma_start3A_492 = tpu.memref_slice %arg7[%run_scoped3A_439, %dma_start3A_491] : memref<3x120xi32, #tpu.memory_space<vmem>> -> memref<1x120xi32, #tpu.memory_space<vmem>>
          %dma_start3A_493 = tpu.memref_squeeze %dma_start3A_492 : memref<1x120xi32, #tpu.memory_space<vmem>> -> memref<120xi32, #tpu.memory_space<vmem>>
          %dma_start3A_494 = arith.constant 0 : i32
          %dma_start3A_495 = arith.constant 0 : i32
          %dma_start3A_496 = tpu.memref_slice %arg9[%dma_start3A_494, %dma_start3A_495] : memref<10112x128xf32, #tpu.memory_space<vmem_shared>> -> memref<10112x128xf32, #tpu.memory_space<vmem_shared>>
          tpu.enqueue_indirect_dma source(%dma_start3A_490 : memref<120x128xf32, #tpu.memory_space<vmem>>) target(%dma_start3A_496 : memref<10112x128xf32, #tpu.memory_space<vmem_shared>>) offsets(%dma_start3A_493 : memref<120xi32, #tpu.memory_space<vmem>>) semaphore(%run_scoped3A_486 : memref<!tpu.dma_semaphore, #tpu.memory_space<semaphore_mem>>) {add = true}
          %dma_wait3A_497 = arith.constant 0 : i32
          %dma_wait3A_498 = arith.constant 0 : i32
          %dma_wait3A_499 = tpu.memref_slice %arg8[%run_scoped3A_438, %dma_wait3A_497, %dma_wait3A_498] : memref<3x120x128xf32, #tpu.memory_space<vmem>> -> memref<1x120x128xf32, #tpu.memory_space<vmem>>
          %dma_wait3A_500 = tpu.memref_squeeze %dma_wait3A_499 : memref<1x120x128xf32, #tpu.memory_space<vmem>> -> memref<120x128xf32, #tpu.memory_space<vmem>>
          %dma_wait3A_501 = arith.constant 0 : i32
          %dma_wait3A_502 = tpu.memref_slice %arg7[%run_scoped3A_439, %dma_wait3A_501] : memref<3x120xi32, #tpu.memory_space<vmem>> -> memref<1x120xi32, #tpu.memory_space<vmem>>
          %dma_wait3A_503 = tpu.memref_squeeze %dma_wait3A_502 : memref<1x120xi32, #tpu.memory_space<vmem>> -> memref<120xi32, #tpu.memory_space<vmem>>
          %dma_wait3A_504 = arith.constant 0 : i32
          %dma_wait3A_505 = arith.constant 0 : i32
          %dma_wait3A_506 = tpu.memref_slice %arg9[%dma_wait3A_504, %dma_wait3A_505] : memref<10112x128xf32, #tpu.memory_space<vmem_shared>> -> memref<10112x128xf32, #tpu.memory_space<vmem_shared>>
          tpu.wait_indirect_dma semaphore(%run_scoped3A_486 : memref<!tpu.dma_semaphore, #tpu.memory_space<semaphore_mem>>) src(%dma_wait3A_500 : memref<120x128xf32, #tpu.memory_space<vmem>>) dst(%dma_wait3A_506 : memref<10112x128xf32, #tpu.memory_space<vmem_shared>>)
          tpu.yield
        }) : () -> ()
        %add3A_440 = arith.addi %mul3A_24, %add3A_395 : i32
        %add3A_441 = arith.constant 3 : i32
        %add3A_442 = arith.addi %add3A_440, %add3A_441 : i32
        %dma_start3A_443 = arith.constant 2 : i32
        %dma_start3A_444 = arith.constant 0 : i32
        %dma_start3A_445 = tpu.memref_slice %arg7[%dma_start3A_443, %dma_start3A_444] : memref<3x120xi32, #tpu.memory_space<vmem>> -> memref<1x120xi32, #tpu.memory_space<vmem>>
        %dma_start3A_446 = tpu.memref_squeeze %dma_start3A_445 : memref<1x120xi32, #tpu.memory_space<vmem>> -> memref<120xi32, #tpu.memory_space<vmem>>
        %dma_start3A_447 = arith.constant 0 : i32
        %dma_start3A_448 = tpu.memref_slice %arg3[%add3A_442, %dma_start3A_447] : memref<2688x120xi32, #tpu.memory_space<hbm>> -> memref<1x120xi32, #tpu.memory_space<hbm>>
        %dma_start3A_449 = tpu.memref_squeeze %dma_start3A_448 : memref<1x120xi32, #tpu.memory_space<hbm>> -> memref<120xi32, #tpu.memory_space<hbm>>
        %dma_start3A_450 = arith.constant 0 : i32
        %dma_start3A_451 = tpu.memref_slice %arg7[%dma_start3A_443, %dma_start3A_450] : memref<3x120xi32, #tpu.memory_space<vmem>> -> memref<1x120xi32, #tpu.memory_space<vmem>>
        %dma_start3A_452 = tpu.memref_squeeze %dma_start3A_451 : memref<1x120xi32, #tpu.memory_space<vmem>> -> memref<120xi32, #tpu.memory_space<vmem>>
        %dma_start3A_453 = arith.constant 0 : i32
        %dma_start3A_454 = tpu.memref_slice %arg3[%add3A_442, %dma_start3A_453] : memref<2688x120xi32, #tpu.memory_space<hbm>> -> memref<1x120xi32, #tpu.memory_space<hbm>>
        %dma_start3A_455 = tpu.memref_squeeze %dma_start3A_454 : memref<1x120xi32, #tpu.memory_space<hbm>> -> memref<120xi32, #tpu.memory_space<hbm>>
        tpu.enqueue_dma source(%dma_start3A_455 : memref<120xi32, #tpu.memory_space<hbm>>) target(%dma_start3A_452 : memref<120xi32, #tpu.memory_space<vmem>>) target_semaphore(%arg18 : memref<!tpu.dma_semaphore, #tpu.memory_space<semaphore_mem>>)
        %add3A_456 = arith.addi %mul3A_24, %add3A_395 : i32
        %add3A_457 = arith.constant 3 : i32
        %add3A_458 = arith.addi %add3A_456, %add3A_457 : i32
        %dma_wait3A_459 = arith.constant 2 : i32
        %dma_wait3A_460 = arith.constant 0 : i32
        %dma_wait3A_461 = tpu.memref_slice %arg6[%dma_wait3A_459, %dma_wait3A_460] : memref<3x120xi32, #tpu.memory_space<vmem>> -> memref<1x120xi32, #tpu.memory_space<vmem>>
        %dma_wait3A_462 = tpu.memref_squeeze %dma_wait3A_461 : memref<1x120xi32, #tpu.memory_space<vmem>> -> memref<120xi32, #tpu.memory_space<vmem>>
        %dma_wait3A_463 = arith.constant 0 : i32
        %dma_wait3A_464 = tpu.memref_slice %arg2[%add3A_458, %dma_wait3A_463] : memref<2688x120xi32, #tpu.memory_space<hbm>> -> memref<1x120xi32, #tpu.memory_space<hbm>>
        %dma_wait3A_465 = tpu.memref_squeeze %dma_wait3A_464 : memref<1x120xi32, #tpu.memory_space<hbm>> -> memref<120xi32, #tpu.memory_space<hbm>>
        %dma_wait3A_466 = arith.constant 0 : i32
        %dma_wait3A_467 = tpu.memref_slice %arg6[%dma_wait3A_459, %dma_wait3A_466] : memref<3x120xi32, #tpu.memory_space<vmem>> -> memref<1x120xi32, #tpu.memory_space<vmem>>
        %dma_wait3A_468 = tpu.memref_squeeze %dma_wait3A_467 : memref<1x120xi32, #tpu.memory_space<vmem>> -> memref<120xi32, #tpu.memory_space<vmem>>
        %dma_wait3A_469 = arith.constant 0 : i32
        %dma_wait3A_470 = tpu.memref_slice %arg2[%add3A_458, %dma_wait3A_469] : memref<2688x120xi32, #tpu.memory_space<hbm>> -> memref<1x120xi32, #tpu.memory_space<hbm>>
        %dma_wait3A_471 = tpu.memref_squeeze %dma_wait3A_470 : memref<1x120xi32, #tpu.memory_space<hbm>> -> memref<120xi32, #tpu.memory_space<hbm>>
        tpu.wait_dma2 semaphore(%arg15 : memref<!tpu.dma_semaphore, #tpu.memory_space<semaphore_mem>>) src(%dma_wait3A_471 : memref<120xi32, #tpu.memory_space<hbm>>) dst(%dma_wait3A_468 : memref<120xi32, #tpu.memory_space<vmem>>)
        %add3A_472 = arith.constant 3 : i32
        %add3A_473 = arith.addi %add3A_395, %add3A_472 : i32
        %dma_start3A_474 = arith.constant 2 : i32
        %dma_start3A_475 = arith.constant 2 : i32
        %dma_start3A_476 = arith.constant 0 : i32
        %dma_start3A_477 = arith.constant 0 : i32
        %dma_start3A_478 = tpu.memref_slice %arg8[%dma_start3A_475, %dma_start3A_476, %dma_start3A_477] : memref<3x120x128xf32, #tpu.memory_space<vmem>> -> memref<1x120x128xf32, #tpu.memory_space<vmem>>
        %dma_start3A_479 = tpu.memref_squeeze %dma_start3A_478 : memref<1x120x128xf32, #tpu.memory_space<vmem>> -> memref<120x128xf32, #tpu.memory_space<vmem>>
        %dma_start3A_480 = arith.constant 0 : i32
        %dma_start3A_481 = tpu.memref_slice %arg6[%dma_start3A_474, %dma_start3A_480] : memref<3x120xi32, #tpu.memory_space<vmem>> -> memref<1x120xi32, #tpu.memory_space<vmem>>
        %dma_start3A_482 = tpu.memref_squeeze %dma_start3A_481 : memref<1x120xi32, #tpu.memory_space<vmem>> -> memref<120xi32, #tpu.memory_space<vmem>>
        %dma_start3A_483 = arith.constant 0 : i32
        %dma_start3A_484 = arith.constant 0 : i32
        %dma_start3A_485 = tpu.memref_slice %arg4[%dma_start3A_483, %dma_start3A_484] : memref<80000x128xf32, #tpu.memory_space<hbm>> -> memref<80000x128xf32, #tpu.memory_space<hbm>>
        tpu.enqueue_indirect_dma source(%dma_start3A_485 : memref<80000x128xf32, #tpu.memory_space<hbm>>) target(%dma_start3A_479 : memref<120x128xf32, #tpu.memory_space<vmem>>) offsets(%dma_start3A_482 : memref<120xi32, #tpu.memory_space<vmem>>) semaphore(%arg12 : memref<!tpu.dma_semaphore, #tpu.memory_space<semaphore_mem>>)
      }
      %scan3A_118 = arith.constant 45 : i32
      %dma_wait3A = arith.constant 0 : i32
      %dma_wait3A_119 = arith.constant 0 : i32
      %dma_wait3A_120 = arith.constant 0 : i32
      %dma_wait3A_121 = arith.constant 0 : i32
      %dma_wait3A_122 = tpu.memref_slice %arg8[%dma_wait3A_119, %dma_wait3A_120, %dma_wait3A_121] : memref<3x120x128xf32, #tpu.memory_space<vmem>> -> memref<1x120x128xf32, #tpu.memory_space<vmem>>
      %dma_wait3A_123 = tpu.memref_squeeze %dma_wait3A_122 : memref<1x120x128xf32, #tpu.memory_space<vmem>> -> memref<120x128xf32, #tpu.memory_space<vmem>>
      %dma_wait3A_124 = arith.constant 0 : i32
      %dma_wait3A_125 = tpu.memref_slice %arg6[%dma_wait3A, %dma_wait3A_124] : memref<3x120xi32, #tpu.memory_space<vmem>> -> memref<1x120xi32, #tpu.memory_space<vmem>>
      %dma_wait3A_126 = tpu.memref_squeeze %dma_wait3A_125 : memref<1x120xi32, #tpu.memory_space<vmem>> -> memref<120xi32, #tpu.memory_space<vmem>>
      %dma_wait3A_127 = arith.constant 0 : i32
      %dma_wait3A_128 = arith.constant 0 : i32
      %dma_wait3A_129 = tpu.memref_slice %arg4[%dma_wait3A_127, %dma_wait3A_128] : memref<80000x128xf32, #tpu.memory_space<hbm>> -> memref<80000x128xf32, #tpu.memory_space<hbm>>
      tpu.wait_indirect_dma semaphore(%arg10 : memref<!tpu.dma_semaphore, #tpu.memory_space<semaphore_mem>>) src(%dma_wait3A_129 : memref<80000x128xf32, #tpu.memory_space<hbm>>) dst(%dma_wait3A_123 : memref<120x128xf32, #tpu.memory_space<vmem>>)
      %add3A_130 = arith.constant 135 : i32
      %add3A_131 = arith.addi %mul3A_24, %add3A_130 : i32
      %dma_wait3A_132 = arith.constant 0 : i32
      %dma_wait3A_133 = arith.constant 0 : i32
      %dma_wait3A_134 = tpu.memref_slice %arg7[%dma_wait3A_132, %dma_wait3A_133] : memref<3x120xi32, #tpu.memory_space<vmem>> -> memref<1x120xi32, #tpu.memory_space<vmem>>
      %dma_wait3A_135 = tpu.memref_squeeze %dma_wait3A_134 : memref<1x120xi32, #tpu.memory_space<vmem>> -> memref<120xi32, #tpu.memory_space<vmem>>
      %dma_wait3A_136 = arith.constant 0 : i32
      %dma_wait3A_137 = tpu.memref_slice %arg3[%add3A_131, %dma_wait3A_136] : memref<2688x120xi32, #tpu.memory_space<hbm>> -> memref<1x120xi32, #tpu.memory_space<hbm>>
      %dma_wait3A_138 = tpu.memref_squeeze %dma_wait3A_137 : memref<1x120xi32, #tpu.memory_space<hbm>> -> memref<120xi32, #tpu.memory_space<hbm>>
      %dma_wait3A_139 = arith.constant 0 : i32
      %dma_wait3A_140 = tpu.memref_slice %arg7[%dma_wait3A_132, %dma_wait3A_139] : memref<3x120xi32, #tpu.memory_space<vmem>> -> memref<1x120xi32, #tpu.memory_space<vmem>>
      %dma_wait3A_141 = tpu.memref_squeeze %dma_wait3A_140 : memref<1x120xi32, #tpu.memory_space<vmem>> -> memref<120xi32, #tpu.memory_space<vmem>>
      %dma_wait3A_142 = arith.constant 0 : i32
      %dma_wait3A_143 = tpu.memref_slice %arg3[%add3A_131, %dma_wait3A_142] : memref<2688x120xi32, #tpu.memory_space<hbm>> -> memref<1x120xi32, #tpu.memory_space<hbm>>
      %dma_wait3A_144 = tpu.memref_squeeze %dma_wait3A_143 : memref<1x120xi32, #tpu.memory_space<hbm>> -> memref<120xi32, #tpu.memory_space<hbm>>
      tpu.wait_dma2 semaphore(%arg16 : memref<!tpu.dma_semaphore, #tpu.memory_space<semaphore_mem>>) src(%dma_wait3A_144 : memref<120xi32, #tpu.memory_space<hbm>>) dst(%dma_wait3A_141 : memref<120xi32, #tpu.memory_space<vmem>>)
      %run_scoped3A_145 = arith.constant 0 : i32
      %run_scoped3A_146 = arith.constant 0 : i32
      "tpu.region"() ({
        %run_scoped3A_205 = tpu.sem_alloc : memref<!tpu.dma_semaphore, #tpu.memory_space<semaphore_mem>>
        %dma_start3A_206 = arith.constant 0 : i32
        %dma_start3A_207 = arith.constant 0 : i32
        %dma_start3A_208 = tpu.memref_slice %arg8[%run_scoped3A_145, %dma_start3A_206, %dma_start3A_207] : memref<3x120x128xf32, #tpu.memory_space<vmem>> -> memref<1x120x128xf32, #tpu.memory_space<vmem>>
        %dma_start3A_209 = tpu.memref_squeeze %dma_start3A_208 : memref<1x120x128xf32, #tpu.memory_space<vmem>> -> memref<120x128xf32, #tpu.memory_space<vmem>>
        %dma_start3A_210 = arith.constant 0 : i32
        %dma_start3A_211 = tpu.memref_slice %arg7[%run_scoped3A_146, %dma_start3A_210] : memref<3x120xi32, #tpu.memory_space<vmem>> -> memref<1x120xi32, #tpu.memory_space<vmem>>
        %dma_start3A_212 = tpu.memref_squeeze %dma_start3A_211 : memref<1x120xi32, #tpu.memory_space<vmem>> -> memref<120xi32, #tpu.memory_space<vmem>>
        %dma_start3A_213 = arith.constant 0 : i32
        %dma_start3A_214 = arith.constant 0 : i32
        %dma_start3A_215 = tpu.memref_slice %arg9[%dma_start3A_213, %dma_start3A_214] : memref<10112x128xf32, #tpu.memory_space<vmem_shared>> -> memref<10112x128xf32, #tpu.memory_space<vmem_shared>>
        tpu.enqueue_indirect_dma source(%dma_start3A_209 : memref<120x128xf32, #tpu.memory_space<vmem>>) target(%dma_start3A_215 : memref<10112x128xf32, #tpu.memory_space<vmem_shared>>) offsets(%dma_start3A_212 : memref<120xi32, #tpu.memory_space<vmem>>) semaphore(%run_scoped3A_205 : memref<!tpu.dma_semaphore, #tpu.memory_space<semaphore_mem>>) {add = true}
        %dma_wait3A_216 = arith.constant 0 : i32
        %dma_wait3A_217 = arith.constant 0 : i32
        %dma_wait3A_218 = tpu.memref_slice %arg8[%run_scoped3A_145, %dma_wait3A_216, %dma_wait3A_217] : memref<3x120x128xf32, #tpu.memory_space<vmem>> -> memref<1x120x128xf32, #tpu.memory_space<vmem>>
        %dma_wait3A_219 = tpu.memref_squeeze %dma_wait3A_218 : memref<1x120x128xf32, #tpu.memory_space<vmem>> -> memref<120x128xf32, #tpu.memory_space<vmem>>
        %dma_wait3A_220 = arith.constant 0 : i32
        %dma_wait3A_221 = tpu.memref_slice %arg7[%run_scoped3A_146, %dma_wait3A_220] : memref<3x120xi32, #tpu.memory_space<vmem>> -> memref<1x120xi32, #tpu.memory_space<vmem>>
        %dma_wait3A_222 = tpu.memref_squeeze %dma_wait3A_221 : memref<1x120xi32, #tpu.memory_space<vmem>> -> memref<120xi32, #tpu.memory_space<vmem>>
        %dma_wait3A_223 = arith.constant 0 : i32
        %dma_wait3A_224 = arith.constant 0 : i32
        %dma_wait3A_225 = tpu.memref_slice %arg9[%dma_wait3A_223, %dma_wait3A_224] : memref<10112x128xf32, #tpu.memory_space<vmem_shared>> -> memref<10112x128xf32, #tpu.memory_space<vmem_shared>>
        tpu.wait_indirect_dma semaphore(%run_scoped3A_205 : memref<!tpu.dma_semaphore, #tpu.memory_space<semaphore_mem>>) src(%dma_wait3A_219 : memref<120x128xf32, #tpu.memory_space<vmem>>) dst(%dma_wait3A_225 : memref<10112x128xf32, #tpu.memory_space<vmem_shared>>)
        tpu.yield
      }) : () -> ()
      %dma_wait3A_147 = arith.constant 1 : i32
      %dma_wait3A_148 = arith.constant 1 : i32
      %dma_wait3A_149 = arith.constant 0 : i32
      %dma_wait3A_150 = arith.constant 0 : i32
      %dma_wait3A_151 = tpu.memref_slice %arg8[%dma_wait3A_148, %dma_wait3A_149, %dma_wait3A_150] : memref<3x120x128xf32, #tpu.memory_space<vmem>> -> memref<1x120x128xf32, #tpu.memory_space<vmem>>
      %dma_wait3A_152 = tpu.memref_squeeze %dma_wait3A_151 : memref<1x120x128xf32, #tpu.memory_space<vmem>> -> memref<120x128xf32, #tpu.memory_space<vmem>>
      %dma_wait3A_153 = arith.constant 0 : i32
      %dma_wait3A_154 = tpu.memref_slice %arg6[%dma_wait3A_147, %dma_wait3A_153] : memref<3x120xi32, #tpu.memory_space<vmem>> -> memref<1x120xi32, #tpu.memory_space<vmem>>
      %dma_wait3A_155 = tpu.memref_squeeze %dma_wait3A_154 : memref<1x120xi32, #tpu.memory_space<vmem>> -> memref<120xi32, #tpu.memory_space<vmem>>
      %dma_wait3A_156 = arith.constant 0 : i32
      %dma_wait3A_157 = arith.constant 0 : i32
      %dma_wait3A_158 = tpu.memref_slice %arg4[%dma_wait3A_156, %dma_wait3A_157] : memref<80000x128xf32, #tpu.memory_space<hbm>> -> memref<80000x128xf32, #tpu.memory_space<hbm>>
      tpu.wait_indirect_dma semaphore(%arg11 : memref<!tpu.dma_semaphore, #tpu.memory_space<semaphore_mem>>) src(%dma_wait3A_158 : memref<80000x128xf32, #tpu.memory_space<hbm>>) dst(%dma_wait3A_152 : memref<120x128xf32, #tpu.memory_space<vmem>>)
      %add3A_159 = arith.constant 136 : i32
      %add3A_160 = arith.addi %mul3A_24, %add3A_159 : i32
      %dma_wait3A_161 = arith.constant 1 : i32
      %dma_wait3A_162 = arith.constant 0 : i32
      %dma_wait3A_163 = tpu.memref_slice %arg7[%dma_wait3A_161, %dma_wait3A_162] : memref<3x120xi32, #tpu.memory_space<vmem>> -> memref<1x120xi32, #tpu.memory_space<vmem>>
      %dma_wait3A_164 = tpu.memref_squeeze %dma_wait3A_163 : memref<1x120xi32, #tpu.memory_space<vmem>> -> memref<120xi32, #tpu.memory_space<vmem>>
      %dma_wait3A_165 = arith.constant 0 : i32
      %dma_wait3A_166 = tpu.memref_slice %arg3[%add3A_160, %dma_wait3A_165] : memref<2688x120xi32, #tpu.memory_space<hbm>> -> memref<1x120xi32, #tpu.memory_space<hbm>>
      %dma_wait3A_167 = tpu.memref_squeeze %dma_wait3A_166 : memref<1x120xi32, #tpu.memory_space<hbm>> -> memref<120xi32, #tpu.memory_space<hbm>>
      %dma_wait3A_168 = arith.constant 0 : i32
      %dma_wait3A_169 = tpu.memref_slice %arg7[%dma_wait3A_161, %dma_wait3A_168] : memref<3x120xi32, #tpu.memory_space<vmem>> -> memref<1x120xi32, #tpu.memory_space<vmem>>
      %dma_wait3A_170 = tpu.memref_squeeze %dma_wait3A_169 : memref<1x120xi32, #tpu.memory_space<vmem>> -> memref<120xi32, #tpu.memory_space<vmem>>
      %dma_wait3A_171 = arith.constant 0 : i32
      %dma_wait3A_172 = tpu.memref_slice %arg3[%add3A_160, %dma_wait3A_171] : memref<2688x120xi32, #tpu.memory_space<hbm>> -> memref<1x120xi32, #tpu.memory_space<hbm>>
      %dma_wait3A_173 = tpu.memref_squeeze %dma_wait3A_172 : memref<1x120xi32, #tpu.memory_space<hbm>> -> memref<120xi32, #tpu.memory_space<hbm>>
      tpu.wait_dma2 semaphore(%arg17 : memref<!tpu.dma_semaphore, #tpu.memory_space<semaphore_mem>>) src(%dma_wait3A_173 : memref<120xi32, #tpu.memory_space<hbm>>) dst(%dma_wait3A_170 : memref<120xi32, #tpu.memory_space<vmem>>)
      %run_scoped3A_174 = arith.constant 1 : i32
      %run_scoped3A_175 = arith.constant 1 : i32
      "tpu.region"() ({
        %run_scoped3A_205 = tpu.sem_alloc : memref<!tpu.dma_semaphore, #tpu.memory_space<semaphore_mem>>
        %dma_start3A_206 = arith.constant 0 : i32
        %dma_start3A_207 = arith.constant 0 : i32
        %dma_start3A_208 = tpu.memref_slice %arg8[%run_scoped3A_174, %dma_start3A_206, %dma_start3A_207] : memref<3x120x128xf32, #tpu.memory_space<vmem>> -> memref<1x120x128xf32, #tpu.memory_space<vmem>>
        %dma_start3A_209 = tpu.memref_squeeze %dma_start3A_208 : memref<1x120x128xf32, #tpu.memory_space<vmem>> -> memref<120x128xf32, #tpu.memory_space<vmem>>
        %dma_start3A_210 = arith.constant 0 : i32
        %dma_start3A_211 = tpu.memref_slice %arg7[%run_scoped3A_175, %dma_start3A_210] : memref<3x120xi32, #tpu.memory_space<vmem>> -> memref<1x120xi32, #tpu.memory_space<vmem>>
        %dma_start3A_212 = tpu.memref_squeeze %dma_start3A_211 : memref<1x120xi32, #tpu.memory_space<vmem>> -> memref<120xi32, #tpu.memory_space<vmem>>
        %dma_start3A_213 = arith.constant 0 : i32
        %dma_start3A_214 = arith.constant 0 : i32
        %dma_start3A_215 = tpu.memref_slice %arg9[%dma_start3A_213, %dma_start3A_214] : memref<10112x128xf32, #tpu.memory_space<vmem_shared>> -> memref<10112x128xf32, #tpu.memory_space<vmem_shared>>
        tpu.enqueue_indirect_dma source(%dma_start3A_209 : memref<120x128xf32, #tpu.memory_space<vmem>>) target(%dma_start3A_215 : memref<10112x128xf32, #tpu.memory_space<vmem_shared>>) offsets(%dma_start3A_212 : memref<120xi32, #tpu.memory_space<vmem>>) semaphore(%run_scoped3A_205 : memref<!tpu.dma_semaphore, #tpu.memory_space<semaphore_mem>>) {add = true}
        %dma_wait3A_216 = arith.constant 0 : i32
        %dma_wait3A_217 = arith.constant 0 : i32
        %dma_wait3A_218 = tpu.memref_slice %arg8[%run_scoped3A_174, %dma_wait3A_216, %dma_wait3A_217] : memref<3x120x128xf32, #tpu.memory_space<vmem>> -> memref<1x120x128xf32, #tpu.memory_space<vmem>>
        %dma_wait3A_219 = tpu.memref_squeeze %dma_wait3A_218 : memref<1x120x128xf32, #tpu.memory_space<vmem>> -> memref<120x128xf32, #tpu.memory_space<vmem>>
        %dma_wait3A_220 = arith.constant 0 : i32
        %dma_wait3A_221 = tpu.memref_slice %arg7[%run_scoped3A_175, %dma_wait3A_220] : memref<3x120xi32, #tpu.memory_space<vmem>> -> memref<1x120xi32, #tpu.memory_space<vmem>>
        %dma_wait3A_222 = tpu.memref_squeeze %dma_wait3A_221 : memref<1x120xi32, #tpu.memory_space<vmem>> -> memref<120xi32, #tpu.memory_space<vmem>>
        %dma_wait3A_223 = arith.constant 0 : i32
        %dma_wait3A_224 = arith.constant 0 : i32
        %dma_wait3A_225 = tpu.memref_slice %arg9[%dma_wait3A_223, %dma_wait3A_224] : memref<10112x128xf32, #tpu.memory_space<vmem_shared>> -> memref<10112x128xf32, #tpu.memory_space<vmem_shared>>
        tpu.wait_indirect_dma semaphore(%run_scoped3A_205 : memref<!tpu.dma_semaphore, #tpu.memory_space<semaphore_mem>>) src(%dma_wait3A_219 : memref<120x128xf32, #tpu.memory_space<vmem>>) dst(%dma_wait3A_225 : memref<10112x128xf32, #tpu.memory_space<vmem_shared>>)
        tpu.yield
      }) : () -> ()
      %dma_wait3A_176 = arith.constant 2 : i32
      %dma_wait3A_177 = arith.constant 2 : i32
      %dma_wait3A_178 = arith.constant 0 : i32
      %dma_wait3A_179 = arith.constant 0 : i32
      %dma_wait3A_180 = tpu.memref_slice %arg8[%dma_wait3A_177, %dma_wait3A_178, %dma_wait3A_179] : memref<3x120x128xf32, #tpu.memory_space<vmem>> -> memref<1x120x128xf32, #tpu.memory_space<vmem>>
      %dma_wait3A_181 = tpu.memref_squeeze %dma_wait3A_180 : memref<1x120x128xf32, #tpu.memory_space<vmem>> -> memref<120x128xf32, #tpu.memory_space<vmem>>
      %dma_wait3A_182 = arith.constant 0 : i32
      %dma_wait3A_183 = tpu.memref_slice %arg6[%dma_wait3A_176, %dma_wait3A_182] : memref<3x120xi32, #tpu.memory_space<vmem>> -> memref<1x120xi32, #tpu.memory_space<vmem>>
      %dma_wait3A_184 = tpu.memref_squeeze %dma_wait3A_183 : memref<1x120xi32, #tpu.memory_space<vmem>> -> memref<120xi32, #tpu.memory_space<vmem>>
      %dma_wait3A_185 = arith.constant 0 : i32
      %dma_wait3A_186 = arith.constant 0 : i32
      %dma_wait3A_187 = tpu.memref_slice %arg4[%dma_wait3A_185, %dma_wait3A_186] : memref<80000x128xf32, #tpu.memory_space<hbm>> -> memref<80000x128xf32, #tpu.memory_space<hbm>>
      tpu.wait_indirect_dma semaphore(%arg12 : memref<!tpu.dma_semaphore, #tpu.memory_space<semaphore_mem>>) src(%dma_wait3A_187 : memref<80000x128xf32, #tpu.memory_space<hbm>>) dst(%dma_wait3A_181 : memref<120x128xf32, #tpu.memory_space<vmem>>)
      %add3A_188 = arith.constant 137 : i32
      %add3A_189 = arith.addi %mul3A_24, %add3A_188 : i32
      %dma_wait3A_190 = arith.constant 2 : i32
      %dma_wait3A_191 = arith.constant 0 : i32
      %dma_wait3A_192 = tpu.memref_slice %arg7[%dma_wait3A_190, %dma_wait3A_191] : memref<3x120xi32, #tpu.memory_space<vmem>> -> memref<1x120xi32, #tpu.memory_space<vmem>>
      %dma_wait3A_193 = tpu.memref_squeeze %dma_wait3A_192 : memref<1x120xi32, #tpu.memory_space<vmem>> -> memref<120xi32, #tpu.memory_space<vmem>>
      %dma_wait3A_194 = arith.constant 0 : i32
      %dma_wait3A_195 = tpu.memref_slice %arg3[%add3A_189, %dma_wait3A_194] : memref<2688x120xi32, #tpu.memory_space<hbm>> -> memref<1x120xi32, #tpu.memory_space<hbm>>
      %dma_wait3A_196 = tpu.memref_squeeze %dma_wait3A_195 : memref<1x120xi32, #tpu.memory_space<hbm>> -> memref<120xi32, #tpu.memory_space<hbm>>
      %dma_wait3A_197 = arith.constant 0 : i32
      %dma_wait3A_198 = tpu.memref_slice %arg7[%dma_wait3A_190, %dma_wait3A_197] : memref<3x120xi32, #tpu.memory_space<vmem>> -> memref<1x120xi32, #tpu.memory_space<vmem>>
      %dma_wait3A_199 = tpu.memref_squeeze %dma_wait3A_198 : memref<1x120xi32, #tpu.memory_space<vmem>> -> memref<120xi32, #tpu.memory_space<vmem>>
      %dma_wait3A_200 = arith.constant 0 : i32
      %dma_wait3A_201 = tpu.memref_slice %arg3[%add3A_189, %dma_wait3A_200] : memref<2688x120xi32, #tpu.memory_space<hbm>> -> memref<1x120xi32, #tpu.memory_space<hbm>>
      %dma_wait3A_202 = tpu.memref_squeeze %dma_wait3A_201 : memref<1x120xi32, #tpu.memory_space<hbm>> -> memref<120xi32, #tpu.memory_space<hbm>>
      tpu.wait_dma2 semaphore(%arg18 : memref<!tpu.dma_semaphore, #tpu.memory_space<semaphore_mem>>) src(%dma_wait3A_202 : memref<120xi32, #tpu.memory_space<hbm>>) dst(%dma_wait3A_199 : memref<120xi32, #tpu.memory_space<vmem>>)
      %run_scoped3A_203 = arith.constant 2 : i32
      %run_scoped3A_204 = arith.constant 2 : i32
      "tpu.region"() ({
        %run_scoped3A_205 = tpu.sem_alloc : memref<!tpu.dma_semaphore, #tpu.memory_space<semaphore_mem>>
        %dma_start3A_206 = arith.constant 0 : i32
        %dma_start3A_207 = arith.constant 0 : i32
        %dma_start3A_208 = tpu.memref_slice %arg8[%run_scoped3A_203, %dma_start3A_206, %dma_start3A_207] : memref<3x120x128xf32, #tpu.memory_space<vmem>> -> memref<1x120x128xf32, #tpu.memory_space<vmem>>
        %dma_start3A_209 = tpu.memref_squeeze %dma_start3A_208 : memref<1x120x128xf32, #tpu.memory_space<vmem>> -> memref<120x128xf32, #tpu.memory_space<vmem>>
        %dma_start3A_210 = arith.constant 0 : i32
        %dma_start3A_211 = tpu.memref_slice %arg7[%run_scoped3A_204, %dma_start3A_210] : memref<3x120xi32, #tpu.memory_space<vmem>> -> memref<1x120xi32, #tpu.memory_space<vmem>>
        %dma_start3A_212 = tpu.memref_squeeze %dma_start3A_211 : memref<1x120xi32, #tpu.memory_space<vmem>> -> memref<120xi32, #tpu.memory_space<vmem>>
        %dma_start3A_213 = arith.constant 0 : i32
        %dma_start3A_214 = arith.constant 0 : i32
        %dma_start3A_215 = tpu.memref_slice %arg9[%dma_start3A_213, %dma_start3A_214] : memref<10112x128xf32, #tpu.memory_space<vmem_shared>> -> memref<10112x128xf32, #tpu.memory_space<vmem_shared>>
        tpu.enqueue_indirect_dma source(%dma_start3A_209 : memref<120x128xf32, #tpu.memory_space<vmem>>) target(%dma_start3A_215 : memref<10112x128xf32, #tpu.memory_space<vmem_shared>>) offsets(%dma_start3A_212 : memref<120xi32, #tpu.memory_space<vmem>>) semaphore(%run_scoped3A_205 : memref<!tpu.dma_semaphore, #tpu.memory_space<semaphore_mem>>) {add = true}
        %dma_wait3A_216 = arith.constant 0 : i32
        %dma_wait3A_217 = arith.constant 0 : i32
        %dma_wait3A_218 = tpu.memref_slice %arg8[%run_scoped3A_203, %dma_wait3A_216, %dma_wait3A_217] : memref<3x120x128xf32, #tpu.memory_space<vmem>> -> memref<1x120x128xf32, #tpu.memory_space<vmem>>
        %dma_wait3A_219 = tpu.memref_squeeze %dma_wait3A_218 : memref<1x120x128xf32, #tpu.memory_space<vmem>> -> memref<120x128xf32, #tpu.memory_space<vmem>>
        %dma_wait3A_220 = arith.constant 0 : i32
        %dma_wait3A_221 = tpu.memref_slice %arg7[%run_scoped3A_204, %dma_wait3A_220] : memref<3x120xi32, #tpu.memory_space<vmem>> -> memref<1x120xi32, #tpu.memory_space<vmem>>
        %dma_wait3A_222 = tpu.memref_squeeze %dma_wait3A_221 : memref<1x120xi32, #tpu.memory_space<vmem>> -> memref<120xi32, #tpu.memory_space<vmem>>
        %dma_wait3A_223 = arith.constant 0 : i32
        %dma_wait3A_224 = arith.constant 0 : i32
        %dma_wait3A_225 = tpu.memref_slice %arg9[%dma_wait3A_223, %dma_wait3A_224] : memref<10112x128xf32, #tpu.memory_space<vmem_shared>> -> memref<10112x128xf32, #tpu.memory_space<vmem_shared>>
        tpu.wait_indirect_dma semaphore(%run_scoped3A_205 : memref<!tpu.dma_semaphore, #tpu.memory_space<semaphore_mem>>) src(%dma_wait3A_219 : memref<120x128xf32, #tpu.memory_space<vmem>>) dst(%dma_wait3A_225 : memref<10112x128xf32, #tpu.memory_space<vmem_shared>>)
        tpu.yield
      }) : () -> ()
    } else {
    }
    %eq3A_13 = arith.constant 1 : i32
    %eq3A_14 = arith.cmpi eq, %arg0, %eq3A_13 : i32
    %convert_element_type3A_15 = arith.extui %eq3A_14 : i1 to i32
    %cond3A_16 = arith.constant 0 : i32
    %cond3A_17 = arith.cmpi ne, %convert_element_type3A_15, %cond3A_16 : i32
    scf.if %cond3A_17 {
      %mul3A_23 = arith.constant 30 : i32
      %mul3A_24 = arith.muli %arg1, %mul3A_23 : i32
      %add3A_25 = arith.constant 2208 : i32
      %add3A_26 = arith.addi %add3A_25, %mul3A_24 : i32
      %add3A_27 = arith.constant 0 : i32
      %add3A_28 = arith.addi %add3A_26, %add3A_27 : i32
      %run_scoped3A_29 = arith.constant 0 : i32
      "tpu.region"() ({
        %run_scoped3A_207 = tpu.sem_alloc : memref<!tpu.dma_semaphore, #tpu.memory_space<semaphore_mem>>
        %dma_start3A_208 = arith.constant 0 : i32
        %dma_start3A_209 = tpu.memref_slice %arg6[%run_scoped3A_29, %dma_start3A_208] : memref<3x120xi32, #tpu.memory_space<vmem>> -> memref<1x120xi32, #tpu.memory_space<vmem>>
        %dma_start3A_210 = tpu.memref_squeeze %dma_start3A_209 : memref<1x120xi32, #tpu.memory_space<vmem>> -> memref<120xi32, #tpu.memory_space<vmem>>
        %dma_start3A_211 = arith.constant 0 : i32
        %dma_start3A_212 = tpu.memref_slice %arg2[%add3A_28, %dma_start3A_211] : memref<2688x120xi32, #tpu.memory_space<hbm>> -> memref<1x120xi32, #tpu.memory_space<hbm>>
        %dma_start3A_213 = tpu.memref_squeeze %dma_start3A_212 : memref<1x120xi32, #tpu.memory_space<hbm>> -> memref<120xi32, #tpu.memory_space<hbm>>
        %dma_start3A_214 = arith.constant 0 : i32
        %dma_start3A_215 = tpu.memref_slice %arg6[%run_scoped3A_29, %dma_start3A_214] : memref<3x120xi32, #tpu.memory_space<vmem>> -> memref<1x120xi32, #tpu.memory_space<vmem>>
        %dma_start3A_216 = tpu.memref_squeeze %dma_start3A_215 : memref<1x120xi32, #tpu.memory_space<vmem>> -> memref<120xi32, #tpu.memory_space<vmem>>
        %dma_start3A_217 = arith.constant 0 : i32
        %dma_start3A_218 = tpu.memref_slice %arg2[%add3A_28, %dma_start3A_217] : memref<2688x120xi32, #tpu.memory_space<hbm>> -> memref<1x120xi32, #tpu.memory_space<hbm>>
        %dma_start3A_219 = tpu.memref_squeeze %dma_start3A_218 : memref<1x120xi32, #tpu.memory_space<hbm>> -> memref<120xi32, #tpu.memory_space<hbm>>
        tpu.enqueue_dma source(%dma_start3A_219 : memref<120xi32, #tpu.memory_space<hbm>>) target(%dma_start3A_216 : memref<120xi32, #tpu.memory_space<vmem>>) target_semaphore(%run_scoped3A_207 : memref<!tpu.dma_semaphore, #tpu.memory_space<semaphore_mem>>)
        %dma_wait3A_220 = arith.constant 0 : i32
        %dma_wait3A_221 = tpu.memref_slice %arg6[%run_scoped3A_29, %dma_wait3A_220] : memref<3x120xi32, #tpu.memory_space<vmem>> -> memref<1x120xi32, #tpu.memory_space<vmem>>
        %dma_wait3A_222 = tpu.memref_squeeze %dma_wait3A_221 : memref<1x120xi32, #tpu.memory_space<vmem>> -> memref<120xi32, #tpu.memory_space<vmem>>
        %dma_wait3A_223 = arith.constant 0 : i32
        %dma_wait3A_224 = tpu.memref_slice %arg2[%add3A_28, %dma_wait3A_223] : memref<2688x120xi32, #tpu.memory_space<hbm>> -> memref<1x120xi32, #tpu.memory_space<hbm>>
        %dma_wait3A_225 = tpu.memref_squeeze %dma_wait3A_224 : memref<1x120xi32, #tpu.memory_space<hbm>> -> memref<120xi32, #tpu.memory_space<hbm>>
        %dma_wait3A_226 = arith.constant 0 : i32
        %dma_wait3A_227 = tpu.memref_slice %arg6[%run_scoped3A_29, %dma_wait3A_226] : memref<3x120xi32, #tpu.memory_space<vmem>> -> memref<1x120xi32, #tpu.memory_space<vmem>>
        %dma_wait3A_228 = tpu.memref_squeeze %dma_wait3A_227 : memref<1x120xi32, #tpu.memory_space<vmem>> -> memref<120xi32, #tpu.memory_space<vmem>>
        %dma_wait3A_229 = arith.constant 0 : i32
        %dma_wait3A_230 = tpu.memref_slice %arg2[%add3A_28, %dma_wait3A_229] : memref<2688x120xi32, #tpu.memory_space<hbm>> -> memref<1x120xi32, #tpu.memory_space<hbm>>
        %dma_wait3A_231 = tpu.memref_squeeze %dma_wait3A_230 : memref<1x120xi32, #tpu.memory_space<hbm>> -> memref<120xi32, #tpu.memory_space<hbm>>
        tpu.wait_dma2 semaphore(%run_scoped3A_207 : memref<!tpu.dma_semaphore, #tpu.memory_space<semaphore_mem>>) src(%dma_wait3A_231 : memref<120xi32, #tpu.memory_space<hbm>>) dst(%dma_wait3A_228 : memref<120xi32, #tpu.memory_space<vmem>>)
        tpu.yield
      }) : () -> ()
      %add3A_30 = arith.constant 0 : i32
      %add3A_31 = arith.addi %add3A_26, %add3A_30 : i32
      %dma_start3A = arith.constant 0 : i32
      %dma_start3A_32 = arith.constant 0 : i32
      %dma_start3A_33 = tpu.memref_slice %arg7[%dma_start3A, %dma_start3A_32] : memref<3x120xi32, #tpu.memory_space<vmem>> -> memref<1x120xi32, #tpu.memory_space<vmem>>
      %dma_start3A_34 = tpu.memref_squeeze %dma_start3A_33 : memref<1x120xi32, #tpu.memory_space<vmem>> -> memref<120xi32, #tpu.memory_space<vmem>>
      %dma_start3A_35 = arith.constant 0 : i32
      %dma_start3A_36 = tpu.memref_slice %arg3[%add3A_31, %dma_start3A_35] : memref<2688x120xi32, #tpu.memory_space<hbm>> -> memref<1x120xi32, #tpu.memory_space<hbm>>
      %dma_start3A_37 = tpu.memref_squeeze %dma_start3A_36 : memref<1x120xi32, #tpu.memory_space<hbm>> -> memref<120xi32, #tpu.memory_space<hbm>>
      %dma_start3A_38 = arith.constant 0 : i32
      %dma_start3A_39 = tpu.memref_slice %arg7[%dma_start3A, %dma_start3A_38] : memref<3x120xi32, #tpu.memory_space<vmem>> -> memref<1x120xi32, #tpu.memory_space<vmem>>
      %dma_start3A_40 = tpu.memref_squeeze %dma_start3A_39 : memref<1x120xi32, #tpu.memory_space<vmem>> -> memref<120xi32, #tpu.memory_space<vmem>>
      %dma_start3A_41 = arith.constant 0 : i32
      %dma_start3A_42 = tpu.memref_slice %arg3[%add3A_31, %dma_start3A_41] : memref<2688x120xi32, #tpu.memory_space<hbm>> -> memref<1x120xi32, #tpu.memory_space<hbm>>
      %dma_start3A_43 = tpu.memref_squeeze %dma_start3A_42 : memref<1x120xi32, #tpu.memory_space<hbm>> -> memref<120xi32, #tpu.memory_space<hbm>>
      tpu.enqueue_dma source(%dma_start3A_43 : memref<120xi32, #tpu.memory_space<hbm>>) target(%dma_start3A_40 : memref<120xi32, #tpu.memory_space<vmem>>) target_semaphore(%arg16 : memref<!tpu.dma_semaphore, #tpu.memory_space<semaphore_mem>>)
      %dma_start3A_44 = arith.constant 0 : i32
      %dma_start3A_45 = arith.constant 0 : i32
      %dma_start3A_46 = arith.constant 0 : i32
      %dma_start3A_47 = arith.constant 0 : i32
      %dma_start3A_48 = tpu.memref_slice %arg8[%dma_start3A_45, %dma_start3A_46, %dma_start3A_47] : memref<3x120x128xf32, #tpu.memory_space<vmem>> -> memref<1x120x128xf32, #tpu.memory_space<vmem>>
      %dma_start3A_49 = tpu.memref_squeeze %dma_start3A_48 : memref<1x120x128xf32, #tpu.memory_space<vmem>> -> memref<120x128xf32, #tpu.memory_space<vmem>>
      %dma_start3A_50 = arith.constant 0 : i32
      %dma_start3A_51 = tpu.memref_slice %arg6[%dma_start3A_44, %dma_start3A_50] : memref<3x120xi32, #tpu.memory_space<vmem>> -> memref<1x120xi32, #tpu.memory_space<vmem>>
      %dma_start3A_52 = tpu.memref_squeeze %dma_start3A_51 : memref<1x120xi32, #tpu.memory_space<vmem>> -> memref<120xi32, #tpu.memory_space<vmem>>
      %dma_start3A_53 = arith.constant 0 : i32
      %dma_start3A_54 = arith.constant 0 : i32
      %dma_start3A_55 = tpu.memref_slice %arg4[%dma_start3A_53, %dma_start3A_54] : memref<80000x128xf32, #tpu.memory_space<hbm>> -> memref<80000x128xf32, #tpu.memory_space<hbm>>
      tpu.enqueue_indirect_dma source(%dma_start3A_55 : memref<80000x128xf32, #tpu.memory_space<hbm>>) target(%dma_start3A_49 : memref<120x128xf32, #tpu.memory_space<vmem>>) offsets(%dma_start3A_52 : memref<120xi32, #tpu.memory_space<vmem>>) semaphore(%arg10 : memref<!tpu.dma_semaphore, #tpu.memory_space<semaphore_mem>>)
      %add3A_56 = arith.constant 1 : i32
      %add3A_57 = arith.addi %add3A_26, %add3A_56 : i32
      %run_scoped3A_58 = arith.constant 1 : i32
      "tpu.region"() ({
        %run_scoped3A_207 = tpu.sem_alloc : memref<!tpu.dma_semaphore, #tpu.memory_space<semaphore_mem>>
        %dma_start3A_208 = arith.constant 0 : i32
        %dma_start3A_209 = tpu.memref_slice %arg6[%run_scoped3A_58, %dma_start3A_208] : memref<3x120xi32, #tpu.memory_space<vmem>> -> memref<1x120xi32, #tpu.memory_space<vmem>>
        %dma_start3A_210 = tpu.memref_squeeze %dma_start3A_209 : memref<1x120xi32, #tpu.memory_space<vmem>> -> memref<120xi32, #tpu.memory_space<vmem>>
        %dma_start3A_211 = arith.constant 0 : i32
        %dma_start3A_212 = tpu.memref_slice %arg2[%add3A_57, %dma_start3A_211] : memref<2688x120xi32, #tpu.memory_space<hbm>> -> memref<1x120xi32, #tpu.memory_space<hbm>>
        %dma_start3A_213 = tpu.memref_squeeze %dma_start3A_212 : memref<1x120xi32, #tpu.memory_space<hbm>> -> memref<120xi32, #tpu.memory_space<hbm>>
        %dma_start3A_214 = arith.constant 0 : i32
        %dma_start3A_215 = tpu.memref_slice %arg6[%run_scoped3A_58, %dma_start3A_214] : memref<3x120xi32, #tpu.memory_space<vmem>> -> memref<1x120xi32, #tpu.memory_space<vmem>>
        %dma_start3A_216 = tpu.memref_squeeze %dma_start3A_215 : memref<1x120xi32, #tpu.memory_space<vmem>> -> memref<120xi32, #tpu.memory_space<vmem>>
        %dma_start3A_217 = arith.constant 0 : i32
        %dma_start3A_218 = tpu.memref_slice %arg2[%add3A_57, %dma_start3A_217] : memref<2688x120xi32, #tpu.memory_space<hbm>> -> memref<1x120xi32, #tpu.memory_space<hbm>>
        %dma_start3A_219 = tpu.memref_squeeze %dma_start3A_218 : memref<1x120xi32, #tpu.memory_space<hbm>> -> memref<120xi32, #tpu.memory_space<hbm>>
        tpu.enqueue_dma source(%dma_start3A_219 : memref<120xi32, #tpu.memory_space<hbm>>) target(%dma_start3A_216 : memref<120xi32, #tpu.memory_space<vmem>>) target_semaphore(%run_scoped3A_207 : memref<!tpu.dma_semaphore, #tpu.memory_space<semaphore_mem>>)
        %dma_wait3A_220 = arith.constant 0 : i32
        %dma_wait3A_221 = tpu.memref_slice %arg6[%run_scoped3A_58, %dma_wait3A_220] : memref<3x120xi32, #tpu.memory_space<vmem>> -> memref<1x120xi32, #tpu.memory_space<vmem>>
        %dma_wait3A_222 = tpu.memref_squeeze %dma_wait3A_221 : memref<1x120xi32, #tpu.memory_space<vmem>> -> memref<120xi32, #tpu.memory_space<vmem>>
        %dma_wait3A_223 = arith.constant 0 : i32
        %dma_wait3A_224 = tpu.memref_slice %arg2[%add3A_57, %dma_wait3A_223] : memref<2688x120xi32, #tpu.memory_space<hbm>> -> memref<1x120xi32, #tpu.memory_space<hbm>>
        %dma_wait3A_225 = tpu.memref_squeeze %dma_wait3A_224 : memref<1x120xi32, #tpu.memory_space<hbm>> -> memref<120xi32, #tpu.memory_space<hbm>>
        %dma_wait3A_226 = arith.constant 0 : i32
        %dma_wait3A_227 = tpu.memref_slice %arg6[%run_scoped3A_58, %dma_wait3A_226] : memref<3x120xi32, #tpu.memory_space<vmem>> -> memref<1x120xi32, #tpu.memory_space<vmem>>
        %dma_wait3A_228 = tpu.memref_squeeze %dma_wait3A_227 : memref<1x120xi32, #tpu.memory_space<vmem>> -> memref<120xi32, #tpu.memory_space<vmem>>
        %dma_wait3A_229 = arith.constant 0 : i32
        %dma_wait3A_230 = tpu.memref_slice %arg2[%add3A_57, %dma_wait3A_229] : memref<2688x120xi32, #tpu.memory_space<hbm>> -> memref<1x120xi32, #tpu.memory_space<hbm>>
        %dma_wait3A_231 = tpu.memref_squeeze %dma_wait3A_230 : memref<1x120xi32, #tpu.memory_space<hbm>> -> memref<120xi32, #tpu.memory_space<hbm>>
        tpu.wait_dma2 semaphore(%run_scoped3A_207 : memref<!tpu.dma_semaphore, #tpu.memory_space<semaphore_mem>>) src(%dma_wait3A_231 : memref<120xi32, #tpu.memory_space<hbm>>) dst(%dma_wait3A_228 : memref<120xi32, #tpu.memory_space<vmem>>)
        tpu.yield
      }) : () -> ()
      %add3A_59 = arith.constant 1 : i32
      %add3A_60 = arith.addi %add3A_26, %add3A_59 : i32
      %dma_start3A_61 = arith.constant 1 : i32
      %dma_start3A_62 = arith.constant 0 : i32
      %dma_start3A_63 = tpu.memref_slice %arg7[%dma_start3A_61, %dma_start3A_62] : memref<3x120xi32, #tpu.memory_space<vmem>> -> memref<1x120xi32, #tpu.memory_space<vmem>>
      %dma_start3A_64 = tpu.memref_squeeze %dma_start3A_63 : memref<1x120xi32, #tpu.memory_space<vmem>> -> memref<120xi32, #tpu.memory_space<vmem>>
      %dma_start3A_65 = arith.constant 0 : i32
      %dma_start3A_66 = tpu.memref_slice %arg3[%add3A_60, %dma_start3A_65] : memref<2688x120xi32, #tpu.memory_space<hbm>> -> memref<1x120xi32, #tpu.memory_space<hbm>>
      %dma_start3A_67 = tpu.memref_squeeze %dma_start3A_66 : memref<1x120xi32, #tpu.memory_space<hbm>> -> memref<120xi32, #tpu.memory_space<hbm>>
      %dma_start3A_68 = arith.constant 0 : i32
      %dma_start3A_69 = tpu.memref_slice %arg7[%dma_start3A_61, %dma_start3A_68] : memref<3x120xi32, #tpu.memory_space<vmem>> -> memref<1x120xi32, #tpu.memory_space<vmem>>
      %dma_start3A_70 = tpu.memref_squeeze %dma_start3A_69 : memref<1x120xi32, #tpu.memory_space<vmem>> -> memref<120xi32, #tpu.memory_space<vmem>>
      %dma_start3A_71 = arith.constant 0 : i32
      %dma_start3A_72 = tpu.memref_slice %arg3[%add3A_60, %dma_start3A_71] : memref<2688x120xi32, #tpu.memory_space<hbm>> -> memref<1x120xi32, #tpu.memory_space<hbm>>
      %dma_start3A_73 = tpu.memref_squeeze %dma_start3A_72 : memref<1x120xi32, #tpu.memory_space<hbm>> -> memref<120xi32, #tpu.memory_space<hbm>>
      tpu.enqueue_dma source(%dma_start3A_73 : memref<120xi32, #tpu.memory_space<hbm>>) target(%dma_start3A_70 : memref<120xi32, #tpu.memory_space<vmem>>) target_semaphore(%arg17 : memref<!tpu.dma_semaphore, #tpu.memory_space<semaphore_mem>>)
      %dma_start3A_74 = arith.constant 1 : i32
      %dma_start3A_75 = arith.constant 1 : i32
      %dma_start3A_76 = arith.constant 0 : i32
      %dma_start3A_77 = arith.constant 0 : i32
      %dma_start3A_78 = tpu.memref_slice %arg8[%dma_start3A_75, %dma_start3A_76, %dma_start3A_77] : memref<3x120x128xf32, #tpu.memory_space<vmem>> -> memref<1x120x128xf32, #tpu.memory_space<vmem>>
      %dma_start3A_79 = tpu.memref_squeeze %dma_start3A_78 : memref<1x120x128xf32, #tpu.memory_space<vmem>> -> memref<120x128xf32, #tpu.memory_space<vmem>>
      %dma_start3A_80 = arith.constant 0 : i32
      %dma_start3A_81 = tpu.memref_slice %arg6[%dma_start3A_74, %dma_start3A_80] : memref<3x120xi32, #tpu.memory_space<vmem>> -> memref<1x120xi32, #tpu.memory_space<vmem>>
      %dma_start3A_82 = tpu.memref_squeeze %dma_start3A_81 : memref<1x120xi32, #tpu.memory_space<vmem>> -> memref<120xi32, #tpu.memory_space<vmem>>
      %dma_start3A_83 = arith.constant 0 : i32
      %dma_start3A_84 = arith.constant 0 : i32
      %dma_start3A_85 = tpu.memref_slice %arg4[%dma_start3A_83, %dma_start3A_84] : memref<80000x128xf32, #tpu.memory_space<hbm>> -> memref<80000x128xf32, #tpu.memory_space<hbm>>
      tpu.enqueue_indirect_dma source(%dma_start3A_85 : memref<80000x128xf32, #tpu.memory_space<hbm>>) target(%dma_start3A_79 : memref<120x128xf32, #tpu.memory_space<vmem>>) offsets(%dma_start3A_82 : memref<120xi32, #tpu.memory_space<vmem>>) semaphore(%arg11 : memref<!tpu.dma_semaphore, #tpu.memory_space<semaphore_mem>>)
      %add3A_86 = arith.constant 2 : i32
      %add3A_87 = arith.addi %add3A_26, %add3A_86 : i32
      %run_scoped3A_88 = arith.constant 2 : i32
      "tpu.region"() ({
        %run_scoped3A_207 = tpu.sem_alloc : memref<!tpu.dma_semaphore, #tpu.memory_space<semaphore_mem>>
        %dma_start3A_208 = arith.constant 0 : i32
        %dma_start3A_209 = tpu.memref_slice %arg6[%run_scoped3A_88, %dma_start3A_208] : memref<3x120xi32, #tpu.memory_space<vmem>> -> memref<1x120xi32, #tpu.memory_space<vmem>>
        %dma_start3A_210 = tpu.memref_squeeze %dma_start3A_209 : memref<1x120xi32, #tpu.memory_space<vmem>> -> memref<120xi32, #tpu.memory_space<vmem>>
        %dma_start3A_211 = arith.constant 0 : i32
        %dma_start3A_212 = tpu.memref_slice %arg2[%add3A_87, %dma_start3A_211] : memref<2688x120xi32, #tpu.memory_space<hbm>> -> memref<1x120xi32, #tpu.memory_space<hbm>>
        %dma_start3A_213 = tpu.memref_squeeze %dma_start3A_212 : memref<1x120xi32, #tpu.memory_space<hbm>> -> memref<120xi32, #tpu.memory_space<hbm>>
        %dma_start3A_214 = arith.constant 0 : i32
        %dma_start3A_215 = tpu.memref_slice %arg6[%run_scoped3A_88, %dma_start3A_214] : memref<3x120xi32, #tpu.memory_space<vmem>> -> memref<1x120xi32, #tpu.memory_space<vmem>>
        %dma_start3A_216 = tpu.memref_squeeze %dma_start3A_215 : memref<1x120xi32, #tpu.memory_space<vmem>> -> memref<120xi32, #tpu.memory_space<vmem>>
        %dma_start3A_217 = arith.constant 0 : i32
        %dma_start3A_218 = tpu.memref_slice %arg2[%add3A_87, %dma_start3A_217] : memref<2688x120xi32, #tpu.memory_space<hbm>> -> memref<1x120xi32, #tpu.memory_space<hbm>>
        %dma_start3A_219 = tpu.memref_squeeze %dma_start3A_218 : memref<1x120xi32, #tpu.memory_space<hbm>> -> memref<120xi32, #tpu.memory_space<hbm>>
        tpu.enqueue_dma source(%dma_start3A_219 : memref<120xi32, #tpu.memory_space<hbm>>) target(%dma_start3A_216 : memref<120xi32, #tpu.memory_space<vmem>>) target_semaphore(%run_scoped3A_207 : memref<!tpu.dma_semaphore, #tpu.memory_space<semaphore_mem>>)
        %dma_wait3A_220 = arith.constant 0 : i32
        %dma_wait3A_221 = tpu.memref_slice %arg6[%run_scoped3A_88, %dma_wait3A_220] : memref<3x120xi32, #tpu.memory_space<vmem>> -> memref<1x120xi32, #tpu.memory_space<vmem>>
        %dma_wait3A_222 = tpu.memref_squeeze %dma_wait3A_221 : memref<1x120xi32, #tpu.memory_space<vmem>> -> memref<120xi32, #tpu.memory_space<vmem>>
        %dma_wait3A_223 = arith.constant 0 : i32
        %dma_wait3A_224 = tpu.memref_slice %arg2[%add3A_87, %dma_wait3A_223] : memref<2688x120xi32, #tpu.memory_space<hbm>> -> memref<1x120xi32, #tpu.memory_space<hbm>>
        %dma_wait3A_225 = tpu.memref_squeeze %dma_wait3A_224 : memref<1x120xi32, #tpu.memory_space<hbm>> -> memref<120xi32, #tpu.memory_space<hbm>>
        %dma_wait3A_226 = arith.constant 0 : i32
        %dma_wait3A_227 = tpu.memref_slice %arg6[%run_scoped3A_88, %dma_wait3A_226] : memref<3x120xi32, #tpu.memory_space<vmem>> -> memref<1x120xi32, #tpu.memory_space<vmem>>
        %dma_wait3A_228 = tpu.memref_squeeze %dma_wait3A_227 : memref<1x120xi32, #tpu.memory_space<vmem>> -> memref<120xi32, #tpu.memory_space<vmem>>
        %dma_wait3A_229 = arith.constant 0 : i32
        %dma_wait3A_230 = tpu.memref_slice %arg2[%add3A_87, %dma_wait3A_229] : memref<2688x120xi32, #tpu.memory_space<hbm>> -> memref<1x120xi32, #tpu.memory_space<hbm>>
        %dma_wait3A_231 = tpu.memref_squeeze %dma_wait3A_230 : memref<1x120xi32, #tpu.memory_space<hbm>> -> memref<120xi32, #tpu.memory_space<hbm>>
        tpu.wait_dma2 semaphore(%run_scoped3A_207 : memref<!tpu.dma_semaphore, #tpu.memory_space<semaphore_mem>>) src(%dma_wait3A_231 : memref<120xi32, #tpu.memory_space<hbm>>) dst(%dma_wait3A_228 : memref<120xi32, #tpu.memory_space<vmem>>)
        tpu.yield
      }) : () -> ()
      %add3A_89 = arith.constant 2 : i32
      %add3A_90 = arith.addi %add3A_26, %add3A_89 : i32
      %dma_start3A_91 = arith.constant 2 : i32
      %dma_start3A_92 = arith.constant 0 : i32
      %dma_start3A_93 = tpu.memref_slice %arg7[%dma_start3A_91, %dma_start3A_92] : memref<3x120xi32, #tpu.memory_space<vmem>> -> memref<1x120xi32, #tpu.memory_space<vmem>>
      %dma_start3A_94 = tpu.memref_squeeze %dma_start3A_93 : memref<1x120xi32, #tpu.memory_space<vmem>> -> memref<120xi32, #tpu.memory_space<vmem>>
      %dma_start3A_95 = arith.constant 0 : i32
      %dma_start3A_96 = tpu.memref_slice %arg3[%add3A_90, %dma_start3A_95] : memref<2688x120xi32, #tpu.memory_space<hbm>> -> memref<1x120xi32, #tpu.memory_space<hbm>>
      %dma_start3A_97 = tpu.memref_squeeze %dma_start3A_96 : memref<1x120xi32, #tpu.memory_space<hbm>> -> memref<120xi32, #tpu.memory_space<hbm>>
      %dma_start3A_98 = arith.constant 0 : i32
      %dma_start3A_99 = tpu.memref_slice %arg7[%dma_start3A_91, %dma_start3A_98] : memref<3x120xi32, #tpu.memory_space<vmem>> -> memref<1x120xi32, #tpu.memory_space<vmem>>
      %dma_start3A_100 = tpu.memref_squeeze %dma_start3A_99 : memref<1x120xi32, #tpu.memory_space<vmem>> -> memref<120xi32, #tpu.memory_space<vmem>>
      %dma_start3A_101 = arith.constant 0 : i32
      %dma_start3A_102 = tpu.memref_slice %arg3[%add3A_90, %dma_start3A_101] : memref<2688x120xi32, #tpu.memory_space<hbm>> -> memref<1x120xi32, #tpu.memory_space<hbm>>
      %dma_start3A_103 = tpu.memref_squeeze %dma_start3A_102 : memref<1x120xi32, #tpu.memory_space<hbm>> -> memref<120xi32, #tpu.memory_space<hbm>>
      tpu.enqueue_dma source(%dma_start3A_103 : memref<120xi32, #tpu.memory_space<hbm>>) target(%dma_start3A_100 : memref<120xi32, #tpu.memory_space<vmem>>) target_semaphore(%arg18 : memref<!tpu.dma_semaphore, #tpu.memory_space<semaphore_mem>>)
      %dma_start3A_104 = arith.constant 2 : i32
      %dma_start3A_105 = arith.constant 2 : i32
      %dma_start3A_106 = arith.constant 0 : i32
      %dma_start3A_107 = arith.constant 0 : i32
      %dma_start3A_108 = tpu.memref_slice %arg8[%dma_start3A_105, %dma_start3A_106, %dma_start3A_107] : memref<3x120x128xf32, #tpu.memory_space<vmem>> -> memref<1x120x128xf32, #tpu.memory_space<vmem>>
      %dma_start3A_109 = tpu.memref_squeeze %dma_start3A_108 : memref<1x120x128xf32, #tpu.memory_space<vmem>> -> memref<120x128xf32, #tpu.memory_space<vmem>>
      %dma_start3A_110 = arith.constant 0 : i32
      %dma_start3A_111 = tpu.memref_slice %arg6[%dma_start3A_104, %dma_start3A_110] : memref<3x120xi32, #tpu.memory_space<vmem>> -> memref<1x120xi32, #tpu.memory_space<vmem>>
      %dma_start3A_112 = tpu.memref_squeeze %dma_start3A_111 : memref<1x120xi32, #tpu.memory_space<vmem>> -> memref<120xi32, #tpu.memory_space<vmem>>
      %dma_start3A_113 = arith.constant 0 : i32
      %dma_start3A_114 = arith.constant 0 : i32
      %dma_start3A_115 = tpu.memref_slice %arg4[%dma_start3A_113, %dma_start3A_114] : memref<80000x128xf32, #tpu.memory_space<hbm>> -> memref<80000x128xf32, #tpu.memory_space<hbm>>
      tpu.enqueue_indirect_dma source(%dma_start3A_115 : memref<80000x128xf32, #tpu.memory_space<hbm>>) target(%dma_start3A_109 : memref<120x128xf32, #tpu.memory_space<vmem>>) offsets(%dma_start3A_112 : memref<120xi32, #tpu.memory_space<vmem>>) semaphore(%arg12 : memref<!tpu.dma_semaphore, #tpu.memory_space<semaphore_mem>>)
      %scan3A_116 = arith.constant 0 : i32
      %scan3A_117 = arith.constant 9 : i32
      %scan3A_118 = arith.addi %scan3A_116, %scan3A_117 : i32
      %scan3A_119 = arith.constant 1 : i32
      scf.for %scan3A_207 = %scan3A_116 to %scan3A_118 step %scan3A_119  : i32 {
        %mul3A_208 = arith.constant 3 : i32
        %mul3A_209 = arith.muli %scan3A_207, %mul3A_208 : i32
        %add3A_210 = arith.constant 0 : i32
        %add3A_211 = arith.addi %add3A_210, %mul3A_209 : i32
        %add3A_212 = arith.constant 0 : i32
        %add3A_213 = arith.addi %add3A_211, %add3A_212 : i32
        %dma_wait3A_214 = arith.constant 0 : i32
        %dma_wait3A_215 = arith.constant 0 : i32
        %dma_wait3A_216 = arith.constant 0 : i32
        %dma_wait3A_217 = arith.constant 0 : i32
        %dma_wait3A_218 = tpu.memref_slice %arg8[%dma_wait3A_215, %dma_wait3A_216, %dma_wait3A_217] : memref<3x120x128xf32, #tpu.memory_space<vmem>> -> memref<1x120x128xf32, #tpu.memory_space<vmem>>
        %dma_wait3A_219 = tpu.memref_squeeze %dma_wait3A_218 : memref<1x120x128xf32, #tpu.memory_space<vmem>> -> memref<120x128xf32, #tpu.memory_space<vmem>>
        %dma_wait3A_220 = arith.constant 0 : i32
        %dma_wait3A_221 = tpu.memref_slice %arg6[%dma_wait3A_214, %dma_wait3A_220] : memref<3x120xi32, #tpu.memory_space<vmem>> -> memref<1x120xi32, #tpu.memory_space<vmem>>
        %dma_wait3A_222 = tpu.memref_squeeze %dma_wait3A_221 : memref<1x120xi32, #tpu.memory_space<vmem>> -> memref<120xi32, #tpu.memory_space<vmem>>
        %dma_wait3A_223 = arith.constant 0 : i32
        %dma_wait3A_224 = arith.constant 0 : i32
        %dma_wait3A_225 = tpu.memref_slice %arg4[%dma_wait3A_223, %dma_wait3A_224] : memref<80000x128xf32, #tpu.memory_space<hbm>> -> memref<80000x128xf32, #tpu.memory_space<hbm>>
        tpu.wait_indirect_dma semaphore(%arg10 : memref<!tpu.dma_semaphore, #tpu.memory_space<semaphore_mem>>) src(%dma_wait3A_225 : memref<80000x128xf32, #tpu.memory_space<hbm>>) dst(%dma_wait3A_219 : memref<120x128xf32, #tpu.memory_space<vmem>>)
        %add3A_226 = arith.addi %add3A_26, %add3A_213 : i32
        %add3A_227 = arith.constant 3 : i32
        %add3A_228 = arith.addi %add3A_226, %add3A_227 : i32
        %dma_start3A_229 = arith.constant 0 : i32
        %dma_start3A_230 = arith.constant 0 : i32
        %dma_start3A_231 = tpu.memref_slice %arg6[%dma_start3A_229, %dma_start3A_230] : memref<3x120xi32, #tpu.memory_space<vmem>> -> memref<1x120xi32, #tpu.memory_space<vmem>>
        %dma_start3A_232 = tpu.memref_squeeze %dma_start3A_231 : memref<1x120xi32, #tpu.memory_space<vmem>> -> memref<120xi32, #tpu.memory_space<vmem>>
        %dma_start3A_233 = arith.constant 0 : i32
        %dma_start3A_234 = tpu.memref_slice %arg2[%add3A_228, %dma_start3A_233] : memref<2688x120xi32, #tpu.memory_space<hbm>> -> memref<1x120xi32, #tpu.memory_space<hbm>>
        %dma_start3A_235 = tpu.memref_squeeze %dma_start3A_234 : memref<1x120xi32, #tpu.memory_space<hbm>> -> memref<120xi32, #tpu.memory_space<hbm>>
        %dma_start3A_236 = arith.constant 0 : i32
        %dma_start3A_237 = tpu.memref_slice %arg6[%dma_start3A_229, %dma_start3A_236] : memref<3x120xi32, #tpu.memory_space<vmem>> -> memref<1x120xi32, #tpu.memory_space<vmem>>
        %dma_start3A_238 = tpu.memref_squeeze %dma_start3A_237 : memref<1x120xi32, #tpu.memory_space<vmem>> -> memref<120xi32, #tpu.memory_space<vmem>>
        %dma_start3A_239 = arith.constant 0 : i32
        %dma_start3A_240 = tpu.memref_slice %arg2[%add3A_228, %dma_start3A_239] : memref<2688x120xi32, #tpu.memory_space<hbm>> -> memref<1x120xi32, #tpu.memory_space<hbm>>
        %dma_start3A_241 = tpu.memref_squeeze %dma_start3A_240 : memref<1x120xi32, #tpu.memory_space<hbm>> -> memref<120xi32, #tpu.memory_space<hbm>>
        tpu.enqueue_dma source(%dma_start3A_241 : memref<120xi32, #tpu.memory_space<hbm>>) target(%dma_start3A_238 : memref<120xi32, #tpu.memory_space<vmem>>) target_semaphore(%arg13 : memref<!tpu.dma_semaphore, #tpu.memory_space<semaphore_mem>>)
        %add3A_242 = arith.addi %add3A_26, %add3A_213 : i32
        %dma_wait3A_243 = arith.constant 0 : i32
        %dma_wait3A_244 = arith.constant 0 : i32
        %dma_wait3A_245 = tpu.memref_slice %arg7[%dma_wait3A_243, %dma_wait3A_244] : memref<3x120xi32, #tpu.memory_space<vmem>> -> memref<1x120xi32, #tpu.memory_space<vmem>>
        %dma_wait3A_246 = tpu.memref_squeeze %dma_wait3A_245 : memref<1x120xi32, #tpu.memory_space<vmem>> -> memref<120xi32, #tpu.memory_space<vmem>>
        %dma_wait3A_247 = arith.constant 0 : i32
        %dma_wait3A_248 = tpu.memref_slice %arg3[%add3A_242, %dma_wait3A_247] : memref<2688x120xi32, #tpu.memory_space<hbm>> -> memref<1x120xi32, #tpu.memory_space<hbm>>
        %dma_wait3A_249 = tpu.memref_squeeze %dma_wait3A_248 : memref<1x120xi32, #tpu.memory_space<hbm>> -> memref<120xi32, #tpu.memory_space<hbm>>
        %dma_wait3A_250 = arith.constant 0 : i32
        %dma_wait3A_251 = tpu.memref_slice %arg7[%dma_wait3A_243, %dma_wait3A_250] : memref<3x120xi32, #tpu.memory_space<vmem>> -> memref<1x120xi32, #tpu.memory_space<vmem>>
        %dma_wait3A_252 = tpu.memref_squeeze %dma_wait3A_251 : memref<1x120xi32, #tpu.memory_space<vmem>> -> memref<120xi32, #tpu.memory_space<vmem>>
        %dma_wait3A_253 = arith.constant 0 : i32
        %dma_wait3A_254 = tpu.memref_slice %arg3[%add3A_242, %dma_wait3A_253] : memref<2688x120xi32, #tpu.memory_space<hbm>> -> memref<1x120xi32, #tpu.memory_space<hbm>>
        %dma_wait3A_255 = tpu.memref_squeeze %dma_wait3A_254 : memref<1x120xi32, #tpu.memory_space<hbm>> -> memref<120xi32, #tpu.memory_space<hbm>>
        tpu.wait_dma2 semaphore(%arg16 : memref<!tpu.dma_semaphore, #tpu.memory_space<semaphore_mem>>) src(%dma_wait3A_255 : memref<120xi32, #tpu.memory_space<hbm>>) dst(%dma_wait3A_252 : memref<120xi32, #tpu.memory_space<vmem>>)
        %run_scoped3A_256 = arith.constant 0 : i32
        %run_scoped3A_257 = arith.constant 0 : i32
        "tpu.region"() ({
          %run_scoped3A_488 = tpu.sem_alloc : memref<!tpu.dma_semaphore, #tpu.memory_space<semaphore_mem>>
          %dma_start3A_489 = arith.constant 0 : i32
          %dma_start3A_490 = arith.constant 0 : i32
          %dma_start3A_491 = tpu.memref_slice %arg8[%run_scoped3A_256, %dma_start3A_489, %dma_start3A_490] : memref<3x120x128xf32, #tpu.memory_space<vmem>> -> memref<1x120x128xf32, #tpu.memory_space<vmem>>
          %dma_start3A_492 = tpu.memref_squeeze %dma_start3A_491 : memref<1x120x128xf32, #tpu.memory_space<vmem>> -> memref<120x128xf32, #tpu.memory_space<vmem>>
          %dma_start3A_493 = arith.constant 0 : i32
          %dma_start3A_494 = tpu.memref_slice %arg7[%run_scoped3A_257, %dma_start3A_493] : memref<3x120xi32, #tpu.memory_space<vmem>> -> memref<1x120xi32, #tpu.memory_space<vmem>>
          %dma_start3A_495 = tpu.memref_squeeze %dma_start3A_494 : memref<1x120xi32, #tpu.memory_space<vmem>> -> memref<120xi32, #tpu.memory_space<vmem>>
          %dma_start3A_496 = arith.constant 0 : i32
          %dma_start3A_497 = arith.constant 0 : i32
          %dma_start3A_498 = tpu.memref_slice %arg9[%dma_start3A_496, %dma_start3A_497] : memref<10112x128xf32, #tpu.memory_space<vmem_shared>> -> memref<10112x128xf32, #tpu.memory_space<vmem_shared>>
          tpu.enqueue_indirect_dma source(%dma_start3A_492 : memref<120x128xf32, #tpu.memory_space<vmem>>) target(%dma_start3A_498 : memref<10112x128xf32, #tpu.memory_space<vmem_shared>>) offsets(%dma_start3A_495 : memref<120xi32, #tpu.memory_space<vmem>>) semaphore(%run_scoped3A_488 : memref<!tpu.dma_semaphore, #tpu.memory_space<semaphore_mem>>) {add = true}
          %dma_wait3A_499 = arith.constant 0 : i32
          %dma_wait3A_500 = arith.constant 0 : i32
          %dma_wait3A_501 = tpu.memref_slice %arg8[%run_scoped3A_256, %dma_wait3A_499, %dma_wait3A_500] : memref<3x120x128xf32, #tpu.memory_space<vmem>> -> memref<1x120x128xf32, #tpu.memory_space<vmem>>
          %dma_wait3A_502 = tpu.memref_squeeze %dma_wait3A_501 : memref<1x120x128xf32, #tpu.memory_space<vmem>> -> memref<120x128xf32, #tpu.memory_space<vmem>>
          %dma_wait3A_503 = arith.constant 0 : i32
          %dma_wait3A_504 = tpu.memref_slice %arg7[%run_scoped3A_257, %dma_wait3A_503] : memref<3x120xi32, #tpu.memory_space<vmem>> -> memref<1x120xi32, #tpu.memory_space<vmem>>
          %dma_wait3A_505 = tpu.memref_squeeze %dma_wait3A_504 : memref<1x120xi32, #tpu.memory_space<vmem>> -> memref<120xi32, #tpu.memory_space<vmem>>
          %dma_wait3A_506 = arith.constant 0 : i32
          %dma_wait3A_507 = arith.constant 0 : i32
          %dma_wait3A_508 = tpu.memref_slice %arg9[%dma_wait3A_506, %dma_wait3A_507] : memref<10112x128xf32, #tpu.memory_space<vmem_shared>> -> memref<10112x128xf32, #tpu.memory_space<vmem_shared>>
          tpu.wait_indirect_dma semaphore(%run_scoped3A_488 : memref<!tpu.dma_semaphore, #tpu.memory_space<semaphore_mem>>) src(%dma_wait3A_502 : memref<120x128xf32, #tpu.memory_space<vmem>>) dst(%dma_wait3A_508 : memref<10112x128xf32, #tpu.memory_space<vmem_shared>>)
          tpu.yield
        }) : () -> ()
        %add3A_258 = arith.addi %add3A_26, %add3A_213 : i32
        %add3A_259 = arith.constant 3 : i32
        %add3A_260 = arith.addi %add3A_258, %add3A_259 : i32
        %dma_start3A_261 = arith.constant 0 : i32
        %dma_start3A_262 = arith.constant 0 : i32
        %dma_start3A_263 = tpu.memref_slice %arg7[%dma_start3A_261, %dma_start3A_262] : memref<3x120xi32, #tpu.memory_space<vmem>> -> memref<1x120xi32, #tpu.memory_space<vmem>>
        %dma_start3A_264 = tpu.memref_squeeze %dma_start3A_263 : memref<1x120xi32, #tpu.memory_space<vmem>> -> memref<120xi32, #tpu.memory_space<vmem>>
        %dma_start3A_265 = arith.constant 0 : i32
        %dma_start3A_266 = tpu.memref_slice %arg3[%add3A_260, %dma_start3A_265] : memref<2688x120xi32, #tpu.memory_space<hbm>> -> memref<1x120xi32, #tpu.memory_space<hbm>>
        %dma_start3A_267 = tpu.memref_squeeze %dma_start3A_266 : memref<1x120xi32, #tpu.memory_space<hbm>> -> memref<120xi32, #tpu.memory_space<hbm>>
        %dma_start3A_268 = arith.constant 0 : i32
        %dma_start3A_269 = tpu.memref_slice %arg7[%dma_start3A_261, %dma_start3A_268] : memref<3x120xi32, #tpu.memory_space<vmem>> -> memref<1x120xi32, #tpu.memory_space<vmem>>
        %dma_start3A_270 = tpu.memref_squeeze %dma_start3A_269 : memref<1x120xi32, #tpu.memory_space<vmem>> -> memref<120xi32, #tpu.memory_space<vmem>>
        %dma_start3A_271 = arith.constant 0 : i32
        %dma_start3A_272 = tpu.memref_slice %arg3[%add3A_260, %dma_start3A_271] : memref<2688x120xi32, #tpu.memory_space<hbm>> -> memref<1x120xi32, #tpu.memory_space<hbm>>
        %dma_start3A_273 = tpu.memref_squeeze %dma_start3A_272 : memref<1x120xi32, #tpu.memory_space<hbm>> -> memref<120xi32, #tpu.memory_space<hbm>>
        tpu.enqueue_dma source(%dma_start3A_273 : memref<120xi32, #tpu.memory_space<hbm>>) target(%dma_start3A_270 : memref<120xi32, #tpu.memory_space<vmem>>) target_semaphore(%arg16 : memref<!tpu.dma_semaphore, #tpu.memory_space<semaphore_mem>>)
        %add3A_274 = arith.addi %add3A_26, %add3A_213 : i32
        %add3A_275 = arith.constant 3 : i32
        %add3A_276 = arith.addi %add3A_274, %add3A_275 : i32
        %dma_wait3A_277 = arith.constant 0 : i32
        %dma_wait3A_278 = arith.constant 0 : i32
        %dma_wait3A_279 = tpu.memref_slice %arg6[%dma_wait3A_277, %dma_wait3A_278] : memref<3x120xi32, #tpu.memory_space<vmem>> -> memref<1x120xi32, #tpu.memory_space<vmem>>
        %dma_wait3A_280 = tpu.memref_squeeze %dma_wait3A_279 : memref<1x120xi32, #tpu.memory_space<vmem>> -> memref<120xi32, #tpu.memory_space<vmem>>
        %dma_wait3A_281 = arith.constant 0 : i32
        %dma_wait3A_282 = tpu.memref_slice %arg2[%add3A_276, %dma_wait3A_281] : memref<2688x120xi32, #tpu.memory_space<hbm>> -> memref<1x120xi32, #tpu.memory_space<hbm>>
        %dma_wait3A_283 = tpu.memref_squeeze %dma_wait3A_282 : memref<1x120xi32, #tpu.memory_space<hbm>> -> memref<120xi32, #tpu.memory_space<hbm>>
        %dma_wait3A_284 = arith.constant 0 : i32
        %dma_wait3A_285 = tpu.memref_slice %arg6[%dma_wait3A_277, %dma_wait3A_284] : memref<3x120xi32, #tpu.memory_space<vmem>> -> memref<1x120xi32, #tpu.memory_space<vmem>>
        %dma_wait3A_286 = tpu.memref_squeeze %dma_wait3A_285 : memref<1x120xi32, #tpu.memory_space<vmem>> -> memref<120xi32, #tpu.memory_space<vmem>>
        %dma_wait3A_287 = arith.constant 0 : i32
        %dma_wait3A_288 = tpu.memref_slice %arg2[%add3A_276, %dma_wait3A_287] : memref<2688x120xi32, #tpu.memory_space<hbm>> -> memref<1x120xi32, #tpu.memory_space<hbm>>
        %dma_wait3A_289 = tpu.memref_squeeze %dma_wait3A_288 : memref<1x120xi32, #tpu.memory_space<hbm>> -> memref<120xi32, #tpu.memory_space<hbm>>
        tpu.wait_dma2 semaphore(%arg13 : memref<!tpu.dma_semaphore, #tpu.memory_space<semaphore_mem>>) src(%dma_wait3A_289 : memref<120xi32, #tpu.memory_space<hbm>>) dst(%dma_wait3A_286 : memref<120xi32, #tpu.memory_space<vmem>>)
        %add3A_290 = arith.constant 3 : i32
        %add3A_291 = arith.addi %add3A_213, %add3A_290 : i32
        %dma_start3A_292 = arith.constant 0 : i32
        %dma_start3A_293 = arith.constant 0 : i32
        %dma_start3A_294 = arith.constant 0 : i32
        %dma_start3A_295 = arith.constant 0 : i32
        %dma_start3A_296 = tpu.memref_slice %arg8[%dma_start3A_293, %dma_start3A_294, %dma_start3A_295] : memref<3x120x128xf32, #tpu.memory_space<vmem>> -> memref<1x120x128xf32, #tpu.memory_space<vmem>>
        %dma_start3A_297 = tpu.memref_squeeze %dma_start3A_296 : memref<1x120x128xf32, #tpu.memory_space<vmem>> -> memref<120x128xf32, #tpu.memory_space<vmem>>
        %dma_start3A_298 = arith.constant 0 : i32
        %dma_start3A_299 = tpu.memref_slice %arg6[%dma_start3A_292, %dma_start3A_298] : memref<3x120xi32, #tpu.memory_space<vmem>> -> memref<1x120xi32, #tpu.memory_space<vmem>>
        %dma_start3A_300 = tpu.memref_squeeze %dma_start3A_299 : memref<1x120xi32, #tpu.memory_space<vmem>> -> memref<120xi32, #tpu.memory_space<vmem>>
        %dma_start3A_301 = arith.constant 0 : i32
        %dma_start3A_302 = arith.constant 0 : i32
        %dma_start3A_303 = tpu.memref_slice %arg4[%dma_start3A_301, %dma_start3A_302] : memref<80000x128xf32, #tpu.memory_space<hbm>> -> memref<80000x128xf32, #tpu.memory_space<hbm>>
        tpu.enqueue_indirect_dma source(%dma_start3A_303 : memref<80000x128xf32, #tpu.memory_space<hbm>>) target(%dma_start3A_297 : memref<120x128xf32, #tpu.memory_space<vmem>>) offsets(%dma_start3A_300 : memref<120xi32, #tpu.memory_space<vmem>>) semaphore(%arg10 : memref<!tpu.dma_semaphore, #tpu.memory_space<semaphore_mem>>)
        %add3A_304 = arith.constant 1 : i32
        %add3A_305 = arith.addi %add3A_211, %add3A_304 : i32
        %dma_wait3A_306 = arith.constant 1 : i32
        %dma_wait3A_307 = arith.constant 1 : i32
        %dma_wait3A_308 = arith.constant 0 : i32
        %dma_wait3A_309 = arith.constant 0 : i32
        %dma_wait3A_310 = tpu.memref_slice %arg8[%dma_wait3A_307, %dma_wait3A_308, %dma_wait3A_309] : memref<3x120x128xf32, #tpu.memory_space<vmem>> -> memref<1x120x128xf32, #tpu.memory_space<vmem>>
        %dma_wait3A_311 = tpu.memref_squeeze %dma_wait3A_310 : memref<1x120x128xf32, #tpu.memory_space<vmem>> -> memref<120x128xf32, #tpu.memory_space<vmem>>
        %dma_wait3A_312 = arith.constant 0 : i32
        %dma_wait3A_313 = tpu.memref_slice %arg6[%dma_wait3A_306, %dma_wait3A_312] : memref<3x120xi32, #tpu.memory_space<vmem>> -> memref<1x120xi32, #tpu.memory_space<vmem>>
        %dma_wait3A_314 = tpu.memref_squeeze %dma_wait3A_313 : memref<1x120xi32, #tpu.memory_space<vmem>> -> memref<120xi32, #tpu.memory_space<vmem>>
        %dma_wait3A_315 = arith.constant 0 : i32
        %dma_wait3A_316 = arith.constant 0 : i32
        %dma_wait3A_317 = tpu.memref_slice %arg4[%dma_wait3A_315, %dma_wait3A_316] : memref<80000x128xf32, #tpu.memory_space<hbm>> -> memref<80000x128xf32, #tpu.memory_space<hbm>>
        tpu.wait_indirect_dma semaphore(%arg11 : memref<!tpu.dma_semaphore, #tpu.memory_space<semaphore_mem>>) src(%dma_wait3A_317 : memref<80000x128xf32, #tpu.memory_space<hbm>>) dst(%dma_wait3A_311 : memref<120x128xf32, #tpu.memory_space<vmem>>)
        %add3A_318 = arith.addi %add3A_26, %add3A_305 : i32
        %add3A_319 = arith.constant 3 : i32
        %add3A_320 = arith.addi %add3A_318, %add3A_319 : i32
        %dma_start3A_321 = arith.constant 1 : i32
        %dma_start3A_322 = arith.constant 0 : i32
        %dma_start3A_323 = tpu.memref_slice %arg6[%dma_start3A_321, %dma_start3A_322] : memref<3x120xi32, #tpu.memory_space<vmem>> -> memref<1x120xi32, #tpu.memory_space<vmem>>
        %dma_start3A_324 = tpu.memref_squeeze %dma_start3A_323 : memref<1x120xi32, #tpu.memory_space<vmem>> -> memref<120xi32, #tpu.memory_space<vmem>>
        %dma_start3A_325 = arith.constant 0 : i32
        %dma_start3A_326 = tpu.memref_slice %arg2[%add3A_320, %dma_start3A_325] : memref<2688x120xi32, #tpu.memory_space<hbm>> -> memref<1x120xi32, #tpu.memory_space<hbm>>
        %dma_start3A_327 = tpu.memref_squeeze %dma_start3A_326 : memref<1x120xi32, #tpu.memory_space<hbm>> -> memref<120xi32, #tpu.memory_space<hbm>>
        %dma_start3A_328 = arith.constant 0 : i32
        %dma_start3A_329 = tpu.memref_slice %arg6[%dma_start3A_321, %dma_start3A_328] : memref<3x120xi32, #tpu.memory_space<vmem>> -> memref<1x120xi32, #tpu.memory_space<vmem>>
        %dma_start3A_330 = tpu.memref_squeeze %dma_start3A_329 : memref<1x120xi32, #tpu.memory_space<vmem>> -> memref<120xi32, #tpu.memory_space<vmem>>
        %dma_start3A_331 = arith.constant 0 : i32
        %dma_start3A_332 = tpu.memref_slice %arg2[%add3A_320, %dma_start3A_331] : memref<2688x120xi32, #tpu.memory_space<hbm>> -> memref<1x120xi32, #tpu.memory_space<hbm>>
        %dma_start3A_333 = tpu.memref_squeeze %dma_start3A_332 : memref<1x120xi32, #tpu.memory_space<hbm>> -> memref<120xi32, #tpu.memory_space<hbm>>
        tpu.enqueue_dma source(%dma_start3A_333 : memref<120xi32, #tpu.memory_space<hbm>>) target(%dma_start3A_330 : memref<120xi32, #tpu.memory_space<vmem>>) target_semaphore(%arg14 : memref<!tpu.dma_semaphore, #tpu.memory_space<semaphore_mem>>)
        %add3A_334 = arith.addi %add3A_26, %add3A_305 : i32
        %dma_wait3A_335 = arith.constant 1 : i32
        %dma_wait3A_336 = arith.constant 0 : i32
        %dma_wait3A_337 = tpu.memref_slice %arg7[%dma_wait3A_335, %dma_wait3A_336] : memref<3x120xi32, #tpu.memory_space<vmem>> -> memref<1x120xi32, #tpu.memory_space<vmem>>
        %dma_wait3A_338 = tpu.memref_squeeze %dma_wait3A_337 : memref<1x120xi32, #tpu.memory_space<vmem>> -> memref<120xi32, #tpu.memory_space<vmem>>
        %dma_wait3A_339 = arith.constant 0 : i32
        %dma_wait3A_340 = tpu.memref_slice %arg3[%add3A_334, %dma_wait3A_339] : memref<2688x120xi32, #tpu.memory_space<hbm>> -> memref<1x120xi32, #tpu.memory_space<hbm>>
        %dma_wait3A_341 = tpu.memref_squeeze %dma_wait3A_340 : memref<1x120xi32, #tpu.memory_space<hbm>> -> memref<120xi32, #tpu.memory_space<hbm>>
        %dma_wait3A_342 = arith.constant 0 : i32
        %dma_wait3A_343 = tpu.memref_slice %arg7[%dma_wait3A_335, %dma_wait3A_342] : memref<3x120xi32, #tpu.memory_space<vmem>> -> memref<1x120xi32, #tpu.memory_space<vmem>>
        %dma_wait3A_344 = tpu.memref_squeeze %dma_wait3A_343 : memref<1x120xi32, #tpu.memory_space<vmem>> -> memref<120xi32, #tpu.memory_space<vmem>>
        %dma_wait3A_345 = arith.constant 0 : i32
        %dma_wait3A_346 = tpu.memref_slice %arg3[%add3A_334, %dma_wait3A_345] : memref<2688x120xi32, #tpu.memory_space<hbm>> -> memref<1x120xi32, #tpu.memory_space<hbm>>
        %dma_wait3A_347 = tpu.memref_squeeze %dma_wait3A_346 : memref<1x120xi32, #tpu.memory_space<hbm>> -> memref<120xi32, #tpu.memory_space<hbm>>
        tpu.wait_dma2 semaphore(%arg17 : memref<!tpu.dma_semaphore, #tpu.memory_space<semaphore_mem>>) src(%dma_wait3A_347 : memref<120xi32, #tpu.memory_space<hbm>>) dst(%dma_wait3A_344 : memref<120xi32, #tpu.memory_space<vmem>>)
        %run_scoped3A_348 = arith.constant 1 : i32
        %run_scoped3A_349 = arith.constant 1 : i32
        "tpu.region"() ({
          %run_scoped3A_488 = tpu.sem_alloc : memref<!tpu.dma_semaphore, #tpu.memory_space<semaphore_mem>>
          %dma_start3A_489 = arith.constant 0 : i32
          %dma_start3A_490 = arith.constant 0 : i32
          %dma_start3A_491 = tpu.memref_slice %arg8[%run_scoped3A_348, %dma_start3A_489, %dma_start3A_490] : memref<3x120x128xf32, #tpu.memory_space<vmem>> -> memref<1x120x128xf32, #tpu.memory_space<vmem>>
          %dma_start3A_492 = tpu.memref_squeeze %dma_start3A_491 : memref<1x120x128xf32, #tpu.memory_space<vmem>> -> memref<120x128xf32, #tpu.memory_space<vmem>>
          %dma_start3A_493 = arith.constant 0 : i32
          %dma_start3A_494 = tpu.memref_slice %arg7[%run_scoped3A_349, %dma_start3A_493] : memref<3x120xi32, #tpu.memory_space<vmem>> -> memref<1x120xi32, #tpu.memory_space<vmem>>
          %dma_start3A_495 = tpu.memref_squeeze %dma_start3A_494 : memref<1x120xi32, #tpu.memory_space<vmem>> -> memref<120xi32, #tpu.memory_space<vmem>>
          %dma_start3A_496 = arith.constant 0 : i32
          %dma_start3A_497 = arith.constant 0 : i32
          %dma_start3A_498 = tpu.memref_slice %arg9[%dma_start3A_496, %dma_start3A_497] : memref<10112x128xf32, #tpu.memory_space<vmem_shared>> -> memref<10112x128xf32, #tpu.memory_space<vmem_shared>>
          tpu.enqueue_indirect_dma source(%dma_start3A_492 : memref<120x128xf32, #tpu.memory_space<vmem>>) target(%dma_start3A_498 : memref<10112x128xf32, #tpu.memory_space<vmem_shared>>) offsets(%dma_start3A_495 : memref<120xi32, #tpu.memory_space<vmem>>) semaphore(%run_scoped3A_488 : memref<!tpu.dma_semaphore, #tpu.memory_space<semaphore_mem>>) {add = true}
          %dma_wait3A_499 = arith.constant 0 : i32
          %dma_wait3A_500 = arith.constant 0 : i32
          %dma_wait3A_501 = tpu.memref_slice %arg8[%run_scoped3A_348, %dma_wait3A_499, %dma_wait3A_500] : memref<3x120x128xf32, #tpu.memory_space<vmem>> -> memref<1x120x128xf32, #tpu.memory_space<vmem>>
          %dma_wait3A_502 = tpu.memref_squeeze %dma_wait3A_501 : memref<1x120x128xf32, #tpu.memory_space<vmem>> -> memref<120x128xf32, #tpu.memory_space<vmem>>
          %dma_wait3A_503 = arith.constant 0 : i32
          %dma_wait3A_504 = tpu.memref_slice %arg7[%run_scoped3A_349, %dma_wait3A_503] : memref<3x120xi32, #tpu.memory_space<vmem>> -> memref<1x120xi32, #tpu.memory_space<vmem>>
          %dma_wait3A_505 = tpu.memref_squeeze %dma_wait3A_504 : memref<1x120xi32, #tpu.memory_space<vmem>> -> memref<120xi32, #tpu.memory_space<vmem>>
          %dma_wait3A_506 = arith.constant 0 : i32
          %dma_wait3A_507 = arith.constant 0 : i32
          %dma_wait3A_508 = tpu.memref_slice %arg9[%dma_wait3A_506, %dma_wait3A_507] : memref<10112x128xf32, #tpu.memory_space<vmem_shared>> -> memref<10112x128xf32, #tpu.memory_space<vmem_shared>>
          tpu.wait_indirect_dma semaphore(%run_scoped3A_488 : memref<!tpu.dma_semaphore, #tpu.memory_space<semaphore_mem>>) src(%dma_wait3A_502 : memref<120x128xf32, #tpu.memory_space<vmem>>) dst(%dma_wait3A_508 : memref<10112x128xf32, #tpu.memory_space<vmem_shared>>)
          tpu.yield
        }) : () -> ()
        %add3A_350 = arith.addi %add3A_26, %add3A_305 : i32
        %add3A_351 = arith.constant 3 : i32
        %add3A_352 = arith.addi %add3A_350, %add3A_351 : i32
        %dma_start3A_353 = arith.constant 1 : i32
        %dma_start3A_354 = arith.constant 0 : i32
        %dma_start3A_355 = tpu.memref_slice %arg7[%dma_start3A_353, %dma_start3A_354] : memref<3x120xi32, #tpu.memory_space<vmem>> -> memref<1x120xi32, #tpu.memory_space<vmem>>
        %dma_start3A_356 = tpu.memref_squeeze %dma_start3A_355 : memref<1x120xi32, #tpu.memory_space<vmem>> -> memref<120xi32, #tpu.memory_space<vmem>>
        %dma_start3A_357 = arith.constant 0 : i32
        %dma_start3A_358 = tpu.memref_slice %arg3[%add3A_352, %dma_start3A_357] : memref<2688x120xi32, #tpu.memory_space<hbm>> -> memref<1x120xi32, #tpu.memory_space<hbm>>
        %dma_start3A_359 = tpu.memref_squeeze %dma_start3A_358 : memref<1x120xi32, #tpu.memory_space<hbm>> -> memref<120xi32, #tpu.memory_space<hbm>>
        %dma_start3A_360 = arith.constant 0 : i32
        %dma_start3A_361 = tpu.memref_slice %arg7[%dma_start3A_353, %dma_start3A_360] : memref<3x120xi32, #tpu.memory_space<vmem>> -> memref<1x120xi32, #tpu.memory_space<vmem>>
        %dma_start3A_362 = tpu.memref_squeeze %dma_start3A_361 : memref<1x120xi32, #tpu.memory_space<vmem>> -> memref<120xi32, #tpu.memory_space<vmem>>
        %dma_start3A_363 = arith.constant 0 : i32
        %dma_start3A_364 = tpu.memref_slice %arg3[%add3A_352, %dma_start3A_363] : memref<2688x120xi32, #tpu.memory_space<hbm>> -> memref<1x120xi32, #tpu.memory_space<hbm>>
        %dma_start3A_365 = tpu.memref_squeeze %dma_start3A_364 : memref<1x120xi32, #tpu.memory_space<hbm>> -> memref<120xi32, #tpu.memory_space<hbm>>
        tpu.enqueue_dma source(%dma_start3A_365 : memref<120xi32, #tpu.memory_space<hbm>>) target(%dma_start3A_362 : memref<120xi32, #tpu.memory_space<vmem>>) target_semaphore(%arg17 : memref<!tpu.dma_semaphore, #tpu.memory_space<semaphore_mem>>)
        %add3A_366 = arith.addi %add3A_26, %add3A_305 : i32
        %add3A_367 = arith.constant 3 : i32
        %add3A_368 = arith.addi %add3A_366, %add3A_367 : i32
        %dma_wait3A_369 = arith.constant 1 : i32
        %dma_wait3A_370 = arith.constant 0 : i32
        %dma_wait3A_371 = tpu.memref_slice %arg6[%dma_wait3A_369, %dma_wait3A_370] : memref<3x120xi32, #tpu.memory_space<vmem>> -> memref<1x120xi32, #tpu.memory_space<vmem>>
        %dma_wait3A_372 = tpu.memref_squeeze %dma_wait3A_371 : memref<1x120xi32, #tpu.memory_space<vmem>> -> memref<120xi32, #tpu.memory_space<vmem>>
        %dma_wait3A_373 = arith.constant 0 : i32
        %dma_wait3A_374 = tpu.memref_slice %arg2[%add3A_368, %dma_wait3A_373] : memref<2688x120xi32, #tpu.memory_space<hbm>> -> memref<1x120xi32, #tpu.memory_space<hbm>>
        %dma_wait3A_375 = tpu.memref_squeeze %dma_wait3A_374 : memref<1x120xi32, #tpu.memory_space<hbm>> -> memref<120xi32, #tpu.memory_space<hbm>>
        %dma_wait3A_376 = arith.constant 0 : i32
        %dma_wait3A_377 = tpu.memref_slice %arg6[%dma_wait3A_369, %dma_wait3A_376] : memref<3x120xi32, #tpu.memory_space<vmem>> -> memref<1x120xi32, #tpu.memory_space<vmem>>
        %dma_wait3A_378 = tpu.memref_squeeze %dma_wait3A_377 : memref<1x120xi32, #tpu.memory_space<vmem>> -> memref<120xi32, #tpu.memory_space<vmem>>
        %dma_wait3A_379 = arith.constant 0 : i32
        %dma_wait3A_380 = tpu.memref_slice %arg2[%add3A_368, %dma_wait3A_379] : memref<2688x120xi32, #tpu.memory_space<hbm>> -> memref<1x120xi32, #tpu.memory_space<hbm>>
        %dma_wait3A_381 = tpu.memref_squeeze %dma_wait3A_380 : memref<1x120xi32, #tpu.memory_space<hbm>> -> memref<120xi32, #tpu.memory_space<hbm>>
        tpu.wait_dma2 semaphore(%arg14 : memref<!tpu.dma_semaphore, #tpu.memory_space<semaphore_mem>>) src(%dma_wait3A_381 : memref<120xi32, #tpu.memory_space<hbm>>) dst(%dma_wait3A_378 : memref<120xi32, #tpu.memory_space<vmem>>)
        %add3A_382 = arith.constant 3 : i32
        %add3A_383 = arith.addi %add3A_305, %add3A_382 : i32
        %dma_start3A_384 = arith.constant 1 : i32
        %dma_start3A_385 = arith.constant 1 : i32
        %dma_start3A_386 = arith.constant 0 : i32
        %dma_start3A_387 = arith.constant 0 : i32
        %dma_start3A_388 = tpu.memref_slice %arg8[%dma_start3A_385, %dma_start3A_386, %dma_start3A_387] : memref<3x120x128xf32, #tpu.memory_space<vmem>> -> memref<1x120x128xf32, #tpu.memory_space<vmem>>
        %dma_start3A_389 = tpu.memref_squeeze %dma_start3A_388 : memref<1x120x128xf32, #tpu.memory_space<vmem>> -> memref<120x128xf32, #tpu.memory_space<vmem>>
        %dma_start3A_390 = arith.constant 0 : i32
        %dma_start3A_391 = tpu.memref_slice %arg6[%dma_start3A_384, %dma_start3A_390] : memref<3x120xi32, #tpu.memory_space<vmem>> -> memref<1x120xi32, #tpu.memory_space<vmem>>
        %dma_start3A_392 = tpu.memref_squeeze %dma_start3A_391 : memref<1x120xi32, #tpu.memory_space<vmem>> -> memref<120xi32, #tpu.memory_space<vmem>>
        %dma_start3A_393 = arith.constant 0 : i32
        %dma_start3A_394 = arith.constant 0 : i32
        %dma_start3A_395 = tpu.memref_slice %arg4[%dma_start3A_393, %dma_start3A_394] : memref<80000x128xf32, #tpu.memory_space<hbm>> -> memref<80000x128xf32, #tpu.memory_space<hbm>>
        tpu.enqueue_indirect_dma source(%dma_start3A_395 : memref<80000x128xf32, #tpu.memory_space<hbm>>) target(%dma_start3A_389 : memref<120x128xf32, #tpu.memory_space<vmem>>) offsets(%dma_start3A_392 : memref<120xi32, #tpu.memory_space<vmem>>) semaphore(%arg11 : memref<!tpu.dma_semaphore, #tpu.memory_space<semaphore_mem>>)
        %add3A_396 = arith.constant 2 : i32
        %add3A_397 = arith.addi %add3A_211, %add3A_396 : i32
        %dma_wait3A_398 = arith.constant 2 : i32
        %dma_wait3A_399 = arith.constant 2 : i32
        %dma_wait3A_400 = arith.constant 0 : i32
        %dma_wait3A_401 = arith.constant 0 : i32
        %dma_wait3A_402 = tpu.memref_slice %arg8[%dma_wait3A_399, %dma_wait3A_400, %dma_wait3A_401] : memref<3x120x128xf32, #tpu.memory_space<vmem>> -> memref<1x120x128xf32, #tpu.memory_space<vmem>>
        %dma_wait3A_403 = tpu.memref_squeeze %dma_wait3A_402 : memref<1x120x128xf32, #tpu.memory_space<vmem>> -> memref<120x128xf32, #tpu.memory_space<vmem>>
        %dma_wait3A_404 = arith.constant 0 : i32
        %dma_wait3A_405 = tpu.memref_slice %arg6[%dma_wait3A_398, %dma_wait3A_404] : memref<3x120xi32, #tpu.memory_space<vmem>> -> memref<1x120xi32, #tpu.memory_space<vmem>>
        %dma_wait3A_406 = tpu.memref_squeeze %dma_wait3A_405 : memref<1x120xi32, #tpu.memory_space<vmem>> -> memref<120xi32, #tpu.memory_space<vmem>>
        %dma_wait3A_407 = arith.constant 0 : i32
        %dma_wait3A_408 = arith.constant 0 : i32
        %dma_wait3A_409 = tpu.memref_slice %arg4[%dma_wait3A_407, %dma_wait3A_408] : memref<80000x128xf32, #tpu.memory_space<hbm>> -> memref<80000x128xf32, #tpu.memory_space<hbm>>
        tpu.wait_indirect_dma semaphore(%arg12 : memref<!tpu.dma_semaphore, #tpu.memory_space<semaphore_mem>>) src(%dma_wait3A_409 : memref<80000x128xf32, #tpu.memory_space<hbm>>) dst(%dma_wait3A_403 : memref<120x128xf32, #tpu.memory_space<vmem>>)
        %add3A_410 = arith.addi %add3A_26, %add3A_397 : i32
        %add3A_411 = arith.constant 3 : i32
        %add3A_412 = arith.addi %add3A_410, %add3A_411 : i32
        %dma_start3A_413 = arith.constant 2 : i32
        %dma_start3A_414 = arith.constant 0 : i32
        %dma_start3A_415 = tpu.memref_slice %arg6[%dma_start3A_413, %dma_start3A_414] : memref<3x120xi32, #tpu.memory_space<vmem>> -> memref<1x120xi32, #tpu.memory_space<vmem>>
        %dma_start3A_416 = tpu.memref_squeeze %dma_start3A_415 : memref<1x120xi32, #tpu.memory_space<vmem>> -> memref<120xi32, #tpu.memory_space<vmem>>
        %dma_start3A_417 = arith.constant 0 : i32
        %dma_start3A_418 = tpu.memref_slice %arg2[%add3A_412, %dma_start3A_417] : memref<2688x120xi32, #tpu.memory_space<hbm>> -> memref<1x120xi32, #tpu.memory_space<hbm>>
        %dma_start3A_419 = tpu.memref_squeeze %dma_start3A_418 : memref<1x120xi32, #tpu.memory_space<hbm>> -> memref<120xi32, #tpu.memory_space<hbm>>
        %dma_start3A_420 = arith.constant 0 : i32
        %dma_start3A_421 = tpu.memref_slice %arg6[%dma_start3A_413, %dma_start3A_420] : memref<3x120xi32, #tpu.memory_space<vmem>> -> memref<1x120xi32, #tpu.memory_space<vmem>>
        %dma_start3A_422 = tpu.memref_squeeze %dma_start3A_421 : memref<1x120xi32, #tpu.memory_space<vmem>> -> memref<120xi32, #tpu.memory_space<vmem>>
        %dma_start3A_423 = arith.constant 0 : i32
        %dma_start3A_424 = tpu.memref_slice %arg2[%add3A_412, %dma_start3A_423] : memref<2688x120xi32, #tpu.memory_space<hbm>> -> memref<1x120xi32, #tpu.memory_space<hbm>>
        %dma_start3A_425 = tpu.memref_squeeze %dma_start3A_424 : memref<1x120xi32, #tpu.memory_space<hbm>> -> memref<120xi32, #tpu.memory_space<hbm>>
        tpu.enqueue_dma source(%dma_start3A_425 : memref<120xi32, #tpu.memory_space<hbm>>) target(%dma_start3A_422 : memref<120xi32, #tpu.memory_space<vmem>>) target_semaphore(%arg15 : memref<!tpu.dma_semaphore, #tpu.memory_space<semaphore_mem>>)
        %add3A_426 = arith.addi %add3A_26, %add3A_397 : i32
        %dma_wait3A_427 = arith.constant 2 : i32
        %dma_wait3A_428 = arith.constant 0 : i32
        %dma_wait3A_429 = tpu.memref_slice %arg7[%dma_wait3A_427, %dma_wait3A_428] : memref<3x120xi32, #tpu.memory_space<vmem>> -> memref<1x120xi32, #tpu.memory_space<vmem>>
        %dma_wait3A_430 = tpu.memref_squeeze %dma_wait3A_429 : memref<1x120xi32, #tpu.memory_space<vmem>> -> memref<120xi32, #tpu.memory_space<vmem>>
        %dma_wait3A_431 = arith.constant 0 : i32
        %dma_wait3A_432 = tpu.memref_slice %arg3[%add3A_426, %dma_wait3A_431] : memref<2688x120xi32, #tpu.memory_space<hbm>> -> memref<1x120xi32, #tpu.memory_space<hbm>>
        %dma_wait3A_433 = tpu.memref_squeeze %dma_wait3A_432 : memref<1x120xi32, #tpu.memory_space<hbm>> -> memref<120xi32, #tpu.memory_space<hbm>>
        %dma_wait3A_434 = arith.constant 0 : i32
        %dma_wait3A_435 = tpu.memref_slice %arg7[%dma_wait3A_427, %dma_wait3A_434] : memref<3x120xi32, #tpu.memory_space<vmem>> -> memref<1x120xi32, #tpu.memory_space<vmem>>
        %dma_wait3A_436 = tpu.memref_squeeze %dma_wait3A_435 : memref<1x120xi32, #tpu.memory_space<vmem>> -> memref<120xi32, #tpu.memory_space<vmem>>
        %dma_wait3A_437 = arith.constant 0 : i32
        %dma_wait3A_438 = tpu.memref_slice %arg3[%add3A_426, %dma_wait3A_437] : memref<2688x120xi32, #tpu.memory_space<hbm>> -> memref<1x120xi32, #tpu.memory_space<hbm>>
        %dma_wait3A_439 = tpu.memref_squeeze %dma_wait3A_438 : memref<1x120xi32, #tpu.memory_space<hbm>> -> memref<120xi32, #tpu.memory_space<hbm>>
        tpu.wait_dma2 semaphore(%arg18 : memref<!tpu.dma_semaphore, #tpu.memory_space<semaphore_mem>>) src(%dma_wait3A_439 : memref<120xi32, #tpu.memory_space<hbm>>) dst(%dma_wait3A_436 : memref<120xi32, #tpu.memory_space<vmem>>)
        %run_scoped3A_440 = arith.constant 2 : i32
        %run_scoped3A_441 = arith.constant 2 : i32
        "tpu.region"() ({
          %run_scoped3A_488 = tpu.sem_alloc : memref<!tpu.dma_semaphore, #tpu.memory_space<semaphore_mem>>
          %dma_start3A_489 = arith.constant 0 : i32
          %dma_start3A_490 = arith.constant 0 : i32
          %dma_start3A_491 = tpu.memref_slice %arg8[%run_scoped3A_440, %dma_start3A_489, %dma_start3A_490] : memref<3x120x128xf32, #tpu.memory_space<vmem>> -> memref<1x120x128xf32, #tpu.memory_space<vmem>>
          %dma_start3A_492 = tpu.memref_squeeze %dma_start3A_491 : memref<1x120x128xf32, #tpu.memory_space<vmem>> -> memref<120x128xf32, #tpu.memory_space<vmem>>
          %dma_start3A_493 = arith.constant 0 : i32
          %dma_start3A_494 = tpu.memref_slice %arg7[%run_scoped3A_441, %dma_start3A_493] : memref<3x120xi32, #tpu.memory_space<vmem>> -> memref<1x120xi32, #tpu.memory_space<vmem>>
          %dma_start3A_495 = tpu.memref_squeeze %dma_start3A_494 : memref<1x120xi32, #tpu.memory_space<vmem>> -> memref<120xi32, #tpu.memory_space<vmem>>
          %dma_start3A_496 = arith.constant 0 : i32
          %dma_start3A_497 = arith.constant 0 : i32
          %dma_start3A_498 = tpu.memref_slice %arg9[%dma_start3A_496, %dma_start3A_497] : memref<10112x128xf32, #tpu.memory_space<vmem_shared>> -> memref<10112x128xf32, #tpu.memory_space<vmem_shared>>
          tpu.enqueue_indirect_dma source(%dma_start3A_492 : memref<120x128xf32, #tpu.memory_space<vmem>>) target(%dma_start3A_498 : memref<10112x128xf32, #tpu.memory_space<vmem_shared>>) offsets(%dma_start3A_495 : memref<120xi32, #tpu.memory_space<vmem>>) semaphore(%run_scoped3A_488 : memref<!tpu.dma_semaphore, #tpu.memory_space<semaphore_mem>>) {add = true}
          %dma_wait3A_499 = arith.constant 0 : i32
          %dma_wait3A_500 = arith.constant 0 : i32
          %dma_wait3A_501 = tpu.memref_slice %arg8[%run_scoped3A_440, %dma_wait3A_499, %dma_wait3A_500] : memref<3x120x128xf32, #tpu.memory_space<vmem>> -> memref<1x120x128xf32, #tpu.memory_space<vmem>>
          %dma_wait3A_502 = tpu.memref_squeeze %dma_wait3A_501 : memref<1x120x128xf32, #tpu.memory_space<vmem>> -> memref<120x128xf32, #tpu.memory_space<vmem>>
          %dma_wait3A_503 = arith.constant 0 : i32
          %dma_wait3A_504 = tpu.memref_slice %arg7[%run_scoped3A_441, %dma_wait3A_503] : memref<3x120xi32, #tpu.memory_space<vmem>> -> memref<1x120xi32, #tpu.memory_space<vmem>>
          %dma_wait3A_505 = tpu.memref_squeeze %dma_wait3A_504 : memref<1x120xi32, #tpu.memory_space<vmem>> -> memref<120xi32, #tpu.memory_space<vmem>>
          %dma_wait3A_506 = arith.constant 0 : i32
          %dma_wait3A_507 = arith.constant 0 : i32
          %dma_wait3A_508 = tpu.memref_slice %arg9[%dma_wait3A_506, %dma_wait3A_507] : memref<10112x128xf32, #tpu.memory_space<vmem_shared>> -> memref<10112x128xf32, #tpu.memory_space<vmem_shared>>
          tpu.wait_indirect_dma semaphore(%run_scoped3A_488 : memref<!tpu.dma_semaphore, #tpu.memory_space<semaphore_mem>>) src(%dma_wait3A_502 : memref<120x128xf32, #tpu.memory_space<vmem>>) dst(%dma_wait3A_508 : memref<10112x128xf32, #tpu.memory_space<vmem_shared>>)
          tpu.yield
        }) : () -> ()
        %add3A_442 = arith.addi %add3A_26, %add3A_397 : i32
        %add3A_443 = arith.constant 3 : i32
        %add3A_444 = arith.addi %add3A_442, %add3A_443 : i32
        %dma_start3A_445 = arith.constant 2 : i32
        %dma_start3A_446 = arith.constant 0 : i32
        %dma_start3A_447 = tpu.memref_slice %arg7[%dma_start3A_445, %dma_start3A_446] : memref<3x120xi32, #tpu.memory_space<vmem>> -> memref<1x120xi32, #tpu.memory_space<vmem>>
        %dma_start3A_448 = tpu.memref_squeeze %dma_start3A_447 : memref<1x120xi32, #tpu.memory_space<vmem>> -> memref<120xi32, #tpu.memory_space<vmem>>
        %dma_start3A_449 = arith.constant 0 : i32
        %dma_start3A_450 = tpu.memref_slice %arg3[%add3A_444, %dma_start3A_449] : memref<2688x120xi32, #tpu.memory_space<hbm>> -> memref<1x120xi32, #tpu.memory_space<hbm>>
        %dma_start3A_451 = tpu.memref_squeeze %dma_start3A_450 : memref<1x120xi32, #tpu.memory_space<hbm>> -> memref<120xi32, #tpu.memory_space<hbm>>
        %dma_start3A_452 = arith.constant 0 : i32
        %dma_start3A_453 = tpu.memref_slice %arg7[%dma_start3A_445, %dma_start3A_452] : memref<3x120xi32, #tpu.memory_space<vmem>> -> memref<1x120xi32, #tpu.memory_space<vmem>>
        %dma_start3A_454 = tpu.memref_squeeze %dma_start3A_453 : memref<1x120xi32, #tpu.memory_space<vmem>> -> memref<120xi32, #tpu.memory_space<vmem>>
        %dma_start3A_455 = arith.constant 0 : i32
        %dma_start3A_456 = tpu.memref_slice %arg3[%add3A_444, %dma_start3A_455] : memref<2688x120xi32, #tpu.memory_space<hbm>> -> memref<1x120xi32, #tpu.memory_space<hbm>>
        %dma_start3A_457 = tpu.memref_squeeze %dma_start3A_456 : memref<1x120xi32, #tpu.memory_space<hbm>> -> memref<120xi32, #tpu.memory_space<hbm>>
        tpu.enqueue_dma source(%dma_start3A_457 : memref<120xi32, #tpu.memory_space<hbm>>) target(%dma_start3A_454 : memref<120xi32, #tpu.memory_space<vmem>>) target_semaphore(%arg18 : memref<!tpu.dma_semaphore, #tpu.memory_space<semaphore_mem>>)
        %add3A_458 = arith.addi %add3A_26, %add3A_397 : i32
        %add3A_459 = arith.constant 3 : i32
        %add3A_460 = arith.addi %add3A_458, %add3A_459 : i32
        %dma_wait3A_461 = arith.constant 2 : i32
        %dma_wait3A_462 = arith.constant 0 : i32
        %dma_wait3A_463 = tpu.memref_slice %arg6[%dma_wait3A_461, %dma_wait3A_462] : memref<3x120xi32, #tpu.memory_space<vmem>> -> memref<1x120xi32, #tpu.memory_space<vmem>>
        %dma_wait3A_464 = tpu.memref_squeeze %dma_wait3A_463 : memref<1x120xi32, #tpu.memory_space<vmem>> -> memref<120xi32, #tpu.memory_space<vmem>>
        %dma_wait3A_465 = arith.constant 0 : i32
        %dma_wait3A_466 = tpu.memref_slice %arg2[%add3A_460, %dma_wait3A_465] : memref<2688x120xi32, #tpu.memory_space<hbm>> -> memref<1x120xi32, #tpu.memory_space<hbm>>
        %dma_wait3A_467 = tpu.memref_squeeze %dma_wait3A_466 : memref<1x120xi32, #tpu.memory_space<hbm>> -> memref<120xi32, #tpu.memory_space<hbm>>
        %dma_wait3A_468 = arith.constant 0 : i32
        %dma_wait3A_469 = tpu.memref_slice %arg6[%dma_wait3A_461, %dma_wait3A_468] : memref<3x120xi32, #tpu.memory_space<vmem>> -> memref<1x120xi32, #tpu.memory_space<vmem>>
        %dma_wait3A_470 = tpu.memref_squeeze %dma_wait3A_469 : memref<1x120xi32, #tpu.memory_space<vmem>> -> memref<120xi32, #tpu.memory_space<vmem>>
        %dma_wait3A_471 = arith.constant 0 : i32
        %dma_wait3A_472 = tpu.memref_slice %arg2[%add3A_460, %dma_wait3A_471] : memref<2688x120xi32, #tpu.memory_space<hbm>> -> memref<1x120xi32, #tpu.memory_space<hbm>>
        %dma_wait3A_473 = tpu.memref_squeeze %dma_wait3A_472 : memref<1x120xi32, #tpu.memory_space<hbm>> -> memref<120xi32, #tpu.memory_space<hbm>>
        tpu.wait_dma2 semaphore(%arg15 : memref<!tpu.dma_semaphore, #tpu.memory_space<semaphore_mem>>) src(%dma_wait3A_473 : memref<120xi32, #tpu.memory_space<hbm>>) dst(%dma_wait3A_470 : memref<120xi32, #tpu.memory_space<vmem>>)
        %add3A_474 = arith.constant 3 : i32
        %add3A_475 = arith.addi %add3A_397, %add3A_474 : i32
        %dma_start3A_476 = arith.constant 2 : i32
        %dma_start3A_477 = arith.constant 2 : i32
        %dma_start3A_478 = arith.constant 0 : i32
        %dma_start3A_479 = arith.constant 0 : i32
        %dma_start3A_480 = tpu.memref_slice %arg8[%dma_start3A_477, %dma_start3A_478, %dma_start3A_479] : memref<3x120x128xf32, #tpu.memory_space<vmem>> -> memref<1x120x128xf32, #tpu.memory_space<vmem>>
        %dma_start3A_481 = tpu.memref_squeeze %dma_start3A_480 : memref<1x120x128xf32, #tpu.memory_space<vmem>> -> memref<120x128xf32, #tpu.memory_space<vmem>>
        %dma_start3A_482 = arith.constant 0 : i32
        %dma_start3A_483 = tpu.memref_slice %arg6[%dma_start3A_476, %dma_start3A_482] : memref<3x120xi32, #tpu.memory_space<vmem>> -> memref<1x120xi32, #tpu.memory_space<vmem>>
        %dma_start3A_484 = tpu.memref_squeeze %dma_start3A_483 : memref<1x120xi32, #tpu.memory_space<vmem>> -> memref<120xi32, #tpu.memory_space<vmem>>
        %dma_start3A_485 = arith.constant 0 : i32
        %dma_start3A_486 = arith.constant 0 : i32
        %dma_start3A_487 = tpu.memref_slice %arg4[%dma_start3A_485, %dma_start3A_486] : memref<80000x128xf32, #tpu.memory_space<hbm>> -> memref<80000x128xf32, #tpu.memory_space<hbm>>
        tpu.enqueue_indirect_dma source(%dma_start3A_487 : memref<80000x128xf32, #tpu.memory_space<hbm>>) target(%dma_start3A_481 : memref<120x128xf32, #tpu.memory_space<vmem>>) offsets(%dma_start3A_484 : memref<120xi32, #tpu.memory_space<vmem>>) semaphore(%arg12 : memref<!tpu.dma_semaphore, #tpu.memory_space<semaphore_mem>>)
      }
      %scan3A_120 = arith.constant 9 : i32
      %dma_wait3A = arith.constant 0 : i32
      %dma_wait3A_121 = arith.constant 0 : i32
      %dma_wait3A_122 = arith.constant 0 : i32
      %dma_wait3A_123 = arith.constant 0 : i32
      %dma_wait3A_124 = tpu.memref_slice %arg8[%dma_wait3A_121, %dma_wait3A_122, %dma_wait3A_123] : memref<3x120x128xf32, #tpu.memory_space<vmem>> -> memref<1x120x128xf32, #tpu.memory_space<vmem>>
      %dma_wait3A_125 = tpu.memref_squeeze %dma_wait3A_124 : memref<1x120x128xf32, #tpu.memory_space<vmem>> -> memref<120x128xf32, #tpu.memory_space<vmem>>
      %dma_wait3A_126 = arith.constant 0 : i32
      %dma_wait3A_127 = tpu.memref_slice %arg6[%dma_wait3A, %dma_wait3A_126] : memref<3x120xi32, #tpu.memory_space<vmem>> -> memref<1x120xi32, #tpu.memory_space<vmem>>
      %dma_wait3A_128 = tpu.memref_squeeze %dma_wait3A_127 : memref<1x120xi32, #tpu.memory_space<vmem>> -> memref<120xi32, #tpu.memory_space<vmem>>
      %dma_wait3A_129 = arith.constant 0 : i32
      %dma_wait3A_130 = arith.constant 0 : i32
      %dma_wait3A_131 = tpu.memref_slice %arg4[%dma_wait3A_129, %dma_wait3A_130] : memref<80000x128xf32, #tpu.memory_space<hbm>> -> memref<80000x128xf32, #tpu.memory_space<hbm>>
      tpu.wait_indirect_dma semaphore(%arg10 : memref<!tpu.dma_semaphore, #tpu.memory_space<semaphore_mem>>) src(%dma_wait3A_131 : memref<80000x128xf32, #tpu.memory_space<hbm>>) dst(%dma_wait3A_125 : memref<120x128xf32, #tpu.memory_space<vmem>>)
      %add3A_132 = arith.constant 27 : i32
      %add3A_133 = arith.addi %add3A_26, %add3A_132 : i32
      %dma_wait3A_134 = arith.constant 0 : i32
      %dma_wait3A_135 = arith.constant 0 : i32
      %dma_wait3A_136 = tpu.memref_slice %arg7[%dma_wait3A_134, %dma_wait3A_135] : memref<3x120xi32, #tpu.memory_space<vmem>> -> memref<1x120xi32, #tpu.memory_space<vmem>>
      %dma_wait3A_137 = tpu.memref_squeeze %dma_wait3A_136 : memref<1x120xi32, #tpu.memory_space<vmem>> -> memref<120xi32, #tpu.memory_space<vmem>>
      %dma_wait3A_138 = arith.constant 0 : i32
      %dma_wait3A_139 = tpu.memref_slice %arg3[%add3A_133, %dma_wait3A_138] : memref<2688x120xi32, #tpu.memory_space<hbm>> -> memref<1x120xi32, #tpu.memory_space<hbm>>
      %dma_wait3A_140 = tpu.memref_squeeze %dma_wait3A_139 : memref<1x120xi32, #tpu.memory_space<hbm>> -> memref<120xi32, #tpu.memory_space<hbm>>
      %dma_wait3A_141 = arith.constant 0 : i32
      %dma_wait3A_142 = tpu.memref_slice %arg7[%dma_wait3A_134, %dma_wait3A_141] : memref<3x120xi32, #tpu.memory_space<vmem>> -> memref<1x120xi32, #tpu.memory_space<vmem>>
      %dma_wait3A_143 = tpu.memref_squeeze %dma_wait3A_142 : memref<1x120xi32, #tpu.memory_space<vmem>> -> memref<120xi32, #tpu.memory_space<vmem>>
      %dma_wait3A_144 = arith.constant 0 : i32
      %dma_wait3A_145 = tpu.memref_slice %arg3[%add3A_133, %dma_wait3A_144] : memref<2688x120xi32, #tpu.memory_space<hbm>> -> memref<1x120xi32, #tpu.memory_space<hbm>>
      %dma_wait3A_146 = tpu.memref_squeeze %dma_wait3A_145 : memref<1x120xi32, #tpu.memory_space<hbm>> -> memref<120xi32, #tpu.memory_space<hbm>>
      tpu.wait_dma2 semaphore(%arg16 : memref<!tpu.dma_semaphore, #tpu.memory_space<semaphore_mem>>) src(%dma_wait3A_146 : memref<120xi32, #tpu.memory_space<hbm>>) dst(%dma_wait3A_143 : memref<120xi32, #tpu.memory_space<vmem>>)
      %run_scoped3A_147 = arith.constant 0 : i32
      %run_scoped3A_148 = arith.constant 0 : i32
      "tpu.region"() ({
        %run_scoped3A_207 = tpu.sem_alloc : memref<!tpu.dma_semaphore, #tpu.memory_space<semaphore_mem>>
        %dma_start3A_208 = arith.constant 0 : i32
        %dma_start3A_209 = arith.constant 0 : i32
        %dma_start3A_210 = tpu.memref_slice %arg8[%run_scoped3A_147, %dma_start3A_208, %dma_start3A_209] : memref<3x120x128xf32, #tpu.memory_space<vmem>> -> memref<1x120x128xf32, #tpu.memory_space<vmem>>
        %dma_start3A_211 = tpu.memref_squeeze %dma_start3A_210 : memref<1x120x128xf32, #tpu.memory_space<vmem>> -> memref<120x128xf32, #tpu.memory_space<vmem>>
        %dma_start3A_212 = arith.constant 0 : i32
        %dma_start3A_213 = tpu.memref_slice %arg7[%run_scoped3A_148, %dma_start3A_212] : memref<3x120xi32, #tpu.memory_space<vmem>> -> memref<1x120xi32, #tpu.memory_space<vmem>>
        %dma_start3A_214 = tpu.memref_squeeze %dma_start3A_213 : memref<1x120xi32, #tpu.memory_space<vmem>> -> memref<120xi32, #tpu.memory_space<vmem>>
        %dma_start3A_215 = arith.constant 0 : i32
        %dma_start3A_216 = arith.constant 0 : i32
        %dma_start3A_217 = tpu.memref_slice %arg9[%dma_start3A_215, %dma_start3A_216] : memref<10112x128xf32, #tpu.memory_space<vmem_shared>> -> memref<10112x128xf32, #tpu.memory_space<vmem_shared>>
        tpu.enqueue_indirect_dma source(%dma_start3A_211 : memref<120x128xf32, #tpu.memory_space<vmem>>) target(%dma_start3A_217 : memref<10112x128xf32, #tpu.memory_space<vmem_shared>>) offsets(%dma_start3A_214 : memref<120xi32, #tpu.memory_space<vmem>>) semaphore(%run_scoped3A_207 : memref<!tpu.dma_semaphore, #tpu.memory_space<semaphore_mem>>) {add = true}
        %dma_wait3A_218 = arith.constant 0 : i32
        %dma_wait3A_219 = arith.constant 0 : i32
        %dma_wait3A_220 = tpu.memref_slice %arg8[%run_scoped3A_147, %dma_wait3A_218, %dma_wait3A_219] : memref<3x120x128xf32, #tpu.memory_space<vmem>> -> memref<1x120x128xf32, #tpu.memory_space<vmem>>
        %dma_wait3A_221 = tpu.memref_squeeze %dma_wait3A_220 : memref<1x120x128xf32, #tpu.memory_space<vmem>> -> memref<120x128xf32, #tpu.memory_space<vmem>>
        %dma_wait3A_222 = arith.constant 0 : i32
        %dma_wait3A_223 = tpu.memref_slice %arg7[%run_scoped3A_148, %dma_wait3A_222] : memref<3x120xi32, #tpu.memory_space<vmem>> -> memref<1x120xi32, #tpu.memory_space<vmem>>
        %dma_wait3A_224 = tpu.memref_squeeze %dma_wait3A_223 : memref<1x120xi32, #tpu.memory_space<vmem>> -> memref<120xi32, #tpu.memory_space<vmem>>
        %dma_wait3A_225 = arith.constant 0 : i32
        %dma_wait3A_226 = arith.constant 0 : i32
        %dma_wait3A_227 = tpu.memref_slice %arg9[%dma_wait3A_225, %dma_wait3A_226] : memref<10112x128xf32, #tpu.memory_space<vmem_shared>> -> memref<10112x128xf32, #tpu.memory_space<vmem_shared>>
        tpu.wait_indirect_dma semaphore(%run_scoped3A_207 : memref<!tpu.dma_semaphore, #tpu.memory_space<semaphore_mem>>) src(%dma_wait3A_221 : memref<120x128xf32, #tpu.memory_space<vmem>>) dst(%dma_wait3A_227 : memref<10112x128xf32, #tpu.memory_space<vmem_shared>>)
        tpu.yield
      }) : () -> ()
      %dma_wait3A_149 = arith.constant 1 : i32
      %dma_wait3A_150 = arith.constant 1 : i32
      %dma_wait3A_151 = arith.constant 0 : i32
      %dma_wait3A_152 = arith.constant 0 : i32
      %dma_wait3A_153 = tpu.memref_slice %arg8[%dma_wait3A_150, %dma_wait3A_151, %dma_wait3A_152] : memref<3x120x128xf32, #tpu.memory_space<vmem>> -> memref<1x120x128xf32, #tpu.memory_space<vmem>>
      %dma_wait3A_154 = tpu.memref_squeeze %dma_wait3A_153 : memref<1x120x128xf32, #tpu.memory_space<vmem>> -> memref<120x128xf32, #tpu.memory_space<vmem>>
      %dma_wait3A_155 = arith.constant 0 : i32
      %dma_wait3A_156 = tpu.memref_slice %arg6[%dma_wait3A_149, %dma_wait3A_155] : memref<3x120xi32, #tpu.memory_space<vmem>> -> memref<1x120xi32, #tpu.memory_space<vmem>>
      %dma_wait3A_157 = tpu.memref_squeeze %dma_wait3A_156 : memref<1x120xi32, #tpu.memory_space<vmem>> -> memref<120xi32, #tpu.memory_space<vmem>>
      %dma_wait3A_158 = arith.constant 0 : i32
      %dma_wait3A_159 = arith.constant 0 : i32
      %dma_wait3A_160 = tpu.memref_slice %arg4[%dma_wait3A_158, %dma_wait3A_159] : memref<80000x128xf32, #tpu.memory_space<hbm>> -> memref<80000x128xf32, #tpu.memory_space<hbm>>
      tpu.wait_indirect_dma semaphore(%arg11 : memref<!tpu.dma_semaphore, #tpu.memory_space<semaphore_mem>>) src(%dma_wait3A_160 : memref<80000x128xf32, #tpu.memory_space<hbm>>) dst(%dma_wait3A_154 : memref<120x128xf32, #tpu.memory_space<vmem>>)
      %add3A_161 = arith.constant 28 : i32
      %add3A_162 = arith.addi %add3A_26, %add3A_161 : i32
      %dma_wait3A_163 = arith.constant 1 : i32
      %dma_wait3A_164 = arith.constant 0 : i32
      %dma_wait3A_165 = tpu.memref_slice %arg7[%dma_wait3A_163, %dma_wait3A_164] : memref<3x120xi32, #tpu.memory_space<vmem>> -> memref<1x120xi32, #tpu.memory_space<vmem>>
      %dma_wait3A_166 = tpu.memref_squeeze %dma_wait3A_165 : memref<1x120xi32, #tpu.memory_space<vmem>> -> memref<120xi32, #tpu.memory_space<vmem>>
      %dma_wait3A_167 = arith.constant 0 : i32
      %dma_wait3A_168 = tpu.memref_slice %arg3[%add3A_162, %dma_wait3A_167] : memref<2688x120xi32, #tpu.memory_space<hbm>> -> memref<1x120xi32, #tpu.memory_space<hbm>>
      %dma_wait3A_169 = tpu.memref_squeeze %dma_wait3A_168 : memref<1x120xi32, #tpu.memory_space<hbm>> -> memref<120xi32, #tpu.memory_space<hbm>>
      %dma_wait3A_170 = arith.constant 0 : i32
      %dma_wait3A_171 = tpu.memref_slice %arg7[%dma_wait3A_163, %dma_wait3A_170] : memref<3x120xi32, #tpu.memory_space<vmem>> -> memref<1x120xi32, #tpu.memory_space<vmem>>
      %dma_wait3A_172 = tpu.memref_squeeze %dma_wait3A_171 : memref<1x120xi32, #tpu.memory_space<vmem>> -> memref<120xi32, #tpu.memory_space<vmem>>
      %dma_wait3A_173 = arith.constant 0 : i32
      %dma_wait3A_174 = tpu.memref_slice %arg3[%add3A_162, %dma_wait3A_173] : memref<2688x120xi32, #tpu.memory_space<hbm>> -> memref<1x120xi32, #tpu.memory_space<hbm>>
      %dma_wait3A_175 = tpu.memref_squeeze %dma_wait3A_174 : memref<1x120xi32, #tpu.memory_space<hbm>> -> memref<120xi32, #tpu.memory_space<hbm>>
      tpu.wait_dma2 semaphore(%arg17 : memref<!tpu.dma_semaphore, #tpu.memory_space<semaphore_mem>>) src(%dma_wait3A_175 : memref<120xi32, #tpu.memory_space<hbm>>) dst(%dma_wait3A_172 : memref<120xi32, #tpu.memory_space<vmem>>)
      %run_scoped3A_176 = arith.constant 1 : i32
      %run_scoped3A_177 = arith.constant 1 : i32
      "tpu.region"() ({
        %run_scoped3A_207 = tpu.sem_alloc : memref<!tpu.dma_semaphore, #tpu.memory_space<semaphore_mem>>
        %dma_start3A_208 = arith.constant 0 : i32
        %dma_start3A_209 = arith.constant 0 : i32
        %dma_start3A_210 = tpu.memref_slice %arg8[%run_scoped3A_176, %dma_start3A_208, %dma_start3A_209] : memref<3x120x128xf32, #tpu.memory_space<vmem>> -> memref<1x120x128xf32, #tpu.memory_space<vmem>>
        %dma_start3A_211 = tpu.memref_squeeze %dma_start3A_210 : memref<1x120x128xf32, #tpu.memory_space<vmem>> -> memref<120x128xf32, #tpu.memory_space<vmem>>
        %dma_start3A_212 = arith.constant 0 : i32
        %dma_start3A_213 = tpu.memref_slice %arg7[%run_scoped3A_177, %dma_start3A_212] : memref<3x120xi32, #tpu.memory_space<vmem>> -> memref<1x120xi32, #tpu.memory_space<vmem>>
        %dma_start3A_214 = tpu.memref_squeeze %dma_start3A_213 : memref<1x120xi32, #tpu.memory_space<vmem>> -> memref<120xi32, #tpu.memory_space<vmem>>
        %dma_start3A_215 = arith.constant 0 : i32
        %dma_start3A_216 = arith.constant 0 : i32
        %dma_start3A_217 = tpu.memref_slice %arg9[%dma_start3A_215, %dma_start3A_216] : memref<10112x128xf32, #tpu.memory_space<vmem_shared>> -> memref<10112x128xf32, #tpu.memory_space<vmem_shared>>
        tpu.enqueue_indirect_dma source(%dma_start3A_211 : memref<120x128xf32, #tpu.memory_space<vmem>>) target(%dma_start3A_217 : memref<10112x128xf32, #tpu.memory_space<vmem_shared>>) offsets(%dma_start3A_214 : memref<120xi32, #tpu.memory_space<vmem>>) semaphore(%run_scoped3A_207 : memref<!tpu.dma_semaphore, #tpu.memory_space<semaphore_mem>>) {add = true}
        %dma_wait3A_218 = arith.constant 0 : i32
        %dma_wait3A_219 = arith.constant 0 : i32
        %dma_wait3A_220 = tpu.memref_slice %arg8[%run_scoped3A_176, %dma_wait3A_218, %dma_wait3A_219] : memref<3x120x128xf32, #tpu.memory_space<vmem>> -> memref<1x120x128xf32, #tpu.memory_space<vmem>>
        %dma_wait3A_221 = tpu.memref_squeeze %dma_wait3A_220 : memref<1x120x128xf32, #tpu.memory_space<vmem>> -> memref<120x128xf32, #tpu.memory_space<vmem>>
        %dma_wait3A_222 = arith.constant 0 : i32
        %dma_wait3A_223 = tpu.memref_slice %arg7[%run_scoped3A_177, %dma_wait3A_222] : memref<3x120xi32, #tpu.memory_space<vmem>> -> memref<1x120xi32, #tpu.memory_space<vmem>>
        %dma_wait3A_224 = tpu.memref_squeeze %dma_wait3A_223 : memref<1x120xi32, #tpu.memory_space<vmem>> -> memref<120xi32, #tpu.memory_space<vmem>>
        %dma_wait3A_225 = arith.constant 0 : i32
        %dma_wait3A_226 = arith.constant 0 : i32
        %dma_wait3A_227 = tpu.memref_slice %arg9[%dma_wait3A_225, %dma_wait3A_226] : memref<10112x128xf32, #tpu.memory_space<vmem_shared>> -> memref<10112x128xf32, #tpu.memory_space<vmem_shared>>
        tpu.wait_indirect_dma semaphore(%run_scoped3A_207 : memref<!tpu.dma_semaphore, #tpu.memory_space<semaphore_mem>>) src(%dma_wait3A_221 : memref<120x128xf32, #tpu.memory_space<vmem>>) dst(%dma_wait3A_227 : memref<10112x128xf32, #tpu.memory_space<vmem_shared>>)
        tpu.yield
      }) : () -> ()
      %dma_wait3A_178 = arith.constant 2 : i32
      %dma_wait3A_179 = arith.constant 2 : i32
      %dma_wait3A_180 = arith.constant 0 : i32
      %dma_wait3A_181 = arith.constant 0 : i32
      %dma_wait3A_182 = tpu.memref_slice %arg8[%dma_wait3A_179, %dma_wait3A_180, %dma_wait3A_181] : memref<3x120x128xf32, #tpu.memory_space<vmem>> -> memref<1x120x128xf32, #tpu.memory_space<vmem>>
      %dma_wait3A_183 = tpu.memref_squeeze %dma_wait3A_182 : memref<1x120x128xf32, #tpu.memory_space<vmem>> -> memref<120x128xf32, #tpu.memory_space<vmem>>
      %dma_wait3A_184 = arith.constant 0 : i32
      %dma_wait3A_185 = tpu.memref_slice %arg6[%dma_wait3A_178, %dma_wait3A_184] : memref<3x120xi32, #tpu.memory_space<vmem>> -> memref<1x120xi32, #tpu.memory_space<vmem>>
      %dma_wait3A_186 = tpu.memref_squeeze %dma_wait3A_185 : memref<1x120xi32, #tpu.memory_space<vmem>> -> memref<120xi32, #tpu.memory_space<vmem>>
      %dma_wait3A_187 = arith.constant 0 : i32
      %dma_wait3A_188 = arith.constant 0 : i32
      %dma_wait3A_189 = tpu.memref_slice %arg4[%dma_wait3A_187, %dma_wait3A_188] : memref<80000x128xf32, #tpu.memory_space<hbm>> -> memref<80000x128xf32, #tpu.memory_space<hbm>>
      tpu.wait_indirect_dma semaphore(%arg12 : memref<!tpu.dma_semaphore, #tpu.memory_space<semaphore_mem>>) src(%dma_wait3A_189 : memref<80000x128xf32, #tpu.memory_space<hbm>>) dst(%dma_wait3A_183 : memref<120x128xf32, #tpu.memory_space<vmem>>)
      %add3A_190 = arith.constant 29 : i32
      %add3A_191 = arith.addi %add3A_26, %add3A_190 : i32
      %dma_wait3A_192 = arith.constant 2 : i32
      %dma_wait3A_193 = arith.constant 0 : i32
      %dma_wait3A_194 = tpu.memref_slice %arg7[%dma_wait3A_192, %dma_wait3A_193] : memref<3x120xi32, #tpu.memory_space<vmem>> -> memref<1x120xi32, #tpu.memory_space<vmem>>
      %dma_wait3A_195 = tpu.memref_squeeze %dma_wait3A_194 : memref<1x120xi32, #tpu.memory_space<vmem>> -> memref<120xi32, #tpu.memory_space<vmem>>
      %dma_wait3A_196 = arith.constant 0 : i32
      %dma_wait3A_197 = tpu.memref_slice %arg3[%add3A_191, %dma_wait3A_196] : memref<2688x120xi32, #tpu.memory_space<hbm>> -> memref<1x120xi32, #tpu.memory_space<hbm>>
      %dma_wait3A_198 = tpu.memref_squeeze %dma_wait3A_197 : memref<1x120xi32, #tpu.memory_space<hbm>> -> memref<120xi32, #tpu.memory_space<hbm>>
      %dma_wait3A_199 = arith.constant 0 : i32
      %dma_wait3A_200 = tpu.memref_slice %arg7[%dma_wait3A_192, %dma_wait3A_199] : memref<3x120xi32, #tpu.memory_space<vmem>> -> memref<1x120xi32, #tpu.memory_space<vmem>>
      %dma_wait3A_201 = tpu.memref_squeeze %dma_wait3A_200 : memref<1x120xi32, #tpu.memory_space<vmem>> -> memref<120xi32, #tpu.memory_space<vmem>>
      %dma_wait3A_202 = arith.constant 0 : i32
      %dma_wait3A_203 = tpu.memref_slice %arg3[%add3A_191, %dma_wait3A_202] : memref<2688x120xi32, #tpu.memory_space<hbm>> -> memref<1x120xi32, #tpu.memory_space<hbm>>
      %dma_wait3A_204 = tpu.memref_squeeze %dma_wait3A_203 : memref<1x120xi32, #tpu.memory_space<hbm>> -> memref<120xi32, #tpu.memory_space<hbm>>
      tpu.wait_dma2 semaphore(%arg18 : memref<!tpu.dma_semaphore, #tpu.memory_space<semaphore_mem>>) src(%dma_wait3A_204 : memref<120xi32, #tpu.memory_space<hbm>>) dst(%dma_wait3A_201 : memref<120xi32, #tpu.memory_space<vmem>>)
      %run_scoped3A_205 = arith.constant 2 : i32
      %run_scoped3A_206 = arith.constant 2 : i32
      "tpu.region"() ({
        %run_scoped3A_207 = tpu.sem_alloc : memref<!tpu.dma_semaphore, #tpu.memory_space<semaphore_mem>>
        %dma_start3A_208 = arith.constant 0 : i32
        %dma_start3A_209 = arith.constant 0 : i32
        %dma_start3A_210 = tpu.memref_slice %arg8[%run_scoped3A_205, %dma_start3A_208, %dma_start3A_209] : memref<3x120x128xf32, #tpu.memory_space<vmem>> -> memref<1x120x128xf32, #tpu.memory_space<vmem>>
        %dma_start3A_211 = tpu.memref_squeeze %dma_start3A_210 : memref<1x120x128xf32, #tpu.memory_space<vmem>> -> memref<120x128xf32, #tpu.memory_space<vmem>>
        %dma_start3A_212 = arith.constant 0 : i32
        %dma_start3A_213 = tpu.memref_slice %arg7[%run_scoped3A_206, %dma_start3A_212] : memref<3x120xi32, #tpu.memory_space<vmem>> -> memref<1x120xi32, #tpu.memory_space<vmem>>
        %dma_start3A_214 = tpu.memref_squeeze %dma_start3A_213 : memref<1x120xi32, #tpu.memory_space<vmem>> -> memref<120xi32, #tpu.memory_space<vmem>>
        %dma_start3A_215 = arith.constant 0 : i32
        %dma_start3A_216 = arith.constant 0 : i32
        %dma_start3A_217 = tpu.memref_slice %arg9[%dma_start3A_215, %dma_start3A_216] : memref<10112x128xf32, #tpu.memory_space<vmem_shared>> -> memref<10112x128xf32, #tpu.memory_space<vmem_shared>>
        tpu.enqueue_indirect_dma source(%dma_start3A_211 : memref<120x128xf32, #tpu.memory_space<vmem>>) target(%dma_start3A_217 : memref<10112x128xf32, #tpu.memory_space<vmem_shared>>) offsets(%dma_start3A_214 : memref<120xi32, #tpu.memory_space<vmem>>) semaphore(%run_scoped3A_207 : memref<!tpu.dma_semaphore, #tpu.memory_space<semaphore_mem>>) {add = true}
        %dma_wait3A_218 = arith.constant 0 : i32
        %dma_wait3A_219 = arith.constant 0 : i32
        %dma_wait3A_220 = tpu.memref_slice %arg8[%run_scoped3A_205, %dma_wait3A_218, %dma_wait3A_219] : memref<3x120x128xf32, #tpu.memory_space<vmem>> -> memref<1x120x128xf32, #tpu.memory_space<vmem>>
        %dma_wait3A_221 = tpu.memref_squeeze %dma_wait3A_220 : memref<1x120x128xf32, #tpu.memory_space<vmem>> -> memref<120x128xf32, #tpu.memory_space<vmem>>
        %dma_wait3A_222 = arith.constant 0 : i32
        %dma_wait3A_223 = tpu.memref_slice %arg7[%run_scoped3A_206, %dma_wait3A_222] : memref<3x120xi32, #tpu.memory_space<vmem>> -> memref<1x120xi32, #tpu.memory_space<vmem>>
        %dma_wait3A_224 = tpu.memref_squeeze %dma_wait3A_223 : memref<1x120xi32, #tpu.memory_space<vmem>> -> memref<120xi32, #tpu.memory_space<vmem>>
        %dma_wait3A_225 = arith.constant 0 : i32
        %dma_wait3A_226 = arith.constant 0 : i32
        %dma_wait3A_227 = tpu.memref_slice %arg9[%dma_wait3A_225, %dma_wait3A_226] : memref<10112x128xf32, #tpu.memory_space<vmem_shared>> -> memref<10112x128xf32, #tpu.memory_space<vmem_shared>>
        tpu.wait_indirect_dma semaphore(%run_scoped3A_207 : memref<!tpu.dma_semaphore, #tpu.memory_space<semaphore_mem>>) src(%dma_wait3A_221 : memref<120x128xf32, #tpu.memory_space<vmem>>) dst(%dma_wait3A_227 : memref<10112x128xf32, #tpu.memory_space<vmem_shared>>)
        tpu.yield
      }) : () -> ()
    } else {
    }
    %barrier3A_18 = arith.constant 0 : index
    tpu.barrier barrier_id(%barrier3A_18)
    %mul3A_19 = arith.constant 632 : i32
    %mul3A_20 = arith.muli %arg1, %mul3A_19 : i32
    %mul3A_21 = arith.constant 632 : i32
    %mul3A_22 = arith.muli %arg1, %mul3A_21 : i32
    "tpu.region"() ({
      %run_scoped3A_23 = tpu.sem_alloc : memref<!tpu.dma_semaphore, #tpu.memory_space<semaphore_mem>>
      %dma_start3A = arith.constant 0 : i32
      %dma_start3A_24 = tpu.memref_slice %arg5[%arg0, %mul3A_22, %dma_start3A] : memref<2x10112x128xf32, #tpu.memory_space<hbm>> -> memref<1x632x128xf32, #tpu.memory_space<hbm>>
      %dma_start3A_25 = tpu.memref_squeeze %dma_start3A_24 : memref<1x632x128xf32, #tpu.memory_space<hbm>> -> memref<632x128xf32, #tpu.memory_space<hbm>>
      %dma_start3A_26 = arith.constant 0 : i32
      %dma_start3A_27 = tpu.memref_slice %arg9[%mul3A_20, %dma_start3A_26] : memref<10112x128xf32, #tpu.memory_space<vmem_shared>> -> memref<632x128xf32, #tpu.memory_space<vmem_shared>>
      tpu.enqueue_dma source(%dma_start3A_27 : memref<632x128xf32, #tpu.memory_space<vmem_shared>>) target(%dma_start3A_25 : memref<632x128xf32, #tpu.memory_space<hbm>>) target_semaphore(%run_scoped3A_23 : memref<!tpu.dma_semaphore, #tpu.memory_space<semaphore_mem>>)
      %dma_wait3A = arith.constant 0 : i32
      %dma_wait3A_28 = tpu.memref_slice %arg5[%arg0, %mul3A_22, %dma_wait3A] : memref<2x10112x128xf32, #tpu.memory_space<hbm>> -> memref<1x632x128xf32, #tpu.memory_space<hbm>>
      %dma_wait3A_29 = tpu.memref_squeeze %dma_wait3A_28 : memref<1x632x128xf32, #tpu.memory_space<hbm>> -> memref<632x128xf32, #tpu.memory_space<hbm>>
      %dma_wait3A_30 = arith.constant 0 : i32
      %dma_wait3A_31 = tpu.memref_slice %arg9[%mul3A_20, %dma_wait3A_30] : memref<10112x128xf32, #tpu.memory_space<vmem_shared>> -> memref<632x128xf32, #tpu.memory_space<vmem_shared>>
      tpu.wait_dma2 semaphore(%run_scoped3A_23 : memref<!tpu.dma_semaphore, #tpu.memory_space<semaphore_mem>>) src(%dma_wait3A_31 : memref<632x128xf32, #tpu.memory_space<vmem_shared>>) dst(%dma_wait3A_29 : memref<632x128xf32, #tpu.memory_space<hbm>>)
      tpu.yield
    }) : () -> ()
    return
  }
}

module attributes {stable_mosaic.version = 14 : i64} {
  func.func @_mm1_body(%arg0: i32, %arg1: memref<1000x128xf32, #tpu.memory_space<vmem>>, %arg2: memref<8x128x128xf32, #tpu.memory_space<vmem>>, %arg3: memref<128x128xf32, #tpu.memory_space<vmem>>, %arg4: memref<1x128xf32, #tpu.memory_space<vmem>>, %arg5: memref<8x1000x128xf32, #tpu.memory_space<vmem>>, %arg6: memref<1000x128xf32, #tpu.memory_space<vmem>>) attributes {dimension_semantics = [#tpu.dimension_semantics<arbitrary>], iteration_bounds = array<i64: 10>, scalar_prefetch = 0 : i64, scratch_operands = 0 : i64, tpu.core_type = #tpu.core_type<tc>, window_params = [{transform_indices = @transform_0, window_bounds = array<i64: 1000, 128>}, {pipeline_mode = #tpu.pipeline_mode<synchronous>, transform_indices = @transform_1, window_bounds = array<i64: 8, 128, 128>}, {pipeline_mode = #tpu.pipeline_mode<synchronous>, transform_indices = @transform_2, window_bounds = array<i64: 128, 128>}, {pipeline_mode = #tpu.pipeline_mode<synchronous>, transform_indices = @transform_3, window_bounds = array<i64: 1, 128>}, {transform_indices = @transform_4, window_bounds = array<i64: 8, 1000, 128>}, {transform_indices = @transform_5, window_bounds = array<i64: 1000, 128>}]} {
    %get3A = arith.constant 0 : index
    %get3A_0 = arith.constant 0 : index
    %get3A_1 = vector.load %arg1[%get3A, %get3A_0] : memref<1000x128xf32, #tpu.memory_space<vmem>>, vector<1000x128xf32>
    %get3A_2 = arith.constant 0 : index
    %get3A_3 = arith.constant 0 : index
    %get3A_4 = arith.constant 0 : index
    %get3A_5 = vector.load %arg2[%get3A_2, %get3A_3, %get3A_4] : memref<8x128x128xf32, #tpu.memory_space<vmem>>, vector<1x128x128xf32>
    %get3A_6 = vector.shape_cast %get3A_5 : vector<1x128x128xf32> to vector<128x128xf32>
    %dot_general3A = arith.constant dense<0.000000e+00> : vector<1000x128xf32>
    %dot_general3A_7 = tpu.matmul %get3A_1, %get3A_6, %dot_general3A {dimension_numbers = #tpu.dot_dimension_numbers<[1], [0], [0], [1], [0, 0, 1, 1], [], []>, transpose_lhs_hint = false} : vector<1000x128xf32>, vector<128x128xf32>, vector<1000x128xf32> -> vector<1000x128xf32>
    %swap3A = arith.constant 0 : index
    %swap3A_8 = arith.constant 0 : index
    %swap3A_9 = arith.constant 0 : index
    %swap3A_10 = vector.load %arg5[%swap3A, %swap3A_8, %swap3A_9] : memref<8x1000x128xf32, #tpu.memory_space<vmem>>, vector<1x1000x128xf32>
    %swap3A_11 = vector.shape_cast %swap3A_10 : vector<1x1000x128xf32> to vector<1000x128xf32>
    %swap3A_12 = vector.shape_cast %dot_general3A_7 : vector<1000x128xf32> to vector<1x1000x128xf32>
    tpu.vector_store %arg5[%swap3A, %swap3A_8, %swap3A_9], %swap3A_12 {strides = array<i32>} : memref<8x1000x128xf32, #tpu.memory_space<vmem>>, vector<1x1000x128xf32>,
    %get3A_13 = arith.constant 1 : index
    %get3A_14 = arith.constant 0 : index
    %get3A_15 = arith.constant 0 : index
    %get3A_16 = vector.load %arg2[%get3A_13, %get3A_14, %get3A_15] : memref<8x128x128xf32, #tpu.memory_space<vmem>>, vector<1x128x128xf32>
    %get3A_17 = vector.shape_cast %get3A_16 : vector<1x128x128xf32> to vector<128x128xf32>
    %dot_general3A_18 = arith.constant dense<0.000000e+00> : vector<1000x128xf32>
    %dot_general3A_19 = tpu.matmul %get3A_1, %get3A_17, %dot_general3A_18 {dimension_numbers = #tpu.dot_dimension_numbers<[1], [0], [0], [1], [0, 0, 1, 1], [], []>, transpose_lhs_hint = false} : vector<1000x128xf32>, vector<128x128xf32>, vector<1000x128xf32> -> vector<1000x128xf32>
    %swap3A_20 = arith.constant 1 : index
    %swap3A_21 = arith.constant 0 : index
    %swap3A_22 = arith.constant 0 : index
    %swap3A_23 = vector.load %arg5[%swap3A_20, %swap3A_21, %swap3A_22] : memref<8x1000x128xf32, #tpu.memory_space<vmem>>, vector<1x1000x128xf32>
    %swap3A_24 = vector.shape_cast %swap3A_23 : vector<1x1000x128xf32> to vector<1000x128xf32>
    %swap3A_25 = vector.shape_cast %dot_general3A_19 : vector<1000x128xf32> to vector<1x1000x128xf32>
    tpu.vector_store %arg5[%swap3A_20, %swap3A_21, %swap3A_22], %swap3A_25 {strides = array<i32>} : memref<8x1000x128xf32, #tpu.memory_space<vmem>>, vector<1x1000x128xf32>,
    %get3A_26 = arith.constant 2 : index
    %get3A_27 = arith.constant 0 : index
    %get3A_28 = arith.constant 0 : index
    %get3A_29 = vector.load %arg2[%get3A_26, %get3A_27, %get3A_28] : memref<8x128x128xf32, #tpu.memory_space<vmem>>, vector<1x128x128xf32>
    %get3A_30 = vector.shape_cast %get3A_29 : vector<1x128x128xf32> to vector<128x128xf32>
    %dot_general3A_31 = arith.constant dense<0.000000e+00> : vector<1000x128xf32>
    %dot_general3A_32 = tpu.matmul %get3A_1, %get3A_30, %dot_general3A_31 {dimension_numbers = #tpu.dot_dimension_numbers<[1], [0], [0], [1], [0, 0, 1, 1], [], []>, transpose_lhs_hint = false} : vector<1000x128xf32>, vector<128x128xf32>, vector<1000x128xf32> -> vector<1000x128xf32>
    %swap3A_33 = arith.constant 2 : index
    %swap3A_34 = arith.constant 0 : index
    %swap3A_35 = arith.constant 0 : index
    %swap3A_36 = vector.load %arg5[%swap3A_33, %swap3A_34, %swap3A_35] : memref<8x1000x128xf32, #tpu.memory_space<vmem>>, vector<1x1000x128xf32>
    %swap3A_37 = vector.shape_cast %swap3A_36 : vector<1x1000x128xf32> to vector<1000x128xf32>
    %swap3A_38 = vector.shape_cast %dot_general3A_32 : vector<1000x128xf32> to vector<1x1000x128xf32>
    tpu.vector_store %arg5[%swap3A_33, %swap3A_34, %swap3A_35], %swap3A_38 {strides = array<i32>} : memref<8x1000x128xf32, #tpu.memory_space<vmem>>, vector<1x1000x128xf32>,
    %get3A_39 = arith.constant 3 : index
    %get3A_40 = arith.constant 0 : index
    %get3A_41 = arith.constant 0 : index
    %get3A_42 = vector.load %arg2[%get3A_39, %get3A_40, %get3A_41] : memref<8x128x128xf32, #tpu.memory_space<vmem>>, vector<1x128x128xf32>
    %get3A_43 = vector.shape_cast %get3A_42 : vector<1x128x128xf32> to vector<128x128xf32>
    %dot_general3A_44 = arith.constant dense<0.000000e+00> : vector<1000x128xf32>
    %dot_general3A_45 = tpu.matmul %get3A_1, %get3A_43, %dot_general3A_44 {dimension_numbers = #tpu.dot_dimension_numbers<[1], [0], [0], [1], [0, 0, 1, 1], [], []>, transpose_lhs_hint = false} : vector<1000x128xf32>, vector<128x128xf32>, vector<1000x128xf32> -> vector<1000x128xf32>
    %swap3A_46 = arith.constant 3 : index
    %swap3A_47 = arith.constant 0 : index
    %swap3A_48 = arith.constant 0 : index
    %swap3A_49 = vector.load %arg5[%swap3A_46, %swap3A_47, %swap3A_48] : memref<8x1000x128xf32, #tpu.memory_space<vmem>>, vector<1x1000x128xf32>
    %swap3A_50 = vector.shape_cast %swap3A_49 : vector<1x1000x128xf32> to vector<1000x128xf32>
    %swap3A_51 = vector.shape_cast %dot_general3A_45 : vector<1000x128xf32> to vector<1x1000x128xf32>
    tpu.vector_store %arg5[%swap3A_46, %swap3A_47, %swap3A_48], %swap3A_51 {strides = array<i32>} : memref<8x1000x128xf32, #tpu.memory_space<vmem>>, vector<1x1000x128xf32>,
    %get3A_52 = arith.constant 4 : index
    %get3A_53 = arith.constant 0 : index
    %get3A_54 = arith.constant 0 : index
    %get3A_55 = vector.load %arg2[%get3A_52, %get3A_53, %get3A_54] : memref<8x128x128xf32, #tpu.memory_space<vmem>>, vector<1x128x128xf32>
    %get3A_56 = vector.shape_cast %get3A_55 : vector<1x128x128xf32> to vector<128x128xf32>
    %dot_general3A_57 = arith.constant dense<0.000000e+00> : vector<1000x128xf32>
    %dot_general3A_58 = tpu.matmul %get3A_1, %get3A_56, %dot_general3A_57 {dimension_numbers = #tpu.dot_dimension_numbers<[1], [0], [0], [1], [0, 0, 1, 1], [], []>, transpose_lhs_hint = false} : vector<1000x128xf32>, vector<128x128xf32>, vector<1000x128xf32> -> vector<1000x128xf32>
    %swap3A_59 = arith.constant 4 : index
    %swap3A_60 = arith.constant 0 : index
    %swap3A_61 = arith.constant 0 : index
    %swap3A_62 = vector.load %arg5[%swap3A_59, %swap3A_60, %swap3A_61] : memref<8x1000x128xf32, #tpu.memory_space<vmem>>, vector<1x1000x128xf32>
    %swap3A_63 = vector.shape_cast %swap3A_62 : vector<1x1000x128xf32> to vector<1000x128xf32>
    %swap3A_64 = vector.shape_cast %dot_general3A_58 : vector<1000x128xf32> to vector<1x1000x128xf32>
    tpu.vector_store %arg5[%swap3A_59, %swap3A_60, %swap3A_61], %swap3A_64 {strides = array<i32>} : memref<8x1000x128xf32, #tpu.memory_space<vmem>>, vector<1x1000x128xf32>,
    %get3A_65 = arith.constant 5 : index
    %get3A_66 = arith.constant 0 : index
    %get3A_67 = arith.constant 0 : index
    %get3A_68 = vector.load %arg2[%get3A_65, %get3A_66, %get3A_67] : memref<8x128x128xf32, #tpu.memory_space<vmem>>, vector<1x128x128xf32>
    %get3A_69 = vector.shape_cast %get3A_68 : vector<1x128x128xf32> to vector<128x128xf32>
    %dot_general3A_70 = arith.constant dense<0.000000e+00> : vector<1000x128xf32>
    %dot_general3A_71 = tpu.matmul %get3A_1, %get3A_69, %dot_general3A_70 {dimension_numbers = #tpu.dot_dimension_numbers<[1], [0], [0], [1], [0, 0, 1, 1], [], []>, transpose_lhs_hint = false} : vector<1000x128xf32>, vector<128x128xf32>, vector<1000x128xf32> -> vector<1000x128xf32>
    %swap3A_72 = arith.constant 5 : index
    %swap3A_73 = arith.constant 0 : index
    %swap3A_74 = arith.constant 0 : index
    %swap3A_75 = vector.load %arg5[%swap3A_72, %swap3A_73, %swap3A_74] : memref<8x1000x128xf32, #tpu.memory_space<vmem>>, vector<1x1000x128xf32>
    %swap3A_76 = vector.shape_cast %swap3A_75 : vector<1x1000x128xf32> to vector<1000x128xf32>
    %swap3A_77 = vector.shape_cast %dot_general3A_71 : vector<1000x128xf32> to vector<1x1000x128xf32>
    tpu.vector_store %arg5[%swap3A_72, %swap3A_73, %swap3A_74], %swap3A_77 {strides = array<i32>} : memref<8x1000x128xf32, #tpu.memory_space<vmem>>, vector<1x1000x128xf32>,
    %get3A_78 = arith.constant 6 : index
    %get3A_79 = arith.constant 0 : index
    %get3A_80 = arith.constant 0 : index
    %get3A_81 = vector.load %arg2[%get3A_78, %get3A_79, %get3A_80] : memref<8x128x128xf32, #tpu.memory_space<vmem>>, vector<1x128x128xf32>
    %get3A_82 = vector.shape_cast %get3A_81 : vector<1x128x128xf32> to vector<128x128xf32>
    %dot_general3A_83 = arith.constant dense<0.000000e+00> : vector<1000x128xf32>
    %dot_general3A_84 = tpu.matmul %get3A_1, %get3A_82, %dot_general3A_83 {dimension_numbers = #tpu.dot_dimension_numbers<[1], [0], [0], [1], [0, 0, 1, 1], [], []>, transpose_lhs_hint = false} : vector<1000x128xf32>, vector<128x128xf32>, vector<1000x128xf32> -> vector<1000x128xf32>
    %swap3A_85 = arith.constant 6 : index
    %swap3A_86 = arith.constant 0 : index
    %swap3A_87 = arith.constant 0 : index
    %swap3A_88 = vector.load %arg5[%swap3A_85, %swap3A_86, %swap3A_87] : memref<8x1000x128xf32, #tpu.memory_space<vmem>>, vector<1x1000x128xf32>
    %swap3A_89 = vector.shape_cast %swap3A_88 : vector<1x1000x128xf32> to vector<1000x128xf32>
    %swap3A_90 = vector.shape_cast %dot_general3A_84 : vector<1000x128xf32> to vector<1x1000x128xf32>
    tpu.vector_store %arg5[%swap3A_85, %swap3A_86, %swap3A_87], %swap3A_90 {strides = array<i32>} : memref<8x1000x128xf32, #tpu.memory_space<vmem>>, vector<1x1000x128xf32>,
    %get3A_91 = arith.constant 7 : index
    %get3A_92 = arith.constant 0 : index
    %get3A_93 = arith.constant 0 : index
    %get3A_94 = vector.load %arg2[%get3A_91, %get3A_92, %get3A_93] : memref<8x128x128xf32, #tpu.memory_space<vmem>>, vector<1x128x128xf32>
    %get3A_95 = vector.shape_cast %get3A_94 : vector<1x128x128xf32> to vector<128x128xf32>
    %dot_general3A_96 = arith.constant dense<0.000000e+00> : vector<1000x128xf32>
    %dot_general3A_97 = tpu.matmul %get3A_1, %get3A_95, %dot_general3A_96 {dimension_numbers = #tpu.dot_dimension_numbers<[1], [0], [0], [1], [0, 0, 1, 1], [], []>, transpose_lhs_hint = false} : vector<1000x128xf32>, vector<128x128xf32>, vector<1000x128xf32> -> vector<1000x128xf32>
    %swap3A_98 = arith.constant 7 : index
    %swap3A_99 = arith.constant 0 : index
    %swap3A_100 = arith.constant 0 : index
    %swap3A_101 = vector.load %arg5[%swap3A_98, %swap3A_99, %swap3A_100] : memref<8x1000x128xf32, #tpu.memory_space<vmem>>, vector<1x1000x128xf32>
    %swap3A_102 = vector.shape_cast %swap3A_101 : vector<1x1000x128xf32> to vector<1000x128xf32>
    %swap3A_103 = vector.shape_cast %dot_general3A_97 : vector<1000x128xf32> to vector<1x1000x128xf32>
    tpu.vector_store %arg5[%swap3A_98, %swap3A_99, %swap3A_100], %swap3A_103 {strides = array<i32>} : memref<8x1000x128xf32, #tpu.memory_space<vmem>>, vector<1x1000x128xf32>,
    %get3A_104 = arith.constant 0 : index
    %get3A_105 = arith.constant 0 : index
    %get3A_106 = vector.load %arg3[%get3A_104, %get3A_105] : memref<128x128xf32, #tpu.memory_space<vmem>>, vector<128x128xf32>
    %dot_general3A_107 = arith.constant dense<0.000000e+00> : vector<1000x128xf32>
    %dot_general3A_108 = tpu.matmul %get3A_1, %get3A_106, %dot_general3A_107 {dimension_numbers = #tpu.dot_dimension_numbers<[1], [0], [0], [1], [0, 0, 1, 1], [], []>, transpose_lhs_hint = false} : vector<1000x128xf32>, vector<128x128xf32>, vector<1000x128xf32> -> vector<1000x128xf32>
    %get3A_109 = arith.constant 0 : index
    %get3A_110 = arith.constant 0 : index
    %get3A_111 = vector.load %arg4[%get3A_109, %get3A_110] : memref<1x128xf32, #tpu.memory_space<vmem>>, vector<1x128xf32>
    %add3A = vector.broadcast %get3A_111 : vector<1x128xf32> to vector<1000x128xf32>
    %add3A_112 = arith.addf %dot_general3A_108, %add3A : vector<1000x128xf32>
    %swap3A_113 = arith.constant 0 : index
    %swap3A_114 = arith.constant 0 : index
    %swap3A_115 = vector.load %arg6[%swap3A_113, %swap3A_114] : memref<1000x128xf32, #tpu.memory_space<vmem>>, vector<1000x128xf32>
    tpu.vector_store %arg6[%swap3A_113, %swap3A_114], %add3A_112 {strides = array<i32>} : memref<1000x128xf32, #tpu.memory_space<vmem>>, vector<1000x128xf32>,
    return
  }
  func.func @transform_0(%arg0: i32) -> (i32, i32) {
    %c0_i32 = arith.constant 0 : i32
    %c0_i32_0 = arith.constant 0 : i32
    return %arg0, %c0_i32 : i32, i32
  }
  func.func @transform_1(%arg0: i32) -> (i32, i32, i32) {
    %c0_i32 = arith.constant 0 : i32
    %c0_i32_0 = arith.constant 0 : i32
    %c0_i32_1 = arith.constant 0 : i32
    %c0_i32_2 = arith.constant 0 : i32
    return %c0_i32, %c0_i32_0, %c0_i32_1 : i32, i32, i32
  }
  func.func @transform_2(%arg0: i32) -> (i32, i32) {
    %c0_i32 = arith.constant 0 : i32
    %c0_i32_0 = arith.constant 0 : i32
    %c0_i32_1 = arith.constant 0 : i32
    return %c0_i32, %c0_i32_0 : i32, i32
  }
  func.func @transform_3(%arg0: i32) -> (i32, i32) {
    %c0_i32 = arith.constant 0 : i32
    %c0_i32_0 = arith.constant 0 : i32
    %c0_i32_1 = arith.constant 0 : i32
    return %c0_i32, %c0_i32_0 : i32, i32
  }
  func.func @transform_4(%arg0: i32) -> (i32, i32, i32) {
    %c0_i32 = arith.constant 0 : i32
    %c0_i32_0 = arith.constant 0 : i32
    %c0_i32_1 = arith.constant 0 : i32
    return %c0_i32, %arg0, %c0_i32_0 : i32, i32, i32
  }
  func.func @transform_5(%arg0: i32) -> (i32, i32) {
    %c0_i32 = arith.constant 0 : i32
    %c0_i32_0 = arith.constant 0 : i32
    return %arg0, %c0_i32 : i32, i32
  }
}

module attributes {stable_mosaic.version = 14 : i64} {
  func.func @_mm2_body(%arg0: i32, %arg1: memref<2x1000x128xf32, #tpu.memory_space<vmem>>, %arg2: memref<1000x128xf32, #tpu.memory_space<vmem>>, %arg3: memref<8x128x128xf32, #tpu.memory_space<vmem>>, %arg4: memref<128x128xf32, #tpu.memory_space<vmem>>, %arg5: memref<1x128xf32, #tpu.memory_space<vmem>>, %arg6: memref<8x1000x128xf32, #tpu.memory_space<vmem>>, %arg7: memref<1000x128xf32, #tpu.memory_space<vmem>>) attributes {dimension_semantics = [#tpu.dimension_semantics<arbitrary>], iteration_bounds = array<i64: 10>, scalar_prefetch = 0 : i64, scratch_operands = 0 : i64, tpu.core_type = #tpu.core_type<tc>, window_params = [{transform_indices = @transform_0, window_bounds = array<i64: 2, 1000, 128>}, {transform_indices = @transform_1, window_bounds = array<i64: 1000, 128>}, {pipeline_mode = #tpu.pipeline_mode<synchronous>, transform_indices = @transform_2, window_bounds = array<i64: 8, 128, 128>}, {pipeline_mode = #tpu.pipeline_mode<synchronous>, transform_indices = @transform_3, window_bounds = array<i64: 128, 128>}, {pipeline_mode = #tpu.pipeline_mode<synchronous>, transform_indices = @transform_4, window_bounds = array<i64: 1, 128>}, {transform_indices = @transform_5, window_bounds = array<i64: 8, 1000, 128>}, {transform_indices = @transform_6, window_bounds = array<i64: 1000, 128>}]} {
    %get3A = arith.constant 0 : index
    %get3A_0 = arith.constant 0 : index
    %get3A_1 = arith.constant 0 : index
    %get3A_2 = vector.load %arg1[%get3A, %get3A_0, %get3A_1] : memref<2x1000x128xf32, #tpu.memory_space<vmem>>, vector<1x1000x128xf32>
    %get3A_3 = vector.shape_cast %get3A_2 : vector<1x1000x128xf32> to vector<1000x128xf32>
    %get3A_4 = arith.constant 1 : index
    %get3A_5 = arith.constant 0 : index
    %get3A_6 = arith.constant 0 : index
    %get3A_7 = vector.load %arg1[%get3A_4, %get3A_5, %get3A_6] : memref<2x1000x128xf32, #tpu.memory_space<vmem>>, vector<1x1000x128xf32>
    %get3A_8 = vector.shape_cast %get3A_7 : vector<1x1000x128xf32> to vector<1000x128xf32>
    %add3A = arith.addf %get3A_3, %get3A_8 : vector<1000x128xf32>
    %get3A_9 = arith.constant 0 : index
    %get3A_10 = arith.constant 0 : index
    %get3A_11 = vector.load %arg2[%get3A_9, %get3A_10] : memref<1000x128xf32, #tpu.memory_space<vmem>>, vector<1000x128xf32>
    %add3A_12 = arith.addf %add3A, %get3A_11 : vector<1000x128xf32>
    %max3A = arith.constant 0.000000e+00 : f32
    %max3A_13 = vector.broadcast %max3A : f32 to vector<1000x128xf32>
    %max3A_14 = arith.maximumf %add3A_12, %max3A_13 : vector<1000x128xf32>
    %get3A_15 = arith.constant 0 : index
    %get3A_16 = arith.constant 0 : index
    %get3A_17 = arith.constant 0 : index
    %get3A_18 = vector.load %arg3[%get3A_15, %get3A_16, %get3A_17] : memref<8x128x128xf32, #tpu.memory_space<vmem>>, vector<1x128x128xf32>
    %get3A_19 = vector.shape_cast %get3A_18 : vector<1x128x128xf32> to vector<128x128xf32>
    %dot_general3A = arith.constant dense<0.000000e+00> : vector<1000x128xf32>
    %dot_general3A_20 = tpu.matmul %max3A_14, %get3A_19, %dot_general3A {dimension_numbers = #tpu.dot_dimension_numbers<[1], [0], [0], [1], [0, 0, 1, 1], [], []>, transpose_lhs_hint = false} : vector<1000x128xf32>, vector<128x128xf32>, vector<1000x128xf32> -> vector<1000x128xf32>
    %swap3A = arith.constant 0 : index
    %swap3A_21 = arith.constant 0 : index
    %swap3A_22 = arith.constant 0 : index
    %swap3A_23 = vector.load %arg6[%swap3A, %swap3A_21, %swap3A_22] : memref<8x1000x128xf32, #tpu.memory_space<vmem>>, vector<1x1000x128xf32>
    %swap3A_24 = vector.shape_cast %swap3A_23 : vector<1x1000x128xf32> to vector<1000x128xf32>
    %swap3A_25 = vector.shape_cast %dot_general3A_20 : vector<1000x128xf32> to vector<1x1000x128xf32>
    tpu.vector_store %arg6[%swap3A, %swap3A_21, %swap3A_22], %swap3A_25 {strides = array<i32>} : memref<8x1000x128xf32, #tpu.memory_space<vmem>>, vector<1x1000x128xf32>,
    %get3A_26 = arith.constant 1 : index
    %get3A_27 = arith.constant 0 : index
    %get3A_28 = arith.constant 0 : index
    %get3A_29 = vector.load %arg3[%get3A_26, %get3A_27, %get3A_28] : memref<8x128x128xf32, #tpu.memory_space<vmem>>, vector<1x128x128xf32>
    %get3A_30 = vector.shape_cast %get3A_29 : vector<1x128x128xf32> to vector<128x128xf32>
    %dot_general3A_31 = arith.constant dense<0.000000e+00> : vector<1000x128xf32>
    %dot_general3A_32 = tpu.matmul %max3A_14, %get3A_30, %dot_general3A_31 {dimension_numbers = #tpu.dot_dimension_numbers<[1], [0], [0], [1], [0, 0, 1, 1], [], []>, transpose_lhs_hint = false} : vector<1000x128xf32>, vector<128x128xf32>, vector<1000x128xf32> -> vector<1000x128xf32>
    %swap3A_33 = arith.constant 1 : index
    %swap3A_34 = arith.constant 0 : index
    %swap3A_35 = arith.constant 0 : index
    %swap3A_36 = vector.load %arg6[%swap3A_33, %swap3A_34, %swap3A_35] : memref<8x1000x128xf32, #tpu.memory_space<vmem>>, vector<1x1000x128xf32>
    %swap3A_37 = vector.shape_cast %swap3A_36 : vector<1x1000x128xf32> to vector<1000x128xf32>
    %swap3A_38 = vector.shape_cast %dot_general3A_32 : vector<1000x128xf32> to vector<1x1000x128xf32>
    tpu.vector_store %arg6[%swap3A_33, %swap3A_34, %swap3A_35], %swap3A_38 {strides = array<i32>} : memref<8x1000x128xf32, #tpu.memory_space<vmem>>, vector<1x1000x128xf32>,
    %get3A_39 = arith.constant 2 : index
    %get3A_40 = arith.constant 0 : index
    %get3A_41 = arith.constant 0 : index
    %get3A_42 = vector.load %arg3[%get3A_39, %get3A_40, %get3A_41] : memref<8x128x128xf32, #tpu.memory_space<vmem>>, vector<1x128x128xf32>
    %get3A_43 = vector.shape_cast %get3A_42 : vector<1x128x128xf32> to vector<128x128xf32>
    %dot_general3A_44 = arith.constant dense<0.000000e+00> : vector<1000x128xf32>
    %dot_general3A_45 = tpu.matmul %max3A_14, %get3A_43, %dot_general3A_44 {dimension_numbers = #tpu.dot_dimension_numbers<[1], [0], [0], [1], [0, 0, 1, 1], [], []>, transpose_lhs_hint = false} : vector<1000x128xf32>, vector<128x128xf32>, vector<1000x128xf32> -> vector<1000x128xf32>
    %swap3A_46 = arith.constant 2 : index
    %swap3A_47 = arith.constant 0 : index
    %swap3A_48 = arith.constant 0 : index
    %swap3A_49 = vector.load %arg6[%swap3A_46, %swap3A_47, %swap3A_48] : memref<8x1000x128xf32, #tpu.memory_space<vmem>>, vector<1x1000x128xf32>
    %swap3A_50 = vector.shape_cast %swap3A_49 : vector<1x1000x128xf32> to vector<1000x128xf32>
    %swap3A_51 = vector.shape_cast %dot_general3A_45 : vector<1000x128xf32> to vector<1x1000x128xf32>
    tpu.vector_store %arg6[%swap3A_46, %swap3A_47, %swap3A_48], %swap3A_51 {strides = array<i32>} : memref<8x1000x128xf32, #tpu.memory_space<vmem>>, vector<1x1000x128xf32>,
    %get3A_52 = arith.constant 3 : index
    %get3A_53 = arith.constant 0 : index
    %get3A_54 = arith.constant 0 : index
    %get3A_55 = vector.load %arg3[%get3A_52, %get3A_53, %get3A_54] : memref<8x128x128xf32, #tpu.memory_space<vmem>>, vector<1x128x128xf32>
    %get3A_56 = vector.shape_cast %get3A_55 : vector<1x128x128xf32> to vector<128x128xf32>
    %dot_general3A_57 = arith.constant dense<0.000000e+00> : vector<1000x128xf32>
    %dot_general3A_58 = tpu.matmul %max3A_14, %get3A_56, %dot_general3A_57 {dimension_numbers = #tpu.dot_dimension_numbers<[1], [0], [0], [1], [0, 0, 1, 1], [], []>, transpose_lhs_hint = false} : vector<1000x128xf32>, vector<128x128xf32>, vector<1000x128xf32> -> vector<1000x128xf32>
    %swap3A_59 = arith.constant 3 : index
    %swap3A_60 = arith.constant 0 : index
    %swap3A_61 = arith.constant 0 : index
    %swap3A_62 = vector.load %arg6[%swap3A_59, %swap3A_60, %swap3A_61] : memref<8x1000x128xf32, #tpu.memory_space<vmem>>, vector<1x1000x128xf32>
    %swap3A_63 = vector.shape_cast %swap3A_62 : vector<1x1000x128xf32> to vector<1000x128xf32>
    %swap3A_64 = vector.shape_cast %dot_general3A_58 : vector<1000x128xf32> to vector<1x1000x128xf32>
    tpu.vector_store %arg6[%swap3A_59, %swap3A_60, %swap3A_61], %swap3A_64 {strides = array<i32>} : memref<8x1000x128xf32, #tpu.memory_space<vmem>>, vector<1x1000x128xf32>,
    %get3A_65 = arith.constant 4 : index
    %get3A_66 = arith.constant 0 : index
    %get3A_67 = arith.constant 0 : index
    %get3A_68 = vector.load %arg3[%get3A_65, %get3A_66, %get3A_67] : memref<8x128x128xf32, #tpu.memory_space<vmem>>, vector<1x128x128xf32>
    %get3A_69 = vector.shape_cast %get3A_68 : vector<1x128x128xf32> to vector<128x128xf32>
    %dot_general3A_70 = arith.constant dense<0.000000e+00> : vector<1000x128xf32>
    %dot_general3A_71 = tpu.matmul %max3A_14, %get3A_69, %dot_general3A_70 {dimension_numbers = #tpu.dot_dimension_numbers<[1], [0], [0], [1], [0, 0, 1, 1], [], []>, transpose_lhs_hint = false} : vector<1000x128xf32>, vector<128x128xf32>, vector<1000x128xf32> -> vector<1000x128xf32>
    %swap3A_72 = arith.constant 4 : index
    %swap3A_73 = arith.constant 0 : index
    %swap3A_74 = arith.constant 0 : index
    %swap3A_75 = vector.load %arg6[%swap3A_72, %swap3A_73, %swap3A_74] : memref<8x1000x128xf32, #tpu.memory_space<vmem>>, vector<1x1000x128xf32>
    %swap3A_76 = vector.shape_cast %swap3A_75 : vector<1x1000x128xf32> to vector<1000x128xf32>
    %swap3A_77 = vector.shape_cast %dot_general3A_71 : vector<1000x128xf32> to vector<1x1000x128xf32>
    tpu.vector_store %arg6[%swap3A_72, %swap3A_73, %swap3A_74], %swap3A_77 {strides = array<i32>} : memref<8x1000x128xf32, #tpu.memory_space<vmem>>, vector<1x1000x128xf32>,
    %get3A_78 = arith.constant 5 : index
    %get3A_79 = arith.constant 0 : index
    %get3A_80 = arith.constant 0 : index
    %get3A_81 = vector.load %arg3[%get3A_78, %get3A_79, %get3A_80] : memref<8x128x128xf32, #tpu.memory_space<vmem>>, vector<1x128x128xf32>
    %get3A_82 = vector.shape_cast %get3A_81 : vector<1x128x128xf32> to vector<128x128xf32>
    %dot_general3A_83 = arith.constant dense<0.000000e+00> : vector<1000x128xf32>
    %dot_general3A_84 = tpu.matmul %max3A_14, %get3A_82, %dot_general3A_83 {dimension_numbers = #tpu.dot_dimension_numbers<[1], [0], [0], [1], [0, 0, 1, 1], [], []>, transpose_lhs_hint = false} : vector<1000x128xf32>, vector<128x128xf32>, vector<1000x128xf32> -> vector<1000x128xf32>
    %swap3A_85 = arith.constant 5 : index
    %swap3A_86 = arith.constant 0 : index
    %swap3A_87 = arith.constant 0 : index
    %swap3A_88 = vector.load %arg6[%swap3A_85, %swap3A_86, %swap3A_87] : memref<8x1000x128xf32, #tpu.memory_space<vmem>>, vector<1x1000x128xf32>
    %swap3A_89 = vector.shape_cast %swap3A_88 : vector<1x1000x128xf32> to vector<1000x128xf32>
    %swap3A_90 = vector.shape_cast %dot_general3A_84 : vector<1000x128xf32> to vector<1x1000x128xf32>
    tpu.vector_store %arg6[%swap3A_85, %swap3A_86, %swap3A_87], %swap3A_90 {strides = array<i32>} : memref<8x1000x128xf32, #tpu.memory_space<vmem>>, vector<1x1000x128xf32>,
    %get3A_91 = arith.constant 6 : index
    %get3A_92 = arith.constant 0 : index
    %get3A_93 = arith.constant 0 : index
    %get3A_94 = vector.load %arg3[%get3A_91, %get3A_92, %get3A_93] : memref<8x128x128xf32, #tpu.memory_space<vmem>>, vector<1x128x128xf32>
    %get3A_95 = vector.shape_cast %get3A_94 : vector<1x128x128xf32> to vector<128x128xf32>
    %dot_general3A_96 = arith.constant dense<0.000000e+00> : vector<1000x128xf32>
    %dot_general3A_97 = tpu.matmul %max3A_14, %get3A_95, %dot_general3A_96 {dimension_numbers = #tpu.dot_dimension_numbers<[1], [0], [0], [1], [0, 0, 1, 1], [], []>, transpose_lhs_hint = false} : vector<1000x128xf32>, vector<128x128xf32>, vector<1000x128xf32> -> vector<1000x128xf32>
    %swap3A_98 = arith.constant 6 : index
    %swap3A_99 = arith.constant 0 : index
    %swap3A_100 = arith.constant 0 : index
    %swap3A_101 = vector.load %arg6[%swap3A_98, %swap3A_99, %swap3A_100] : memref<8x1000x128xf32, #tpu.memory_space<vmem>>, vector<1x1000x128xf32>
    %swap3A_102 = vector.shape_cast %swap3A_101 : vector<1x1000x128xf32> to vector<1000x128xf32>
    %swap3A_103 = vector.shape_cast %dot_general3A_97 : vector<1000x128xf32> to vector<1x1000x128xf32>
    tpu.vector_store %arg6[%swap3A_98, %swap3A_99, %swap3A_100], %swap3A_103 {strides = array<i32>} : memref<8x1000x128xf32, #tpu.memory_space<vmem>>, vector<1x1000x128xf32>,
    %get3A_104 = arith.constant 7 : index
    %get3A_105 = arith.constant 0 : index
    %get3A_106 = arith.constant 0 : index
    %get3A_107 = vector.load %arg3[%get3A_104, %get3A_105, %get3A_106] : memref<8x128x128xf32, #tpu.memory_space<vmem>>, vector<1x128x128xf32>
    %get3A_108 = vector.shape_cast %get3A_107 : vector<1x128x128xf32> to vector<128x128xf32>
    %dot_general3A_109 = arith.constant dense<0.000000e+00> : vector<1000x128xf32>
    %dot_general3A_110 = tpu.matmul %max3A_14, %get3A_108, %dot_general3A_109 {dimension_numbers = #tpu.dot_dimension_numbers<[1], [0], [0], [1], [0, 0, 1, 1], [], []>, transpose_lhs_hint = false} : vector<1000x128xf32>, vector<128x128xf32>, vector<1000x128xf32> -> vector<1000x128xf32>
    %swap3A_111 = arith.constant 7 : index
    %swap3A_112 = arith.constant 0 : index
    %swap3A_113 = arith.constant 0 : index
    %swap3A_114 = vector.load %arg6[%swap3A_111, %swap3A_112, %swap3A_113] : memref<8x1000x128xf32, #tpu.memory_space<vmem>>, vector<1x1000x128xf32>
    %swap3A_115 = vector.shape_cast %swap3A_114 : vector<1x1000x128xf32> to vector<1000x128xf32>
    %swap3A_116 = vector.shape_cast %dot_general3A_110 : vector<1000x128xf32> to vector<1x1000x128xf32>
    tpu.vector_store %arg6[%swap3A_111, %swap3A_112, %swap3A_113], %swap3A_116 {strides = array<i32>} : memref<8x1000x128xf32, #tpu.memory_space<vmem>>, vector<1x1000x128xf32>,
    %get3A_117 = arith.constant 0 : index
    %get3A_118 = arith.constant 0 : index
    %get3A_119 = vector.load %arg4[%get3A_117, %get3A_118] : memref<128x128xf32, #tpu.memory_space<vmem>>, vector<128x128xf32>
    %dot_general3A_120 = arith.constant dense<0.000000e+00> : vector<1000x128xf32>
    %dot_general3A_121 = tpu.matmul %max3A_14, %get3A_119, %dot_general3A_120 {dimension_numbers = #tpu.dot_dimension_numbers<[1], [0], [0], [1], [0, 0, 1, 1], [], []>, transpose_lhs_hint = false} : vector<1000x128xf32>, vector<128x128xf32>, vector<1000x128xf32> -> vector<1000x128xf32>
    %get3A_122 = arith.constant 0 : index
    %get3A_123 = arith.constant 0 : index
    %get3A_124 = vector.load %arg5[%get3A_122, %get3A_123] : memref<1x128xf32, #tpu.memory_space<vmem>>, vector<1x128xf32>
    %add3A_125 = vector.broadcast %get3A_124 : vector<1x128xf32> to vector<1000x128xf32>
    %add3A_126 = arith.addf %dot_general3A_121, %add3A_125 : vector<1000x128xf32>
    %swap3A_127 = arith.constant 0 : index
    %swap3A_128 = arith.constant 0 : index
    %swap3A_129 = vector.load %arg7[%swap3A_127, %swap3A_128] : memref<1000x128xf32, #tpu.memory_space<vmem>>, vector<1000x128xf32>
    tpu.vector_store %arg7[%swap3A_127, %swap3A_128], %add3A_126 {strides = array<i32>} : memref<1000x128xf32, #tpu.memory_space<vmem>>, vector<1000x128xf32>,
    return
  }
  func.func @transform_0(%arg0: i32) -> (i32, i32, i32) {
    %c0_i32 = arith.constant 0 : i32
    %c0_i32_0 = arith.constant 0 : i32
    %c0_i32_1 = arith.constant 0 : i32
    return %c0_i32, %arg0, %c0_i32_0 : i32, i32, i32
  }
  func.func @transform_1(%arg0: i32) -> (i32, i32) {
    %c0_i32 = arith.constant 0 : i32
    %c0_i32_0 = arith.constant 0 : i32
    return %arg0, %c0_i32 : i32, i32
  }
  func.func @transform_2(%arg0: i32) -> (i32, i32, i32) {
    %c0_i32 = arith.constant 0 : i32
    %c0_i32_0 = arith.constant 0 : i32
    %c0_i32_1 = arith.constant 0 : i32
    %c0_i32_2 = arith.constant 0 : i32
    return %c0_i32, %c0_i32_0, %c0_i32_1 : i32, i32, i32
  }
  func.func @transform_3(%arg0: i32) -> (i32, i32) {
    %c0_i32 = arith.constant 0 : i32
    %c0_i32_0 = arith.constant 0 : i32
    %c0_i32_1 = arith.constant 0 : i32
    return %c0_i32, %c0_i32_0 : i32, i32
  }
  func.func @transform_4(%arg0: i32) -> (i32, i32) {
    %c0_i32 = arith.constant 0 : i32
    %c0_i32_0 = arith.constant 0 : i32
    %c0_i32_1 = arith.constant 0 : i32
    return %c0_i32, %c0_i32_0 : i32, i32
  }
  func.func @transform_5(%arg0: i32) -> (i32, i32, i32) {
    %c0_i32 = arith.constant 0 : i32
    %c0_i32_0 = arith.constant 0 : i32
    %c0_i32_1 = arith.constant 0 : i32
    return %c0_i32, %arg0, %c0_i32_0 : i32, i32, i32
  }
  func.func @transform_6(%arg0: i32) -> (i32, i32) {
    %c0_i32 = arith.constant 0 : i32
    %c0_i32_0 = arith.constant 0 : i32
    return %arg0, %c0_i32 : i32, i32
  }
}

module attributes {stable_mosaic.version = 14 : i64} {
  func.func @_fin_body(%arg0: i32, %arg1: memref<2x1000x128xf32, #tpu.memory_space<vmem>>, %arg2: memref<1000x128xf32, #tpu.memory_space<vmem>>, %arg3: memref<128x64xf32, #tpu.memory_space<vmem>>, %arg4: memref<1x64xf32, #tpu.memory_space<vmem>>, %arg5: memref<1x64xf32, #tpu.memory_space<vmem>>, %arg6: memref<1x128xf32, #tpu.memory_space<vmem>>) attributes {dimension_semantics = [#tpu.dimension_semantics<arbitrary>], iteration_bounds = array<i64: 10>, scalar_prefetch = 0 : i64, scratch_operands = 1 : i64, tpu.core_type = #tpu.core_type<tc>, window_params = [{transform_indices = @transform_0, window_bounds = array<i64: 2, 1000, 128>}, {transform_indices = @transform_1, window_bounds = array<i64: 1000, 128>}, {pipeline_mode = #tpu.pipeline_mode<synchronous>, transform_indices = @transform_2, window_bounds = array<i64: 128, 64>}, {pipeline_mode = #tpu.pipeline_mode<synchronous>, transform_indices = @transform_3, window_bounds = array<i64: 1, 64>}, {pipeline_mode = #tpu.pipeline_mode<synchronous>, transform_indices = @transform_4, window_bounds = array<i64: 1, 64>}]} {
    %get3A = arith.constant 0 : index
    %get3A_0 = arith.constant 0 : index
    %get3A_1 = arith.constant 0 : index
    %get3A_2 = vector.load %arg1[%get3A, %get3A_0, %get3A_1] : memref<2x1000x128xf32, #tpu.memory_space<vmem>>, vector<1x1000x128xf32>
    %get3A_3 = vector.shape_cast %get3A_2 : vector<1x1000x128xf32> to vector<1000x128xf32>
    %get3A_4 = arith.constant 1 : index
    %get3A_5 = arith.constant 0 : index
    %get3A_6 = arith.constant 0 : index
    %get3A_7 = vector.load %arg1[%get3A_4, %get3A_5, %get3A_6] : memref<2x1000x128xf32, #tpu.memory_space<vmem>>, vector<1x1000x128xf32>
    %get3A_8 = vector.shape_cast %get3A_7 : vector<1x1000x128xf32> to vector<1000x128xf32>
    %add3A = arith.addf %get3A_3, %get3A_8 : vector<1000x128xf32>
    %get3A_9 = arith.constant 0 : index
    %get3A_10 = arith.constant 0 : index
    %get3A_11 = vector.load %arg2[%get3A_9, %get3A_10] : memref<1000x128xf32, #tpu.memory_space<vmem>>, vector<1000x128xf32>
    %add3A_12 = arith.addf %add3A, %get3A_11 : vector<1000x128xf32>
    %max3A = arith.constant 0.000000e+00 : f32
    %max3A_13 = vector.broadcast %max3A : f32 to vector<1000x128xf32>
    %max3A_14 = arith.maximumf %add3A_12, %max3A_13 : vector<1000x128xf32>
    %reduce_max3A = arith.constant dense<0xFF800000> : vector<128xf32>
    %reduce_max3A_15 = vector.multi_reduction <maximumf>, %max3A_14, %reduce_max3A [0] : vector<1000x128xf32> to vector<128xf32>
    %broadcast_in_dim3A = vector.shape_cast %reduce_max3A_15 : vector<128xf32> to vector<1x128xf32>
    %eq3A = arith.constant 0 : i32
    %eq3A_16 = arith.cmpi eq, %arg0, %eq3A : i32
    %convert_element_type3A = arith.extui %eq3A_16 : i1 to i32
    %cond3A = arith.constant 0 : i32
    %cond3A_17 = arith.cmpi ne, %convert_element_type3A, %cond3A : i32
    scf.if %cond3A_17 {
      %swap3A = arith.constant 0 : index
      %swap3A_27 = arith.constant 0 : index
      %swap3A_28 = vector.load %arg6[%swap3A, %swap3A_27] : memref<1x128xf32, #tpu.memory_space<vmem>>, vector<1x128xf32>
      tpu.vector_store %arg6[%swap3A, %swap3A_27], %broadcast_in_dim3A {strides = array<i32>} : memref<1x128xf32, #tpu.memory_space<vmem>>, vector<1x128xf32>,
    } else {
    }
    %gt3A = arith.constant 0 : i32
    %gt3A_18 = arith.cmpi sgt, %arg0, %gt3A : i32
    %convert_element_type3A_19 = arith.extui %gt3A_18 : i1 to i32
    %cond3A_20 = arith.constant 0 : i32
    %cond3A_21 = arith.cmpi ne, %convert_element_type3A_19, %cond3A_20 : i32
    scf.if %cond3A_21 {
      %get3A_27 = arith.constant 0 : index
      %get3A_28 = arith.constant 0 : index
      %get3A_29 = vector.load %arg6[%get3A_27, %get3A_28] : memref<1x128xf32, #tpu.memory_space<vmem>>, vector<1x128xf32>
      %max3A_30 = arith.maximumf %get3A_29, %broadcast_in_dim3A : vector<1x128xf32>
      %swap3A = arith.constant 0 : index
      %swap3A_31 = arith.constant 0 : index
      %swap3A_32 = vector.load %arg6[%swap3A, %swap3A_31] : memref<1x128xf32, #tpu.memory_space<vmem>>, vector<1x128xf32>
      tpu.vector_store %arg6[%swap3A, %swap3A_31], %max3A_30 {strides = array<i32>} : memref<1x128xf32, #tpu.memory_space<vmem>>, vector<1x128xf32>,
    } else {
    }
    %eq3A_22 = arith.constant 9 : i32
    %eq3A_23 = arith.cmpi eq, %arg0, %eq3A_22 : i32
    %convert_element_type3A_24 = arith.extui %eq3A_23 : i1 to i32
    %cond3A_25 = arith.constant 0 : i32
    %cond3A_26 = arith.cmpi ne, %convert_element_type3A_24, %cond3A_25 : i32
    scf.if %cond3A_26 {
      %get3A_27 = arith.constant 0 : index
      %get3A_28 = arith.constant 0 : index
      %get3A_29 = vector.load %arg6[%get3A_27, %get3A_28] : memref<1x128xf32, #tpu.memory_space<vmem>>, vector<1x128xf32>
      %get3A_30 = arith.constant 0 : index
      %get3A_31 = arith.constant 0 : index
      %get3A_32 = vector.load %arg3[%get3A_30, %get3A_31] : memref<128x64xf32, #tpu.memory_space<vmem>>, vector<128x64xf32>
      %dot_general3A = arith.constant dense<0.000000e+00> : vector<1x64xf32>
      %dot_general3A_33 = tpu.matmul %get3A_29, %get3A_32, %dot_general3A {dimension_numbers = #tpu.dot_dimension_numbers<[1], [0], [0], [1], [0, 0, 1, 1], [], []>, transpose_lhs_hint = false} : vector<1x128xf32>, vector<128x64xf32>, vector<1x64xf32> -> vector<1x64xf32>
      %get3A_34 = arith.constant 0 : index
      %get3A_35 = arith.constant 0 : index
      %get3A_36 = vector.load %arg4[%get3A_34, %get3A_35] : memref<1x64xf32, #tpu.memory_space<vmem>>, vector<1x64xf32>
      %add3A_37 = arith.addf %dot_general3A_33, %get3A_36 : vector<1x64xf32>
      %swap3A = arith.constant 0 : index
      %swap3A_38 = arith.constant 0 : index
      %swap3A_39 = vector.load %arg5[%swap3A, %swap3A_38] : memref<1x64xf32, #tpu.memory_space<vmem>>, vector<1x64xf32>
      tpu.vector_store %arg5[%swap3A, %swap3A_38], %add3A_37 {strides = array<i32>} : memref<1x64xf32, #tpu.memory_space<vmem>>, vector<1x64xf32>,
    } else {
    }
    return
  }
  func.func @transform_0(%arg0: i32) -> (i32, i32, i32) {
    %c0_i32 = arith.constant 0 : i32
    %c0_i32_0 = arith.constant 0 : i32
    %c0_i32_1 = arith.constant 0 : i32
    return %c0_i32, %arg0, %c0_i32_0 : i32, i32, i32
  }
  func.func @transform_1(%arg0: i32) -> (i32, i32) {
    %c0_i32 = arith.constant 0 : i32
    %c0_i32_0 = arith.constant 0 : i32
    return %arg0, %c0_i32 : i32, i32
  }
  func.func @transform_2(%arg0: i32) -> (i32, i32) {
    %c0_i32 = arith.constant 0 : i32
    %c0_i32_0 = arith.constant 0 : i32
    %c0_i32_1 = arith.constant 0 : i32
    return %c0_i32, %c0_i32_0 : i32, i32
  }
  func.func @transform_3(%arg0: i32) -> (i32, i32) {
    %c0_i32 = arith.constant 0 : i32
    %c0_i32_0 = arith.constant 0 : i32
    %c0_i32_1 = arith.constant 0 : i32
    return %c0_i32, %c0_i32_0 : i32, i32
  }
  func.func @transform_4(%arg0: i32) -> (i32, i32) {
    %c0_i32 = arith.constant 0 : i32
    %c0_i32_0 = arith.constant 0 : i32
    %c0_i32_1 = arith.constant 0 : i32
    return %c0_i32, %c0_i32_0 : i32, i32
  }
}

</mosaic_0001>

<sc_bundles>
// kernel: kernel.10.cloned.1.call-start
scs
__scs_entry_jumppad:
0x0: {  	(pc) =	sbr.rel $0x88, $3  }
0x1: {  	(tag) =	ssettag $0x0;
	lr =	simm.s32 $0x1  }
0x2: {  	[smem:$0x3F96] =	sst lr;
	_ =	strace $0xD0000000  }
0x3: {  	_ = 	snop  }
0x4: {  	_ = 	snop  }
0x5: {  	_ = 	snop  }
0x6: {  	_ = 	snop  }
0x7: {  	_ = 	snop  }
__scs_overlays_trampoline_lowered:
0x8: {  	[smem:$0x3FA5] =	sst s0  }
0x9: {  	[smem:$0x3FA6] =	sst s1  }
0xa: {  	[smem:$0x3FA7] =	sst s2  }
0xb: {  	[smem:$0x3FA8] =	sst s3  }
0xc: {  	[smem:$0x3FA9] =	sst s4  }
0xd: {  	[smem:$0x3FAA] =	sst s5  }
0xe: {  	[smem:$0x3FAB] =	sst s6  }
0xf: {  	[smem:$0x3FAC] =	sst s7  }
0x10: {  	[smem:$0x3FAD] =	sst s8  }
0x11: {  	[smem:$0x3FAE] =	sst s9;
	s0 =	simm.s32 @!p0 $0x0  }
0x12: {  	s1 =	sld [smem:$0x3F94];
	s0 =	simm.s32 @p0 $0x1  }
0x13: {  	[smem:$0x3FAF] =	sst s0;
	s0 =	simm.s32 @!p1 $0x0  }
0x14: {  	s2 =	sld [smem:$0x3F93];
	s0 =	simm.s32 @p1 $0x1  }
0x15: {  	[smem:$0x3FB0] =	sst s0;
	s0 =	simm.s32 @!p2 $0x0  }
0x16: {  	s3 =	sld [smem:$0x3FDB];
	s0 =	simm.s32 @p2 $0x1  }
0x17: {  	s4 =	simm.s32 $0x1BF5;
	[smem:$0x3FB2] =	sst s0  }
0x18: {  	s0 =	sld [smem:$0x3F95];
	_ =	swait.ge [sflag:s4], $0x0  }
0x19: {  	s7 =	sld [smem:$0x3F96]  }
0x1a: {  	s8 =	sadd.s32 $0xFFFFE003, lr  }
0x1b: {  	s9 =	sadd.s32 $0xFFFFFEF7, lr;
	s5 =	simm.s32 $0xFFFFFFFF;
	p2 =	slt.u32 s8, $0xFFFFF086  }
0x1c: {  	p1 =	slt.u32 s9, $0xF7A;
	s5 =	simm.s32 @!p2 $0x0  }
0x1d: {  	s5 =	simm.s32 @p1 $0x1;
	p0 =	seq.s32 s7, s2  }
0x1e: {  	s7 =	smul.u32 @!p0 $0xF7A, s2;
	p2 =	seq.s32 @!p0 s5, $0x0  }
0x1f: {  	s9 =	smul.u32 $0xF7A, s1;
	s8 =	simm.s32 @!p0 $0x1BF5;
	p2 =	por !p2, p0  }
0x20: {  	[sflag:s8] =	ssyncset.s32 @!p0 $0xFFFFF086;
	s6 =	sadd.s32 @!p0 s3, s7;
	s7 =	simm.s32 @!p0 $0x108  }
0x21: {  	s3 =	sadd.s32 s3, s9;
	s6 =	sadd.s32 @!p0 $0x88, s6;
	s7 =	simm.s32 @p2 $0x1082  }
0x22: {  	[simem:s7], [sflag:s8] =	dma.local @!p0 [hbm:s6], $0xF7A  }
0x23: {  	s9 =	sor.u32 $0xD0000000, s2;
	s6 =	simm.s32 $0x108;
	_ =	swait.ge @!p0 [sflag:s8], $0x0  }
0x24: {  	s3 =	sadd.s32 $0x88, s3;
	s6 =	simm.s32 @!p1 $0x1082;
	[sflag:s4] =	ssyncset.s32 $0xFFFFF086  }
0x25: {  	[simem:s6], [sflag:s4] =	dma.local [hbm:s3], $0xF7A  }
0x26: {  	[smem:$0x3F96] =	sst s1;
	(tag) =	ssettag s2;
	_ =	strace s9  }
0x27: {  	s1 =	sld [smem:$0x3FA6]  }
0x28: {  	s2 =	sld [smem:$0x3FA7]  }
0x29: {  	s4 =	sld [smem:$0x3FA9]  }
0x2a: {  	p0 =	seq.s32 s5, $0x0;
	s5 =	sld [smem:$0x3FAA]  }
0x2b: {  	s6 =	sld [smem:$0x3FAB]  }
0x2c: {  	s7 =	sld [smem:$0x3FAC]  }
0x2d: {  	s3 =	simm.s32 $0x108;
	s8 =	sld [smem:$0x3FAD]  }
0x2e: {  	s3 =	simm.s32 @!p0 $0x1082;
	s9 =	sld [smem:$0x3FAE]  }
0x2f: {  	lr =	sadd.s32 s0, s3;
	s0 =	sld [smem:$0x3FA5]  }
0x30: {  	s3 =	sld [smem:$0x3FA8]  }
0x31: {  	[smem:$0x3FB1] =	sst s10  }
0x32: {  	s10 =	sld [smem:$0x3FAF];
	_ =	sdelay $0x3  }
0x33: {  	p0 =	seq.s32 s10, $0x1;
	s10 =	sld [smem:$0x3FB1];
	_ =	sdelay $0x3  }
0x34: {  	[smem:$0x3FB1] =	sst s10  }
0x35: {  	s10 =	sld [smem:$0x3FB0];
	_ =	sdelay $0x3  }
0x36: {  	p1 =	seq.s32 s10, $0x1;
	s10 =	sld [smem:$0x3FB1];
	_ =	sdelay $0x3  }
0x37: {  	[smem:$0x3FB1] =	sst s10  }
0x38: {  	s10 =	sld [smem:$0x3FB2]  }
0x39: {  	_ = 	snop;
	(pc) =	sbr.ind lr, $3  }
0x3a: {  	_ = 	snop  }
0x3b: {  	_ = 	snop  }
0x3c: {  	p2 =	seq.s32 s10, $0x1;
	s10 =	sld [smem:$0x3FB1]  }
0x3d: {  	_ =	shalt  }
0x3e: {  	_ =	shalt  }
0x3f: {  	_ =	shalt  }
0x40: {  	_ =	shalt  }
0x41: {  	_ =	shalt  }
0x42: {  	_ =	shalt  }
0x43: {  	_ =	shalt  }
0x44: {  	_ =	shalt  }
0x45: {  	_ =	shalt  }
0x46: {  	_ =	shalt  }
0x47: {  	_ =	shalt  }
0x48: {  	_ =	shalt  }
0x49: {  	_ =	shalt  }
0x4a: {  	_ =	shalt  }
0x4b: {  	_ =	shalt  }
0x4c: {  	_ =	shalt  }
0x4d: {  	_ =	shalt  }
0x4e: {  	_ =	shalt  }
0x4f: {  	_ =	shalt  }
0x50: {  	_ =	shalt  }
0x51: {  	_ =	shalt  }
0x52: {  	_ =	shalt  }
0x53: {  	_ =	shalt  }
0x54: {  	_ =	shalt  }
0x55: {  	_ =	shalt  }
0x56: {  	_ =	shalt  }
0x57: {  	_ =	shalt  }
0x58: {  	_ =	shalt  }
0x59: {  	_ =	shalt  }
0x5a: {  	_ =	shalt  }
0x5b: {  	_ =	shalt  }
0x5c: {  	_ =	shalt  }
0x5d: {  	_ =	shalt  }
0x5e: {  	_ =	shalt  }
0x5f: {  	_ =	shalt  }
0x60: {  	_ =	shalt  }
0x61: {  	_ =	shalt  }
0x62: {  	_ =	shalt  }
0x63: {  	_ =	shalt  }
0x64: {  	_ =	shalt  }
0x65: {  	_ =	shalt  }
0x66: {  	_ =	shalt  }
0x67: {  	_ =	shalt  }
0x68: {  	_ =	shalt  }
0x69: {  	_ =	shalt  }
0x6a: {  	_ =	shalt  }
0x6b: {  	_ =	shalt  }
0x6c: {  	_ =	shalt  }
0x6d: {  	_ =	shalt  }
0x6e: {  	_ =	shalt  }
0x6f: {  	_ =	shalt  }
0x70: {  	_ =	shalt  }
0x71: {  	_ =	shalt  }
0x72: {  	_ =	shalt  }
0x73: {  	_ =	shalt  }
0x74: {  	_ =	shalt  }
0x75: {  	_ =	shalt  }
0x76: {  	_ =	shalt  }
0x77: {  	_ =	shalt  }
0x78: {  	_ =	shalt  }
0x79: {  	_ =	shalt  }
0x7a: {  	_ =	shalt  }
0x7b: {  	_ =	shalt  }
0x7c: {  	_ =	shalt  }
0x7d: {  	_ =	shalt  }
0x7e: {  	_ =	shalt  }
0x7f: {  	_ =	shalt  }
0x80: {  	_ =	shalt  }
0x81: {  	_ =	shalt  }
0x82: {  	_ =	shalt  }
0x83: {  	_ =	shalt  }
0x84: {  	_ =	shalt  }
0x85: {  	_ =	shalt  }
0x86: {  	_ =	shalt  }
0x87: {  	_ =	shalt  }
.Lfunc_end0:
.L_simem_size_0:
called_computation.1_lowered:
.L_overlay_start_0:
0x88: {  	s2 =	sld [smem:$0x3FD9]  }
0x89: {  	s3 =	sld [smem:$0x3FFE];
	_ =	sdelay $0x1  }
0x8a: {  	s1 =	srdreg.scid  }
0x8b: {  	s0 =	sand.u32 $0x1, s1  }
0x8c: {  	s16 =	sshll.u32 s0, $0xA;
	s2 =	sadd.s32 s3, s2  }
0x8d: {  	s2 =	sadd.s32 s2, s16  }
0x8e: {  	[smem:$0x3FBD] =	sst s2  }
0x8f: {  	_ = 	snop  }
0x90: {  	(tm) =	ssettm $0x1  }
0x91: {  	s17 =	sld [smem:$0x3FFB];
	_ =	sdelay $0x3  }
0x92: {  	_ =	strace s17  }
0x93: {  	s2 =	sld [smem:$0x3FFC];
	_ =	sdelay $0x3  }
0x94: {  	_ =	strace s2  }
0x95: {  	s2 =	sld [smem:$0x3FFD];
	_ =	sdelay $0x3  }
0x96: {  	_ =	strace s2  }
0x97: {  	_ =	strace $0x8FFFFFFF  }
0x98: {  	s18 =	sld [smem:$0x3FDB];
	_ =	sdelay $0x1  }
0x99: {  	s19 =	simm.s32 $_scs_section_size  }
0x9a: {  	s4 =	simm.s32 $_size__tile_overlayer_lowered;
	s5 =	simm.s32 $_tile_overlayer_lowered  }
0x9b: {  	s22 =	simm.s32 $0x1BFF;
	s21 =	sshll.u32 s5, $0x1;
	s2 =	sadd.s32 s19, s18  }
0x9c: {  	s6 =	simm.s32 $0x0;
	s20 =	sshll.u32 s4, $0x1;
	s4 =	sadd.s32 s21, s2  }
0x9d: {  	[timem:s6], [sflag:s22] =	dma.local [hbm:s4], s20  }
0x9e: {  	_ =	swait.ge [sflag:s22], s20  }
0x9f: {  	s3 =	ssub.s32 $0x0, s20;
	[sflag:s22] =	ssyncset.done $0x0  }
0xa0: {  	[sflag:s22] =	ssyncadd.s32 s3;
	_ =	sdelay $0x1  }
0xa1: {  	s23 =	simm.s32 $0x1B8B  }
0xa2: {  	_ =	swait.ge [sflag:s23], $0x1  }
0xa3: {  	[sflag:s23] =	ssyncset.done $0x0  }
0xa4: {  	s25 =	simm.s32 $0x1B8E;
	s24 =	sld [smem:$0x3FFE];
	[sflag:s23] =	ssyncadd.s32 $0xFFFFFFFF  }
0xa5: {  	s26 =	simm.s32 $execute0_lowered;
	[smem:$0x3FD2] =	sst s25  }
0xa6: {  	s4 =	sshll.u32 s26, $0x1;
	_ =	strace $0x80000049;
	[dreg:$0x1] =	wrdreg $0xFFFFFFFF  }
0xa7: {  	s28 =	simm.s32 $_size_execute0_lowered;
	s2 =	sadd.s32 s2, s4;
	[dreg:$0x0] =	wrdreg $0x0  }
0xa8: {  	s4 =	sshll.u32 s28, $0x1;
	[dreg:$0x2] =	wrdreg s2  }
0xa9: {  	[dreg:$0x3] =	wrdreg s4  }
0xaa: {  	[dreg:$0x4] =	wrdreg $0xC0  }
0xab: {  	_ =	task [dreg:s6], $0x5FFFF  }
0xac: {  	[dreg:$0x1] =	wrdreg $0xFFFFFFFF  }
0xad: {  	[dreg:$0x0] =	wrdreg $0x60  }
0xae: {  	[dreg:$0x2] =	wrdreg s24  }
0xaf: {  	[dreg:$0x3] =	wrdreg $0xB8000  }
0xb0: {  	[dreg:$0x4] =	wrdreg $0x9  }
0xb1: {  	_ =	task.clear_ibuf [dreg:s6], $0x5FFFF;
	_ =	strace $0x90000049  }
0xb2: {  	s29 =	simm.s32 $0x9;
	_ =	strace $0x8000004B  }
0xb3: {  	_ =	swait.ge [sflag:s29], $0x1  }
0xb4: {  	[sflag:s29] =	ssyncadd.s32 $0xFFFFFFFF  }
0xb5: {  	_ =	strace $0x9000004B  }
0xb6: {  	_ =	sfence  }
0xb7: {  	s30 =	sld [smem:$0x0];
	_ =	sdelay $0x2  }
0xb8: {  	s31 =	sshll.u32 s1, $0xD;
	s1 =	sshrl.u32 s1, $0x2  }
0xb9: {  	s3 =	sand.u32 $0x4000, s31;
	s1 =	sadd.s32 s1, s30  }
0xba: {  	s0 =	sor.u32 s3, s0;
	s1 =	sshll.u32 s1, $0x11  }
0xbb: {  	s0 =	sor.u32 s1, s0  }
0xbc: {  	s0 =	sadd.s32 $0x8F2B, s0  }
0xbd: {  	[sflag:s0] =	ssyncadd.remote.s32 $0x1  }
0xbe: {  	_ =	sfence.sel $0xFFFF  }
0xbf: {  	[dreg:$0x0] =	wrdreg $0xFFFFFFFF;
	(pc) =	sbr.abs _section_cstart, $3  }
0xc0: {  	[dreg:$0x1] =	wrdreg $0xFFFFFFFF  }
0xc1: {  	_ =	task.clear_ibuf [dreg:s6], $0x2FFFF;
	_ =	strace $0x9FFFFFFF  }
0xc2: {  	(tm) =	ssettm $0x7FFFFFFF  }
0xc3: {  	_ =	shalt  }
tec
execute0_lowered:
.L_overlay_start_1:
0x0: {  	(tag) =	ssettag $0x1  }
0x1: {  	s0 =	rddreg [dreg:$0x0]  }
0x2: {  	s1 =	rddreg [dreg:$0x1];
	s13 =	stileid.u32  }
0x3: {  	s2 =	srdreg.scid;
	s3 =	simm.s32 $0x0;
	s5 =	smul.u32 $0x13C00, s13  }
0x4: {  	s28 =	simm.s32 $0x200;
	s29 =	simm.s32 $0x78;
	s8 =	smul.u32 $0x4F000, s13  }
0x5: {  	s30 =	simm.s32 $0x80;
	s31 =	simm.s32 $0x280;
	s10 =	smul.u32 $0x4500, s13  }
0x6: {  	s2 =	sand.u32 $0x1, s2;
	[smem:$0x7FF] =	sst s3;
	s21 =	smul.u32 $0xF00, s13  }
0x7: {  	s6 =	sadd.s32 $0x2200, s0;
	s7 =	sadd.s32 $0xCA00, s0;
	s24 =	smul.u32 $0x300, s13  }
0x8: {  	s18 =	sshll.u32 s13, $0x8;
	s4 =	smul.u32 $0x13C000, s2;
	s9 =	ssub.s32 $0x2, s2  }
0x9: {  	_ =	strace $0x8000004A;
	p0 =	seq.s32 s2, $0x1;
	s11 =	sshrl.u32 s9, $0x1  }
0xa: {  	s17 =	sshrl.u32 s8, $0x2;
	s12 =	sand.u32 $0x7FC00, s10;
	s8 =	sand.u32 $0x300, s18  }
0xb: {  	s26 =	sadd.s32 $0x45000, s21;
	s10 =	sshrl.u32 s10, $0x3;
	s16 =	sshrl.u32 s21, $0x3  }
0xc: {  	s21 =	smul.u32 $0x1E0, s13;
	s5 =	sadd.s32 s5, s4;
	s4 =	sadd.s32 $0x17200, s0  }
0xd: {  	s9 =	ssub.s32 s9, s11;
	s8 =	sor.u32 s8, s12;
	s12 =	sand.u32 $0x300, s24  }
0xe: {  	s10 =	sadd.s32 $0x20, s10;
	s5 =	sshrl.u32 s5, $0x3;
	s20 =	sshrl.u32 s8, $0x3  }
0xf: {  	s14 =	sadd.s32 s6, s10;
	s10 =	sadd.s32 s7, s10;
	s8 =	sadd.s32 $0x8A10, s16  }
0x10: {  	s24 =	sadd.s32 s21, s6;
	s0 =	sadd.s32 s5, s0;
	s5 =	sadd.s32 s17, s1  }
0x11: {  	s22 =	sadd.s32 s6, s20;
	s23 =	sor.u32 $0x10, s20;
	[dreg:$0xc] =	wrdreg s14  }
0x12: {  	s2 =	sadd.s32 s7, s20;
	[dreg:$0xd] =	wrdreg s10;
	s17 =	smul.u32 $0x8A0, s13  }
0x13: {  	s18 =	sadd.s32 s6, s8;
	s8 =	sadd.s32 s7, s8;
	[dreg:$0x5] =	wrdreg s24  }
0x14: {  	s10 =	simm.s32 $0x1;
	s13 =	simm.s32 $0x2;
	[dreg:$0x8] =	wrdreg s22  }
0x15: {  	s14 =	simm.s32 $0x8;
	s19 =	sadd.s32 $0x12C00, s5;
	[dreg:$0x9] =	wrdreg s2  }
0x16: {  	s25 =	sadd.s32 s6, s23;
	s2 =	sand.u32 $0x5FC00, s26;
	[dreg:$0x10] =	wrdreg s18  }
0x17: {  	s11 =	sadd.s32 s7, s23;
	[dreg:$0x11] =	wrdreg s8;
	s0 =	sadd.s32 $0x14FA00, s0  }
0x18: {  	s23 =	smax.u32 s9, $0x1;
	s26 =	sadd.s32 s21, s7;
	[dreg:$0x7] =	wrdreg s19  }
0x19: {  	s24 =	sadd.s32 $0xF000, s5;
	s8 =	simm.s32 $0x300;
	[dreg:$0xa] =	wrdreg s25  }
0x1a: {  	s9 =	simm.s32 $0x7C00;
	s18 =	simm.s32 $0x6;
	[dreg:$0xb] =	wrdreg s11  }
0x1b: {  	s2 =	sor.u32 s12, s2;
	s20 =	sadd.s32 s17, s6;
	[dreg:$0x14] =	wrdreg s0  }
0x1c: {  	s22 =	sadd.s32 s17, s7;
	[dreg:$0x15] =	wrdreg s23;
	s25 =	sadd.s32 $0x3C00, s5  }
0x1d: {  	s23 =	sadd.s32 $0xB400, s5;
	[dreg:$0x6] =	wrdreg s26;
	s26 =	simm.s32 $0xA  }
0x1e: {  	s0 =	simm.s32 $0x4000;
	s11 =	simm.s32 $0x7;
	[dreg:$0x3] =	wrdreg s20  }
0x1f: {  	s12 =	simm.s32 $0x4;
	s17 =	simm.s32 $0x9;
	[dreg:$0x4] =	wrdreg s22  }
0x20: {  	s2 =	sshrl.u32 s2, $0x3;
	[dreg:$0x16] =	wrdreg s25;
	s22 =	sadd.s32 $0x7800, s5  }
.Ltmp0:
0x21: {  	s15 =	sadd.s32 s6, s2;
	s2 =	sadd.s32 s7, s2;
	(pc) =	sbr.rel .LBB2_1-.Ltmp0, $4  }
0x22: {  	s25 =	simm.s32 $0x400;
	[dreg:$0xf] =	wrdreg s2;
	s2 =	sadd.s32 $0x8A20, s16  }
0x23: {  	[dreg:$0xe] =	wrdreg s15;
	s15 =	simm.s32 $0x5;
	s19 =	sadd.s32 s6, s2  }
0x24: {  	s16 =	simm.s32 $0x3;
	s2 =	sadd.s32 s7, s2;
	[dreg:$0x12] =	wrdreg s19  }
0x25: {  	v0 =	vimm.f32 $0.0e+00;
	s7 =	simm.s32 $0x100;
	[dreg:$0x13] =	wrdreg s2;
	s2 =	simm.s32 $0x0  }
.LBB2_6:
0x26: {  	[tilespmem:s9], [sflag:$0x3] =	stream.indirect.gather [hbm4b:s4+s29], $0x80, s7, s29, $0xb8;
	[tilespmem:$0x1F400] =	vst v63  }
.LBB2_10:
0x27: {  	_ =	swait.ge [sflag:s10], $0x3C00  }
0x28: {  	[sflag:s10] =	ssyncset.done $0x0  }
0x29: {  	[sflag:s10] =	ssyncadd.s32 $0xFFFFC400  }
0x2a: {  	_ =	swait.ge [sflag:s11], $0x80  }
0x2b: {  	[sflag:s11] =	ssyncset.done $0x0  }
0x2c: {  	[sflag:s11] =	ssyncadd.s32 $0xFFFFFF80  }
0x2d: {  	[spmem:s1] =	stream.indirect.scatter.add.f32 [tilespmem:s25], [sflag:$0xA], $0x80, s28, s29, $0xb8;
	[tilespmem:$0x1F400] =	vst v63  }
0x2e: {  	_ =	swait.ge [sflag:s26], $0x3C00  }
0x2f: {  	[sflag:s26] =	ssyncset.done $0x0  }
0x30: {  	[sflag:s26] =	ssyncadd.s32 $0xFFFFC400  }
0x31: {  	_ =	swait.ge [sflag:s13], $0x3C00  }
0x32: {  	[sflag:s13] =	ssyncset.done $0x0  }
0x33: {  	[sflag:s13] =	ssyncadd.s32 $0xFFFFC400  }
0x34: {  	_ =	swait.ge [sflag:s14], $0x80  }
0x35: {  	[sflag:s14] =	ssyncset.done $0x0  }
0x36: {  	[sflag:s14] =	ssyncadd.s32 $0xFFFFFF80  }
0x37: {  	[spmem:s1] =	stream.indirect.scatter.add.f32 [tilespmem:s0], [sflag:$0xA], $0x80, s31, s29, $0xb8;
	[tilespmem:$0x1F400] =	vst v63  }
0x38: {  	_ =	swait.ge [sflag:s26], $0x3C00  }
0x39: {  	[sflag:s26] =	ssyncset.done $0x0  }
0x3a: {  	[sflag:s26] =	ssyncadd.s32 $0xFFFFC400  }
0x3b: {  	_ =	swait.ge [sflag:s16], $0x3C00  }
0x3c: {  	[sflag:s16] =	ssyncset.done $0x0  }
0x3d: {  	[sflag:s16] =	ssyncadd.s32 $0xFFFFC400  }
0x3e: {  	_ =	swait.ge [sflag:s17], $0x80  }
0x3f: {  	[sflag:s17] =	ssyncset.done $0x0  }
0x40: {  	[sflag:s17] =	ssyncadd.s32 $0xFFFFFF80  }
0x41: {  	[spmem:s1] =	stream.indirect.scatter.add.f32 [tilespmem:s9], [sflag:$0xA], $0x80, s8, s29, $0xb8;
	[tilespmem:$0x1F400] =	vst v63  }
0x42: {  	_ =	swait.ge [sflag:s26], $0x3C00  }
0x43: {  	[sflag:s26] =	ssyncset.done $0x0  }
0x44: {  	s6 =	stileid.u32;
	[sflag:s26] =	ssyncadd.s32 $0xFFFFC400  }
0x45: {  	s6 =	sshll.u32 s6, $0x6;
	[bflag:$0x0] =	sbarrier.arrive $0xFFFF  }
0x46: {  	s19 =	sshrl.u32 s5, $0x3;
	s6 =	sor.u32 $0x1C0A, s6;
	s20 =	rddreg [dreg:$0x14]  }
0x47: {  	[hbm:s20], [sflag:s6] =	dma.local [spmem:s19], $0x2780  }
0x48: {  	_ =	swait.ge [sflag:s26], $0x2780  }
0x49: {  	s2 =	sadd.s32 $0x1, s2;
	s21 =	rddreg [dreg:$0x15]  }
0x4a: {  	p1 =	sne.s32 s2, s21  }
.Ltmp1:
0x4b: {  	_ = 	snop;
	(pc) =	sbr.rel @!p1 .LBB2_11-.Ltmp1, $3  }
0x4c: {  	_ =	sdelay $0x1  }
0x4d: {  	[sflag:s26] =	ssyncset.done $0x0  }
0x4e: {  	[sflag:s26] =	ssyncadd.s32 $0xFFFFD880  }
.LBB2_1:
0x4f: {  	s6 =	simm.s32 $0x0;
	s19 =	simm.s32 $0x200  }
.LBB2_2:
0x50: {  	p1 =	sne.s32 s19, $0xEE00;
	[tilespmem:s6+$0x470] =	vst v0  }
0x51: {  	[tilespmem:s6+$0x400] =	vst v0  }
0x52: {  	[tilespmem:s6+$0x410] =	vst v0  }
.Ltmp2:
0x53: {  	[tilespmem:s6+$0x420] =	vst v0;
	(pc) =	sbr.rel @p1 .LBB2_2-.Ltmp2, $4  }
0x54: {  	[tilespmem:s6+$0x430] =	vst v0  }
0x55: {  	[tilespmem:s6+$0x440] =	vst v0  }
0x56: {  	[tilespmem:s6+$0x450] =	vst v0  }
0x57: {  	[tilespmem:s6+$0x460] =	vst v0;
	s6 =	sshra.s32 s19, $0x2;
	s19 =	sadd.s32 $0x200, s19  }
0x58: {  	[tilespmem:s6+$0x470] =	vst v0  }
0x59: {  	[tilespmem:s6+$0x400] =	vst v0  }
0x5a: {  	[tilespmem:s6+$0x410] =	vst v0  }
0x5b: {  	[tilespmem:s6+$0x420] =	vst v0  }
0x5c: {  	[tilespmem:s6+$0x430] =	vst v0  }
0x5d: {  	[tilespmem:s6+$0x440] =	vst v0  }
0x5e: {  	[tilespmem:s6+$0x450] =	vst v0  }
0x5f: {  	[tilespmem:s6+$0x460] =	vst v0  }
0x60: {  	[spmem:s5] =	stream.linear.scatter [tilespmem:s25], [sflag:$0xA], $0x3C00, $0x38;
	[tilespmem:$0x1F400] =	vst v63  }
0x61: {  	_ =	swait.ge [sflag:s26], $0x3C00  }
0x62: {  	[sflag:s26] =	ssyncset.done $0x0  }
0x63: {  	s20 =	rddreg [dreg:$0x16];
	[sflag:s26] =	ssyncadd.s32 $0xFFFFC400  }
0x64: {  	[spmem:s20] =	stream.linear.scatter [tilespmem:s25], [sflag:$0xA], $0x3C00, $0x38;
	[tilespmem:$0x1F400] =	vst v63  }
0x65: {  	_ =	swait.ge [sflag:s26], $0x3C00  }
0x66: {  	[sflag:s26] =	ssyncset.done $0x0  }
0x67: {  	[sflag:s26] =	ssyncadd.s32 $0xFFFFC400  }
0x68: {  	[spmem:s22] =	stream.linear.scatter [tilespmem:s25], [sflag:$0xA], $0x3C00, $0x38;
	[tilespmem:$0x1F400] =	vst v63  }
0x69: {  	_ =	swait.ge [sflag:s26], $0x3C00  }
0x6a: {  	[sflag:s26] =	ssyncset.done $0x0  }
0x6b: {  	[sflag:s26] =	ssyncadd.s32 $0xFFFFC400  }
0x6c: {  	[spmem:s23] =	stream.linear.scatter [tilespmem:s25], [sflag:$0xA], $0x3C00, $0x38;
	[tilespmem:$0x1F400] =	vst v63  }
0x6d: {  	_ =	swait.ge [sflag:s26], $0x3C00  }
0x6e: {  	[sflag:s26] =	ssyncset.done $0x0  }
0x6f: {  	[sflag:s26] =	ssyncadd.s32 $0xFFFFC400  }
0x70: {  	[spmem:s24] =	stream.linear.scatter [tilespmem:s25], [sflag:$0xA], $0x3C00, $0x38;
	[tilespmem:$0x1F400] =	vst v63  }
0x71: {  	_ =	swait.ge [sflag:s26], $0x3C00  }
0x72: {  	[sflag:s26] =	ssyncset.done $0x0  }
0x73: {  	s21 =	rddreg [dreg:$0x7];
	[sflag:s26] =	ssyncadd.s32 $0xFFFFC400  }
0x74: {  	[spmem:s21] =	stream.linear.scatter [tilespmem:s25], [sflag:$0xA], $0x1000, $0x38;
	[tilespmem:$0x1F400] =	vst v63  }
.Ltmp3:
0x75: {  	_ =	swait.ge [sflag:s26], $0x1000;
	(pc) =	sbr.rel @!p0 .LBB2_4-.Ltmp3, $4  }
0x76: {  	[sflag:s26] =	ssyncset.done $0x0  }
0x77: {  	[sflag:s26] =	ssyncadd.s32 $0xFFFFF000  }
0x78: {  	[bflag:$0x0] =	sbarrier.arrive $0xFFFF  }
0x79: {  	s6 =	simm.s32 $0x0  }
0x7a: {  	s19 =	rddreg [dreg:$0xe]  }
0x7b: {  	[tilespmem:s6], [sflag:$0xA] =	stream.linear.gather [hbm4b:s19+s6], $0x80, $0x38;
	[tilespmem:$0x1F400] =	vst v63  }
0x7c: {  	_ =	swait.ge [sflag:s26], $0x80  }
0x7d: {  	[sflag:s26] =	ssyncset.done $0x0  }
0x7e: {  	s21 =	rddreg [dreg:$0xf];
	[sflag:s26] =	ssyncadd.s32 $0xFFFFFF80  }
0x7f: {  	[tilespmem:s28], [sflag:$0x7] =	stream.linear.gather [hbm4b:s21+s6], $0x80, $0x38;
	[tilespmem:$0x1F400] =	vst v63  }
0x80: {  	_ = 	snop  }
0x81: {  	[tilespmem:s25], [sflag:$0x1] =	stream.indirect.gather [hbm4b:s4+s29], $0x80, s6, s29, $0xb8;
	[tilespmem:$0x1F400] =	vst v63  }
0x82: {  	s20 =	rddreg [dreg:$0x10]  }
0x83: {  	[tilespmem:s30], [sflag:$0xA] =	stream.linear.gather [hbm4b:s20+s6], $0x80, $0x38;
	[tilespmem:$0x1F400] =	vst v63  }
0x84: {  	_ =	swait.ge [sflag:s26], $0x80  }
0x85: {  	[sflag:s26] =	ssyncset.done $0x0  }
0x86: {  	s21 =	rddreg [dreg:$0x11];
	[sflag:s26] =	ssyncadd.s32 $0xFFFFFF80  }
0x87: {  	[tilespmem:s31], [sflag:$0x8] =	stream.linear.gather [hbm4b:s21+s6], $0x80, $0x38;
	[tilespmem:$0x1F400] =	vst v63  }
0x88: {  	_ = 	snop  }
0x89: {  	[tilespmem:s0], [sflag:$0x2] =	stream.indirect.gather [hbm4b:s4+s29], $0x80, s30, s29, $0xb8;
	[tilespmem:$0x1F400] =	vst v63  }
0x8a: {  	s20 =	rddreg [dreg:$0x12]  }
0x8b: {  	[tilespmem:s7], [sflag:$0xA] =	stream.linear.gather [hbm4b:s20+s6], $0x80, $0x38;
	[tilespmem:$0x1F400] =	vst v63  }
0x8c: {  	_ =	swait.ge [sflag:s26], $0x80  }
0x8d: {  	[sflag:s26] =	ssyncset.done $0x0  }
0x8e: {  	s21 =	rddreg [dreg:$0x13];
	[sflag:s26] =	ssyncadd.s32 $0xFFFFFF80  }
0x8f: {  	[tilespmem:s8], [sflag:$0x9] =	stream.linear.gather [hbm4b:s21+s6], $0x80, $0x38;
	[tilespmem:$0x1F400] =	vst v63  }
0x90: {  	_ = 	snop  }
0x91: {  	[tilespmem:s9], [sflag:$0x3] =	stream.indirect.gather [hbm4b:s4+s29], $0x80, s7, s29, $0xb8;
	[tilespmem:$0x1F400] =	vst v63  }
0x92: {  	_ =	swait.ge [sflag:s10], $0x3C00  }
0x93: {  	s20 =	rddreg [dreg:$0x5]  }
0x94: {  	[sflag:s10] =	ssyncset.done $0x0;
	s6 =	sadd.s32 $0x0, s20  }
0x95: {  	[sflag:s10] =	ssyncadd.s32 $0xFFFFC400;
	s21 =	sadd.s32 $0x8A30, s6  }
0x96: {  	[tilespmem:s3], [sflag:$0x4] =	stream.linear.gather [hbm4b:s21+s3], $0x80, $0x38;
	[tilespmem:$0x1F400] =	vst v63  }
0x97: {  	_ =	swait.ge [sflag:s11], $0x80  }
0x98: {  	[sflag:s11] =	ssyncset.done $0x0  }
0x99: {  	[sflag:s11] =	ssyncadd.s32 $0xFFFFFF80  }
0x9a: {  	[spmem:s1] =	stream.indirect.scatter.add.f32 [tilespmem:s25], [sflag:$0xA], $0x80, s28, s29, $0xb8;
	[tilespmem:$0x1F400] =	vst v63  }
0x9b: {  	_ =	swait.ge [sflag:s26], $0x3C00  }
0x9c: {  	s20 =	rddreg [dreg:$0x6]  }
0x9d: {  	[sflag:s26] =	ssyncset.done $0x0;
	s19 =	sadd.s32 $0x0, s20  }
0x9e: {  	[sflag:s26] =	ssyncadd.s32 $0xFFFFC400;
	s20 =	sadd.s32 $0x8A30, s19  }
0x9f: {  	[tilespmem:s28], [sflag:$0x7] =	stream.linear.gather [hbm4b:s20+s3], $0x80, $0x38;
	[tilespmem:$0x1F400] =	vst v63  }
0xa0: {  	_ =	swait.ge [sflag:s12], $0x80  }
0xa1: {  	[sflag:s12] =	ssyncset.done $0x0  }
0xa2: {  	[sflag:s12] =	ssyncadd.s32 $0xFFFFFF80  }
0xa3: {  	[tilespmem:s25], [sflag:$0x1] =	stream.indirect.gather [hbm4b:s4+s29], $0x80, s3, s29, $0xb8;
	[tilespmem:$0x1F400] =	vst v63  }
0xa4: {  	_ =	swait.ge [sflag:s13], $0x3C00  }
0xa5: {  	[sflag:s13] =	ssyncset.done $0x0  }
0xa6: {  	s21 =	sadd.s32 $0x8A40, s6;
	[sflag:s13] =	ssyncadd.s32 $0xFFFFC400  }
0xa7: {  	[tilespmem:s30], [sflag:$0x5] =	stream.linear.gather [hbm4b:s21+s3], $0x80, $0x38;
	[tilespmem:$0x1F400] =	vst v63  }
0xa8: {  	_ =	swait.ge [sflag:s14], $0x80  }
0xa9: {  	[sflag:s14] =	ssyncset.done $0x0  }
0xaa: {  	[sflag:s14] =	ssyncadd.s32 $0xFFFFFF80  }
0xab: {  	[spmem:s1] =	stream.indirect.scatter.add.f32 [tilespmem:s0], [sflag:$0xA], $0x80, s31, s29, $0xb8;
	[tilespmem:$0x1F400] =	vst v63  }
0xac: {  	_ =	swait.ge [sflag:s26], $0x3C00  }
0xad: {  	[sflag:s26] =	ssyncset.done $0x0  }
0xae: {  	s21 =	sadd.s32 $0x8A40, s19;
	[sflag:s26] =	ssyncadd.s32 $0xFFFFC400  }
0xaf: {  	[tilespmem:s31], [sflag:$0x8] =	stream.linear.gather [hbm4b:s21+s3], $0x80, $0x38;
	[tilespmem:$0x1F400] =	vst v63  }
0xb0: {  	_ =	swait.ge [sflag:s15], $0x80  }
0xb1: {  	[sflag:s15] =	ssyncset.done $0x0  }
0xb2: {  	[sflag:s15] =	ssyncadd.s32 $0xFFFFFF80  }
0xb3: {  	[tilespmem:s0], [sflag:$0x2] =	stream.indirect.gather [hbm4b:s4+s29], $0x80, s30, s29, $0xb8;
	[tilespmem:$0x1F400] =	vst v63  }
0xb4: {  	_ =	swait.ge [sflag:s16], $0x3C00  }
0xb5: {  	[sflag:s16] =	ssyncset.done $0x0  }
0xb6: {  	s6 =	sadd.s32 $0x8A50, s6;
	[sflag:s16] =	ssyncadd.s32 $0xFFFFC400  }
0xb7: {  	[tilespmem:s7], [sflag:$0x6] =	stream.linear.gather [hbm4b:s6+s3], $0x80, $0x38;
	[tilespmem:$0x1F400] =	vst v63  }
0xb8: {  	_ =	swait.ge [sflag:s17], $0x80  }
0xb9: {  	[sflag:s17] =	ssyncset.done $0x0  }
0xba: {  	[sflag:s17] =	ssyncadd.s32 $0xFFFFFF80  }
0xbb: {  	[spmem:s1] =	stream.indirect.scatter.add.f32 [tilespmem:s9], [sflag:$0xA], $0x80, s8, s29, $0xb8;
	[tilespmem:$0x1F400] =	vst v63  }
0xbc: {  	_ =	swait.ge [sflag:s26], $0x3C00  }
0xbd: {  	[sflag:s26] =	ssyncset.done $0x0  }
0xbe: {  	s21 =	sadd.s32 $0x8A50, s19;
	[sflag:s26] =	ssyncadd.s32 $0xFFFFC400  }
0xbf: {  	[tilespmem:s8], [sflag:$0x9] =	stream.linear.gather [hbm4b:s21+s3], $0x80, $0x38;
	[tilespmem:$0x1F400] =	vst v63  }
0xc0: {  	_ =	swait.ge [sflag:s18], $0x80  }
0xc1: {  	[sflag:s18] =	ssyncset.done $0x0  }
0xc2: {  	s6 =	simm.s32 $0x30;
	[sflag:s18] =	ssyncadd.s32 $0xFFFFFF80  }
.LBB2_8:
0xc3: {  	[tilespmem:s9], [sflag:$0x3] =	stream.indirect.gather [hbm4b:s4+s29], $0x80, s7, s29, $0xb8;
	[tilespmem:$0x1F400] =	vst v63  }
0xc4: {  	_ =	swait.ge [sflag:s10], $0x3C00  }
0xc5: {  	s20 =	smov.u32 s6;
	s19 =	rddreg [dreg:$0x5]  }
0xc6: {  	[sflag:s10] =	ssyncset.done $0x0;
	s19 =	sadd.s32 s20, s19  }
0xc7: {  	[sflag:s10] =	ssyncadd.s32 $0xFFFFC400;
	s21 =	sadd.s32 $0x8A30, s19  }
0xc8: {  	[tilespmem:s3], [sflag:$0x4] =	stream.linear.gather [hbm4b:s21+s3], $0x80, $0x38;
	[tilespmem:$0x1F400] =	vst v63  }
0xc9: {  	_ =	swait.ge [sflag:s11], $0x80  }
0xca: {  	[sflag:s11] =	ssyncset.done $0x0  }
0xcb: {  	[sflag:s11] =	ssyncadd.s32 $0xFFFFFF80  }
0xcc: {  	[spmem:s1] =	stream.indirect.scatter.add.f32 [tilespmem:s25], [sflag:$0xA], $0x80, s28, s29, $0xb8;
	[tilespmem:$0x1F400] =	vst v63  }
0xcd: {  	_ =	swait.ge [sflag:s26], $0x3C00  }
0xce: {  	s21 =	rddreg [dreg:$0x6]  }
0xcf: {  	[sflag:s26] =	ssyncset.done $0x0;
	s20 =	sadd.s32 s20, s21  }
0xd0: {  	[sflag:s26] =	ssyncadd.s32 $0xFFFFC400;
	s21 =	sadd.s32 $0x8A30, s20  }
0xd1: {  	[tilespmem:s28], [sflag:$0x7] =	stream.linear.gather [hbm4b:s21+s3], $0x80, $0x38;
	[tilespmem:$0x1F400] =	vst v63  }
0xd2: {  	_ =	swait.ge [sflag:s12], $0x80  }
0xd3: {  	[sflag:s12] =	ssyncset.done $0x0  }
0xd4: {  	[sflag:s12] =	ssyncadd.s32 $0xFFFFFF80  }
0xd5: {  	[tilespmem:s25], [sflag:$0x1] =	stream.indirect.gather [hbm4b:s4+s29], $0x80, s3, s29, $0xb8;
	[tilespmem:$0x1F400] =	vst v63  }
0xd6: {  	_ =	swait.ge [sflag:s13], $0x3C00  }
0xd7: {  	[sflag:s13] =	ssyncset.done $0x0  }
0xd8: {  	s21 =	sadd.s32 $0x8A40, s19;
	[sflag:s13] =	ssyncadd.s32 $0xFFFFC400  }
0xd9: {  	[tilespmem:s30], [sflag:$0x5] =	stream.linear.gather [hbm4b:s21+s3], $0x80, $0x38;
	[tilespmem:$0x1F400] =	vst v63  }
0xda: {  	_ =	swait.ge [sflag:s14], $0x80  }
0xdb: {  	[sflag:s14] =	ssyncset.done $0x0  }
0xdc: {  	[sflag:s14] =	ssyncadd.s32 $0xFFFFFF80  }
0xdd: {  	[spmem:s1] =	stream.indirect.scatter.add.f32 [tilespmem:s0], [sflag:$0xA], $0x80, s31, s29, $0xb8;
	[tilespmem:$0x1F400] =	vst v63  }
0xde: {  	_ =	swait.ge [sflag:s26], $0x3C00  }
0xdf: {  	[sflag:s26] =	ssyncset.done $0x0  }
0xe0: {  	s21 =	sadd.s32 $0x8A40, s20;
	[sflag:s26] =	ssyncadd.s32 $0xFFFFC400  }
0xe1: {  	[tilespmem:s31], [sflag:$0x8] =	stream.linear.gather [hbm4b:s21+s3], $0x80, $0x38;
	[tilespmem:$0x1F400] =	vst v63  }
0xe2: {  	_ =	swait.ge [sflag:s15], $0x80  }
0xe3: {  	[sflag:s15] =	ssyncset.done $0x0  }
0xe4: {  	[sflag:s15] =	ssyncadd.s32 $0xFFFFFF80  }
0xe5: {  	[tilespmem:s0], [sflag:$0x2] =	stream.indirect.gather [hbm4b:s4+s29], $0x80, s30, s29, $0xb8;
	[tilespmem:$0x1F400] =	vst v63  }
0xe6: {  	_ =	swait.ge [sflag:s16], $0x3C00  }
0xe7: {  	[sflag:s16] =	ssyncset.done $0x0  }
0xe8: {  	s19 =	sadd.s32 $0x8A50, s19;
	[sflag:s16] =	ssyncadd.s32 $0xFFFFC400  }
0xe9: {  	[tilespmem:s7], [sflag:$0x6] =	stream.linear.gather [hbm4b:s19+s3], $0x80, $0x38;
	[tilespmem:$0x1F400] =	vst v63  }
0xea: {  	_ =	swait.ge [sflag:s17], $0x80  }
0xeb: {  	[sflag:s17] =	ssyncset.done $0x0  }
0xec: {  	[sflag:s17] =	ssyncadd.s32 $0xFFFFFF80  }
0xed: {  	[spmem:s1] =	stream.indirect.scatter.add.f32 [tilespmem:s9], [sflag:$0xA], $0x80, s8, s29, $0xb8;
	[tilespmem:$0x1F400] =	vst v63  }
0xee: {  	_ =	swait.ge [sflag:s26], $0x3C00  }
0xef: {  	p1 =	sne.s32 s6, $0x180;
	[sflag:s26] =	ssyncset.done $0x0  }
.Ltmp4:
0xf0: {  	s21 =	sadd.s32 $0x8A50, s20;
	[sflag:s26] =	ssyncadd.s32 $0xFFFFC400;
	(pc) =	sbr.rel @p1 .LBB2_8-.Ltmp4, $4  }
0xf1: {  	[tilespmem:s8], [sflag:$0x9] =	stream.linear.gather [hbm4b:s21+s3], $0x80, $0x38;
	[tilespmem:$0x1F400] =	vst v63  }
0xf2: {  	_ =	swait.ge [sflag:s18], $0x80  }
0xf3: {  	[sflag:s18] =	ssyncset.done $0x0  }
0xf4: {  	s6 =	sadd.s32 $0x30, s6;
	[sflag:s18] =	ssyncadd.s32 $0xFFFFFF80  }
.Ltmp5:
0xf5: {  	(pc) =	sbr.rel .LBB2_10-.Ltmp5, $2  }
0xf6: {  	_ =	sdelay $0x2  }
0xf7: {  	[tilespmem:s9], [sflag:$0x3] =	stream.indirect.gather [hbm4b:s4+s29], $0x80, s7, s29, $0xb8;
	[tilespmem:$0x1F400] =	vst v63  }
.LBB2_4:
0xf8: {  	s19 =	rddreg [dreg:$0x8]  }
0xf9: {  	[tilespmem:s6], [sflag:$0xA] =	stream.linear.gather [hbm4b:s19+s6], $0x80, $0x38;
	[tilespmem:$0x1F400] =	vst v63  }
0xfa: {  	_ =	swait.ge [sflag:s26], $0x80  }
0xfb: {  	[sflag:s26] =	ssyncset.done $0x0  }
0xfc: {  	s21 =	rddreg [dreg:$0x9];
	[sflag:s26] =	ssyncadd.s32 $0xFFFFFF80  }
0xfd: {  	[tilespmem:s28], [sflag:$0x7] =	stream.linear.gather [hbm4b:s21+s6], $0x80, $0x38;
	[tilespmem:$0x1F400] =	vst v63  }
0xfe: {  	_ = 	snop  }
0xff: {  	[tilespmem:s25], [sflag:$0x1] =	stream.indirect.gather [hbm4b:s4+s29], $0x80, s6, s29, $0xb8;
	[tilespmem:$0x1F400] =	vst v63  }
0x100: {  	s20 =	rddreg [dreg:$0xa]  }
0x101: {  	[tilespmem:s30], [sflag:$0xA] =	stream.linear.gather [hbm4b:s20+s6], $0x80, $0x38;
	[tilespmem:$0x1F400] =	vst v63  }
0x102: {  	_ =	swait.ge [sflag:s26], $0x80  }
0x103: {  	[sflag:s26] =	ssyncset.done $0x0  }
0x104: {  	s21 =	rddreg [dreg:$0xb];
	[sflag:s26] =	ssyncadd.s32 $0xFFFFFF80  }
0x105: {  	[tilespmem:s31], [sflag:$0x8] =	stream.linear.gather [hbm4b:s21+s6], $0x80, $0x38;
	[tilespmem:$0x1F400] =	vst v63  }
0x106: {  	_ = 	snop  }
0x107: {  	[tilespmem:s0], [sflag:$0x2] =	stream.indirect.gather [hbm4b:s4+s29], $0x80, s30, s29, $0xb8;
	[tilespmem:$0x1F400] =	vst v63  }
0x108: {  	s20 =	rddreg [dreg:$0xc]  }
0x109: {  	[tilespmem:s7], [sflag:$0xA] =	stream.linear.gather [hbm4b:s20+s6], $0x80, $0x38;
	[tilespmem:$0x1F400] =	vst v63  }
0x10a: {  	_ =	swait.ge [sflag:s26], $0x80  }
0x10b: {  	[sflag:s26] =	ssyncset.done $0x0  }
0x10c: {  	s21 =	rddreg [dreg:$0xd];
	[sflag:s26] =	ssyncadd.s32 $0xFFFFFF80  }
0x10d: {  	[tilespmem:s8], [sflag:$0x9] =	stream.linear.gather [hbm4b:s21+s6], $0x80, $0x38;
	[tilespmem:$0x1F400] =	vst v63  }
0x10e: {  	_ = 	snop  }
0x10f: {  	[tilespmem:s9], [sflag:$0x3] =	stream.indirect.gather [hbm4b:s4+s29], $0x80, s7, s29, $0xb8;
	[tilespmem:$0x1F400] =	vst v63  }
0x110: {  	_ =	swait.ge [sflag:s10], $0x3C00  }
0x111: {  	s20 =	rddreg [dreg:$0x3]  }
0x112: {  	[sflag:s10] =	ssyncset.done $0x0;
	s6 =	sadd.s32 $0x0, s20  }
0x113: {  	[sflag:s10] =	ssyncadd.s32 $0xFFFFC400;
	s21 =	sadd.s32 $0x30, s6  }
0x114: {  	[tilespmem:s3], [sflag:$0x4] =	stream.linear.gather [hbm4b:s21+s3], $0x80, $0x38;
	[tilespmem:$0x1F400] =	vst v63  }
0x115: {  	_ =	swait.ge [sflag:s11], $0x80  }
0x116: {  	[sflag:s11] =	ssyncset.done $0x0  }
0x117: {  	[sflag:s11] =	ssyncadd.s32 $0xFFFFFF80  }
0x118: {  	[spmem:s1] =	stream.indirect.scatter.add.f32 [tilespmem:s25], [sflag:$0xA], $0x80, s28, s29, $0xb8;
	[tilespmem:$0x1F400] =	vst v63  }
0x119: {  	_ =	swait.ge [sflag:s26], $0x3C00  }
0x11a: {  	s20 =	rddreg [dreg:$0x4]  }
0x11b: {  	[sflag:s26] =	ssyncset.done $0x0;
	s19 =	sadd.s32 $0x0, s20  }
0x11c: {  	[sflag:s26] =	ssyncadd.s32 $0xFFFFC400;
	s20 =	sadd.s32 $0x30, s19  }
0x11d: {  	[tilespmem:s28], [sflag:$0x7] =	stream.linear.gather [hbm4b:s20+s3], $0x80, $0x38;
	[tilespmem:$0x1F400] =	vst v63  }
0x11e: {  	_ =	swait.ge [sflag:s12], $0x80  }
0x11f: {  	[sflag:s12] =	ssyncset.done $0x0  }
0x120: {  	[sflag:s12] =	ssyncadd.s32 $0xFFFFFF80  }
0x121: {  	[tilespmem:s25], [sflag:$0x1] =	stream.indirect.gather [hbm4b:s4+s29], $0x80, s3, s29, $0xb8;
	[tilespmem:$0x1F400] =	vst v63  }
0x122: {  	_ =	swait.ge [sflag:s13], $0x3C00  }
0x123: {  	[sflag:s13] =	ssyncset.done $0x0  }
0x124: {  	s21 =	sadd.s32 $0x40, s6;
	[sflag:s13] =	ssyncadd.s32 $0xFFFFC400  }
0x125: {  	[tilespmem:s30], [sflag:$0x5] =	stream.linear.gather [hbm4b:s21+s3], $0x80, $0x38;
	[tilespmem:$0x1F400] =	vst v63  }
0x126: {  	_ =	swait.ge [sflag:s14], $0x80  }
0x127: {  	[sflag:s14] =	ssyncset.done $0x0  }
0x128: {  	[sflag:s14] =	ssyncadd.s32 $0xFFFFFF80  }
0x129: {  	[spmem:s1] =	stream.indirect.scatter.add.f32 [tilespmem:s0], [sflag:$0xA], $0x80, s31, s29, $0xb8;
	[tilespmem:$0x1F400] =	vst v63  }
0x12a: {  	_ =	swait.ge [sflag:s26], $0x3C00  }
0x12b: {  	[sflag:s26] =	ssyncset.done $0x0  }
0x12c: {  	s21 =	sadd.s32 $0x40, s19;
	[sflag:s26] =	ssyncadd.s32 $0xFFFFC400  }
0x12d: {  	[tilespmem:s31], [sflag:$0x8] =	stream.linear.gather [hbm4b:s21+s3], $0x80, $0x38;
	[tilespmem:$0x1F400] =	vst v63  }
0x12e: {  	_ =	swait.ge [sflag:s15], $0x80  }
0x12f: {  	[sflag:s15] =	ssyncset.done $0x0  }
0x130: {  	[sflag:s15] =	ssyncadd.s32 $0xFFFFFF80  }
0x131: {  	[tilespmem:s0], [sflag:$0x2] =	stream.indirect.gather [hbm4b:s4+s29], $0x80, s30, s29, $0xb8;
	[tilespmem:$0x1F400] =	vst v63  }
0x132: {  	_ =	swait.ge [sflag:s16], $0x3C00  }
0x133: {  	[sflag:s16] =	ssyncset.done $0x0  }
0x134: {  	s6 =	sadd.s32 $0x50, s6;
	[sflag:s16] =	ssyncadd.s32 $0xFFFFC400  }
0x135: {  	[tilespmem:s7], [sflag:$0x6] =	stream.linear.gather [hbm4b:s6+s3], $0x80, $0x38;
	[tilespmem:$0x1F400] =	vst v63  }
0x136: {  	_ =	swait.ge [sflag:s17], $0x80  }
0x137: {  	[sflag:s17] =	ssyncset.done $0x0  }
0x138: {  	[sflag:s17] =	ssyncadd.s32 $0xFFFFFF80  }
0x139: {  	[spmem:s1] =	stream.indirect.scatter.add.f32 [tilespmem:s9], [sflag:$0xA], $0x80, s8, s29, $0xb8;
	[tilespmem:$0x1F400] =	vst v63  }
0x13a: {  	_ =	swait.ge [sflag:s26], $0x3C00  }
0x13b: {  	[sflag:s26] =	ssyncset.done $0x0  }
0x13c: {  	s21 =	sadd.s32 $0x50, s19;
	[sflag:s26] =	ssyncadd.s32 $0xFFFFC400  }
0x13d: {  	[tilespmem:s8], [sflag:$0x9] =	stream.linear.gather [hbm4b:s21+s3], $0x80, $0x38;
	[tilespmem:$0x1F400] =	vst v63  }
0x13e: {  	_ =	swait.ge [sflag:s18], $0x80  }
0x13f: {  	[sflag:s18] =	ssyncset.done $0x0  }
0x140: {  	s6 =	simm.s32 $0x30;
	[sflag:s18] =	ssyncadd.s32 $0xFFFFFF80  }
.LBB2_5:
0x141: {  	[tilespmem:s9], [sflag:$0x3] =	stream.indirect.gather [hbm4b:s4+s29], $0x80, s7, s29, $0xb8;
	[tilespmem:$0x1F400] =	vst v63  }
0x142: {  	_ =	swait.ge [sflag:s10], $0x3C00  }
0x143: {  	s20 =	smov.u32 s6;
	s19 =	rddreg [dreg:$0x3]  }
0x144: {  	[sflag:s10] =	ssyncset.done $0x0;
	s19 =	sadd.s32 s20, s19  }
0x145: {  	[sflag:s10] =	ssyncadd.s32 $0xFFFFC400;
	s21 =	sadd.s32 $0x30, s19  }
0x146: {  	[tilespmem:s3], [sflag:$0x4] =	stream.linear.gather [hbm4b:s21+s3], $0x80, $0x38;
	[tilespmem:$0x1F400] =	vst v63  }
0x147: {  	_ =	swait.ge [sflag:s11], $0x80  }
0x148: {  	[sflag:s11] =	ssyncset.done $0x0  }
0x149: {  	[sflag:s11] =	ssyncadd.s32 $0xFFFFFF80  }
0x14a: {  	[spmem:s1] =	stream.indirect.scatter.add.f32 [tilespmem:s25], [sflag:$0xA], $0x80, s28, s29, $0xb8;
	[tilespmem:$0x1F400] =	vst v63  }
0x14b: {  	_ =	swait.ge [sflag:s26], $0x3C00  }
0x14c: {  	s21 =	rddreg [dreg:$0x4]  }
0x14d: {  	[sflag:s26] =	ssyncset.done $0x0;
	s20 =	sadd.s32 s20, s21  }
0x14e: {  	[sflag:s26] =	ssyncadd.s32 $0xFFFFC400;
	s21 =	sadd.s32 $0x30, s20  }
0x14f: {  	[tilespmem:s28], [sflag:$0x7] =	stream.linear.gather [hbm4b:s21+s3], $0x80, $0x38;
	[tilespmem:$0x1F400] =	vst v63  }
0x150: {  	_ =	swait.ge [sflag:s12], $0x80  }
0x151: {  	[sflag:s12] =	ssyncset.done $0x0  }
0x152: {  	[sflag:s12] =	ssyncadd.s32 $0xFFFFFF80  }
0x153: {  	[tilespmem:s25], [sflag:$0x1] =	stream.indirect.gather [hbm4b:s4+s29], $0x80, s3, s29, $0xb8;
	[tilespmem:$0x1F400] =	vst v63  }
0x154: {  	_ =	swait.ge [sflag:s13], $0x3C00  }
0x155: {  	[sflag:s13] =	ssyncset.done $0x0  }
0x156: {  	s21 =	sadd.s32 $0x40, s19;
	[sflag:s13] =	ssyncadd.s32 $0xFFFFC400  }
0x157: {  	[tilespmem:s30], [sflag:$0x5] =	stream.linear.gather [hbm4b:s21+s3], $0x80, $0x38;
	[tilespmem:$0x1F400] =	vst v63  }
0x158: {  	_ =	swait.ge [sflag:s14], $0x80  }
0x159: {  	[sflag:s14] =	ssyncset.done $0x0  }
0x15a: {  	[sflag:s14] =	ssyncadd.s32 $0xFFFFFF80  }
0x15b: {  	[spmem:s1] =	stream.indirect.scatter.add.f32 [tilespmem:s0], [sflag:$0xA], $0x80, s31, s29, $0xb8;
	[tilespmem:$0x1F400] =	vst v63  }
0x15c: {  	_ =	swait.ge [sflag:s26], $0x3C00  }
0x15d: {  	[sflag:s26] =	ssyncset.done $0x0  }
0x15e: {  	s21 =	sadd.s32 $0x40, s20;
	[sflag:s26] =	ssyncadd.s32 $0xFFFFC400  }
0x15f: {  	[tilespmem:s31], [sflag:$0x8] =	stream.linear.gather [hbm4b:s21+s3], $0x80, $0x38;
	[tilespmem:$0x1F400] =	vst v63  }
0x160: {  	_ =	swait.ge [sflag:s15], $0x80  }
0x161: {  	[sflag:s15] =	ssyncset.done $0x0  }
0x162: {  	[sflag:s15] =	ssyncadd.s32 $0xFFFFFF80  }
0x163: {  	[tilespmem:s0], [sflag:$0x2] =	stream.indirect.gather [hbm4b:s4+s29], $0x80, s30, s29, $0xb8;
	[tilespmem:$0x1F400] =	vst v63  }
0x164: {  	_ =	swait.ge [sflag:s16], $0x3C00  }
0x165: {  	[sflag:s16] =	ssyncset.done $0x0  }
0x166: {  	s19 =	sadd.s32 $0x50, s19;
	[sflag:s16] =	ssyncadd.s32 $0xFFFFC400  }
0x167: {  	[tilespmem:s7], [sflag:$0x6] =	stream.linear.gather [hbm4b:s19+s3], $0x80, $0x38;
	[tilespmem:$0x1F400] =	vst v63  }
0x168: {  	_ =	swait.ge [sflag:s17], $0x80  }
0x169: {  	[sflag:s17] =	ssyncset.done $0x0  }
0x16a: {  	[sflag:s17] =	ssyncadd.s32 $0xFFFFFF80  }
0x16b: {  	[spmem:s1] =	stream.indirect.scatter.add.f32 [tilespmem:s9], [sflag:$0xA], $0x80, s8, s29, $0xb8;
	[tilespmem:$0x1F400] =	vst v63  }
0x16c: {  	_ =	swait.ge [sflag:s26], $0x3C00  }
0x16d: {  	p1 =	seq.s32 s6, $0x840;
	[sflag:s26] =	ssyncset.done $0x0  }
.Ltmp6:
0x16e: {  	s21 =	sadd.s32 $0x50, s20;
	[sflag:s26] =	ssyncadd.s32 $0xFFFFC400;
	(pc) =	sbr.rel @!p1 .LBB2_5-.Ltmp6, $4  }
0x16f: {  	[tilespmem:s8], [sflag:$0x9] =	stream.linear.gather [hbm4b:s21+s3], $0x80, $0x38;
	[tilespmem:$0x1F400] =	vst v63  }
0x170: {  	_ =	swait.ge [sflag:s18], $0x80  }
0x171: {  	[sflag:s18] =	ssyncset.done $0x0  }
0x172: {  	s6 =	sadd.s32 $0x30, s6;
	[sflag:s18] =	ssyncadd.s32 $0xFFFFFF80  }
.Ltmp7:
0x173: {  	_ = 	snop;
	(pc) =	sbr.rel .LBB2_6-.Ltmp7, $1  }
0x174: {  	_ =	sdelay $0x3  }
.LBB2_11:
0x175: {  	_ =	sfence.sel $0x180000  }
0x176: {  	[bflag:$0x0] =	sbarrier.arrive $0xFFFF  }
0x177: {  	_ =	strace $0x9000004A  }
0x178: {  	s0 =	stileid.u32;
	[bflag:$0x2] =	sbarrier.arrive $0xFFFF  }
0x179: {  	p0 =	sne.s32 s0, $0x0;
	s0 =	rddreg [dreg:$0x2]  }
0x17a: {  	s0 =	sadd.s32 @!p0 $0x100000, s0  }
0x17b: {  	[sflag:s0] =	ssyncadd.tile.s32 @!p0 $0x1;
	_ =	shalt  }
.Lfunc_end2:
_tile_overlayer_lowered:
.L_overlay_start_2:
0x17c: {  	(tag) =	ssettag $0x2  }
0x17d: {  	s0 =	rddreg [dreg:$0x0];
	s2 =	stileid.u32  }
0x17e: {  	s1 =	rddreg [dreg:$0x1];
	p0 =	sne.s32 s2, $0x0  }
0x17f: {  	s3 =	rddreg [dreg:$0x2];
	[bflag:$0x3] =	sbarrier.arrive $0xFFFF;
	s2 =	simm.s32 @!p0 $0x1C0A  }
0x180: {  	[timem:s3], [sflag:s2] =	dma.local @!p0 [hbm:s0], s1  }
0x181: {  	s0 =	simm.s32 @!p0 $0xA  }
0x182: {  	_ =	swait.ge @!p0 [sflag:s0], s1  }
0x183: {  	s1 =	ssub.s32 @!p0 $0x0, s1;
	[sflag:s0] =	ssyncset.done @!p0 $0x0  }
0x184: {  	[sflag:s0] =	ssyncadd.s32 @!p0 s1  }
0x185: {  	[bflag:$0x3] =	sbarrier.arrive $0xFFFF  }
0x186: {  	_ =	shalt  }

// kernel: kernel.7.cloned.1.call-start
scs
__scs_entry_jumppad:
0x0: {  	(pc) =	sbr.rel $0x88, $3  }
0x1: {  	(tag) =	ssettag $0x0;
	lr =	simm.s32 $0x1  }
0x2: {  	[smem:$0x3F96] =	sst lr;
	_ =	strace $0xD0000000  }
0x3: {  	_ = 	snop  }
0x4: {  	_ = 	snop  }
0x5: {  	_ = 	snop  }
0x6: {  	_ = 	snop  }
0x7: {  	_ = 	snop  }
__scs_overlays_trampoline_lowered:
0x8: {  	[smem:$0x3FA5] =	sst s0  }
0x9: {  	[smem:$0x3FA6] =	sst s1  }
0xa: {  	[smem:$0x3FA7] =	sst s2  }
0xb: {  	[smem:$0x3FA8] =	sst s3  }
0xc: {  	[smem:$0x3FA9] =	sst s4  }
0xd: {  	[smem:$0x3FAA] =	sst s5  }
0xe: {  	[smem:$0x3FAB] =	sst s6  }
0xf: {  	[smem:$0x3FAC] =	sst s7  }
0x10: {  	[smem:$0x3FAD] =	sst s8  }
0x11: {  	[smem:$0x3FAE] =	sst s9;
	s0 =	simm.s32 @!p0 $0x0  }
0x12: {  	s1 =	sld [smem:$0x3F94];
	s0 =	simm.s32 @p0 $0x1  }
0x13: {  	[smem:$0x3FAF] =	sst s0;
	s0 =	simm.s32 @!p1 $0x0  }
0x14: {  	s2 =	sld [smem:$0x3F93];
	s0 =	simm.s32 @p1 $0x1  }
0x15: {  	[smem:$0x3FB0] =	sst s0;
	s0 =	simm.s32 @!p2 $0x0  }
0x16: {  	s3 =	sld [smem:$0x3FDB];
	s0 =	simm.s32 @p2 $0x1  }
0x17: {  	s4 =	simm.s32 $0x1BF5;
	[smem:$0x3FB2] =	sst s0  }
0x18: {  	s0 =	sld [smem:$0x3F95];
	_ =	swait.ge [sflag:s4], $0x0  }
0x19: {  	s7 =	sld [smem:$0x3F96]  }
0x1a: {  	s8 =	sadd.s32 $0xFFFFE003, lr  }
0x1b: {  	s9 =	sadd.s32 $0xFFFFFEF7, lr;
	s5 =	simm.s32 $0xFFFFFFFF;
	p2 =	slt.u32 s8, $0xFFFFF086  }
0x1c: {  	p1 =	slt.u32 s9, $0xF7A;
	s5 =	simm.s32 @!p2 $0x0  }
0x1d: {  	s5 =	simm.s32 @p1 $0x1;
	p0 =	seq.s32 s7, s2  }
0x1e: {  	s7 =	smul.u32 @!p0 $0xF7A, s2;
	p2 =	seq.s32 @!p0 s5, $0x0  }
0x1f: {  	s9 =	smul.u32 $0xF7A, s1;
	s8 =	simm.s32 @!p0 $0x1BF5;
	p2 =	por !p2, p0  }
0x20: {  	[sflag:s8] =	ssyncset.s32 @!p0 $0xFFFFF086;
	s6 =	sadd.s32 @!p0 s3, s7;
	s7 =	simm.s32 @!p0 $0x108  }
0x21: {  	s3 =	sadd.s32 s3, s9;
	s6 =	sadd.s32 @!p0 $0x88, s6;
	s7 =	simm.s32 @p2 $0x1082  }
0x22: {  	[simem:s7], [sflag:s8] =	dma.local @!p0 [hbm:s6], $0xF7A  }
0x23: {  	s9 =	sor.u32 $0xD0000000, s2;
	s6 =	simm.s32 $0x108;
	_ =	swait.ge @!p0 [sflag:s8], $0x0  }
0x24: {  	s3 =	sadd.s32 $0x88, s3;
	s6 =	simm.s32 @!p1 $0x1082;
	[sflag:s4] =	ssyncset.s32 $0xFFFFF086  }
0x25: {  	[simem:s6], [sflag:s4] =	dma.local [hbm:s3], $0xF7A  }
0x26: {  	[smem:$0x3F96] =	sst s1;
	(tag) =	ssettag s2;
	_ =	strace s9  }
0x27: {  	s1 =	sld [smem:$0x3FA6]  }
0x28: {  	s2 =	sld [smem:$0x3FA7]  }
0x29: {  	s4 =	sld [smem:$0x3FA9]  }
0x2a: {  	p0 =	seq.s32 s5, $0x0;
	s5 =	sld [smem:$0x3FAA]  }
0x2b: {  	s6 =	sld [smem:$0x3FAB]  }
0x2c: {  	s7 =	sld [smem:$0x3FAC]  }
0x2d: {  	s3 =	simm.s32 $0x108;
	s8 =	sld [smem:$0x3FAD]  }
0x2e: {  	s3 =	simm.s32 @!p0 $0x1082;
	s9 =	sld [smem:$0x3FAE]  }
0x2f: {  	lr =	sadd.s32 s0, s3;
	s0 =	sld [smem:$0x3FA5]  }
0x30: {  	s3 =	sld [smem:$0x3FA8]  }
0x31: {  	[smem:$0x3FB1] =	sst s10  }
0x32: {  	s10 =	sld [smem:$0x3FAF];
	_ =	sdelay $0x3  }
0x33: {  	p0 =	seq.s32 s10, $0x1;
	s10 =	sld [smem:$0x3FB1];
	_ =	sdelay $0x3  }
0x34: {  	[smem:$0x3FB1] =	sst s10  }
0x35: {  	s10 =	sld [smem:$0x3FB0];
	_ =	sdelay $0x3  }
0x36: {  	p1 =	seq.s32 s10, $0x1;
	s10 =	sld [smem:$0x3FB1];
	_ =	sdelay $0x3  }
0x37: {  	[smem:$0x3FB1] =	sst s10  }
0x38: {  	s10 =	sld [smem:$0x3FB2]  }
0x39: {  	_ = 	snop;
	(pc) =	sbr.ind lr, $3  }
0x3a: {  	_ = 	snop  }
0x3b: {  	_ = 	snop  }
0x3c: {  	p2 =	seq.s32 s10, $0x1;
	s10 =	sld [smem:$0x3FB1]  }
0x3d: {  	_ =	shalt  }
0x3e: {  	_ =	shalt  }
0x3f: {  	_ =	shalt  }
0x40: {  	_ =	shalt  }
0x41: {  	_ =	shalt  }
0x42: {  	_ =	shalt  }
0x43: {  	_ =	shalt  }
0x44: {  	_ =	shalt  }
0x45: {  	_ =	shalt  }
0x46: {  	_ =	shalt  }
0x47: {  	_ =	shalt  }
0x48: {  	_ =	shalt  }
0x49: {  	_ =	shalt  }
0x4a: {  	_ =	shalt  }
0x4b: {  	_ =	shalt  }
0x4c: {  	_ =	shalt  }
0x4d: {  	_ =	shalt  }
0x4e: {  	_ =	shalt  }
0x4f: {  	_ =	shalt  }
0x50: {  	_ =	shalt  }
0x51: {  	_ =	shalt  }
0x52: {  	_ =	shalt  }
0x53: {  	_ =	shalt  }
0x54: {  	_ =	shalt  }
0x55: {  	_ =	shalt  }
0x56: {  	_ =	shalt  }
0x57: {  	_ =	shalt  }
0x58: {  	_ =	shalt  }
0x59: {  	_ =	shalt  }
0x5a: {  	_ =	shalt  }
0x5b: {  	_ =	shalt  }
0x5c: {  	_ =	shalt  }
0x5d: {  	_ =	shalt  }
0x5e: {  	_ =	shalt  }
0x5f: {  	_ =	shalt  }
0x60: {  	_ =	shalt  }
0x61: {  	_ =	shalt  }
0x62: {  	_ =	shalt  }
0x63: {  	_ =	shalt  }
0x64: {  	_ =	shalt  }
0x65: {  	_ =	shalt  }
0x66: {  	_ =	shalt  }
0x67: {  	_ =	shalt  }
0x68: {  	_ =	shalt  }
0x69: {  	_ =	shalt  }
0x6a: {  	_ =	shalt  }
0x6b: {  	_ =	shalt  }
0x6c: {  	_ =	shalt  }
0x6d: {  	_ =	shalt  }
0x6e: {  	_ =	shalt  }
0x6f: {  	_ =	shalt  }
0x70: {  	_ =	shalt  }
0x71: {  	_ =	shalt  }
0x72: {  	_ =	shalt  }
0x73: {  	_ =	shalt  }
0x74: {  	_ =	shalt  }
0x75: {  	_ =	shalt  }
0x76: {  	_ =	shalt  }
0x77: {  	_ =	shalt  }
0x78: {  	_ =	shalt  }
0x79: {  	_ =	shalt  }
0x7a: {  	_ =	shalt  }
0x7b: {  	_ =	shalt  }
0x7c: {  	_ =	shalt  }
0x7d: {  	_ =	shalt  }
0x7e: {  	_ =	shalt  }
0x7f: {  	_ =	shalt  }
0x80: {  	_ =	shalt  }
0x81: {  	_ =	shalt  }
0x82: {  	_ =	shalt  }
0x83: {  	_ =	shalt  }
0x84: {  	_ =	shalt  }
0x85: {  	_ =	shalt  }
0x86: {  	_ =	shalt  }
0x87: {  	_ =	shalt  }
.Lfunc_end0:
.L_simem_size_0:
called_computation_lowered:
.L_overlay_start_0:
0x88: {  	s2 =	sld [smem:$0x3FD9]  }
0x89: {  	s3 =	sld [smem:$0x3FFE];
	_ =	sdelay $0x1  }
0x8a: {  	s1 =	srdreg.scid  }
0x8b: {  	s0 =	sand.u32 $0x1, s1  }
0x8c: {  	s16 =	sshll.u32 s0, $0xA;
	s2 =	sadd.s32 s3, s2  }
0x8d: {  	s2 =	sadd.s32 s2, s16  }
0x8e: {  	[smem:$0x3FBD] =	sst s2  }
0x8f: {  	_ = 	snop  }
0x90: {  	(tm) =	ssettm $0x1  }
0x91: {  	s17 =	sld [smem:$0x3FFB];
	_ =	sdelay $0x3  }
0x92: {  	_ =	strace s17  }
0x93: {  	s2 =	sld [smem:$0x3FFC];
	_ =	sdelay $0x3  }
0x94: {  	_ =	strace s2  }
0x95: {  	s2 =	sld [smem:$0x3FFD];
	_ =	sdelay $0x3  }
0x96: {  	_ =	strace s2  }
0x97: {  	_ =	strace $0x8FFFFFFF  }
0x98: {  	s18 =	sld [smem:$0x3FDB];
	_ =	sdelay $0x1  }
0x99: {  	s19 =	simm.s32 $_scs_section_size  }
0x9a: {  	s4 =	simm.s32 $_size__tile_overlayer_lowered;
	s5 =	simm.s32 $_tile_overlayer_lowered  }
0x9b: {  	s22 =	simm.s32 $0x1BFF;
	s21 =	sshll.u32 s5, $0x1;
	s2 =	sadd.s32 s19, s18  }
0x9c: {  	s6 =	simm.s32 $0x0;
	s20 =	sshll.u32 s4, $0x1;
	s4 =	sadd.s32 s21, s2  }
0x9d: {  	[timem:s6], [sflag:s22] =	dma.local [hbm:s4], s20  }
0x9e: {  	_ =	swait.ge [sflag:s22], s20  }
0x9f: {  	s3 =	ssub.s32 $0x0, s20;
	[sflag:s22] =	ssyncset.done $0x0  }
0xa0: {  	[sflag:s22] =	ssyncadd.s32 s3;
	_ =	sdelay $0x1  }
0xa1: {  	s23 =	simm.s32 $0x1B8B  }
0xa2: {  	_ =	swait.ge [sflag:s23], $0x1  }
0xa3: {  	[sflag:s23] =	ssyncset.done $0x0  }
0xa4: {  	s25 =	simm.s32 $0x1B8E;
	s24 =	sld [smem:$0x3FFE];
	[sflag:s23] =	ssyncadd.s32 $0xFFFFFFFF  }
0xa5: {  	s26 =	simm.s32 $execute0_lowered;
	[smem:$0x3FD2] =	sst s25  }
0xa6: {  	s4 =	sshll.u32 s26, $0x1;
	_ =	strace $0x80000046;
	[dreg:$0x1] =	wrdreg $0xFFFFFFFF  }
0xa7: {  	s28 =	simm.s32 $_size_execute0_lowered;
	s2 =	sadd.s32 s2, s4;
	[dreg:$0x0] =	wrdreg $0x0  }
0xa8: {  	s4 =	sshll.u32 s28, $0x1;
	[dreg:$0x2] =	wrdreg s2  }
0xa9: {  	[dreg:$0x3] =	wrdreg s4  }
0xaa: {  	[dreg:$0x4] =	wrdreg $0xC0  }
0xab: {  	_ =	task [dreg:s6], $0x5FFFF  }
0xac: {  	[dreg:$0x1] =	wrdreg $0xFFFFFFFF  }
0xad: {  	[dreg:$0x0] =	wrdreg $0x60  }
0xae: {  	[dreg:$0x2] =	wrdreg s24  }
0xaf: {  	[dreg:$0x3] =	wrdreg $0xB8000  }
0xb0: {  	[dreg:$0x4] =	wrdreg $0x9  }
0xb1: {  	_ =	task.clear_ibuf [dreg:s6], $0x5FFFF;
	_ =	strace $0x90000046  }
0xb2: {  	s29 =	simm.s32 $0x9;
	_ =	strace $0x80000048  }
0xb3: {  	_ =	swait.ge [sflag:s29], $0x1  }
0xb4: {  	[sflag:s29] =	ssyncadd.s32 $0xFFFFFFFF  }
0xb5: {  	_ =	strace $0x90000048  }
0xb6: {  	_ =	sfence  }
0xb7: {  	s30 =	sld [smem:$0x0];
	_ =	sdelay $0x2  }
0xb8: {  	s31 =	sshll.u32 s1, $0xD;
	s1 =	sshrl.u32 s1, $0x2  }
0xb9: {  	s3 =	sand.u32 $0x4000, s31;
	s1 =	sadd.s32 s1, s30  }
0xba: {  	s0 =	sor.u32 s3, s0;
	s1 =	sshll.u32 s1, $0x11  }
0xbb: {  	s0 =	sor.u32 s1, s0  }
0xbc: {  	s0 =	sadd.s32 $0x8F2B, s0  }
0xbd: {  	[sflag:s0] =	ssyncadd.remote.s32 $0x1  }
0xbe: {  	_ =	sfence.sel $0xFFFF  }
0xbf: {  	[dreg:$0x0] =	wrdreg $0xFFFFFFFF;
	(pc) =	sbr.abs _section_cstart, $3  }
0xc0: {  	[dreg:$0x1] =	wrdreg $0xFFFFFFFF  }
0xc1: {  	_ =	task.clear_ibuf [dreg:s6], $0x2FFFF;
	_ =	strace $0x9FFFFFFF  }
0xc2: {  	(tm) =	ssettm $0x7FFFFFFF  }
0xc3: {  	_ =	shalt  }
tec
execute0_lowered:
.L_overlay_start_1:
0x0: {  	(tag) =	ssettag $0x1  }
0x1: {  	s0 =	rddreg [dreg:$0x0]  }
0x2: {  	s1 =	rddreg [dreg:$0x1];
	s13 =	stileid.u32  }
0x3: {  	s2 =	srdreg.scid;
	s3 =	simm.s32 $0x0;
	s5 =	smul.u32 $0x13C00, s13  }
0x4: {  	s28 =	simm.s32 $0x200;
	s29 =	simm.s32 $0x78;
	s8 =	smul.u32 $0x4F000, s13  }
0x5: {  	s30 =	simm.s32 $0x80;
	s31 =	simm.s32 $0x280;
	s10 =	smul.u32 $0x4500, s13  }
0x6: {  	s2 =	sand.u32 $0x1, s2;
	[smem:$0x7FF] =	sst s3;
	s21 =	smul.u32 $0xF00, s13  }
0x7: {  	s6 =	sadd.s32 $0x2200, s0;
	s7 =	sadd.s32 $0xCA00, s0;
	s24 =	smul.u32 $0x300, s13  }
0x8: {  	s18 =	sshll.u32 s13, $0x8;
	s4 =	smul.u32 $0x13C000, s2;
	s9 =	ssub.s32 $0x2, s2  }
0x9: {  	_ =	strace $0x80000047;
	p0 =	seq.s32 s2, $0x1;
	s11 =	sshrl.u32 s9, $0x1  }
0xa: {  	s17 =	sshrl.u32 s8, $0x2;
	s12 =	sand.u32 $0x7FC00, s10;
	s8 =	sand.u32 $0x300, s18  }
0xb: {  	s26 =	sadd.s32 $0x45000, s21;
	s10 =	sshrl.u32 s10, $0x3;
	s16 =	sshrl.u32 s21, $0x3  }
0xc: {  	s21 =	smul.u32 $0x1E0, s13;
	s5 =	sadd.s32 s5, s4;
	s4 =	sadd.s32 $0x17200, s0  }
0xd: {  	s9 =	ssub.s32 s9, s11;
	s8 =	sor.u32 s8, s12;
	s12 =	sand.u32 $0x300, s24  }
0xe: {  	s10 =	sadd.s32 $0x20, s10;
	s5 =	sshrl.u32 s5, $0x3;
	s20 =	sshrl.u32 s8, $0x3  }
0xf: {  	s14 =	sadd.s32 s6, s10;
	s10 =	sadd.s32 s7, s10;
	s8 =	sadd.s32 $0x8A10, s16  }
0x10: {  	s24 =	sadd.s32 s21, s6;
	s0 =	sadd.s32 s5, s0;
	s5 =	sadd.s32 s17, s1  }
0x11: {  	s22 =	sadd.s32 s6, s20;
	s23 =	sor.u32 $0x10, s20;
	[dreg:$0xc] =	wrdreg s14  }
0x12: {  	s2 =	sadd.s32 s7, s20;
	[dreg:$0xd] =	wrdreg s10;
	s17 =	smul.u32 $0x8A0, s13  }
0x13: {  	s18 =	sadd.s32 s6, s8;
	s8 =	sadd.s32 s7, s8;
	[dreg:$0x5] =	wrdreg s24  }
0x14: {  	s10 =	simm.s32 $0x1;
	s13 =	simm.s32 $0x2;
	[dreg:$0x8] =	wrdreg s22  }
0x15: {  	s14 =	simm.s32 $0x8;
	s19 =	sadd.s32 $0x12C00, s5;
	[dreg:$0x9] =	wrdreg s2  }
0x16: {  	s25 =	sadd.s32 s6, s23;
	s2 =	sand.u32 $0x5FC00, s26;
	[dreg:$0x10] =	wrdreg s18  }
0x17: {  	s11 =	sadd.s32 s7, s23;
	[dreg:$0x11] =	wrdreg s8;
	s0 =	sadd.s32 $0x14FA00, s0  }
0x18: {  	s23 =	smax.u32 s9, $0x1;
	s26 =	sadd.s32 s21, s7;
	[dreg:$0x7] =	wrdreg s19  }
0x19: {  	s24 =	sadd.s32 $0xF000, s5;
	s8 =	simm.s32 $0x300;
	[dreg:$0xa] =	wrdreg s25  }
0x1a: {  	s9 =	simm.s32 $0x7C00;
	s18 =	simm.s32 $0x6;
	[dreg:$0xb] =	wrdreg s11  }
0x1b: {  	s2 =	sor.u32 s12, s2;
	s20 =	sadd.s32 s17, s6;
	[dreg:$0x14] =	wrdreg s0  }
0x1c: {  	s22 =	sadd.s32 s17, s7;
	[dreg:$0x15] =	wrdreg s23;
	s25 =	sadd.s32 $0x3C00, s5  }
0x1d: {  	s23 =	sadd.s32 $0xB400, s5;
	[dreg:$0x6] =	wrdreg s26;
	s26 =	simm.s32 $0xA  }
0x1e: {  	s0 =	simm.s32 $0x4000;
	s11 =	simm.s32 $0x7;
	[dreg:$0x3] =	wrdreg s20  }
0x1f: {  	s12 =	simm.s32 $0x4;
	s17 =	simm.s32 $0x9;
	[dreg:$0x4] =	wrdreg s22  }
0x20: {  	s2 =	sshrl.u32 s2, $0x3;
	[dreg:$0x16] =	wrdreg s25;
	s22 =	sadd.s32 $0x7800, s5  }
.Ltmp0:
0x21: {  	s15 =	sadd.s32 s6, s2;
	s2 =	sadd.s32 s7, s2;
	(pc) =	sbr.rel .LBB2_1-.Ltmp0, $4  }
0x22: {  	s25 =	simm.s32 $0x400;
	[dreg:$0xf] =	wrdreg s2;
	s2 =	sadd.s32 $0x8A20, s16  }
0x23: {  	[dreg:$0xe] =	wrdreg s15;
	s15 =	simm.s32 $0x5;
	s19 =	sadd.s32 s6, s2  }
0x24: {  	s16 =	simm.s32 $0x3;
	s2 =	sadd.s32 s7, s2;
	[dreg:$0x12] =	wrdreg s19  }
0x25: {  	v0 =	vimm.f32 $0.0e+00;
	s7 =	simm.s32 $0x100;
	[dreg:$0x13] =	wrdreg s2;
	s2 =	simm.s32 $0x0  }
.LBB2_6:
0x26: {  	[tilespmem:s9], [sflag:$0x3] =	stream.indirect.gather [hbm4b:s4+s29], $0x80, s7, s29, $0xb8;
	[tilespmem:$0x1F400] =	vst v63  }
.LBB2_10:
0x27: {  	_ =	swait.ge [sflag:s10], $0x3C00  }
0x28: {  	[sflag:s10] =	ssyncset.done $0x0  }
0x29: {  	[sflag:s10] =	ssyncadd.s32 $0xFFFFC400  }
0x2a: {  	_ =	swait.ge [sflag:s11], $0x80  }
0x2b: {  	[sflag:s11] =	ssyncset.done $0x0  }
0x2c: {  	[sflag:s11] =	ssyncadd.s32 $0xFFFFFF80  }
0x2d: {  	[spmem:s1] =	stream.indirect.scatter.add.f32 [tilespmem:s25], [sflag:$0xA], $0x80, s28, s29, $0xb8;
	[tilespmem:$0x1F400] =	vst v63  }
0x2e: {  	_ =	swait.ge [sflag:s26], $0x3C00  }
0x2f: {  	[sflag:s26] =	ssyncset.done $0x0  }
0x30: {  	[sflag:s26] =	ssyncadd.s32 $0xFFFFC400  }
0x31: {  	_ =	swait.ge [sflag:s13], $0x3C00  }
0x32: {  	[sflag:s13] =	ssyncset.done $0x0  }
0x33: {  	[sflag:s13] =	ssyncadd.s32 $0xFFFFC400  }
0x34: {  	_ =	swait.ge [sflag:s14], $0x80  }
0x35: {  	[sflag:s14] =	ssyncset.done $0x0  }
0x36: {  	[sflag:s14] =	ssyncadd.s32 $0xFFFFFF80  }
0x37: {  	[spmem:s1] =	stream.indirect.scatter.add.f32 [tilespmem:s0], [sflag:$0xA], $0x80, s31, s29, $0xb8;
	[tilespmem:$0x1F400] =	vst v63  }
0x38: {  	_ =	swait.ge [sflag:s26], $0x3C00  }
0x39: {  	[sflag:s26] =	ssyncset.done $0x0  }
0x3a: {  	[sflag:s26] =	ssyncadd.s32 $0xFFFFC400  }
0x3b: {  	_ =	swait.ge [sflag:s16], $0x3C00  }
0x3c: {  	[sflag:s16] =	ssyncset.done $0x0  }
0x3d: {  	[sflag:s16] =	ssyncadd.s32 $0xFFFFC400  }
0x3e: {  	_ =	swait.ge [sflag:s17], $0x80  }
0x3f: {  	[sflag:s17] =	ssyncset.done $0x0  }
0x40: {  	[sflag:s17] =	ssyncadd.s32 $0xFFFFFF80  }
0x41: {  	[spmem:s1] =	stream.indirect.scatter.add.f32 [tilespmem:s9], [sflag:$0xA], $0x80, s8, s29, $0xb8;
	[tilespmem:$0x1F400] =	vst v63  }
0x42: {  	_ =	swait.ge [sflag:s26], $0x3C00  }
0x43: {  	[sflag:s26] =	ssyncset.done $0x0  }
0x44: {  	s6 =	stileid.u32;
	[sflag:s26] =	ssyncadd.s32 $0xFFFFC400  }
0x45: {  	s6 =	sshll.u32 s6, $0x6;
	[bflag:$0x0] =	sbarrier.arrive $0xFFFF  }
0x46: {  	s19 =	sshrl.u32 s5, $0x3;
	s6 =	sor.u32 $0x1C0A, s6;
	s20 =	rddreg [dreg:$0x14]  }
0x47: {  	[hbm:s20], [sflag:s6] =	dma.local [spmem:s19], $0x2780  }
0x48: {  	_ =	swait.ge [sflag:s26], $0x2780  }
0x49: {  	s2 =	sadd.s32 $0x1, s2;
	s21 =	rddreg [dreg:$0x15]  }
0x4a: {  	p1 =	sne.s32 s2, s21  }
.Ltmp1:
0x4b: {  	_ = 	snop;
	(pc) =	sbr.rel @!p1 .LBB2_11-.Ltmp1, $3  }
0x4c: {  	_ =	sdelay $0x1  }
0x4d: {  	[sflag:s26] =	ssyncset.done $0x0  }
0x4e: {  	[sflag:s26] =	ssyncadd.s32 $0xFFFFD880  }
.LBB2_1:
0x4f: {  	s6 =	simm.s32 $0x0;
	s19 =	simm.s32 $0x200  }
.LBB2_2:
0x50: {  	p1 =	sne.s32 s19, $0xEE00;
	[tilespmem:s6+$0x470] =	vst v0  }
0x51: {  	[tilespmem:s6+$0x400] =	vst v0  }
0x52: {  	[tilespmem:s6+$0x410] =	vst v0  }
.Ltmp2:
0x53: {  	[tilespmem:s6+$0x420] =	vst v0;
	(pc) =	sbr.rel @p1 .LBB2_2-.Ltmp2, $4  }
0x54: {  	[tilespmem:s6+$0x430] =	vst v0  }
0x55: {  	[tilespmem:s6+$0x440] =	vst v0  }
0x56: {  	[tilespmem:s6+$0x450] =	vst v0  }
0x57: {  	[tilespmem:s6+$0x460] =	vst v0;
	s6 =	sshra.s32 s19, $0x2;
	s19 =	sadd.s32 $0x200, s19  }
0x58: {  	[tilespmem:s6+$0x470] =	vst v0  }
0x59: {  	[tilespmem:s6+$0x400] =	vst v0  }
0x5a: {  	[tilespmem:s6+$0x410] =	vst v0  }
0x5b: {  	[tilespmem:s6+$0x420] =	vst v0  }
0x5c: {  	[tilespmem:s6+$0x430] =	vst v0  }
0x5d: {  	[tilespmem:s6+$0x440] =	vst v0  }
0x5e: {  	[tilespmem:s6+$0x450] =	vst v0  }
0x5f: {  	[tilespmem:s6+$0x460] =	vst v0  }
0x60: {  	[spmem:s5] =	stream.linear.scatter [tilespmem:s25], [sflag:$0xA], $0x3C00, $0x38;
	[tilespmem:$0x1F400] =	vst v63  }
0x61: {  	_ =	swait.ge [sflag:s26], $0x3C00  }
0x62: {  	[sflag:s26] =	ssyncset.done $0x0  }
0x63: {  	s20 =	rddreg [dreg:$0x16];
	[sflag:s26] =	ssyncadd.s32 $0xFFFFC400  }
0x64: {  	[spmem:s20] =	stream.linear.scatter [tilespmem:s25], [sflag:$0xA], $0x3C00, $0x38;
	[tilespmem:$0x1F400] =	vst v63  }
0x65: {  	_ =	swait.ge [sflag:s26], $0x3C00  }
0x66: {  	[sflag:s26] =	ssyncset.done $0x0  }
0x67: {  	[sflag:s26] =	ssyncadd.s32 $0xFFFFC400  }
0x68: {  	[spmem:s22] =	stream.linear.scatter [tilespmem:s25], [sflag:$0xA], $0x3C00, $0x38;
	[tilespmem:$0x1F400] =	vst v63  }
0x69: {  	_ =	swait.ge [sflag:s26], $0x3C00  }
0x6a: {  	[sflag:s26] =	ssyncset.done $0x0  }
0x6b: {  	[sflag:s26] =	ssyncadd.s32 $0xFFFFC400  }
0x6c: {  	[spmem:s23] =	stream.linear.scatter [tilespmem:s25], [sflag:$0xA], $0x3C00, $0x38;
	[tilespmem:$0x1F400] =	vst v63  }
0x6d: {  	_ =	swait.ge [sflag:s26], $0x3C00  }
0x6e: {  	[sflag:s26] =	ssyncset.done $0x0  }
0x6f: {  	[sflag:s26] =	ssyncadd.s32 $0xFFFFC400  }
0x70: {  	[spmem:s24] =	stream.linear.scatter [tilespmem:s25], [sflag:$0xA], $0x3C00, $0x38;
	[tilespmem:$0x1F400] =	vst v63  }
0x71: {  	_ =	swait.ge [sflag:s26], $0x3C00  }
0x72: {  	[sflag:s26] =	ssyncset.done $0x0  }
0x73: {  	s21 =	rddreg [dreg:$0x7];
	[sflag:s26] =	ssyncadd.s32 $0xFFFFC400  }
0x74: {  	[spmem:s21] =	stream.linear.scatter [tilespmem:s25], [sflag:$0xA], $0x1000, $0x38;
	[tilespmem:$0x1F400] =	vst v63  }
.Ltmp3:
0x75: {  	_ =	swait.ge [sflag:s26], $0x1000;
	(pc) =	sbr.rel @!p0 .LBB2_4-.Ltmp3, $4  }
0x76: {  	[sflag:s26] =	ssyncset.done $0x0  }
0x77: {  	[sflag:s26] =	ssyncadd.s32 $0xFFFFF000  }
0x78: {  	[bflag:$0x0] =	sbarrier.arrive $0xFFFF  }
0x79: {  	s6 =	simm.s32 $0x0  }
0x7a: {  	s19 =	rddreg [dreg:$0xe]  }
0x7b: {  	[tilespmem:s6], [sflag:$0xA] =	stream.linear.gather [hbm4b:s19+s6], $0x80, $0x38;
	[tilespmem:$0x1F400] =	vst v63  }
0x7c: {  	_ =	swait.ge [sflag:s26], $0x80  }
0x7d: {  	[sflag:s26] =	ssyncset.done $0x0  }
0x7e: {  	s21 =	rddreg [dreg:$0xf];
	[sflag:s26] =	ssyncadd.s32 $0xFFFFFF80  }
0x7f: {  	[tilespmem:s28], [sflag:$0x7] =	stream.linear.gather [hbm4b:s21+s6], $0x80, $0x38;
	[tilespmem:$0x1F400] =	vst v63  }
0x80: {  	_ = 	snop  }
0x81: {  	[tilespmem:s25], [sflag:$0x1] =	stream.indirect.gather [hbm4b:s4+s29], $0x80, s6, s29, $0xb8;
	[tilespmem:$0x1F400] =	vst v63  }
0x82: {  	s20 =	rddreg [dreg:$0x10]  }
0x83: {  	[tilespmem:s30], [sflag:$0xA] =	stream.linear.gather [hbm4b:s20+s6], $0x80, $0x38;
	[tilespmem:$0x1F400] =	vst v63  }
0x84: {  	_ =	swait.ge [sflag:s26], $0x80  }
0x85: {  	[sflag:s26] =	ssyncset.done $0x0  }
0x86: {  	s21 =	rddreg [dreg:$0x11];
	[sflag:s26] =	ssyncadd.s32 $0xFFFFFF80  }
0x87: {  	[tilespmem:s31], [sflag:$0x8] =	stream.linear.gather [hbm4b:s21+s6], $0x80, $0x38;
	[tilespmem:$0x1F400] =	vst v63  }
0x88: {  	_ = 	snop  }
0x89: {  	[tilespmem:s0], [sflag:$0x2] =	stream.indirect.gather [hbm4b:s4+s29], $0x80, s30, s29, $0xb8;
	[tilespmem:$0x1F400] =	vst v63  }
0x8a: {  	s20 =	rddreg [dreg:$0x12]  }
0x8b: {  	[tilespmem:s7], [sflag:$0xA] =	stream.linear.gather [hbm4b:s20+s6], $0x80, $0x38;
	[tilespmem:$0x1F400] =	vst v63  }
0x8c: {  	_ =	swait.ge [sflag:s26], $0x80  }
0x8d: {  	[sflag:s26] =	ssyncset.done $0x0  }
0x8e: {  	s21 =	rddreg [dreg:$0x13];
	[sflag:s26] =	ssyncadd.s32 $0xFFFFFF80  }
0x8f: {  	[tilespmem:s8], [sflag:$0x9] =	stream.linear.gather [hbm4b:s21+s6], $0x80, $0x38;
	[tilespmem:$0x1F400] =	vst v63  }
0x90: {  	_ = 	snop  }
0x91: {  	[tilespmem:s9], [sflag:$0x3] =	stream.indirect.gather [hbm4b:s4+s29], $0x80, s7, s29, $0xb8;
	[tilespmem:$0x1F400] =	vst v63  }
0x92: {  	_ =	swait.ge [sflag:s10], $0x3C00  }
0x93: {  	s20 =	rddreg [dreg:$0x5]  }
0x94: {  	[sflag:s10] =	ssyncset.done $0x0;
	s6 =	sadd.s32 $0x0, s20  }
0x95: {  	[sflag:s10] =	ssyncadd.s32 $0xFFFFC400;
	s21 =	sadd.s32 $0x8A30, s6  }
0x96: {  	[tilespmem:s3], [sflag:$0x4] =	stream.linear.gather [hbm4b:s21+s3], $0x80, $0x38;
	[tilespmem:$0x1F400] =	vst v63  }
0x97: {  	_ =	swait.ge [sflag:s11], $0x80  }
0x98: {  	[sflag:s11] =	ssyncset.done $0x0  }
0x99: {  	[sflag:s11] =	ssyncadd.s32 $0xFFFFFF80  }
0x9a: {  	[spmem:s1] =	stream.indirect.scatter.add.f32 [tilespmem:s25], [sflag:$0xA], $0x80, s28, s29, $0xb8;
	[tilespmem:$0x1F400] =	vst v63  }
0x9b: {  	_ =	swait.ge [sflag:s26], $0x3C00  }
0x9c: {  	s20 =	rddreg [dreg:$0x6]  }
0x9d: {  	[sflag:s26] =	ssyncset.done $0x0;
	s19 =	sadd.s32 $0x0, s20  }
0x9e: {  	[sflag:s26] =	ssyncadd.s32 $0xFFFFC400;
	s20 =	sadd.s32 $0x8A30, s19  }
0x9f: {  	[tilespmem:s28], [sflag:$0x7] =	stream.linear.gather [hbm4b:s20+s3], $0x80, $0x38;
	[tilespmem:$0x1F400] =	vst v63  }
0xa0: {  	_ =	swait.ge [sflag:s12], $0x80  }
0xa1: {  	[sflag:s12] =	ssyncset.done $0x0  }
0xa2: {  	[sflag:s12] =	ssyncadd.s32 $0xFFFFFF80  }
0xa3: {  	[tilespmem:s25], [sflag:$0x1] =	stream.indirect.gather [hbm4b:s4+s29], $0x80, s3, s29, $0xb8;
	[tilespmem:$0x1F400] =	vst v63  }
0xa4: {  	_ =	swait.ge [sflag:s13], $0x3C00  }
0xa5: {  	[sflag:s13] =	ssyncset.done $0x0  }
0xa6: {  	s21 =	sadd.s32 $0x8A40, s6;
	[sflag:s13] =	ssyncadd.s32 $0xFFFFC400  }
0xa7: {  	[tilespmem:s30], [sflag:$0x5] =	stream.linear.gather [hbm4b:s21+s3], $0x80, $0x38;
	[tilespmem:$0x1F400] =	vst v63  }
0xa8: {  	_ =	swait.ge [sflag:s14], $0x80  }
0xa9: {  	[sflag:s14] =	ssyncset.done $0x0  }
0xaa: {  	[sflag:s14] =	ssyncadd.s32 $0xFFFFFF80  }
0xab: {  	[spmem:s1] =	stream.indirect.scatter.add.f32 [tilespmem:s0], [sflag:$0xA], $0x80, s31, s29, $0xb8;
	[tilespmem:$0x1F400] =	vst v63  }
0xac: {  	_ =	swait.ge [sflag:s26], $0x3C00  }
0xad: {  	[sflag:s26] =	ssyncset.done $0x0  }
0xae: {  	s21 =	sadd.s32 $0x8A40, s19;
	[sflag:s26] =	ssyncadd.s32 $0xFFFFC400  }
0xaf: {  	[tilespmem:s31], [sflag:$0x8] =	stream.linear.gather [hbm4b:s21+s3], $0x80, $0x38;
	[tilespmem:$0x1F400] =	vst v63  }
0xb0: {  	_ =	swait.ge [sflag:s15], $0x80  }
0xb1: {  	[sflag:s15] =	ssyncset.done $0x0  }
0xb2: {  	[sflag:s15] =	ssyncadd.s32 $0xFFFFFF80  }
0xb3: {  	[tilespmem:s0], [sflag:$0x2] =	stream.indirect.gather [hbm4b:s4+s29], $0x80, s30, s29, $0xb8;
	[tilespmem:$0x1F400] =	vst v63  }
0xb4: {  	_ =	swait.ge [sflag:s16], $0x3C00  }
0xb5: {  	[sflag:s16] =	ssyncset.done $0x0  }
0xb6: {  	s6 =	sadd.s32 $0x8A50, s6;
	[sflag:s16] =	ssyncadd.s32 $0xFFFFC400  }
0xb7: {  	[tilespmem:s7], [sflag:$0x6] =	stream.linear.gather [hbm4b:s6+s3], $0x80, $0x38;
	[tilespmem:$0x1F400] =	vst v63  }
0xb8: {  	_ =	swait.ge [sflag:s17], $0x80  }
0xb9: {  	[sflag:s17] =	ssyncset.done $0x0  }
0xba: {  	[sflag:s17] =	ssyncadd.s32 $0xFFFFFF80  }
0xbb: {  	[spmem:s1] =	stream.indirect.scatter.add.f32 [tilespmem:s9], [sflag:$0xA], $0x80, s8, s29, $0xb8;
	[tilespmem:$0x1F400] =	vst v63  }
0xbc: {  	_ =	swait.ge [sflag:s26], $0x3C00  }
0xbd: {  	[sflag:s26] =	ssyncset.done $0x0  }
0xbe: {  	s21 =	sadd.s32 $0x8A50, s19;
	[sflag:s26] =	ssyncadd.s32 $0xFFFFC400  }
0xbf: {  	[tilespmem:s8], [sflag:$0x9] =	stream.linear.gather [hbm4b:s21+s3], $0x80, $0x38;
	[tilespmem:$0x1F400] =	vst v63  }
0xc0: {  	_ =	swait.ge [sflag:s18], $0x80  }
0xc1: {  	[sflag:s18] =	ssyncset.done $0x0  }
0xc2: {  	s6 =	simm.s32 $0x30;
	[sflag:s18] =	ssyncadd.s32 $0xFFFFFF80  }
.LBB2_8:
0xc3: {  	[tilespmem:s9], [sflag:$0x3] =	stream.indirect.gather [hbm4b:s4+s29], $0x80, s7, s29, $0xb8;
	[tilespmem:$0x1F400] =	vst v63  }
0xc4: {  	_ =	swait.ge [sflag:s10], $0x3C00  }
0xc5: {  	s20 =	smov.u32 s6;
	s19 =	rddreg [dreg:$0x5]  }
0xc6: {  	[sflag:s10] =	ssyncset.done $0x0;
	s19 =	sadd.s32 s20, s19  }
0xc7: {  	[sflag:s10] =	ssyncadd.s32 $0xFFFFC400;
	s21 =	sadd.s32 $0x8A30, s19  }
0xc8: {  	[tilespmem:s3], [sflag:$0x4] =	stream.linear.gather [hbm4b:s21+s3], $0x80, $0x38;
	[tilespmem:$0x1F400] =	vst v63  }
0xc9: {  	_ =	swait.ge [sflag:s11], $0x80  }
0xca: {  	[sflag:s11] =	ssyncset.done $0x0  }
0xcb: {  	[sflag:s11] =	ssyncadd.s32 $0xFFFFFF80  }
0xcc: {  	[spmem:s1] =	stream.indirect.scatter.add.f32 [tilespmem:s25], [sflag:$0xA], $0x80, s28, s29, $0xb8;
	[tilespmem:$0x1F400] =	vst v63  }
0xcd: {  	_ =	swait.ge [sflag:s26], $0x3C00  }
0xce: {  	s21 =	rddreg [dreg:$0x6]  }
0xcf: {  	[sflag:s26] =	ssyncset.done $0x0;
	s20 =	sadd.s32 s20, s21  }
0xd0: {  	[sflag:s26] =	ssyncadd.s32 $0xFFFFC400;
	s21 =	sadd.s32 $0x8A30, s20  }
0xd1: {  	[tilespmem:s28], [sflag:$0x7] =	stream.linear.gather [hbm4b:s21+s3], $0x80, $0x38;
	[tilespmem:$0x1F400] =	vst v63  }
0xd2: {  	_ =	swait.ge [sflag:s12], $0x80  }
0xd3: {  	[sflag:s12] =	ssyncset.done $0x0  }
0xd4: {  	[sflag:s12] =	ssyncadd.s32 $0xFFFFFF80  }
0xd5: {  	[tilespmem:s25], [sflag:$0x1] =	stream.indirect.gather [hbm4b:s4+s29], $0x80, s3, s29, $0xb8;
	[tilespmem:$0x1F400] =	vst v63  }
0xd6: {  	_ =	swait.ge [sflag:s13], $0x3C00  }
0xd7: {  	[sflag:s13] =	ssyncset.done $0x0  }
0xd8: {  	s21 =	sadd.s32 $0x8A40, s19;
	[sflag:s13] =	ssyncadd.s32 $0xFFFFC400  }
0xd9: {  	[tilespmem:s30], [sflag:$0x5] =	stream.linear.gather [hbm4b:s21+s3], $0x80, $0x38;
	[tilespmem:$0x1F400] =	vst v63  }
0xda: {  	_ =	swait.ge [sflag:s14], $0x80  }
0xdb: {  	[sflag:s14] =	ssyncset.done $0x0  }
0xdc: {  	[sflag:s14] =	ssyncadd.s32 $0xFFFFFF80  }
0xdd: {  	[spmem:s1] =	stream.indirect.scatter.add.f32 [tilespmem:s0], [sflag:$0xA], $0x80, s31, s29, $0xb8;
	[tilespmem:$0x1F400] =	vst v63  }
0xde: {  	_ =	swait.ge [sflag:s26], $0x3C00  }
0xdf: {  	[sflag:s26] =	ssyncset.done $0x0  }
0xe0: {  	s21 =	sadd.s32 $0x8A40, s20;
	[sflag:s26] =	ssyncadd.s32 $0xFFFFC400  }
0xe1: {  	[tilespmem:s31], [sflag:$0x8] =	stream.linear.gather [hbm4b:s21+s3], $0x80, $0x38;
	[tilespmem:$0x1F400] =	vst v63  }
0xe2: {  	_ =	swait.ge [sflag:s15], $0x80  }
0xe3: {  	[sflag:s15] =	ssyncset.done $0x0  }
0xe4: {  	[sflag:s15] =	ssyncadd.s32 $0xFFFFFF80  }
0xe5: {  	[tilespmem:s0], [sflag:$0x2] =	stream.indirect.gather [hbm4b:s4+s29], $0x80, s30, s29, $0xb8;
	[tilespmem:$0x1F400] =	vst v63  }
0xe6: {  	_ =	swait.ge [sflag:s16], $0x3C00  }
0xe7: {  	[sflag:s16] =	ssyncset.done $0x0  }
0xe8: {  	s19 =	sadd.s32 $0x8A50, s19;
	[sflag:s16] =	ssyncadd.s32 $0xFFFFC400  }
0xe9: {  	[tilespmem:s7], [sflag:$0x6] =	stream.linear.gather [hbm4b:s19+s3], $0x80, $0x38;
	[tilespmem:$0x1F400] =	vst v63  }
0xea: {  	_ =	swait.ge [sflag:s17], $0x80  }
0xeb: {  	[sflag:s17] =	ssyncset.done $0x0  }
0xec: {  	[sflag:s17] =	ssyncadd.s32 $0xFFFFFF80  }
0xed: {  	[spmem:s1] =	stream.indirect.scatter.add.f32 [tilespmem:s9], [sflag:$0xA], $0x80, s8, s29, $0xb8;
	[tilespmem:$0x1F400] =	vst v63  }
0xee: {  	_ =	swait.ge [sflag:s26], $0x3C00  }
0xef: {  	p1 =	sne.s32 s6, $0x180;
	[sflag:s26] =	ssyncset.done $0x0  }
.Ltmp4:
0xf0: {  	s21 =	sadd.s32 $0x8A50, s20;
	[sflag:s26] =	ssyncadd.s32 $0xFFFFC400;
	(pc) =	sbr.rel @p1 .LBB2_8-.Ltmp4, $4  }
0xf1: {  	[tilespmem:s8], [sflag:$0x9] =	stream.linear.gather [hbm4b:s21+s3], $0x80, $0x38;
	[tilespmem:$0x1F400] =	vst v63  }
0xf2: {  	_ =	swait.ge [sflag:s18], $0x80  }
0xf3: {  	[sflag:s18] =	ssyncset.done $0x0  }
0xf4: {  	s6 =	sadd.s32 $0x30, s6;
	[sflag:s18] =	ssyncadd.s32 $0xFFFFFF80  }
.Ltmp5:
0xf5: {  	(pc) =	sbr.rel .LBB2_10-.Ltmp5, $2  }
0xf6: {  	_ =	sdelay $0x2  }
0xf7: {  	[tilespmem:s9], [sflag:$0x3] =	stream.indirect.gather [hbm4b:s4+s29], $0x80, s7, s29, $0xb8;
	[tilespmem:$0x1F400] =	vst v63  }
.LBB2_4:
0xf8: {  	s19 =	rddreg [dreg:$0x8]  }
0xf9: {  	[tilespmem:s6], [sflag:$0xA] =	stream.linear.gather [hbm4b:s19+s6], $0x80, $0x38;
	[tilespmem:$0x1F400] =	vst v63  }
0xfa: {  	_ =	swait.ge [sflag:s26], $0x80  }
0xfb: {  	[sflag:s26] =	ssyncset.done $0x0  }
0xfc: {  	s21 =	rddreg [dreg:$0x9];
	[sflag:s26] =	ssyncadd.s32 $0xFFFFFF80  }
0xfd: {  	[tilespmem:s28], [sflag:$0x7] =	stream.linear.gather [hbm4b:s21+s6], $0x80, $0x38;
	[tilespmem:$0x1F400] =	vst v63  }
0xfe: {  	_ = 	snop  }
0xff: {  	[tilespmem:s25], [sflag:$0x1] =	stream.indirect.gather [hbm4b:s4+s29], $0x80, s6, s29, $0xb8;
	[tilespmem:$0x1F400] =	vst v63  }
0x100: {  	s20 =	rddreg [dreg:$0xa]  }
0x101: {  	[tilespmem:s30], [sflag:$0xA] =	stream.linear.gather [hbm4b:s20+s6], $0x80, $0x38;
	[tilespmem:$0x1F400] =	vst v63  }
0x102: {  	_ =	swait.ge [sflag:s26], $0x80  }
0x103: {  	[sflag:s26] =	ssyncset.done $0x0  }
0x104: {  	s21 =	rddreg [dreg:$0xb];
	[sflag:s26] =	ssyncadd.s32 $0xFFFFFF80  }
0x105: {  	[tilespmem:s31], [sflag:$0x8] =	stream.linear.gather [hbm4b:s21+s6], $0x80, $0x38;
	[tilespmem:$0x1F400] =	vst v63  }
0x106: {  	_ = 	snop  }
0x107: {  	[tilespmem:s0], [sflag:$0x2] =	stream.indirect.gather [hbm4b:s4+s29], $0x80, s30, s29, $0xb8;
	[tilespmem:$0x1F400] =	vst v63  }
0x108: {  	s20 =	rddreg [dreg:$0xc]  }
0x109: {  	[tilespmem:s7], [sflag:$0xA] =	stream.linear.gather [hbm4b:s20+s6], $0x80, $0x38;
	[tilespmem:$0x1F400] =	vst v63  }
0x10a: {  	_ =	swait.ge [sflag:s26], $0x80  }
0x10b: {  	[sflag:s26] =	ssyncset.done $0x0  }
0x10c: {  	s21 =	rddreg [dreg:$0xd];
	[sflag:s26] =	ssyncadd.s32 $0xFFFFFF80  }
0x10d: {  	[tilespmem:s8], [sflag:$0x9] =	stream.linear.gather [hbm4b:s21+s6], $0x80, $0x38;
	[tilespmem:$0x1F400] =	vst v63  }
0x10e: {  	_ = 	snop  }
0x10f: {  	[tilespmem:s9], [sflag:$0x3] =	stream.indirect.gather [hbm4b:s4+s29], $0x80, s7, s29, $0xb8;
	[tilespmem:$0x1F400] =	vst v63  }
0x110: {  	_ =	swait.ge [sflag:s10], $0x3C00  }
0x111: {  	s20 =	rddreg [dreg:$0x3]  }
0x112: {  	[sflag:s10] =	ssyncset.done $0x0;
	s6 =	sadd.s32 $0x0, s20  }
0x113: {  	[sflag:s10] =	ssyncadd.s32 $0xFFFFC400;
	s21 =	sadd.s32 $0x30, s6  }
0x114: {  	[tilespmem:s3], [sflag:$0x4] =	stream.linear.gather [hbm4b:s21+s3], $0x80, $0x38;
	[tilespmem:$0x1F400] =	vst v63  }
0x115: {  	_ =	swait.ge [sflag:s11], $0x80  }
0x116: {  	[sflag:s11] =	ssyncset.done $0x0  }
0x117: {  	[sflag:s11] =	ssyncadd.s32 $0xFFFFFF80  }
0x118: {  	[spmem:s1] =	stream.indirect.scatter.add.f32 [tilespmem:s25], [sflag:$0xA], $0x80, s28, s29, $0xb8;
	[tilespmem:$0x1F400] =	vst v63  }
0x119: {  	_ =	swait.ge [sflag:s26], $0x3C00  }
0x11a: {  	s20 =	rddreg [dreg:$0x4]  }
0x11b: {  	[sflag:s26] =	ssyncset.done $0x0;
	s19 =	sadd.s32 $0x0, s20  }
0x11c: {  	[sflag:s26] =	ssyncadd.s32 $0xFFFFC400;
	s20 =	sadd.s32 $0x30, s19  }
0x11d: {  	[tilespmem:s28], [sflag:$0x7] =	stream.linear.gather [hbm4b:s20+s3], $0x80, $0x38;
	[tilespmem:$0x1F400] =	vst v63  }
0x11e: {  	_ =	swait.ge [sflag:s12], $0x80  }
0x11f: {  	[sflag:s12] =	ssyncset.done $0x0  }
0x120: {  	[sflag:s12] =	ssyncadd.s32 $0xFFFFFF80  }
0x121: {  	[tilespmem:s25], [sflag:$0x1] =	stream.indirect.gather [hbm4b:s4+s29], $0x80, s3, s29, $0xb8;
	[tilespmem:$0x1F400] =	vst v63  }
0x122: {  	_ =	swait.ge [sflag:s13], $0x3C00  }
0x123: {  	[sflag:s13] =	ssyncset.done $0x0  }
0x124: {  	s21 =	sadd.s32 $0x40, s6;
	[sflag:s13] =	ssyncadd.s32 $0xFFFFC400  }
0x125: {  	[tilespmem:s30], [sflag:$0x5] =	stream.linear.gather [hbm4b:s21+s3], $0x80, $0x38;
	[tilespmem:$0x1F400] =	vst v63  }
0x126: {  	_ =	swait.ge [sflag:s14], $0x80  }
0x127: {  	[sflag:s14] =	ssyncset.done $0x0  }
0x128: {  	[sflag:s14] =	ssyncadd.s32 $0xFFFFFF80  }
0x129: {  	[spmem:s1] =	stream.indirect.scatter.add.f32 [tilespmem:s0], [sflag:$0xA], $0x80, s31, s29, $0xb8;
	[tilespmem:$0x1F400] =	vst v63  }
0x12a: {  	_ =	swait.ge [sflag:s26], $0x3C00  }
0x12b: {  	[sflag:s26] =	ssyncset.done $0x0  }
0x12c: {  	s21 =	sadd.s32 $0x40, s19;
	[sflag:s26] =	ssyncadd.s32 $0xFFFFC400  }
0x12d: {  	[tilespmem:s31], [sflag:$0x8] =	stream.linear.gather [hbm4b:s21+s3], $0x80, $0x38;
	[tilespmem:$0x1F400] =	vst v63  }
0x12e: {  	_ =	swait.ge [sflag:s15], $0x80  }
0x12f: {  	[sflag:s15] =	ssyncset.done $0x0  }
0x130: {  	[sflag:s15] =	ssyncadd.s32 $0xFFFFFF80  }
0x131: {  	[tilespmem:s0], [sflag:$0x2] =	stream.indirect.gather [hbm4b:s4+s29], $0x80, s30, s29, $0xb8;
	[tilespmem:$0x1F400] =	vst v63  }
0x132: {  	_ =	swait.ge [sflag:s16], $0x3C00  }
0x133: {  	[sflag:s16] =	ssyncset.done $0x0  }
0x134: {  	s6 =	sadd.s32 $0x50, s6;
	[sflag:s16] =	ssyncadd.s32 $0xFFFFC400  }
0x135: {  	[tilespmem:s7], [sflag:$0x6] =	stream.linear.gather [hbm4b:s6+s3], $0x80, $0x38;
	[tilespmem:$0x1F400] =	vst v63  }
0x136: {  	_ =	swait.ge [sflag:s17], $0x80  }
0x137: {  	[sflag:s17] =	ssyncset.done $0x0  }
0x138: {  	[sflag:s17] =	ssyncadd.s32 $0xFFFFFF80  }
0x139: {  	[spmem:s1] =	stream.indirect.scatter.add.f32 [tilespmem:s9], [sflag:$0xA], $0x80, s8, s29, $0xb8;
	[tilespmem:$0x1F400] =	vst v63  }
0x13a: {  	_ =	swait.ge [sflag:s26], $0x3C00  }
0x13b: {  	[sflag:s26] =	ssyncset.done $0x0  }
0x13c: {  	s21 =	sadd.s32 $0x50, s19;
	[sflag:s26] =	ssyncadd.s32 $0xFFFFC400  }
0x13d: {  	[tilespmem:s8], [sflag:$0x9] =	stream.linear.gather [hbm4b:s21+s3], $0x80, $0x38;
	[tilespmem:$0x1F400] =	vst v63  }
0x13e: {  	_ =	swait.ge [sflag:s18], $0x80  }
0x13f: {  	[sflag:s18] =	ssyncset.done $0x0  }
0x140: {  	s6 =	simm.s32 $0x30;
	[sflag:s18] =	ssyncadd.s32 $0xFFFFFF80  }
.LBB2_5:
0x141: {  	[tilespmem:s9], [sflag:$0x3] =	stream.indirect.gather [hbm4b:s4+s29], $0x80, s7, s29, $0xb8;
	[tilespmem:$0x1F400] =	vst v63  }
0x142: {  	_ =	swait.ge [sflag:s10], $0x3C00  }
0x143: {  	s20 =	smov.u32 s6;
	s19 =	rddreg [dreg:$0x3]  }
0x144: {  	[sflag:s10] =	ssyncset.done $0x0;
	s19 =	sadd.s32 s20, s19  }
0x145: {  	[sflag:s10] =	ssyncadd.s32 $0xFFFFC400;
	s21 =	sadd.s32 $0x30, s19  }
0x146: {  	[tilespmem:s3], [sflag:$0x4] =	stream.linear.gather [hbm4b:s21+s3], $0x80, $0x38;
	[tilespmem:$0x1F400] =	vst v63  }
0x147: {  	_ =	swait.ge [sflag:s11], $0x80  }
0x148: {  	[sflag:s11] =	ssyncset.done $0x0  }
0x149: {  	[sflag:s11] =	ssyncadd.s32 $0xFFFFFF80  }
0x14a: {  	[spmem:s1] =	stream.indirect.scatter.add.f32 [tilespmem:s25], [sflag:$0xA], $0x80, s28, s29, $0xb8;
	[tilespmem:$0x1F400] =	vst v63  }
0x14b: {  	_ =	swait.ge [sflag:s26], $0x3C00  }
0x14c: {  	s21 =	rddreg [dreg:$0x4]  }
0x14d: {  	[sflag:s26] =	ssyncset.done $0x0;
	s20 =	sadd.s32 s20, s21  }
0x14e: {  	[sflag:s26] =	ssyncadd.s32 $0xFFFFC400;
	s21 =	sadd.s32 $0x30, s20  }
0x14f: {  	[tilespmem:s28], [sflag:$0x7] =	stream.linear.gather [hbm4b:s21+s3], $0x80, $0x38;
	[tilespmem:$0x1F400] =	vst v63  }
0x150: {  	_ =	swait.ge [sflag:s12], $0x80  }
0x151: {  	[sflag:s12] =	ssyncset.done $0x0  }
0x152: {  	[sflag:s12] =	ssyncadd.s32 $0xFFFFFF80  }
0x153: {  	[tilespmem:s25], [sflag:$0x1] =	stream.indirect.gather [hbm4b:s4+s29], $0x80, s3, s29, $0xb8;
	[tilespmem:$0x1F400] =	vst v63  }
0x154: {  	_ =	swait.ge [sflag:s13], $0x3C00  }
0x155: {  	[sflag:s13] =	ssyncset.done $0x0  }
0x156: {  	s21 =	sadd.s32 $0x40, s19;
	[sflag:s13] =	ssyncadd.s32 $0xFFFFC400  }
0x157: {  	[tilespmem:s30], [sflag:$0x5] =	stream.linear.gather [hbm4b:s21+s3], $0x80, $0x38;
	[tilespmem:$0x1F400] =	vst v63  }
0x158: {  	_ =	swait.ge [sflag:s14], $0x80  }
0x159: {  	[sflag:s14] =	ssyncset.done $0x0  }
0x15a: {  	[sflag:s14] =	ssyncadd.s32 $0xFFFFFF80  }
0x15b: {  	[spmem:s1] =	stream.indirect.scatter.add.f32 [tilespmem:s0], [sflag:$0xA], $0x80, s31, s29, $0xb8;
	[tilespmem:$0x1F400] =	vst v63  }
0x15c: {  	_ =	swait.ge [sflag:s26], $0x3C00  }
0x15d: {  	[sflag:s26] =	ssyncset.done $0x0  }
0x15e: {  	s21 =	sadd.s32 $0x40, s20;
	[sflag:s26] =	ssyncadd.s32 $0xFFFFC400  }
0x15f: {  	[tilespmem:s31], [sflag:$0x8] =	stream.linear.gather [hbm4b:s21+s3], $0x80, $0x38;
	[tilespmem:$0x1F400] =	vst v63  }
0x160: {  	_ =	swait.ge [sflag:s15], $0x80  }
0x161: {  	[sflag:s15] =	ssyncset.done $0x0  }
0x162: {  	[sflag:s15] =	ssyncadd.s32 $0xFFFFFF80  }
0x163: {  	[tilespmem:s0], [sflag:$0x2] =	stream.indirect.gather [hbm4b:s4+s29], $0x80, s30, s29, $0xb8;
	[tilespmem:$0x1F400] =	vst v63  }
0x164: {  	_ =	swait.ge [sflag:s16], $0x3C00  }
0x165: {  	[sflag:s16] =	ssyncset.done $0x0  }
0x166: {  	s19 =	sadd.s32 $0x50, s19;
	[sflag:s16] =	ssyncadd.s32 $0xFFFFC400  }
0x167: {  	[tilespmem:s7], [sflag:$0x6] =	stream.linear.gather [hbm4b:s19+s3], $0x80, $0x38;
	[tilespmem:$0x1F400] =	vst v63  }
0x168: {  	_ =	swait.ge [sflag:s17], $0x80  }
0x169: {  	[sflag:s17] =	ssyncset.done $0x0  }
0x16a: {  	[sflag:s17] =	ssyncadd.s32 $0xFFFFFF80  }
0x16b: {  	[spmem:s1] =	stream.indirect.scatter.add.f32 [tilespmem:s9], [sflag:$0xA], $0x80, s8, s29, $0xb8;
	[tilespmem:$0x1F400] =	vst v63  }
0x16c: {  	_ =	swait.ge [sflag:s26], $0x3C00  }
0x16d: {  	p1 =	seq.s32 s6, $0x840;
	[sflag:s26] =	ssyncset.done $0x0  }
.Ltmp6:
0x16e: {  	s21 =	sadd.s32 $0x50, s20;
	[sflag:s26] =	ssyncadd.s32 $0xFFFFC400;
	(pc) =	sbr.rel @!p1 .LBB2_5-.Ltmp6, $4  }
0x16f: {  	[tilespmem:s8], [sflag:$0x9] =	stream.linear.gather [hbm4b:s21+s3], $0x80, $0x38;
	[tilespmem:$0x1F400] =	vst v63  }
0x170: {  	_ =	swait.ge [sflag:s18], $0x80  }
0x171: {  	[sflag:s18] =	ssyncset.done $0x0  }
0x172: {  	s6 =	sadd.s32 $0x30, s6;
	[sflag:s18] =	ssyncadd.s32 $0xFFFFFF80  }
.Ltmp7:
0x173: {  	_ = 	snop;
	(pc) =	sbr.rel .LBB2_6-.Ltmp7, $1  }
0x174: {  	_ =	sdelay $0x3  }
.LBB2_11:
0x175: {  	_ =	sfence.sel $0x180000  }
0x176: {  	[bflag:$0x0] =	sbarrier.arrive $0xFFFF  }
0x177: {  	_ =	strace $0x90000047  }
0x178: {  	s0 =	stileid.u32;
	[bflag:$0x2] =	sbarrier.arrive $0xFFFF  }
0x179: {  	p0 =	sne.s32 s0, $0x0;
	s0 =	rddreg [dreg:$0x2]  }
0x17a: {  	s0 =	sadd.s32 @!p0 $0x100000, s0  }
0x17b: {  	[sflag:s0] =	ssyncadd.tile.s32 @!p0 $0x1;
	_ =	shalt  }
.Lfunc_end2:
_tile_overlayer_lowered:
.L_overlay_start_2:
0x17c: {  	(tag) =	ssettag $0x2  }
0x17d: {  	s0 =	rddreg [dreg:$0x0];
	s2 =	stileid.u32  }
0x17e: {  	s1 =	rddreg [dreg:$0x1];
	p0 =	sne.s32 s2, $0x0  }
0x17f: {  	s3 =	rddreg [dreg:$0x2];
	[bflag:$0x3] =	sbarrier.arrive $0xFFFF;
	s2 =	simm.s32 @!p0 $0x1C0A  }
0x180: {  	[timem:s3], [sflag:s2] =	dma.local @!p0 [hbm:s0], s1  }
0x181: {  	s0 =	simm.s32 @!p0 $0xA  }
0x182: {  	_ =	swait.ge @!p0 [sflag:s0], s1  }
0x183: {  	s1 =	ssub.s32 @!p0 $0x0, s1;
	[sflag:s0] =	ssyncset.done @!p0 $0x0  }
0x184: {  	[sflag:s0] =	ssyncadd.s32 @!p0 s1  }
0x185: {  	[bflag:$0x3] =	sbarrier.arrive $0xFFFF  }
0x186: {  	_ =	shalt  }

</sc_bundles>
